<compile_context>
chip_gen: v7x
topology: tpu7x:2x2x1
jax: 0.10.2.dev20260603
libtpu: 0.0.44.dev20260713+nightly
codegen_flags: <defaults>
</compile_context>

<pallas_src>
import functools

import jax
import jax.numpy as jnp
from jax import lax
from jax.experimental import pallas as pl
from jax.experimental.pallas import tpu as pltpu
from jax.experimental.pallas import tpu_sc as plsc

_N = 20000
_NP = 20480
_ROWS = 160
_NUM_CLASSES = 80
_SHIFT = 16.0
_SCORE_THR = 0.05
_NMS_THR = 0.5
_TOPK = 100
_IMG = 512.0
_NEG = -1e9
_PADNEG = -2e9
_BIGKEY = 3.0e38

_NSUB = 16
_SHARD = 128
_VREGS = _SHARD // 16


def _dense_body(dT, aT, table2):
    d0, d1, d2, d3 = dT[0], dT[1], dT[2], dT[3]
    q0 = jnp.clip(jnp.round(d0 * _SHIFT), -128.0, 127.0)
    q1 = jnp.clip(jnp.round(d1 * _SHIFT), -128.0, 127.0)
    q2 = jnp.clip(jnp.round(d2 * _SHIFT), -128.0, 127.0)
    q3 = jnp.clip(jnp.round(d3 * _SHIFT), -128.0, 127.0)
    qd0 = q0 / _SHIFT
    qd1 = q1 / _SHIFT

    def table_lookup(q):
        qi = q.astype(jnp.int32) + 128
        lo = qi < 128
        t0 = jnp.broadcast_to(table2[0:1, :], (_ROWS, 128))
        t1 = jnp.broadcast_to(table2[1:2, :], (_ROWS, 128))
        i0 = jnp.where(lo, qi, 0)
        i1 = jnp.where(lo, 0, qi - 128)
        e0 = jnp.take_along_axis(t0, i0, axis=1)
        e1 = jnp.take_along_axis(t1, i1, axis=1)
        return jnp.where(lo, e0, e1)

    ew = table_lookup(q2)
    eh = table_lookup(q3)

    ax1, ay1, ax2, ay2 = aT[0], aT[1], aT[2], aT[3]
    aw = ax2 - ax1
    ah = ay2 - ay1
    acx = (ax1 + ax2) * 0.5
    acy = (ay1 + ay2) * 0.5
    cx = acx + qd0 * aw
    cy = acy + qd1 * ah
    w = aw * ew
    h = ah * eh
    bx1 = jnp.clip(cx - w * 0.5, 0.0, _IMG)
    by1 = jnp.clip(cy - h * 0.5, 0.0, _IMG)
    bx2 = jnp.clip(cx + w * 0.5, 0.0, _IMG)
    by2 = jnp.clip(cy + h * 0.5, 0.0, _IMG)

    m = jax.nn.sigmoid(dT[4])
    cls = jnp.zeros((_ROWS, 128), dtype=jnp.int32)
    for c in range(1, _NUM_CLASSES):
        sc = jax.nn.sigmoid(dT[4 + c])
        upd = sc > m
        m = jnp.where(upd, sc, m)
        cls = jnp.where(upd, c, cls)

    clsf = cls.astype(jnp.float32)
    off = clsf * (_IMG + 1.0)
    ox1 = bx1 + off
    oy1 = by1 + off
    ox2 = bx2 + off
    oy2 = by2 + off
    area = (ox2 - ox1) * (oy2 - oy1)

    flat = (jax.lax.broadcasted_iota(jnp.int32, (_ROWS, 128), 0) * 128
            + jax.lax.broadcasted_iota(jnp.int32, (_ROWS, 128), 1))
    s0 = jnp.where(m >= _SCORE_THR, m, _NEG)
    s0 = jnp.where(flat < _N, s0, _PADNEG)

    row160 = jax.lax.broadcasted_iota(jnp.int32, (_ROWS, 128), 0)
    fields = (ox1, oy1, ox2, oy2, area, bx1, by1, bx2, by2, clsf)
    crows = [[] for _ in range(len(fields))]
    srows = []
    irows = []
    s = s0
    for _ in range(16):
        mk = jnp.max(s, axis=0)
        rk = jnp.min(jnp.where(s == mk[None, :], row160, 1 << 30), axis=0)
        onehot = row160 == rk[None, :]
        srows.append(mk)
        irows.append(jnp.sum(jnp.where(onehot, flat, 0), axis=0))
        for fi, f in enumerate(fields):
            crows[fi].append(jnp.sum(jnp.where(onehot, f, 0.0), axis=0))
        s = jnp.where(onehot, _PADNEG, s)

    cs = jnp.stack(srows)
    cflat = jnp.stack(irows)
    cfields = [jnp.stack(r) for r in crows]
    return cs, cflat, cfields


def _tc_kernel_fn(dT_ref, aT_ref, table_ref, sk_ref, geom_ref):
    cs, cflat, cfields = _dense_body(dT_ref[...], aT_ref[...], table_ref[...])
    row16 = jax.lax.broadcasted_iota(jnp.int32, (16, 128), 0)
    ckey = (cflat * 16 + row16).astype(jnp.float32)
    sk_ref[0] = cs
    sk_ref[1] = ckey
    for fi, f in enumerate(cfields):
        geom_ref[pl.ds(fi * 16, 16), :] = f


def _shuffle(v, lane, sh):
    return lax.gather(
        v, (lane ^ sh)[:, None],
        lax.GatherDimensionNumbers(offset_dims=(), collapsed_slice_dims=(0,),
                                   start_index_map=(0,)),
        (1,), mode=lax.GatherScatterMode.PROMISE_IN_BOUNDS)


def _vmax16(v, lane):
    for sh in (8, 4, 2, 1):
        v = jnp.maximum(v, _shuffle(v, lane, sh))
    return v


def _vmin16(v, lane):
    for sh in (8, 4, 2, 1):
        v = jnp.minimum(v, _shuffle(v, lane, sh))
    return v


def _vsum16(v, lane):
    for sh in (8, 4, 2, 1):
        v = v + _shuffle(v, lane, sh)
    return v


_NC = 2048


def _sc_nms_kernel(comp_hbm, geom_hbm, out_hbm, g_ref, s_ref, k_ref, pub_ref,
                   mir_ref, o_ref, sh_pub):
    cid = lax.axis_index("c")
    sid = lax.axis_index("s")
    lane = lax.iota(jnp.int32, 16)
    writer = jnp.logical_and(cid == 0, sid == 0)

    pltpu.sync_copy(comp_hbm.at[0, sid], s_ref)
    pltpu.sync_copy(comp_hbm.at[1, sid], k_ref)
    pltpu.sync_copy(geom_hbm, g_ref)

    def pick(i, carry):
        svecs = []
        kvecs = []
        for j in range(_VREGS):
            svecs.append(s_ref[pl.ds(j * 16, 16)])
            kvecs.append(k_ref[pl.ds(j * 16, 16)])
        mv = svecs[0]
        for j in range(1, _VREGS):
            mv = jnp.maximum(mv, svecs[j])
        lm_v = _vmax16(mv, lane)
        kc = jnp.where(svecs[0] == lm_v, kvecs[0], _BIGKEY)
        for j in range(1, _VREGS):
            kc = jnp.minimum(
                kc, jnp.where(svecs[j] == lm_v, kvecs[j], _BIGKEY))
        lk_v = _vmin16(kc, lane)
        lacc = jnp.where(kvecs[0] == lk_v, lane, -1)
        for j in range(1, _VREGS):
            lacc = jnp.maximum(
                lacc, jnp.where(kvecs[j] == lk_v, lane + j * 16, -1))
        lpos_v = _vmax16(lacc, lane) + sid * _SHARD

        pub_ref[...] = jnp.where(
            lane == 0, lm_v,
            jnp.where(lane == 1, lk_v,
                      jnp.where(lane == 2, lpos_v.astype(jnp.float32), 0.0)))
        pltpu.sync_copy(pub_ref, sh_pub.at[pl.ds(sid * 16, 16)])
        plsc.subcore_barrier()

        pltpu.sync_copy(sh_pub, mir_ref)
        gb = jnp.float32(-3.0e38)
        gk = jnp.float32(_BIGKEY)
        gp = jnp.float32(0.0)
        for r in range(_NSUB):
            mrow = mir_ref[pl.ds(r * 16, 16)]
            sr = mrow[0]
            kr = mrow[1]
            pr = mrow[2]
            better = jnp.logical_or(sr > gb,
                                    jnp.logical_and(sr == gb, kr < gk))
            gb = jnp.where(better, sr, gb)
            gk = jnp.where(better, kr, gk)
            gp = jnp.where(better, pr, gp)
        ipos = gp.astype(jnp.int32)
        base = (ipos >> 4) * 16
        lp = ipos & 15

        wf = []
        for fi in range(5):
            g = g_ref[pl.ds(fi * _NC + base, 16)]
            wf.append(_vsum16(jnp.where(lane == lp, g, 0.0), lane))
        px1, py1, px2, py2, parea = wf

        @pl.when(writer)
        def _():
            st = jnp.where(lane == 10, gb, 0.0)
            for fi in range(10):
                g = g_ref[pl.ds(fi * _NC + base, 16)]
                val = _vsum16(jnp.where(lane == lp, g, 0.0), lane)
                st = jnp.where(lane == fi, val, st)
            o_ref[pl.ds(i * 16, 16)] = st

        for j in range(_VREGS):
            sl = pl.ds(j * 16, 16)
            gsl = sid * _SHARD + j * 16
            ox1 = g_ref[pl.ds(0 * _NC + gsl, 16)]
            oy1 = g_ref[pl.ds(1 * _NC + gsl, 16)]
            ox2 = g_ref[pl.ds(2 * _NC + gsl, 16)]
            oy2 = g_ref[pl.ds(3 * _NC + gsl, 16)]
            oarea = g_ref[pl.ds(4 * _NC + gsl, 16)]
            ix1 = jnp.maximum(px1, ox1)
            iy1 = jnp.maximum(py1, oy1)
            ix2 = jnp.minimum(px2, ox2)
            iy2 = jnp.minimum(py2, oy2)
            inter = (jnp.maximum(ix2 - ix1, 0.0)
                     * jnp.maximum(iy2 - iy1, 0.0))
            iou = inter / (parea + oarea - inter + 1e-9)
            posv = lane + (gsl)
            drop = jnp.logical_or(iou > _NMS_THR, posv == ipos)
            s_ref[sl] = jnp.where(drop, _NEG, svecs[j])
        plsc.subcore_barrier()
        return carry

    lax.fori_loop(0, _TOPK, pick, 0)

    @pl.when(writer)
    def _():
        pltpu.sync_copy(o_ref, out_hbm)


def kernel(data, anchors):
    data_p = jnp.pad(data, ((0, _NP - _N), (0, 0)))
    anchors_p = jnp.pad(anchors, ((0, _NP - _N), (0, 0)))
    dT = data_p.T.reshape(4 + _NUM_CLASSES, _ROWS, 128)
    aT = anchors_p.T.reshape(4, _ROWS, 128)
    table2 = jnp.exp(
        jnp.arange(-128, 128, dtype=jnp.float32) / _SHIFT).reshape(2, 128)

    comp, geom = pl.pallas_call(
        _tc_kernel_fn,
        out_shape=[jax.ShapeDtypeStruct((2, 16, 128), jnp.float32),
                   jax.ShapeDtypeStruct((160, 128), jnp.float32)],
    )(dT, aT, table2)

    mesh = plsc.VectorSubcoreMesh(core_axis_name="c", subcore_axis_name="s")
    out = functools.partial(
        pl.kernel,
        mesh=mesh,
        out_type=jax.ShapeDtypeStruct((_TOPK * 16,), jnp.float32),
        scratch_types=[
            pltpu.VMEM((10 * _NC,), jnp.float32),
            pltpu.VMEM((_SHARD,), jnp.float32),
            pltpu.VMEM((_SHARD,), jnp.float32),
            pltpu.VMEM((16,), jnp.float32),
            pltpu.VMEM((_NSUB * 16,), jnp.float32),
            pltpu.VMEM((_TOPK * 16,), jnp.float32),
            pltpu.VMEM_SHARED((_NSUB * 16,), jnp.float32),
        ],
    )(_sc_nms_kernel)(comp, geom.reshape(-1))

    out = out.reshape(_TOPK, 16)
    dets = jnp.concatenate([out[:, 5:9], out[:, 10:11]], axis=1)
    labels = out[:, 9].astype(jnp.int32)
    return dets, labels

# --- scband reference (transcript-rebuilt; emitter-appended) ---
"""Pipeline reference for scband-detection-post-process-v1-82884278879264 (READ-ONLY COPY).

The authoritative reference and input builder live on the scoring server;
editing this copy changes nothing except your own understanding.
"""

import jax, jax.numpy as jnp
import numpy as np

N = 20000
NUM_CLASSES = 80
INPUT_SHIFT = 4
SCORE_THR = 0.05
NMS_THR = 0.5
TOPK = 100
IMG = 512.0
NEG = -1e9


def setup_inputs(seed: int = 0):
    key = jax.random.key(seed)
    k1, k2, k3 = jax.random.split(key, 3)
    data = jax.random.normal(k1, (N, 4 + NUM_CLASSES), dtype=jnp.float32)
    cxcy = jax.random.uniform(k2, (N, 2), minval=0.0, maxval=IMG, dtype=jnp.float32)
    wh = jax.random.uniform(k3, (N, 2), minval=8.0, maxval=128.0, dtype=jnp.float32)
    anchors = jnp.concatenate([cxcy - wh * 0.5, cxcy + wh * 0.5], axis=-1)
    return {"data": data, "anchors": anchors}


def _pairwise_iou(box, boxes):
    x1 = jnp.maximum(box[0], boxes[:, 0])
    y1 = jnp.maximum(box[1], boxes[:, 1])
    x2 = jnp.minimum(box[2], boxes[:, 2])
    y2 = jnp.minimum(box[3], boxes[:, 3])
    inter = jnp.clip(x2 - x1, 0.0) * jnp.clip(y2 - y1, 0.0)
    a1 = (box[2] - box[0]) * (box[3] - box[1])
    a2 = (boxes[:, 2] - boxes[:, 0]) * (boxes[:, 3] - boxes[:, 1])
    return inter / (a1 + a2 - inter + 1e-9)


def reference(data, anchors):
    # quantize deltas to the int8 grid (scale = 1/2**input_shift), exp via 256-entry table lookup
    shift = float(1 << INPUT_SHIFT)
    deltas = data[:, :4]
    q = jnp.clip(jnp.round(deltas * shift), -128.0, 127.0)
    qd = q / shift
    exp_table = jnp.exp(jnp.arange(-128, 128, dtype=jnp.float32) / shift)
    qi = q.astype(jnp.int32) + 128
    ew = jnp.take(exp_table, qi[:, 2])
    eh = jnp.take(exp_table, qi[:, 3])
    aw = anchors[:, 2] - anchors[:, 0]
    ah = anchors[:, 3] - anchors[:, 1]
    acx = (anchors[:, 0] + anchors[:, 2]) * 0.5
    acy = (anchors[:, 1] + anchors[:, 3]) * 0.5
    cx = acx + qd[:, 0] * aw
    cy = acy + qd[:, 1] * ah
    w = aw * ew
    h = ah * eh
    boxes = jnp.stack([cx - w * 0.5, cy - h * 0.5, cx + w * 0.5, cy + h * 0.5], axis=-1)
    # use_clippings: clip to image size
    boxes = jnp.clip(boxes, 0.0, IMG)
    scores = jax.nn.sigmoid(data[:, 4:])
    cls_score = jnp.max(scores, axis=1)
    cls_id = jnp.argmax(scores, axis=1)
    # box_filter_threshold
    s0 = jnp.where(cls_score >= SCORE_THR, cls_score, NEG)
    # class-aware NMS via class offsets
    ob = boxes + cls_id.astype(jnp.float32)[:, None] * (IMG + 1.0)

    def body(i, carry):
        s, keep, ks = carry
        best = jnp.argmax(s)
        keep = keep.at[i].set(best.astype(jnp.int32))
        ks = ks.at[i].set(s[best])
        iou = _pairwise_iou(ob[best], ob)
        s = jnp.where(iou > NMS_THR, NEG, s)
        s = s.at[best].set(NEG)
        return (s, keep, ks)

    keep0 = jnp.zeros((TOPK,), dtype=jnp.int32)
    ks0 = jnp.full((TOPK,), NEG, dtype=jnp.float32)
    _, keep, ks = jax.lax.fori_loop(0, TOPK, body, (s0, keep0, ks0))
    dets = jnp.concatenate([boxes[keep], ks[:, None]], axis=-1)
    return dets, cls_id[keep]

if __name__ == "__main__":
    import jax
    _d = setup_inputs()
    print(jax.jit(kernel)(*tuple(_d.values())))

</pallas_src>

<mosaic_0001>
#map = affine_map<(d0, d1) -> (0, 0, 0)>
#map1 = affine_map<(d0, d1) -> (0)>
module attributes {stable_mosaic.version = 14 : i64} {
  func.func @_sc_nms_kernel(%arg0: i32, %arg1: i32, %arg2: memref<2x16x128xf32, #tpu.memory_space<hbm>>, %arg3: memref<20480xf32, #tpu.memory_space<hbm>>, %arg4: memref<1600xf32, #tpu.memory_space<hbm>>, %arg5: memref<20480xf32, #tpu.memory_space<vmem>>, %arg6: memref<128xf32, #tpu.memory_space<vmem>>, %arg7: memref<128xf32, #tpu.memory_space<vmem>>, %arg8: memref<16xf32, #tpu.memory_space<vmem>>, %arg9: memref<256xf32, #tpu.memory_space<vmem>>, %arg10: memref<1600xf32, #tpu.memory_space<vmem>>, %arg11: memref<256xf32, #tpu.memory_space<vmem_shared>>) attributes {dimension_semantics = [#tpu.dimension_semantics<core_parallel>, #tpu.dimension_semantics<subcore_parallel>], iteration_bounds = array<i64: 2, 16>, scalar_prefetch = 0 : i64, scratch_operands = 7 : i64, tpu.core_type = #tpu.core_type<sc_vector_subcore>, window_params = [{transform_indices = #map}, {transform_indices = #map1}, {transform_indices = #map1}]} {
    %iota3A = tpu.iota {dimensions = array<i32: 0>} : vector<16xi32>
    %eq3A = arith.constant 0 : i32
    %eq3A_0 = arith.cmpi eq, %arg0, %eq3A : i32
    %eq3A_1 = arith.constant 0 : i32
    %eq3A_2 = arith.cmpi eq, %arg1, %eq3A_1 : i32
    %and3A = arith.andi %eq3A_0, %eq3A_2 : i1
    %run_scoped3A = arith.constant 0 : i32
    "tpu.region"() ({
      %run_scoped3A_10 = tpu.sem_alloc : memref<!tpu.dma_semaphore, #tpu.memory_space<semaphore_mem>>
      %dma_start3A = arith.constant 0 : i32
      %dma_start3A_11 = tpu.memref_slice %arg2[%run_scoped3A, %arg1, %dma_start3A] : memref<2x16x128xf32, #tpu.memory_space<hbm>> -> memref<1x1x128xf32, #tpu.memory_space<hbm>>
      %dma_start3A_12 = tpu.memref_squeeze %dma_start3A_11 : memref<1x1x128xf32, #tpu.memory_space<hbm>> -> memref<128xf32, #tpu.memory_space<hbm>>
      %dma_start3A_13 = arith.constant 0 : i32
      %dma_start3A_14 = tpu.memref_slice %arg2[%run_scoped3A, %arg1, %dma_start3A_13] : memref<2x16x128xf32, #tpu.memory_space<hbm>> -> memref<1x1x128xf32, #tpu.memory_space<hbm>>
      %dma_start3A_15 = tpu.memref_squeeze %dma_start3A_14 : memref<1x1x128xf32, #tpu.memory_space<hbm>> -> memref<128xf32, #tpu.memory_space<hbm>>
      tpu.enqueue_dma source(%dma_start3A_15 : memref<128xf32, #tpu.memory_space<hbm>>) target(%arg6 : memref<128xf32, #tpu.memory_space<vmem>>) target_semaphore(%run_scoped3A_10 : memref<!tpu.dma_semaphore, #tpu.memory_space<semaphore_mem>>)
      %dma_wait3A = arith.constant 0 : i32
      %dma_wait3A_16 = tpu.memref_slice %arg2[%run_scoped3A, %arg1, %dma_wait3A] : memref<2x16x128xf32, #tpu.memory_space<hbm>> -> memref<1x1x128xf32, #tpu.memory_space<hbm>>
      %dma_wait3A_17 = tpu.memref_squeeze %dma_wait3A_16 : memref<1x1x128xf32, #tpu.memory_space<hbm>> -> memref<128xf32, #tpu.memory_space<hbm>>
      %dma_wait3A_18 = arith.constant 0 : i32
      %dma_wait3A_19 = tpu.memref_slice %arg2[%run_scoped3A, %arg1, %dma_wait3A_18] : memref<2x16x128xf32, #tpu.memory_space<hbm>> -> memref<1x1x128xf32, #tpu.memory_space<hbm>>
      %dma_wait3A_20 = tpu.memref_squeeze %dma_wait3A_19 : memref<1x1x128xf32, #tpu.memory_space<hbm>> -> memref<128xf32, #tpu.memory_space<hbm>>
      tpu.wait_dma2 semaphore(%run_scoped3A_10 : memref<!tpu.dma_semaphore, #tpu.memory_space<semaphore_mem>>) src(%dma_wait3A_20 : memref<128xf32, #tpu.memory_space<hbm>>) dst(%arg6 : memref<128xf32, #tpu.memory_space<vmem>>)
      tpu.yield
    }) : () -> ()
    %run_scoped3A_3 = arith.constant 1 : i32
    "tpu.region"() ({
      %run_scoped3A_10 = tpu.sem_alloc : memref<!tpu.dma_semaphore, #tpu.memory_space<semaphore_mem>>
      %dma_start3A = arith.constant 0 : i32
      %dma_start3A_11 = tpu.memref_slice %arg2[%run_scoped3A_3, %arg1, %dma_start3A] : memref<2x16x128xf32, #tpu.memory_space<hbm>> -> memref<1x1x128xf32, #tpu.memory_space<hbm>>
      %dma_start3A_12 = tpu.memref_squeeze %dma_start3A_11 : memref<1x1x128xf32, #tpu.memory_space<hbm>> -> memref<128xf32, #tpu.memory_space<hbm>>
      %dma_start3A_13 = arith.constant 0 : i32
      %dma_start3A_14 = tpu.memref_slice %arg2[%run_scoped3A_3, %arg1, %dma_start3A_13] : memref<2x16x128xf32, #tpu.memory_space<hbm>> -> memref<1x1x128xf32, #tpu.memory_space<hbm>>
      %dma_start3A_15 = tpu.memref_squeeze %dma_start3A_14 : memref<1x1x128xf32, #tpu.memory_space<hbm>> -> memref<128xf32, #tpu.memory_space<hbm>>
      tpu.enqueue_dma source(%dma_start3A_15 : memref<128xf32, #tpu.memory_space<hbm>>) target(%arg7 : memref<128xf32, #tpu.memory_space<vmem>>) target_semaphore(%run_scoped3A_10 : memref<!tpu.dma_semaphore, #tpu.memory_space<semaphore_mem>>)
      %dma_wait3A = arith.constant 0 : i32
      %dma_wait3A_16 = tpu.memref_slice %arg2[%run_scoped3A_3, %arg1, %dma_wait3A] : memref<2x16x128xf32, #tpu.memory_space<hbm>> -> memref<1x1x128xf32, #tpu.memory_space<hbm>>
      %dma_wait3A_17 = tpu.memref_squeeze %dma_wait3A_16 : memref<1x1x128xf32, #tpu.memory_space<hbm>> -> memref<128xf32, #tpu.memory_space<hbm>>
      %dma_wait3A_18 = arith.constant 0 : i32
      %dma_wait3A_19 = tpu.memref_slice %arg2[%run_scoped3A_3, %arg1, %dma_wait3A_18] : memref<2x16x128xf32, #tpu.memory_space<hbm>> -> memref<1x1x128xf32, #tpu.memory_space<hbm>>
      %dma_wait3A_20 = tpu.memref_squeeze %dma_wait3A_19 : memref<1x1x128xf32, #tpu.memory_space<hbm>> -> memref<128xf32, #tpu.memory_space<hbm>>
      tpu.wait_dma2 semaphore(%run_scoped3A_10 : memref<!tpu.dma_semaphore, #tpu.memory_space<semaphore_mem>>) src(%dma_wait3A_20 : memref<128xf32, #tpu.memory_space<hbm>>) dst(%arg7 : memref<128xf32, #tpu.memory_space<vmem>>)
      tpu.yield
    }) : () -> ()
    "tpu.region"() ({
      %run_scoped3A_10 = tpu.sem_alloc : memref<!tpu.dma_semaphore, #tpu.memory_space<semaphore_mem>>
      tpu.enqueue_dma source(%arg3 : memref<20480xf32, #tpu.memory_space<hbm>>) target(%arg5 : memref<20480xf32, #tpu.memory_space<vmem>>) target_semaphore(%run_scoped3A_10 : memref<!tpu.dma_semaphore, #tpu.memory_space<semaphore_mem>>)
      tpu.wait_dma2 semaphore(%run_scoped3A_10 : memref<!tpu.dma_semaphore, #tpu.memory_space<semaphore_mem>>) src(%arg3 : memref<20480xf32, #tpu.memory_space<hbm>>) dst(%arg5 : memref<20480xf32, #tpu.memory_space<vmem>>)
      tpu.yield
    }) : () -> ()
    %scan3A = arith.constant 0 : i32
    %scan3A_4 = arith.constant 0 : i32
    %scan3A_5 = arith.constant 100 : i32
    %scan3A_6 = arith.addi %scan3A_4, %scan3A_5 : i32
    %scan3A_7 = arith.constant 1 : i32
    scf.for %scan3A_10 = %scan3A_4 to %scan3A_6 step %scan3A_7  : i32 {
      %get3A = arith.constant 0 : index
      %get3A_11 = tpu.vector_load %arg6[%get3A] {strides = array<i32>} : memref<128xf32, #tpu.memory_space<vmem>>, vector<16xf32>,
      %get3A_12 = vector.shape_cast %get3A_11 : vector<16xf32> to vector<16xf32>
      %get3A_13 = arith.constant 0 : index
      %get3A_14 = tpu.vector_load %arg7[%get3A_13] {strides = array<i32>} : memref<128xf32, #tpu.memory_space<vmem>>, vector<16xf32>,
      %get3A_15 = vector.shape_cast %get3A_14 : vector<16xf32> to vector<16xf32>
      %get3A_16 = arith.constant 16 : index
      %get3A_17 = tpu.vector_load %arg6[%get3A_16] {strides = array<i32>} : memref<128xf32, #tpu.memory_space<vmem>>, vector<16xf32>,
      %get3A_18 = vector.shape_cast %get3A_17 : vector<16xf32> to vector<16xf32>
      %get3A_19 = arith.constant 16 : index
      %get3A_20 = tpu.vector_load %arg7[%get3A_19] {strides = array<i32>} : memref<128xf32, #tpu.memory_space<vmem>>, vector<16xf32>,
      %get3A_21 = vector.shape_cast %get3A_20 : vector<16xf32> to vector<16xf32>
      %get3A_22 = arith.constant 32 : index
      %get3A_23 = tpu.vector_load %arg6[%get3A_22] {strides = array<i32>} : memref<128xf32, #tpu.memory_space<vmem>>, vector<16xf32>,
      %get3A_24 = vector.shape_cast %get3A_23 : vector<16xf32> to vector<16xf32>
      %get3A_25 = arith.constant 32 : index
      %get3A_26 = tpu.vector_load %arg7[%get3A_25] {strides = array<i32>} : memref<128xf32, #tpu.memory_space<vmem>>, vector<16xf32>,
      %get3A_27 = vector.shape_cast %get3A_26 : vector<16xf32> to vector<16xf32>
      %get3A_28 = arith.constant 48 : index
      %get3A_29 = tpu.vector_load %arg6[%get3A_28] {strides = array<i32>} : memref<128xf32, #tpu.memory_space<vmem>>, vector<16xf32>,
      %get3A_30 = vector.shape_cast %get3A_29 : vector<16xf32> to vector<16xf32>
      %get3A_31 = arith.constant 48 : index
      %get3A_32 = tpu.vector_load %arg7[%get3A_31] {strides = array<i32>} : memref<128xf32, #tpu.memory_space<vmem>>, vector<16xf32>,
      %get3A_33 = vector.shape_cast %get3A_32 : vector<16xf32> to vector<16xf32>
      %get3A_34 = arith.constant 64 : index
      %get3A_35 = tpu.vector_load %arg6[%get3A_34] {strides = array<i32>} : memref<128xf32, #tpu.memory_space<vmem>>, vector<16xf32>,
      %get3A_36 = vector.shape_cast %get3A_35 : vector<16xf32> to vector<16xf32>
      %get3A_37 = arith.constant 64 : index
      %get3A_38 = tpu.vector_load %arg7[%get3A_37] {strides = array<i32>} : memref<128xf32, #tpu.memory_space<vmem>>, vector<16xf32>,
      %get3A_39 = vector.shape_cast %get3A_38 : vector<16xf32> to vector<16xf32>
      %get3A_40 = arith.constant 80 : index
      %get3A_41 = tpu.vector_load %arg6[%get3A_40] {strides = array<i32>} : memref<128xf32, #tpu.memory_space<vmem>>, vector<16xf32>,
      %get3A_42 = vector.shape_cast %get3A_41 : vector<16xf32> to vector<16xf32>
      %get3A_43 = arith.constant 80 : index
      %get3A_44 = tpu.vector_load %arg7[%get3A_43] {strides = array<i32>} : memref<128xf32, #tpu.memory_space<vmem>>, vector<16xf32>,
      %get3A_45 = vector.shape_cast %get3A_44 : vector<16xf32> to vector<16xf32>
      %get3A_46 = arith.constant 96 : index
      %get3A_47 = tpu.vector_load %arg6[%get3A_46] {strides = array<i32>} : memref<128xf32, #tpu.memory_space<vmem>>, vector<16xf32>,
      %get3A_48 = vector.shape_cast %get3A_47 : vector<16xf32> to vector<16xf32>
      %get3A_49 = arith.constant 96 : index
      %get3A_50 = tpu.vector_load %arg7[%get3A_49] {strides = array<i32>} : memref<128xf32, #tpu.memory_space<vmem>>, vector<16xf32>,
      %get3A_51 = vector.shape_cast %get3A_50 : vector<16xf32> to vector<16xf32>
      %get3A_52 = arith.constant 112 : index
      %get3A_53 = tpu.vector_load %arg6[%get3A_52] {strides = array<i32>} : memref<128xf32, #tpu.memory_space<vmem>>, vector<16xf32>,
      %get3A_54 = vector.shape_cast %get3A_53 : vector<16xf32> to vector<16xf32>
      %get3A_55 = arith.constant 112 : index
      %get3A_56 = tpu.vector_load %arg7[%get3A_55] {strides = array<i32>} : memref<128xf32, #tpu.memory_space<vmem>>, vector<16xf32>,
      %get3A_57 = vector.shape_cast %get3A_56 : vector<16xf32> to vector<16xf32>
      %max3A = arith.maximumf %get3A_12, %get3A_18 : vector<16xf32>
      %max3A_58 = arith.maximumf %max3A, %get3A_24 : vector<16xf32>
      %max3A_59 = arith.maximumf %max3A_58, %get3A_30 : vector<16xf32>
      %max3A_60 = arith.maximumf %max3A_59, %get3A_36 : vector<16xf32>
      %max3A_61 = arith.maximumf %max3A_60, %get3A_42 : vector<16xf32>
      %max3A_62 = arith.maximumf %max3A_61, %get3A_48 : vector<16xf32>
      %max3A_63 = arith.maximumf %max3A_62, %get3A_54 : vector<16xf32>
      %xor3A = arith.constant 8 : i32
      %xor3A_64 = vector.broadcast %xor3A : i32 to vector<16xi32>
      %xor3A_65 = arith.xori %iota3A, %xor3A_64 : vector<16xi32>
      %broadcast_in_dim3A = vector.shape_cast %xor3A_65 : vector<16xi32> to vector<16x1xi32>
      %gather3A = vector.shape_cast %broadcast_in_dim3A : vector<16x1xi32> to vector<16xi32>
      %gather3A_66 = tpu.dynamic_gather %max3A_63[%gather3A] in [0] : vector<16xf32>, vector<16xi32> -> vector<16xf32>
      %max3A_67 = arith.maximumf %max3A_63, %gather3A_66 : vector<16xf32>
      %xor3A_68 = arith.constant 4 : i32
      %xor3A_69 = vector.broadcast %xor3A_68 : i32 to vector<16xi32>
      %xor3A_70 = arith.xori %iota3A, %xor3A_69 : vector<16xi32>
      %broadcast_in_dim3A_71 = vector.shape_cast %xor3A_70 : vector<16xi32> to vector<16x1xi32>
      %gather3A_72 = vector.shape_cast %broadcast_in_dim3A_71 : vector<16x1xi32> to vector<16xi32>
      %gather3A_73 = tpu.dynamic_gather %max3A_67[%gather3A_72] in [0] : vector<16xf32>, vector<16xi32> -> vector<16xf32>
      %max3A_74 = arith.maximumf %max3A_67, %gather3A_73 : vector<16xf32>
      %xor3A_75 = arith.constant 2 : i32
      %xor3A_76 = vector.broadcast %xor3A_75 : i32 to vector<16xi32>
      %xor3A_77 = arith.xori %iota3A, %xor3A_76 : vector<16xi32>
      %broadcast_in_dim3A_78 = vector.shape_cast %xor3A_77 : vector<16xi32> to vector<16x1xi32>
      %gather3A_79 = vector.shape_cast %broadcast_in_dim3A_78 : vector<16x1xi32> to vector<16xi32>
      %gather3A_80 = tpu.dynamic_gather %max3A_74[%gather3A_79] in [0] : vector<16xf32>, vector<16xi32> -> vector<16xf32>
      %max3A_81 = arith.maximumf %max3A_74, %gather3A_80 : vector<16xf32>
      %xor3A_82 = arith.constant 1 : i32
      %xor3A_83 = vector.broadcast %xor3A_82 : i32 to vector<16xi32>
      %xor3A_84 = arith.xori %iota3A, %xor3A_83 : vector<16xi32>
      %broadcast_in_dim3A_85 = vector.shape_cast %xor3A_84 : vector<16xi32> to vector<16x1xi32>
      %gather3A_86 = vector.shape_cast %broadcast_in_dim3A_85 : vector<16x1xi32> to vector<16xi32>
      %gather3A_87 = tpu.dynamic_gather %max3A_81[%gather3A_86] in [0] : vector<16xf32>, vector<16xi32> -> vector<16xf32>
      %max3A_88 = arith.maximumf %max3A_81, %gather3A_87 : vector<16xf32>
      %eq3A_89 = arith.cmpf oeq, %get3A_12, %max3A_88 : vector<16xf32>
      %jit3A = arith.constant 3.000000e+38 : f32
      %broadcast_in_dim3A_90 = vector.broadcast %jit3A : f32 to vector<16xf32>
      %select_n3A = arith.select %eq3A_89, %get3A_15, %broadcast_in_dim3A_90 : vector<16xi1>, vector<16xf32>
      %eq3A_91 = arith.cmpf oeq, %get3A_18, %max3A_88 : vector<16xf32>
      %jit3A_92 = arith.constant 3.000000e+38 : f32
      %broadcast_in_dim3A_93 = vector.broadcast %jit3A_92 : f32 to vector<16xf32>
      %select_n3A_94 = arith.select %eq3A_91, %get3A_21, %broadcast_in_dim3A_93 : vector<16xi1>, vector<16xf32>
      %min3A = arith.minimumf %select_n3A, %select_n3A_94 : vector<16xf32>
      %eq3A_95 = arith.cmpf oeq, %get3A_24, %max3A_88 : vector<16xf32>
      %jit3A_96 = arith.constant 3.000000e+38 : f32
      %broadcast_in_dim3A_97 = vector.broadcast %jit3A_96 : f32 to vector<16xf32>
      %select_n3A_98 = arith.select %eq3A_95, %get3A_27, %broadcast_in_dim3A_97 : vector<16xi1>, vector<16xf32>
      %min3A_99 = arith.minimumf %min3A, %select_n3A_98 : vector<16xf32>
      %eq3A_100 = arith.cmpf oeq, %get3A_30, %max3A_88 : vector<16xf32>
      %jit3A_101 = arith.constant 3.000000e+38 : f32
      %broadcast_in_dim3A_102 = vector.broadcast %jit3A_101 : f32 to vector<16xf32>
      %select_n3A_103 = arith.select %eq3A_100, %get3A_33, %broadcast_in_dim3A_102 : vector<16xi1>, vector<16xf32>
      %min3A_104 = arith.minimumf %min3A_99, %select_n3A_103 : vector<16xf32>
      %eq3A_105 = arith.cmpf oeq, %get3A_36, %max3A_88 : vector<16xf32>
      %jit3A_106 = arith.constant 3.000000e+38 : f32
      %broadcast_in_dim3A_107 = vector.broadcast %jit3A_106 : f32 to vector<16xf32>
      %select_n3A_108 = arith.select %eq3A_105, %get3A_39, %broadcast_in_dim3A_107 : vector<16xi1>, vector<16xf32>
      %min3A_109 = arith.minimumf %min3A_104, %select_n3A_108 : vector<16xf32>
      %eq3A_110 = arith.cmpf oeq, %get3A_42, %max3A_88 : vector<16xf32>
      %jit3A_111 = arith.constant 3.000000e+38 : f32
      %broadcast_in_dim3A_112 = vector.broadcast %jit3A_111 : f32 to vector<16xf32>
      %select_n3A_113 = arith.select %eq3A_110, %get3A_45, %broadcast_in_dim3A_112 : vector<16xi1>, vector<16xf32>
      %min3A_114 = arith.minimumf %min3A_109, %select_n3A_113 : vector<16xf32>
      %eq3A_115 = arith.cmpf oeq, %get3A_48, %max3A_88 : vector<16xf32>
      %jit3A_116 = arith.constant 3.000000e+38 : f32
      %broadcast_in_dim3A_117 = vector.broadcast %jit3A_116 : f32 to vector<16xf32>
      %select_n3A_118 = arith.select %eq3A_115, %get3A_51, %broadcast_in_dim3A_117 : vector<16xi1>, vector<16xf32>
      %min3A_119 = arith.minimumf %min3A_114, %select_n3A_118 : vector<16xf32>
      %eq3A_120 = arith.cmpf oeq, %get3A_54, %max3A_88 : vector<16xf32>
      %jit3A_121 = arith.constant 3.000000e+38 : f32
      %broadcast_in_dim3A_122 = vector.broadcast %jit3A_121 : f32 to vector<16xf32>
      %select_n3A_123 = arith.select %eq3A_120, %get3A_57, %broadcast_in_dim3A_122 : vector<16xi1>, vector<16xf32>
      %min3A_124 = arith.minimumf %min3A_119, %select_n3A_123 : vector<16xf32>
      %xor3A_125 = arith.constant 8 : i32
      %xor3A_126 = vector.broadcast %xor3A_125 : i32 to vector<16xi32>
      %xor3A_127 = arith.xori %iota3A, %xor3A_126 : vector<16xi32>
      %broadcast_in_dim3A_128 = vector.shape_cast %xor3A_127 : vector<16xi32> to vector<16x1xi32>
      %gather3A_129 = vector.shape_cast %broadcast_in_dim3A_128 : vector<16x1xi32> to vector<16xi32>
      %gather3A_130 = tpu.dynamic_gather %min3A_124[%gather3A_129] in [0] : vector<16xf32>, vector<16xi32> -> vector<16xf32>
      %min3A_131 = arith.minimumf %min3A_124, %gather3A_130 : vector<16xf32>
      %xor3A_132 = arith.constant 4 : i32
      %xor3A_133 = vector.broadcast %xor3A_132 : i32 to vector<16xi32>
      %xor3A_134 = arith.xori %iota3A, %xor3A_133 : vector<16xi32>
      %broadcast_in_dim3A_135 = vector.shape_cast %xor3A_134 : vector<16xi32> to vector<16x1xi32>
      %gather3A_136 = vector.shape_cast %broadcast_in_dim3A_135 : vector<16x1xi32> to vector<16xi32>
      %gather3A_137 = tpu.dynamic_gather %min3A_131[%gather3A_136] in [0] : vector<16xf32>, vector<16xi32> -> vector<16xf32>
      %min3A_138 = arith.minimumf %min3A_131, %gather3A_137 : vector<16xf32>
      %xor3A_139 = arith.constant 2 : i32
      %xor3A_140 = vector.broadcast %xor3A_139 : i32 to vector<16xi32>
      %xor3A_141 = arith.xori %iota3A, %xor3A_140 : vector<16xi32>
      %broadcast_in_dim3A_142 = vector.shape_cast %xor3A_141 : vector<16xi32> to vector<16x1xi32>
      %gather3A_143 = vector.shape_cast %broadcast_in_dim3A_142 : vector<16x1xi32> to vector<16xi32>
      %gather3A_144 = tpu.dynamic_gather %min3A_138[%gather3A_143] in [0] : vector<16xf32>, vector<16xi32> -> vector<16xf32>
      %min3A_145 = arith.minimumf %min3A_138, %gather3A_144 : vector<16xf32>
      %xor3A_146 = arith.constant 1 : i32
      %xor3A_147 = vector.broadcast %xor3A_146 : i32 to vector<16xi32>
      %xor3A_148 = arith.xori %iota3A, %xor3A_147 : vector<16xi32>
      %broadcast_in_dim3A_149 = vector.shape_cast %xor3A_148 : vector<16xi32> to vector<16x1xi32>
      %gather3A_150 = vector.shape_cast %broadcast_in_dim3A_149 : vector<16x1xi32> to vector<16xi32>
      %gather3A_151 = tpu.dynamic_gather %min3A_145[%gather3A_150] in [0] : vector<16xf32>, vector<16xi32> -> vector<16xf32>
      %min3A_152 = arith.minimumf %min3A_145, %gather3A_151 : vector<16xf32>
      %eq3A_153 = arith.cmpf oeq, %get3A_15, %min3A_152 : vector<16xf32>
      %jit3A_154 = arith.constant -1 : i32
      %broadcast_in_dim3A_155 = vector.broadcast %jit3A_154 : i32 to vector<16xi32>
      %select_n3A_156 = arith.select %eq3A_153, %iota3A, %broadcast_in_dim3A_155 : vector<16xi1>, vector<16xi32>
      %eq3A_157 = arith.cmpf oeq, %get3A_21, %min3A_152 : vector<16xf32>
      %add3A = arith.constant 16 : i32
      %add3A_158 = vector.broadcast %add3A : i32 to vector<16xi32>
      %add3A_159 = arith.addi %iota3A, %add3A_158 : vector<16xi32>
      %jit3A_160 = arith.constant -1 : i32
      %broadcast_in_dim3A_161 = vector.broadcast %jit3A_160 : i32 to vector<16xi32>
      %select_n3A_162 = arith.select %eq3A_157, %add3A_159, %broadcast_in_dim3A_161 : vector<16xi1>, vector<16xi32>
      %max3A_163 = arith.maxsi %select_n3A_156, %select_n3A_162 : vector<16xi32>
      %eq3A_164 = arith.cmpf oeq, %get3A_27, %min3A_152 : vector<16xf32>
      %add3A_165 = arith.constant 32 : i32
      %add3A_166 = vector.broadcast %add3A_165 : i32 to vector<16xi32>
      %add3A_167 = arith.addi %iota3A, %add3A_166 : vector<16xi32>
      %jit3A_168 = arith.constant -1 : i32
      %broadcast_in_dim3A_169 = vector.broadcast %jit3A_168 : i32 to vector<16xi32>
      %select_n3A_170 = arith.select %eq3A_164, %add3A_167, %broadcast_in_dim3A_169 : vector<16xi1>, vector<16xi32>
      %max3A_171 = arith.maxsi %max3A_163, %select_n3A_170 : vector<16xi32>
      %eq3A_172 = arith.cmpf oeq, %get3A_33, %min3A_152 : vector<16xf32>
      %add3A_173 = arith.constant 48 : i32
      %add3A_174 = vector.broadcast %add3A_173 : i32 to vector<16xi32>
      %add3A_175 = arith.addi %iota3A, %add3A_174 : vector<16xi32>
      %jit3A_176 = arith.constant -1 : i32
      %broadcast_in_dim3A_177 = vector.broadcast %jit3A_176 : i32 to vector<16xi32>
      %select_n3A_178 = arith.select %eq3A_172, %add3A_175, %broadcast_in_dim3A_177 : vector<16xi1>, vector<16xi32>
      %max3A_179 = arith.maxsi %max3A_171, %select_n3A_178 : vector<16xi32>
      %eq3A_180 = arith.cmpf oeq, %get3A_39, %min3A_152 : vector<16xf32>
      %add3A_181 = arith.constant 64 : i32
      %add3A_182 = vector.broadcast %add3A_181 : i32 to vector<16xi32>
      %add3A_183 = arith.addi %iota3A, %add3A_182 : vector<16xi32>
      %jit3A_184 = arith.constant -1 : i32
      %broadcast_in_dim3A_185 = vector.broadcast %jit3A_184 : i32 to vector<16xi32>
      %select_n3A_186 = arith.select %eq3A_180, %add3A_183, %broadcast_in_dim3A_185 : vector<16xi1>, vector<16xi32>
      %max3A_187 = arith.maxsi %max3A_179, %select_n3A_186 : vector<16xi32>
      %eq3A_188 = arith.cmpf oeq, %get3A_45, %min3A_152 : vector<16xf32>
      %add3A_189 = arith.constant 80 : i32
      %add3A_190 = vector.broadcast %add3A_189 : i32 to vector<16xi32>
      %add3A_191 = arith.addi %iota3A, %add3A_190 : vector<16xi32>
      %jit3A_192 = arith.constant -1 : i32
      %broadcast_in_dim3A_193 = vector.broadcast %jit3A_192 : i32 to vector<16xi32>
      %select_n3A_194 = arith.select %eq3A_188, %add3A_191, %broadcast_in_dim3A_193 : vector<16xi1>, vector<16xi32>
      %max3A_195 = arith.maxsi %max3A_187, %select_n3A_194 : vector<16xi32>
      %eq3A_196 = arith.cmpf oeq, %get3A_51, %min3A_152 : vector<16xf32>
      %add3A_197 = arith.constant 96 : i32
      %add3A_198 = vector.broadcast %add3A_197 : i32 to vector<16xi32>
      %add3A_199 = arith.addi %iota3A, %add3A_198 : vector<16xi32>
      %jit3A_200 = arith.constant -1 : i32
      %broadcast_in_dim3A_201 = vector.broadcast %jit3A_200 : i32 to vector<16xi32>
      %select_n3A_202 = arith.select %eq3A_196, %add3A_199, %broadcast_in_dim3A_201 : vector<16xi1>, vector<16xi32>
      %max3A_203 = arith.maxsi %max3A_195, %select_n3A_202 : vector<16xi32>
      %eq3A_204 = arith.cmpf oeq, %get3A_57, %min3A_152 : vector<16xf32>
      %add3A_205 = arith.constant 112 : i32
      %add3A_206 = vector.broadcast %add3A_205 : i32 to vector<16xi32>
      %add3A_207 = arith.addi %iota3A, %add3A_206 : vector<16xi32>
      %jit3A_208 = arith.constant -1 : i32
      %broadcast_in_dim3A_209 = vector.broadcast %jit3A_208 : i32 to vector<16xi32>
      %select_n3A_210 = arith.select %eq3A_204, %add3A_207, %broadcast_in_dim3A_209 : vector<16xi1>, vector<16xi32>
      %max3A_211 = arith.maxsi %max3A_203, %select_n3A_210 : vector<16xi32>
      %xor3A_212 = arith.constant 8 : i32
      %xor3A_213 = vector.broadcast %xor3A_212 : i32 to vector<16xi32>
      %xor3A_214 = arith.xori %iota3A, %xor3A_213 : vector<16xi32>
      %broadcast_in_dim3A_215 = vector.shape_cast %xor3A_214 : vector<16xi32> to vector<16x1xi32>
      %gather3A_216 = vector.shape_cast %broadcast_in_dim3A_215 : vector<16x1xi32> to vector<16xi32>
      %gather3A_217 = tpu.dynamic_gather %max3A_211[%gather3A_216] in [0] : vector<16xi32>, vector<16xi32> -> vector<16xi32>
      %max3A_218 = arith.maxsi %max3A_211, %gather3A_217 : vector<16xi32>
      %xor3A_219 = arith.constant 4 : i32
      %xor3A_220 = vector.broadcast %xor3A_219 : i32 to vector<16xi32>
      %xor3A_221 = arith.xori %iota3A, %xor3A_220 : vector<16xi32>
      %broadcast_in_dim3A_222 = vector.shape_cast %xor3A_221 : vector<16xi32> to vector<16x1xi32>
      %gather3A_223 = vector.shape_cast %broadcast_in_dim3A_222 : vector<16x1xi32> to vector<16xi32>
      %gather3A_224 = tpu.dynamic_gather %max3A_218[%gather3A_223] in [0] : vector<16xi32>, vector<16xi32> -> vector<16xi32>
      %max3A_225 = arith.maxsi %max3A_218, %gather3A_224 : vector<16xi32>
      %xor3A_226 = arith.constant 2 : i32
      %xor3A_227 = vector.broadcast %xor3A_226 : i32 to vector<16xi32>
      %xor3A_228 = arith.xori %iota3A, %xor3A_227 : vector<16xi32>
      %broadcast_in_dim3A_229 = vector.shape_cast %xor3A_228 : vector<16xi32> to vector<16x1xi32>
      %gather3A_230 = vector.shape_cast %broadcast_in_dim3A_229 : vector<16x1xi32> to vector<16xi32>
      %gather3A_231 = tpu.dynamic_gather %max3A_225[%gather3A_230] in [0] : vector<16xi32>, vector<16xi32> -> vector<16xi32>
      %max3A_232 = arith.maxsi %max3A_225, %gather3A_231 : vector<16xi32>
      %xor3A_233 = arith.constant 1 : i32
      %xor3A_234 = vector.broadcast %xor3A_233 : i32 to vector<16xi32>
      %xor3A_235 = arith.xori %iota3A, %xor3A_234 : vector<16xi32>
      %broadcast_in_dim3A_236 = vector.shape_cast %xor3A_235 : vector<16xi32> to vector<16x1xi32>
      %gather3A_237 = vector.shape_cast %broadcast_in_dim3A_236 : vector<16x1xi32> to vector<16xi32>
      %gather3A_238 = tpu.dynamic_gather %max3A_232[%gather3A_237] in [0] : vector<16xi32>, vector<16xi32> -> vector<16xi32>
      %max3A_239 = arith.maxsi %max3A_232, %gather3A_238 : vector<16xi32>
      %mul3A = arith.constant 128 : i32
      %mul3A_240 = arith.muli %arg1, %mul3A : i32
      %add3A_241 = vector.broadcast %mul3A_240 : i32 to vector<16xi32>
      %add3A_242 = arith.addi %max3A_239, %add3A_241 : vector<16xi32>
      %eq3A_243 = arith.constant 0 : i32
      %eq3A_244 = vector.broadcast %eq3A_243 : i32 to vector<16xi32>
      %eq3A_245 = arith.cmpi eq, %iota3A, %eq3A_244 : vector<16xi32>
      %eq3A_246 = arith.constant 1 : i32
      %eq3A_247 = vector.broadcast %eq3A_246 : i32 to vector<16xi32>
      %eq3A_248 = arith.cmpi eq, %iota3A, %eq3A_247 : vector<16xi32>
      %eq3A_249 = arith.constant 2 : i32
      %eq3A_250 = vector.broadcast %eq3A_249 : i32 to vector<16xi32>
      %eq3A_251 = arith.cmpi eq, %iota3A, %eq3A_250 : vector<16xi32>
      %convert_element_type3A_252 = arith.sitofp %add3A_242 : vector<16xi32> to vector<16xf32>
      %jit3A_253 = arith.constant 0.000000e+00 : f32
      %broadcast_in_dim3A_254 = vector.broadcast %jit3A_253 : f32 to vector<16xf32>
      %select_n3A_255 = arith.select %eq3A_251, %convert_element_type3A_252, %broadcast_in_dim3A_254 : vector<16xi1>, vector<16xf32>
      %select_n3A_256 = arith.select %eq3A_248, %min3A_152, %select_n3A_255 : vector<16xi1>, vector<16xf32>
      %select_n3A_257 = arith.select %eq3A_245, %max3A_88, %select_n3A_256 : vector<16xi1>, vector<16xf32>
      %swap3A = arith.constant 0 : index
      %swap3A_258 = tpu.vector_load %arg8[%swap3A] {strides = array<i32>} : memref<16xf32, #tpu.memory_space<vmem>>, vector<16xf32>,
      %swap3A_259 = vector.shape_cast %swap3A_258 : vector<16xf32> to vector<16xf32>
      %swap3A_260 = vector.shape_cast %select_n3A_257 : vector<16xf32> to vector<16xf32>
      tpu.vector_store %arg8[%swap3A], %swap3A_260 {strides = array<i32>} : memref<16xf32, #tpu.memory_space<vmem>>, vector<16xf32>,
      %mul3A_261 = arith.constant 16 : i32
      %mul3A_262 = arith.muli %arg1, %mul3A_261 : i32
      "tpu.region"() ({
        %run_scoped3A_1238 = tpu.sem_alloc : memref<!tpu.dma_semaphore, #tpu.memory_space<semaphore_mem>>
        %dma_start3A = tpu.memref_slice %arg11[%mul3A_262] : memref<256xf32, #tpu.memory_space<vmem_shared>> -> memref<16xf32, #tpu.memory_space<vmem_shared>>
        %dma_start3A_1239 = tpu.memref_slice %arg11[%mul3A_262] : memref<256xf32, #tpu.memory_space<vmem_shared>> -> memref<16xf32, #tpu.memory_space<vmem_shared>>
        tpu.enqueue_dma source(%arg8 : memref<16xf32, #tpu.memory_space<vmem>>) target(%dma_start3A_1239 : memref<16xf32, #tpu.memory_space<vmem_shared>>) target_semaphore(%run_scoped3A_1238 : memref<!tpu.dma_semaphore, #tpu.memory_space<semaphore_mem>>)
        %dma_wait3A = tpu.memref_slice %arg11[%mul3A_262] : memref<256xf32, #tpu.memory_space<vmem_shared>> -> memref<16xf32, #tpu.memory_space<vmem_shared>>
        %dma_wait3A_1240 = tpu.memref_slice %arg11[%mul3A_262] : memref<256xf32, #tpu.memory_space<vmem_shared>> -> memref<16xf32, #tpu.memory_space<vmem_shared>>
        tpu.wait_dma2 semaphore(%run_scoped3A_1238 : memref<!tpu.dma_semaphore, #tpu.memory_space<semaphore_mem>>) src(%arg8 : memref<16xf32, #tpu.memory_space<vmem>>) dst(%dma_wait3A_1240 : memref<16xf32, #tpu.memory_space<vmem_shared>>)
        tpu.yield
      }) : () -> ()
      %barrier3A = arith.constant 0 : index
      tpu.barrier barrier_id(%barrier3A)
      "tpu.region"() ({
        %run_scoped3A_1238 = tpu.sem_alloc : memref<!tpu.dma_semaphore, #tpu.memory_space<semaphore_mem>>
        tpu.enqueue_dma source(%arg11 : memref<256xf32, #tpu.memory_space<vmem_shared>>) target(%arg9 : memref<256xf32, #tpu.memory_space<vmem>>) target_semaphore(%run_scoped3A_1238 : memref<!tpu.dma_semaphore, #tpu.memory_space<semaphore_mem>>)
        tpu.wait_dma2 semaphore(%run_scoped3A_1238 : memref<!tpu.dma_semaphore, #tpu.memory_space<semaphore_mem>>) src(%arg11 : memref<256xf32, #tpu.memory_space<vmem_shared>>) dst(%arg9 : memref<256xf32, #tpu.memory_space<vmem>>)
        tpu.yield
      }) : () -> ()
      %get3A_263 = arith.constant 0 : index
      %get3A_264 = tpu.vector_load %arg9[%get3A_263] {strides = array<i32>} : memref<256xf32, #tpu.memory_space<vmem>>, vector<16xf32>,
      %get3A_265 = vector.shape_cast %get3A_264 : vector<16xf32> to vector<16xf32>
      %slice3A = vector.extract_strided_slice %get3A_265 {offsets = [0], sizes = [1], strides = [1]} : vector<16xf32> to vector<1xf32>
      %squeeze3A = vector.extract %slice3A[0] : f32 from vector<1xf32>
      %slice3A_266 = vector.extract_strided_slice %get3A_265 {offsets = [1], sizes = [1], strides = [1]} : vector<16xf32> to vector<1xf32>
      %squeeze3A_267 = vector.extract %slice3A_266[0] : f32 from vector<1xf32>
      %slice3A_268 = vector.extract_strided_slice %get3A_265 {offsets = [2], sizes = [1], strides = [1]} : vector<16xf32> to vector<1xf32>
      %squeeze3A_269 = vector.extract %slice3A_268[0] : f32 from vector<1xf32>
      %gt3A = arith.constant -3.000000e+38 : f32
      %gt3A_270 = arith.cmpf ogt, %squeeze3A, %gt3A : f32
      %eq3A_271 = arith.constant -3.000000e+38 : f32
      %eq3A_272 = arith.cmpf oeq, %squeeze3A, %eq3A_271 : f32
      %lt3A = arith.constant 3.000000e+38 : f32
      %lt3A_273 = arith.cmpf olt, %squeeze3A_267, %lt3A : f32
      %and3A_274 = arith.andi %eq3A_272, %lt3A_273 : i1
      %or3A = arith.ori %gt3A_270, %and3A_274 : i1
      %jit3A_275 = arith.constant -3.000000e+38 : f32
      %select_n3A_276 = arith.select %or3A, %squeeze3A, %jit3A_275 : f32
      %jit3A_277 = arith.constant 3.000000e+38 : f32
      %select_n3A_278 = arith.select %or3A, %squeeze3A_267, %jit3A_277 : f32
      %jit3A_279 = arith.constant 0.000000e+00 : f32
      %select_n3A_280 = arith.select %or3A, %squeeze3A_269, %jit3A_279 : f32
      %get3A_281 = arith.constant 16 : index
      %get3A_282 = tpu.vector_load %arg9[%get3A_281] {strides = array<i32>} : memref<256xf32, #tpu.memory_space<vmem>>, vector<16xf32>,
      %get3A_283 = vector.shape_cast %get3A_282 : vector<16xf32> to vector<16xf32>
      %slice3A_284 = vector.extract_strided_slice %get3A_283 {offsets = [0], sizes = [1], strides = [1]} : vector<16xf32> to vector<1xf32>
      %squeeze3A_285 = vector.extract %slice3A_284[0] : f32 from vector<1xf32>
      %slice3A_286 = vector.extract_strided_slice %get3A_283 {offsets = [1], sizes = [1], strides = [1]} : vector<16xf32> to vector<1xf32>
      %squeeze3A_287 = vector.extract %slice3A_286[0] : f32 from vector<1xf32>
      %slice3A_288 = vector.extract_strided_slice %get3A_283 {offsets = [2], sizes = [1], strides = [1]} : vector<16xf32> to vector<1xf32>
      %squeeze3A_289 = vector.extract %slice3A_288[0] : f32 from vector<1xf32>
      %gt3A_290 = arith.cmpf ogt, %squeeze3A_285, %select_n3A_276 : f32
      %eq3A_291 = arith.cmpf oeq, %squeeze3A_285, %select_n3A_276 : f32
      %lt3A_292 = arith.cmpf olt, %squeeze3A_287, %select_n3A_278 : f32
      %and3A_293 = arith.andi %eq3A_291, %lt3A_292 : i1
      %or3A_294 = arith.ori %gt3A_290, %and3A_293 : i1
      %select_n3A_295 = arith.select %or3A_294, %squeeze3A_285, %select_n3A_276 : f32
      %select_n3A_296 = arith.select %or3A_294, %squeeze3A_287, %select_n3A_278 : f32
      %select_n3A_297 = arith.select %or3A_294, %squeeze3A_289, %select_n3A_280 : f32
      %get3A_298 = arith.constant 32 : index
      %get3A_299 = tpu.vector_load %arg9[%get3A_298] {strides = array<i32>} : memref<256xf32, #tpu.memory_space<vmem>>, vector<16xf32>,
      %get3A_300 = vector.shape_cast %get3A_299 : vector<16xf32> to vector<16xf32>
      %slice3A_301 = vector.extract_strided_slice %get3A_300 {offsets = [0], sizes = [1], strides = [1]} : vector<16xf32> to vector<1xf32>
      %squeeze3A_302 = vector.extract %slice3A_301[0] : f32 from vector<1xf32>
      %slice3A_303 = vector.extract_strided_slice %get3A_300 {offsets = [1], sizes = [1], strides = [1]} : vector<16xf32> to vector<1xf32>
      %squeeze3A_304 = vector.extract %slice3A_303[0] : f32 from vector<1xf32>
      %slice3A_305 = vector.extract_strided_slice %get3A_300 {offsets = [2], sizes = [1], strides = [1]} : vector<16xf32> to vector<1xf32>
      %squeeze3A_306 = vector.extract %slice3A_305[0] : f32 from vector<1xf32>
      %gt3A_307 = arith.cmpf ogt, %squeeze3A_302, %select_n3A_295 : f32
      %eq3A_308 = arith.cmpf oeq, %squeeze3A_302, %select_n3A_295 : f32
      %lt3A_309 = arith.cmpf olt, %squeeze3A_304, %select_n3A_296 : f32
      %and3A_310 = arith.andi %eq3A_308, %lt3A_309 : i1
      %or3A_311 = arith.ori %gt3A_307, %and3A_310 : i1
      %select_n3A_312 = arith.select %or3A_311, %squeeze3A_302, %select_n3A_295 : f32
      %select_n3A_313 = arith.select %or3A_311, %squeeze3A_304, %select_n3A_296 : f32
      %select_n3A_314 = arith.select %or3A_311, %squeeze3A_306, %select_n3A_297 : f32
      %get3A_315 = arith.constant 48 : index
      %get3A_316 = tpu.vector_load %arg9[%get3A_315] {strides = array<i32>} : memref<256xf32, #tpu.memory_space<vmem>>, vector<16xf32>,
      %get3A_317 = vector.shape_cast %get3A_316 : vector<16xf32> to vector<16xf32>
      %slice3A_318 = vector.extract_strided_slice %get3A_317 {offsets = [0], sizes = [1], strides = [1]} : vector<16xf32> to vector<1xf32>
      %squeeze3A_319 = vector.extract %slice3A_318[0] : f32 from vector<1xf32>
      %slice3A_320 = vector.extract_strided_slice %get3A_317 {offsets = [1], sizes = [1], strides = [1]} : vector<16xf32> to vector<1xf32>
      %squeeze3A_321 = vector.extract %slice3A_320[0] : f32 from vector<1xf32>
      %slice3A_322 = vector.extract_strided_slice %get3A_317 {offsets = [2], sizes = [1], strides = [1]} : vector<16xf32> to vector<1xf32>
      %squeeze3A_323 = vector.extract %slice3A_322[0] : f32 from vector<1xf32>
      %gt3A_324 = arith.cmpf ogt, %squeeze3A_319, %select_n3A_312 : f32
      %eq3A_325 = arith.cmpf oeq, %squeeze3A_319, %select_n3A_312 : f32
      %lt3A_326 = arith.cmpf olt, %squeeze3A_321, %select_n3A_313 : f32
      %and3A_327 = arith.andi %eq3A_325, %lt3A_326 : i1
      %or3A_328 = arith.ori %gt3A_324, %and3A_327 : i1
      %select_n3A_329 = arith.select %or3A_328, %squeeze3A_319, %select_n3A_312 : f32
      %select_n3A_330 = arith.select %or3A_328, %squeeze3A_321, %select_n3A_313 : f32
      %select_n3A_331 = arith.select %or3A_328, %squeeze3A_323, %select_n3A_314 : f32
      %get3A_332 = arith.constant 64 : index
      %get3A_333 = tpu.vector_load %arg9[%get3A_332] {strides = array<i32>} : memref<256xf32, #tpu.memory_space<vmem>>, vector<16xf32>,
      %get3A_334 = vector.shape_cast %get3A_333 : vector<16xf32> to vector<16xf32>
      %slice3A_335 = vector.extract_strided_slice %get3A_334 {offsets = [0], sizes = [1], strides = [1]} : vector<16xf32> to vector<1xf32>
      %squeeze3A_336 = vector.extract %slice3A_335[0] : f32 from vector<1xf32>
      %slice3A_337 = vector.extract_strided_slice %get3A_334 {offsets = [1], sizes = [1], strides = [1]} : vector<16xf32> to vector<1xf32>
      %squeeze3A_338 = vector.extract %slice3A_337[0] : f32 from vector<1xf32>
      %slice3A_339 = vector.extract_strided_slice %get3A_334 {offsets = [2], sizes = [1], strides = [1]} : vector<16xf32> to vector<1xf32>
      %squeeze3A_340 = vector.extract %slice3A_339[0] : f32 from vector<1xf32>
      %gt3A_341 = arith.cmpf ogt, %squeeze3A_336, %select_n3A_329 : f32
      %eq3A_342 = arith.cmpf oeq, %squeeze3A_336, %select_n3A_329 : f32
      %lt3A_343 = arith.cmpf olt, %squeeze3A_338, %select_n3A_330 : f32
      %and3A_344 = arith.andi %eq3A_342, %lt3A_343 : i1
      %or3A_345 = arith.ori %gt3A_341, %and3A_344 : i1
      %select_n3A_346 = arith.select %or3A_345, %squeeze3A_336, %select_n3A_329 : f32
      %select_n3A_347 = arith.select %or3A_345, %squeeze3A_338, %select_n3A_330 : f32
      %select_n3A_348 = arith.select %or3A_345, %squeeze3A_340, %select_n3A_331 : f32
      %get3A_349 = arith.constant 80 : index
      %get3A_350 = tpu.vector_load %arg9[%get3A_349] {strides = array<i32>} : memref<256xf32, #tpu.memory_space<vmem>>, vector<16xf32>,
      %get3A_351 = vector.shape_cast %get3A_350 : vector<16xf32> to vector<16xf32>
      %slice3A_352 = vector.extract_strided_slice %get3A_351 {offsets = [0], sizes = [1], strides = [1]} : vector<16xf32> to vector<1xf32>
      %squeeze3A_353 = vector.extract %slice3A_352[0] : f32 from vector<1xf32>
      %slice3A_354 = vector.extract_strided_slice %get3A_351 {offsets = [1], sizes = [1], strides = [1]} : vector<16xf32> to vector<1xf32>
      %squeeze3A_355 = vector.extract %slice3A_354[0] : f32 from vector<1xf32>
      %slice3A_356 = vector.extract_strided_slice %get3A_351 {offsets = [2], sizes = [1], strides = [1]} : vector<16xf32> to vector<1xf32>
      %squeeze3A_357 = vector.extract %slice3A_356[0] : f32 from vector<1xf32>
      %gt3A_358 = arith.cmpf ogt, %squeeze3A_353, %select_n3A_346 : f32
      %eq3A_359 = arith.cmpf oeq, %squeeze3A_353, %select_n3A_346 : f32
      %lt3A_360 = arith.cmpf olt, %squeeze3A_355, %select_n3A_347 : f32
      %and3A_361 = arith.andi %eq3A_359, %lt3A_360 : i1
      %or3A_362 = arith.ori %gt3A_358, %and3A_361 : i1
      %select_n3A_363 = arith.select %or3A_362, %squeeze3A_353, %select_n3A_346 : f32
      %select_n3A_364 = arith.select %or3A_362, %squeeze3A_355, %select_n3A_347 : f32
      %select_n3A_365 = arith.select %or3A_362, %squeeze3A_357, %select_n3A_348 : f32
      %get3A_366 = arith.constant 96 : index
      %get3A_367 = tpu.vector_load %arg9[%get3A_366] {strides = array<i32>} : memref<256xf32, #tpu.memory_space<vmem>>, vector<16xf32>,
      %get3A_368 = vector.shape_cast %get3A_367 : vector<16xf32> to vector<16xf32>
      %slice3A_369 = vector.extract_strided_slice %get3A_368 {offsets = [0], sizes = [1], strides = [1]} : vector<16xf32> to vector<1xf32>
      %squeeze3A_370 = vector.extract %slice3A_369[0] : f32 from vector<1xf32>
      %slice3A_371 = vector.extract_strided_slice %get3A_368 {offsets = [1], sizes = [1], strides = [1]} : vector<16xf32> to vector<1xf32>
      %squeeze3A_372 = vector.extract %slice3A_371[0] : f32 from vector<1xf32>
      %slice3A_373 = vector.extract_strided_slice %get3A_368 {offsets = [2], sizes = [1], strides = [1]} : vector<16xf32> to vector<1xf32>
      %squeeze3A_374 = vector.extract %slice3A_373[0] : f32 from vector<1xf32>
      %gt3A_375 = arith.cmpf ogt, %squeeze3A_370, %select_n3A_363 : f32
      %eq3A_376 = arith.cmpf oeq, %squeeze3A_370, %select_n3A_363 : f32
      %lt3A_377 = arith.cmpf olt, %squeeze3A_372, %select_n3A_364 : f32
      %and3A_378 = arith.andi %eq3A_376, %lt3A_377 : i1
      %or3A_379 = arith.ori %gt3A_375, %and3A_378 : i1
      %select_n3A_380 = arith.select %or3A_379, %squeeze3A_370, %select_n3A_363 : f32
      %select_n3A_381 = arith.select %or3A_379, %squeeze3A_372, %select_n3A_364 : f32
      %select_n3A_382 = arith.select %or3A_379, %squeeze3A_374, %select_n3A_365 : f32
      %get3A_383 = arith.constant 112 : index
      %get3A_384 = tpu.vector_load %arg9[%get3A_383] {strides = array<i32>} : memref<256xf32, #tpu.memory_space<vmem>>, vector<16xf32>,
      %get3A_385 = vector.shape_cast %get3A_384 : vector<16xf32> to vector<16xf32>
      %slice3A_386 = vector.extract_strided_slice %get3A_385 {offsets = [0], sizes = [1], strides = [1]} : vector<16xf32> to vector<1xf32>
      %squeeze3A_387 = vector.extract %slice3A_386[0] : f32 from vector<1xf32>
      %slice3A_388 = vector.extract_strided_slice %get3A_385 {offsets = [1], sizes = [1], strides = [1]} : vector<16xf32> to vector<1xf32>
      %squeeze3A_389 = vector.extract %slice3A_388[0] : f32 from vector<1xf32>
      %slice3A_390 = vector.extract_strided_slice %get3A_385 {offsets = [2], sizes = [1], strides = [1]} : vector<16xf32> to vector<1xf32>
      %squeeze3A_391 = vector.extract %slice3A_390[0] : f32 from vector<1xf32>
      %gt3A_392 = arith.cmpf ogt, %squeeze3A_387, %select_n3A_380 : f32
      %eq3A_393 = arith.cmpf oeq, %squeeze3A_387, %select_n3A_380 : f32
      %lt3A_394 = arith.cmpf olt, %squeeze3A_389, %select_n3A_381 : f32
      %and3A_395 = arith.andi %eq3A_393, %lt3A_394 : i1
      %or3A_396 = arith.ori %gt3A_392, %and3A_395 : i1
      %select_n3A_397 = arith.select %or3A_396, %squeeze3A_387, %select_n3A_380 : f32
      %select_n3A_398 = arith.select %or3A_396, %squeeze3A_389, %select_n3A_381 : f32
      %select_n3A_399 = arith.select %or3A_396, %squeeze3A_391, %select_n3A_382 : f32
      %get3A_400 = arith.constant 128 : index
      %get3A_401 = tpu.vector_load %arg9[%get3A_400] {strides = array<i32>} : memref<256xf32, #tpu.memory_space<vmem>>, vector<16xf32>,
      %get3A_402 = vector.shape_cast %get3A_401 : vector<16xf32> to vector<16xf32>
      %slice3A_403 = vector.extract_strided_slice %get3A_402 {offsets = [0], sizes = [1], strides = [1]} : vector<16xf32> to vector<1xf32>
      %squeeze3A_404 = vector.extract %slice3A_403[0] : f32 from vector<1xf32>
      %slice3A_405 = vector.extract_strided_slice %get3A_402 {offsets = [1], sizes = [1], strides = [1]} : vector<16xf32> to vector<1xf32>
      %squeeze3A_406 = vector.extract %slice3A_405[0] : f32 from vector<1xf32>
      %slice3A_407 = vector.extract_strided_slice %get3A_402 {offsets = [2], sizes = [1], strides = [1]} : vector<16xf32> to vector<1xf32>
      %squeeze3A_408 = vector.extract %slice3A_407[0] : f32 from vector<1xf32>
      %gt3A_409 = arith.cmpf ogt, %squeeze3A_404, %select_n3A_397 : f32
      %eq3A_410 = arith.cmpf oeq, %squeeze3A_404, %select_n3A_397 : f32
      %lt3A_411 = arith.cmpf olt, %squeeze3A_406, %select_n3A_398 : f32
      %and3A_412 = arith.andi %eq3A_410, %lt3A_411 : i1
      %or3A_413 = arith.ori %gt3A_409, %and3A_412 : i1
      %select_n3A_414 = arith.select %or3A_413, %squeeze3A_404, %select_n3A_397 : f32
      %select_n3A_415 = arith.select %or3A_413, %squeeze3A_406, %select_n3A_398 : f32
      %select_n3A_416 = arith.select %or3A_413, %squeeze3A_408, %select_n3A_399 : f32
      %get3A_417 = arith.constant 144 : index
      %get3A_418 = tpu.vector_load %arg9[%get3A_417] {strides = array<i32>} : memref<256xf32, #tpu.memory_space<vmem>>, vector<16xf32>,
      %get3A_419 = vector.shape_cast %get3A_418 : vector<16xf32> to vector<16xf32>
      %slice3A_420 = vector.extract_strided_slice %get3A_419 {offsets = [0], sizes = [1], strides = [1]} : vector<16xf32> to vector<1xf32>
      %squeeze3A_421 = vector.extract %slice3A_420[0] : f32 from vector<1xf32>
      %slice3A_422 = vector.extract_strided_slice %get3A_419 {offsets = [1], sizes = [1], strides = [1]} : vector<16xf32> to vector<1xf32>
      %squeeze3A_423 = vector.extract %slice3A_422[0] : f32 from vector<1xf32>
      %slice3A_424 = vector.extract_strided_slice %get3A_419 {offsets = [2], sizes = [1], strides = [1]} : vector<16xf32> to vector<1xf32>
      %squeeze3A_425 = vector.extract %slice3A_424[0] : f32 from vector<1xf32>
      %gt3A_426 = arith.cmpf ogt, %squeeze3A_421, %select_n3A_414 : f32
      %eq3A_427 = arith.cmpf oeq, %squeeze3A_421, %select_n3A_414 : f32
      %lt3A_428 = arith.cmpf olt, %squeeze3A_423, %select_n3A_415 : f32
      %and3A_429 = arith.andi %eq3A_427, %lt3A_428 : i1
      %or3A_430 = arith.ori %gt3A_426, %and3A_429 : i1
      %select_n3A_431 = arith.select %or3A_430, %squeeze3A_421, %select_n3A_414 : f32
      %select_n3A_432 = arith.select %or3A_430, %squeeze3A_423, %select_n3A_415 : f32
      %select_n3A_433 = arith.select %or3A_430, %squeeze3A_425, %select_n3A_416 : f32
      %get3A_434 = arith.constant 160 : index
      %get3A_435 = tpu.vector_load %arg9[%get3A_434] {strides = array<i32>} : memref<256xf32, #tpu.memory_space<vmem>>, vector<16xf32>,
      %get3A_436 = vector.shape_cast %get3A_435 : vector<16xf32> to vector<16xf32>
      %slice3A_437 = vector.extract_strided_slice %get3A_436 {offsets = [0], sizes = [1], strides = [1]} : vector<16xf32> to vector<1xf32>
      %squeeze3A_438 = vector.extract %slice3A_437[0] : f32 from vector<1xf32>
      %slice3A_439 = vector.extract_strided_slice %get3A_436 {offsets = [1], sizes = [1], strides = [1]} : vector<16xf32> to vector<1xf32>
      %squeeze3A_440 = vector.extract %slice3A_439[0] : f32 from vector<1xf32>
      %slice3A_441 = vector.extract_strided_slice %get3A_436 {offsets = [2], sizes = [1], strides = [1]} : vector<16xf32> to vector<1xf32>
      %squeeze3A_442 = vector.extract %slice3A_441[0] : f32 from vector<1xf32>
      %gt3A_443 = arith.cmpf ogt, %squeeze3A_438, %select_n3A_431 : f32
      %eq3A_444 = arith.cmpf oeq, %squeeze3A_438, %select_n3A_431 : f32
      %lt3A_445 = arith.cmpf olt, %squeeze3A_440, %select_n3A_432 : f32
      %and3A_446 = arith.andi %eq3A_444, %lt3A_445 : i1
      %or3A_447 = arith.ori %gt3A_443, %and3A_446 : i1
      %select_n3A_448 = arith.select %or3A_447, %squeeze3A_438, %select_n3A_431 : f32
      %select_n3A_449 = arith.select %or3A_447, %squeeze3A_440, %select_n3A_432 : f32
      %select_n3A_450 = arith.select %or3A_447, %squeeze3A_442, %select_n3A_433 : f32
      %get3A_451 = arith.constant 176 : index
      %get3A_452 = tpu.vector_load %arg9[%get3A_451] {strides = array<i32>} : memref<256xf32, #tpu.memory_space<vmem>>, vector<16xf32>,
      %get3A_453 = vector.shape_cast %get3A_452 : vector<16xf32> to vector<16xf32>
      %slice3A_454 = vector.extract_strided_slice %get3A_453 {offsets = [0], sizes = [1], strides = [1]} : vector<16xf32> to vector<1xf32>
      %squeeze3A_455 = vector.extract %slice3A_454[0] : f32 from vector<1xf32>
      %slice3A_456 = vector.extract_strided_slice %get3A_453 {offsets = [1], sizes = [1], strides = [1]} : vector<16xf32> to vector<1xf32>
      %squeeze3A_457 = vector.extract %slice3A_456[0] : f32 from vector<1xf32>
      %slice3A_458 = vector.extract_strided_slice %get3A_453 {offsets = [2], sizes = [1], strides = [1]} : vector<16xf32> to vector<1xf32>
      %squeeze3A_459 = vector.extract %slice3A_458[0] : f32 from vector<1xf32>
      %gt3A_460 = arith.cmpf ogt, %squeeze3A_455, %select_n3A_448 : f32
      %eq3A_461 = arith.cmpf oeq, %squeeze3A_455, %select_n3A_448 : f32
      %lt3A_462 = arith.cmpf olt, %squeeze3A_457, %select_n3A_449 : f32
      %and3A_463 = arith.andi %eq3A_461, %lt3A_462 : i1
      %or3A_464 = arith.ori %gt3A_460, %and3A_463 : i1
      %select_n3A_465 = arith.select %or3A_464, %squeeze3A_455, %select_n3A_448 : f32
      %select_n3A_466 = arith.select %or3A_464, %squeeze3A_457, %select_n3A_449 : f32
      %select_n3A_467 = arith.select %or3A_464, %squeeze3A_459, %select_n3A_450 : f32
      %get3A_468 = arith.constant 192 : index
      %get3A_469 = tpu.vector_load %arg9[%get3A_468] {strides = array<i32>} : memref<256xf32, #tpu.memory_space<vmem>>, vector<16xf32>,
      %get3A_470 = vector.shape_cast %get3A_469 : vector<16xf32> to vector<16xf32>
      %slice3A_471 = vector.extract_strided_slice %get3A_470 {offsets = [0], sizes = [1], strides = [1]} : vector<16xf32> to vector<1xf32>
      %squeeze3A_472 = vector.extract %slice3A_471[0] : f32 from vector<1xf32>
      %slice3A_473 = vector.extract_strided_slice %get3A_470 {offsets = [1], sizes = [1], strides = [1]} : vector<16xf32> to vector<1xf32>
      %squeeze3A_474 = vector.extract %slice3A_473[0] : f32 from vector<1xf32>
      %slice3A_475 = vector.extract_strided_slice %get3A_470 {offsets = [2], sizes = [1], strides = [1]} : vector<16xf32> to vector<1xf32>
      %squeeze3A_476 = vector.extract %slice3A_475[0] : f32 from vector<1xf32>
      %gt3A_477 = arith.cmpf ogt, %squeeze3A_472, %select_n3A_465 : f32
      %eq3A_478 = arith.cmpf oeq, %squeeze3A_472, %select_n3A_465 : f32
      %lt3A_479 = arith.cmpf olt, %squeeze3A_474, %select_n3A_466 : f32
      %and3A_480 = arith.andi %eq3A_478, %lt3A_479 : i1
      %or3A_481 = arith.ori %gt3A_477, %and3A_480 : i1
      %select_n3A_482 = arith.select %or3A_481, %squeeze3A_472, %select_n3A_465 : f32
      %select_n3A_483 = arith.select %or3A_481, %squeeze3A_474, %select_n3A_466 : f32
      %select_n3A_484 = arith.select %or3A_481, %squeeze3A_476, %select_n3A_467 : f32
      %get3A_485 = arith.constant 208 : index
      %get3A_486 = tpu.vector_load %arg9[%get3A_485] {strides = array<i32>} : memref<256xf32, #tpu.memory_space<vmem>>, vector<16xf32>,
      %get3A_487 = vector.shape_cast %get3A_486 : vector<16xf32> to vector<16xf32>
      %slice3A_488 = vector.extract_strided_slice %get3A_487 {offsets = [0], sizes = [1], strides = [1]} : vector<16xf32> to vector<1xf32>
      %squeeze3A_489 = vector.extract %slice3A_488[0] : f32 from vector<1xf32>
      %slice3A_490 = vector.extract_strided_slice %get3A_487 {offsets = [1], sizes = [1], strides = [1]} : vector<16xf32> to vector<1xf32>
      %squeeze3A_491 = vector.extract %slice3A_490[0] : f32 from vector<1xf32>
      %slice3A_492 = vector.extract_strided_slice %get3A_487 {offsets = [2], sizes = [1], strides = [1]} : vector<16xf32> to vector<1xf32>
      %squeeze3A_493 = vector.extract %slice3A_492[0] : f32 from vector<1xf32>
      %gt3A_494 = arith.cmpf ogt, %squeeze3A_489, %select_n3A_482 : f32
      %eq3A_495 = arith.cmpf oeq, %squeeze3A_489, %select_n3A_482 : f32
      %lt3A_496 = arith.cmpf olt, %squeeze3A_491, %select_n3A_483 : f32
      %and3A_497 = arith.andi %eq3A_495, %lt3A_496 : i1
      %or3A_498 = arith.ori %gt3A_494, %and3A_497 : i1
      %select_n3A_499 = arith.select %or3A_498, %squeeze3A_489, %select_n3A_482 : f32
      %select_n3A_500 = arith.select %or3A_498, %squeeze3A_491, %select_n3A_483 : f32
      %select_n3A_501 = arith.select %or3A_498, %squeeze3A_493, %select_n3A_484 : f32
      %get3A_502 = arith.constant 224 : index
      %get3A_503 = tpu.vector_load %arg9[%get3A_502] {strides = array<i32>} : memref<256xf32, #tpu.memory_space<vmem>>, vector<16xf32>,
      %get3A_504 = vector.shape_cast %get3A_503 : vector<16xf32> to vector<16xf32>
      %slice3A_505 = vector.extract_strided_slice %get3A_504 {offsets = [0], sizes = [1], strides = [1]} : vector<16xf32> to vector<1xf32>
      %squeeze3A_506 = vector.extract %slice3A_505[0] : f32 from vector<1xf32>
      %slice3A_507 = vector.extract_strided_slice %get3A_504 {offsets = [1], sizes = [1], strides = [1]} : vector<16xf32> to vector<1xf32>
      %squeeze3A_508 = vector.extract %slice3A_507[0] : f32 from vector<1xf32>
      %slice3A_509 = vector.extract_strided_slice %get3A_504 {offsets = [2], sizes = [1], strides = [1]} : vector<16xf32> to vector<1xf32>
      %squeeze3A_510 = vector.extract %slice3A_509[0] : f32 from vector<1xf32>
      %gt3A_511 = arith.cmpf ogt, %squeeze3A_506, %select_n3A_499 : f32
      %eq3A_512 = arith.cmpf oeq, %squeeze3A_506, %select_n3A_499 : f32
      %lt3A_513 = arith.cmpf olt, %squeeze3A_508, %select_n3A_500 : f32
      %and3A_514 = arith.andi %eq3A_512, %lt3A_513 : i1
      %or3A_515 = arith.ori %gt3A_511, %and3A_514 : i1
      %select_n3A_516 = arith.select %or3A_515, %squeeze3A_506, %select_n3A_499 : f32
      %select_n3A_517 = arith.select %or3A_515, %squeeze3A_508, %select_n3A_500 : f32
      %select_n3A_518 = arith.select %or3A_515, %squeeze3A_510, %select_n3A_501 : f32
      %get3A_519 = arith.constant 240 : index
      %get3A_520 = tpu.vector_load %arg9[%get3A_519] {strides = array<i32>} : memref<256xf32, #tpu.memory_space<vmem>>, vector<16xf32>,
      %get3A_521 = vector.shape_cast %get3A_520 : vector<16xf32> to vector<16xf32>
      %slice3A_522 = vector.extract_strided_slice %get3A_521 {offsets = [0], sizes = [1], strides = [1]} : vector<16xf32> to vector<1xf32>
      %squeeze3A_523 = vector.extract %slice3A_522[0] : f32 from vector<1xf32>
      %slice3A_524 = vector.extract_strided_slice %get3A_521 {offsets = [1], sizes = [1], strides = [1]} : vector<16xf32> to vector<1xf32>
      %squeeze3A_525 = vector.extract %slice3A_524[0] : f32 from vector<1xf32>
      %slice3A_526 = vector.extract_strided_slice %get3A_521 {offsets = [2], sizes = [1], strides = [1]} : vector<16xf32> to vector<1xf32>
      %squeeze3A_527 = vector.extract %slice3A_526[0] : f32 from vector<1xf32>
      %gt3A_528 = arith.cmpf ogt, %squeeze3A_523, %select_n3A_516 : f32
      %eq3A_529 = arith.cmpf oeq, %squeeze3A_523, %select_n3A_516 : f32
      %lt3A_530 = arith.cmpf olt, %squeeze3A_525, %select_n3A_517 : f32
      %and3A_531 = arith.andi %eq3A_529, %lt3A_530 : i1
      %or3A_532 = arith.ori %gt3A_528, %and3A_531 : i1
      %select_n3A_533 = arith.select %or3A_532, %squeeze3A_523, %select_n3A_516 : f32
      %select_n3A_534 = arith.select %or3A_532, %squeeze3A_525, %select_n3A_517 : f32
      %select_n3A_535 = arith.select %or3A_532, %squeeze3A_527, %select_n3A_518 : f32
      %convert_element_type3A_536 = arith.fptosi %select_n3A_535 : f32 to i32
      %shift_right_arithmetic3A = arith.constant 4 : i32
      %shift_right_arithmetic3A_537 = arith.shrsi %convert_element_type3A_536, %shift_right_arithmetic3A : i32
      %mul3A_538 = arith.constant 16 : i32
      %mul3A_539 = arith.muli %shift_right_arithmetic3A_537, %mul3A_538 : i32
      %and3A_540 = arith.constant 15 : i32
      %and3A_541 = arith.andi %convert_element_type3A_536, %and3A_540 : i32
      %add3A_542 = arith.constant 0 : i32
      %add3A_543 = arith.addi %add3A_542, %mul3A_539 : i32
      %get3A_544 = arith.index_cast %add3A_543 : i32 to index
      %get3A_545 = tpu.vector_load %arg5[%get3A_544] {strides = array<i32>} : memref<20480xf32, #tpu.memory_space<vmem>>, vector<16xf32>,
      %get3A_546 = vector.shape_cast %get3A_545 : vector<16xf32> to vector<16xf32>
      %eq3A_547 = vector.broadcast %and3A_541 : i32 to vector<16xi32>
      %eq3A_548 = arith.cmpi eq, %iota3A, %eq3A_547 : vector<16xi32>
      %jit3A_549 = arith.constant 0.000000e+00 : f32
      %broadcast_in_dim3A_550 = vector.broadcast %jit3A_549 : f32 to vector<16xf32>
      %select_n3A_551 = arith.select %eq3A_548, %get3A_546, %broadcast_in_dim3A_550 : vector<16xi1>, vector<16xf32>
      %xor3A_552 = arith.constant 8 : i32
      %xor3A_553 = vector.broadcast %xor3A_552 : i32 to vector<16xi32>
      %xor3A_554 = arith.xori %iota3A, %xor3A_553 : vector<16xi32>
      %broadcast_in_dim3A_555 = vector.shape_cast %xor3A_554 : vector<16xi32> to vector<16x1xi32>
      %gather3A_556 = vector.shape_cast %broadcast_in_dim3A_555 : vector<16x1xi32> to vector<16xi32>
      %gather3A_557 = tpu.dynamic_gather %select_n3A_551[%gather3A_556] in [0] : vector<16xf32>, vector<16xi32> -> vector<16xf32>
      %add3A_558 = arith.addf %select_n3A_551, %gather3A_557 : vector<16xf32>
      %xor3A_559 = arith.constant 4 : i32
      %xor3A_560 = vector.broadcast %xor3A_559 : i32 to vector<16xi32>
      %xor3A_561 = arith.xori %iota3A, %xor3A_560 : vector<16xi32>
      %broadcast_in_dim3A_562 = vector.shape_cast %xor3A_561 : vector<16xi32> to vector<16x1xi32>
      %gather3A_563 = vector.shape_cast %broadcast_in_dim3A_562 : vector<16x1xi32> to vector<16xi32>
      %gather3A_564 = tpu.dynamic_gather %add3A_558[%gather3A_563] in [0] : vector<16xf32>, vector<16xi32> -> vector<16xf32>
      %add3A_565 = arith.addf %add3A_558, %gather3A_564 : vector<16xf32>
      %xor3A_566 = arith.constant 2 : i32
      %xor3A_567 = vector.broadcast %xor3A_566 : i32 to vector<16xi32>
      %xor3A_568 = arith.xori %iota3A, %xor3A_567 : vector<16xi32>
      %broadcast_in_dim3A_569 = vector.shape_cast %xor3A_568 : vector<16xi32> to vector<16x1xi32>
      %gather3A_570 = vector.shape_cast %broadcast_in_dim3A_569 : vector<16x1xi32> to vector<16xi32>
      %gather3A_571 = tpu.dynamic_gather %add3A_565[%gather3A_570] in [0] : vector<16xf32>, vector<16xi32> -> vector<16xf32>
      %add3A_572 = arith.addf %add3A_565, %gather3A_571 : vector<16xf32>
      %xor3A_573 = arith.constant 1 : i32
      %xor3A_574 = vector.broadcast %xor3A_573 : i32 to vector<16xi32>
      %xor3A_575 = arith.xori %iota3A, %xor3A_574 : vector<16xi32>
      %broadcast_in_dim3A_576 = vector.shape_cast %xor3A_575 : vector<16xi32> to vector<16x1xi32>
      %gather3A_577 = vector.shape_cast %broadcast_in_dim3A_576 : vector<16x1xi32> to vector<16xi32>
      %gather3A_578 = tpu.dynamic_gather %add3A_572[%gather3A_577] in [0] : vector<16xf32>, vector<16xi32> -> vector<16xf32>
      %add3A_579 = arith.addf %add3A_572, %gather3A_578 : vector<16xf32>
      %add3A_580 = arith.constant 2048 : i32
      %add3A_581 = arith.addi %add3A_580, %mul3A_539 : i32
      %get3A_582 = arith.index_cast %add3A_581 : i32 to index
      %get3A_583 = tpu.vector_load %arg5[%get3A_582] {strides = array<i32>} : memref<20480xf32, #tpu.memory_space<vmem>>, vector<16xf32>,
      %get3A_584 = vector.shape_cast %get3A_583 : vector<16xf32> to vector<16xf32>
      %eq3A_585 = vector.broadcast %and3A_541 : i32 to vector<16xi32>
      %eq3A_586 = arith.cmpi eq, %iota3A, %eq3A_585 : vector<16xi32>
      %jit3A_587 = arith.constant 0.000000e+00 : f32
      %broadcast_in_dim3A_588 = vector.broadcast %jit3A_587 : f32 to vector<16xf32>
      %select_n3A_589 = arith.select %eq3A_586, %get3A_584, %broadcast_in_dim3A_588 : vector<16xi1>, vector<16xf32>
      %xor3A_590 = arith.constant 8 : i32
      %xor3A_591 = vector.broadcast %xor3A_590 : i32 to vector<16xi32>
      %xor3A_592 = arith.xori %iota3A, %xor3A_591 : vector<16xi32>
      %broadcast_in_dim3A_593 = vector.shape_cast %xor3A_592 : vector<16xi32> to vector<16x1xi32>
      %gather3A_594 = vector.shape_cast %broadcast_in_dim3A_593 : vector<16x1xi32> to vector<16xi32>
      %gather3A_595 = tpu.dynamic_gather %select_n3A_589[%gather3A_594] in [0] : vector<16xf32>, vector<16xi32> -> vector<16xf32>
      %add3A_596 = arith.addf %select_n3A_589, %gather3A_595 : vector<16xf32>
      %xor3A_597 = arith.constant 4 : i32
      %xor3A_598 = vector.broadcast %xor3A_597 : i32 to vector<16xi32>
      %xor3A_599 = arith.xori %iota3A, %xor3A_598 : vector<16xi32>
      %broadcast_in_dim3A_600 = vector.shape_cast %xor3A_599 : vector<16xi32> to vector<16x1xi32>
      %gather3A_601 = vector.shape_cast %broadcast_in_dim3A_600 : vector<16x1xi32> to vector<16xi32>
      %gather3A_602 = tpu.dynamic_gather %add3A_596[%gather3A_601] in [0] : vector<16xf32>, vector<16xi32> -> vector<16xf32>
      %add3A_603 = arith.addf %add3A_596, %gather3A_602 : vector<16xf32>
      %xor3A_604 = arith.constant 2 : i32
      %xor3A_605 = vector.broadcast %xor3A_604 : i32 to vector<16xi32>
      %xor3A_606 = arith.xori %iota3A, %xor3A_605 : vector<16xi32>
      %broadcast_in_dim3A_607 = vector.shape_cast %xor3A_606 : vector<16xi32> to vector<16x1xi32>
      %gather3A_608 = vector.shape_cast %broadcast_in_dim3A_607 : vector<16x1xi32> to vector<16xi32>
      %gather3A_609 = tpu.dynamic_gather %add3A_603[%gather3A_608] in [0] : vector<16xf32>, vector<16xi32> -> vector<16xf32>
      %add3A_610 = arith.addf %add3A_603, %gather3A_609 : vector<16xf32>
      %xor3A_611 = arith.constant 1 : i32
      %xor3A_612 = vector.broadcast %xor3A_611 : i32 to vector<16xi32>
      %xor3A_613 = arith.xori %iota3A, %xor3A_612 : vector<16xi32>
      %broadcast_in_dim3A_614 = vector.shape_cast %xor3A_613 : vector<16xi32> to vector<16x1xi32>
      %gather3A_615 = vector.shape_cast %broadcast_in_dim3A_614 : vector<16x1xi32> to vector<16xi32>
      %gather3A_616 = tpu.dynamic_gather %add3A_610[%gather3A_615] in [0] : vector<16xf32>, vector<16xi32> -> vector<16xf32>
      %add3A_617 = arith.addf %add3A_610, %gather3A_616 : vector<16xf32>
      %add3A_618 = arith.constant 4096 : i32
      %add3A_619 = arith.addi %add3A_618, %mul3A_539 : i32
      %get3A_620 = arith.index_cast %add3A_619 : i32 to index
      %get3A_621 = tpu.vector_load %arg5[%get3A_620] {strides = array<i32>} : memref<20480xf32, #tpu.memory_space<vmem>>, vector<16xf32>,
      %get3A_622 = vector.shape_cast %get3A_621 : vector<16xf32> to vector<16xf32>
      %eq3A_623 = vector.broadcast %and3A_541 : i32 to vector<16xi32>
      %eq3A_624 = arith.cmpi eq, %iota3A, %eq3A_623 : vector<16xi32>
      %jit3A_625 = arith.constant 0.000000e+00 : f32
      %broadcast_in_dim3A_626 = vector.broadcast %jit3A_625 : f32 to vector<16xf32>
      %select_n3A_627 = arith.select %eq3A_624, %get3A_622, %broadcast_in_dim3A_626 : vector<16xi1>, vector<16xf32>
      %xor3A_628 = arith.constant 8 : i32
      %xor3A_629 = vector.broadcast %xor3A_628 : i32 to vector<16xi32>
      %xor3A_630 = arith.xori %iota3A, %xor3A_629 : vector<16xi32>
      %broadcast_in_dim3A_631 = vector.shape_cast %xor3A_630 : vector<16xi32> to vector<16x1xi32>
      %gather3A_632 = vector.shape_cast %broadcast_in_dim3A_631 : vector<16x1xi32> to vector<16xi32>
      %gather3A_633 = tpu.dynamic_gather %select_n3A_627[%gather3A_632] in [0] : vector<16xf32>, vector<16xi32> -> vector<16xf32>
      %add3A_634 = arith.addf %select_n3A_627, %gather3A_633 : vector<16xf32>
      %xor3A_635 = arith.constant 4 : i32
      %xor3A_636 = vector.broadcast %xor3A_635 : i32 to vector<16xi32>
      %xor3A_637 = arith.xori %iota3A, %xor3A_636 : vector<16xi32>
      %broadcast_in_dim3A_638 = vector.shape_cast %xor3A_637 : vector<16xi32> to vector<16x1xi32>
      %gather3A_639 = vector.shape_cast %broadcast_in_dim3A_638 : vector<16x1xi32> to vector<16xi32>
      %gather3A_640 = tpu.dynamic_gather %add3A_634[%gather3A_639] in [0] : vector<16xf32>, vector<16xi32> -> vector<16xf32>
      %add3A_641 = arith.addf %add3A_634, %gather3A_640 : vector<16xf32>
      %xor3A_642 = arith.constant 2 : i32
      %xor3A_643 = vector.broadcast %xor3A_642 : i32 to vector<16xi32>
      %xor3A_644 = arith.xori %iota3A, %xor3A_643 : vector<16xi32>
      %broadcast_in_dim3A_645 = vector.shape_cast %xor3A_644 : vector<16xi32> to vector<16x1xi32>
      %gather3A_646 = vector.shape_cast %broadcast_in_dim3A_645 : vector<16x1xi32> to vector<16xi32>
      %gather3A_647 = tpu.dynamic_gather %add3A_641[%gather3A_646] in [0] : vector<16xf32>, vector<16xi32> -> vector<16xf32>
      %add3A_648 = arith.addf %add3A_641, %gather3A_647 : vector<16xf32>
      %xor3A_649 = arith.constant 1 : i32
      %xor3A_650 = vector.broadcast %xor3A_649 : i32 to vector<16xi32>
      %xor3A_651 = arith.xori %iota3A, %xor3A_650 : vector<16xi32>
      %broadcast_in_dim3A_652 = vector.shape_cast %xor3A_651 : vector<16xi32> to vector<16x1xi32>
      %gather3A_653 = vector.shape_cast %broadcast_in_dim3A_652 : vector<16x1xi32> to vector<16xi32>
      %gather3A_654 = tpu.dynamic_gather %add3A_648[%gather3A_653] in [0] : vector<16xf32>, vector<16xi32> -> vector<16xf32>
      %add3A_655 = arith.addf %add3A_648, %gather3A_654 : vector<16xf32>
      %add3A_656 = arith.constant 6144 : i32
      %add3A_657 = arith.addi %add3A_656, %mul3A_539 : i32
      %get3A_658 = arith.index_cast %add3A_657 : i32 to index
      %get3A_659 = tpu.vector_load %arg5[%get3A_658] {strides = array<i32>} : memref<20480xf32, #tpu.memory_space<vmem>>, vector<16xf32>,
      %get3A_660 = vector.shape_cast %get3A_659 : vector<16xf32> to vector<16xf32>
      %eq3A_661 = vector.broadcast %and3A_541 : i32 to vector<16xi32>
      %eq3A_662 = arith.cmpi eq, %iota3A, %eq3A_661 : vector<16xi32>
      %jit3A_663 = arith.constant 0.000000e+00 : f32
      %broadcast_in_dim3A_664 = vector.broadcast %jit3A_663 : f32 to vector<16xf32>
      %select_n3A_665 = arith.select %eq3A_662, %get3A_660, %broadcast_in_dim3A_664 : vector<16xi1>, vector<16xf32>
      %xor3A_666 = arith.constant 8 : i32
      %xor3A_667 = vector.broadcast %xor3A_666 : i32 to vector<16xi32>
      %xor3A_668 = arith.xori %iota3A, %xor3A_667 : vector<16xi32>
      %broadcast_in_dim3A_669 = vector.shape_cast %xor3A_668 : vector<16xi32> to vector<16x1xi32>
      %gather3A_670 = vector.shape_cast %broadcast_in_dim3A_669 : vector<16x1xi32> to vector<16xi32>
      %gather3A_671 = tpu.dynamic_gather %select_n3A_665[%gather3A_670] in [0] : vector<16xf32>, vector<16xi32> -> vector<16xf32>
      %add3A_672 = arith.addf %select_n3A_665, %gather3A_671 : vector<16xf32>
      %xor3A_673 = arith.constant 4 : i32
      %xor3A_674 = vector.broadcast %xor3A_673 : i32 to vector<16xi32>
      %xor3A_675 = arith.xori %iota3A, %xor3A_674 : vector<16xi32>
      %broadcast_in_dim3A_676 = vector.shape_cast %xor3A_675 : vector<16xi32> to vector<16x1xi32>
      %gather3A_677 = vector.shape_cast %broadcast_in_dim3A_676 : vector<16x1xi32> to vector<16xi32>
      %gather3A_678 = tpu.dynamic_gather %add3A_672[%gather3A_677] in [0] : vector<16xf32>, vector<16xi32> -> vector<16xf32>
      %add3A_679 = arith.addf %add3A_672, %gather3A_678 : vector<16xf32>
      %xor3A_680 = arith.constant 2 : i32
      %xor3A_681 = vector.broadcast %xor3A_680 : i32 to vector<16xi32>
      %xor3A_682 = arith.xori %iota3A, %xor3A_681 : vector<16xi32>
      %broadcast_in_dim3A_683 = vector.shape_cast %xor3A_682 : vector<16xi32> to vector<16x1xi32>
      %gather3A_684 = vector.shape_cast %broadcast_in_dim3A_683 : vector<16x1xi32> to vector<16xi32>
      %gather3A_685 = tpu.dynamic_gather %add3A_679[%gather3A_684] in [0] : vector<16xf32>, vector<16xi32> -> vector<16xf32>
      %add3A_686 = arith.addf %add3A_679, %gather3A_685 : vector<16xf32>
      %xor3A_687 = arith.constant 1 : i32
      %xor3A_688 = vector.broadcast %xor3A_687 : i32 to vector<16xi32>
      %xor3A_689 = arith.xori %iota3A, %xor3A_688 : vector<16xi32>
      %broadcast_in_dim3A_690 = vector.shape_cast %xor3A_689 : vector<16xi32> to vector<16x1xi32>
      %gather3A_691 = vector.shape_cast %broadcast_in_dim3A_690 : vector<16x1xi32> to vector<16xi32>
      %gather3A_692 = tpu.dynamic_gather %add3A_686[%gather3A_691] in [0] : vector<16xf32>, vector<16xi32> -> vector<16xf32>
      %add3A_693 = arith.addf %add3A_686, %gather3A_692 : vector<16xf32>
      %add3A_694 = arith.constant 8192 : i32
      %add3A_695 = arith.addi %add3A_694, %mul3A_539 : i32
      %get3A_696 = arith.index_cast %add3A_695 : i32 to index
      %get3A_697 = tpu.vector_load %arg5[%get3A_696] {strides = array<i32>} : memref<20480xf32, #tpu.memory_space<vmem>>, vector<16xf32>,
      %get3A_698 = vector.shape_cast %get3A_697 : vector<16xf32> to vector<16xf32>
      %eq3A_699 = vector.broadcast %and3A_541 : i32 to vector<16xi32>
      %eq3A_700 = arith.cmpi eq, %iota3A, %eq3A_699 : vector<16xi32>
      %jit3A_701 = arith.constant 0.000000e+00 : f32
      %broadcast_in_dim3A_702 = vector.broadcast %jit3A_701 : f32 to vector<16xf32>
      %select_n3A_703 = arith.select %eq3A_700, %get3A_698, %broadcast_in_dim3A_702 : vector<16xi1>, vector<16xf32>
      %xor3A_704 = arith.constant 8 : i32
      %xor3A_705 = vector.broadcast %xor3A_704 : i32 to vector<16xi32>
      %xor3A_706 = arith.xori %iota3A, %xor3A_705 : vector<16xi32>
      %broadcast_in_dim3A_707 = vector.shape_cast %xor3A_706 : vector<16xi32> to vector<16x1xi32>
      %gather3A_708 = vector.shape_cast %broadcast_in_dim3A_707 : vector<16x1xi32> to vector<16xi32>
      %gather3A_709 = tpu.dynamic_gather %select_n3A_703[%gather3A_708] in [0] : vector<16xf32>, vector<16xi32> -> vector<16xf32>
      %add3A_710 = arith.addf %select_n3A_703, %gather3A_709 : vector<16xf32>
      %xor3A_711 = arith.constant 4 : i32
      %xor3A_712 = vector.broadcast %xor3A_711 : i32 to vector<16xi32>
      %xor3A_713 = arith.xori %iota3A, %xor3A_712 : vector<16xi32>
      %broadcast_in_dim3A_714 = vector.shape_cast %xor3A_713 : vector<16xi32> to vector<16x1xi32>
      %gather3A_715 = vector.shape_cast %broadcast_in_dim3A_714 : vector<16x1xi32> to vector<16xi32>
      %gather3A_716 = tpu.dynamic_gather %add3A_710[%gather3A_715] in [0] : vector<16xf32>, vector<16xi32> -> vector<16xf32>
      %add3A_717 = arith.addf %add3A_710, %gather3A_716 : vector<16xf32>
      %xor3A_718 = arith.constant 2 : i32
      %xor3A_719 = vector.broadcast %xor3A_718 : i32 to vector<16xi32>
      %xor3A_720 = arith.xori %iota3A, %xor3A_719 : vector<16xi32>
      %broadcast_in_dim3A_721 = vector.shape_cast %xor3A_720 : vector<16xi32> to vector<16x1xi32>
      %gather3A_722 = vector.shape_cast %broadcast_in_dim3A_721 : vector<16x1xi32> to vector<16xi32>
      %gather3A_723 = tpu.dynamic_gather %add3A_717[%gather3A_722] in [0] : vector<16xf32>, vector<16xi32> -> vector<16xf32>
      %add3A_724 = arith.addf %add3A_717, %gather3A_723 : vector<16xf32>
      %xor3A_725 = arith.constant 1 : i32
      %xor3A_726 = vector.broadcast %xor3A_725 : i32 to vector<16xi32>
      %xor3A_727 = arith.xori %iota3A, %xor3A_726 : vector<16xi32>
      %broadcast_in_dim3A_728 = vector.shape_cast %xor3A_727 : vector<16xi32> to vector<16x1xi32>
      %gather3A_729 = vector.shape_cast %broadcast_in_dim3A_728 : vector<16x1xi32> to vector<16xi32>
      %gather3A_730 = tpu.dynamic_gather %add3A_724[%gather3A_729] in [0] : vector<16xf32>, vector<16xi32> -> vector<16xf32>
      %add3A_731 = arith.addf %add3A_724, %gather3A_730 : vector<16xf32>
      %convert_element_type3A_732 = arith.extui %and3A : i1 to i32
      %cond3A_733 = arith.constant 0 : i32
      %cond3A_734 = arith.cmpi ne, %convert_element_type3A_732, %cond3A_733 : i32
      scf.if %cond3A_734 {
        %eq3A_1238 = arith.constant 10 : i32
        %eq3A_1239 = vector.broadcast %eq3A_1238 : i32 to vector<16xi32>
        %eq3A_1240 = arith.cmpi eq, %iota3A, %eq3A_1239 : vector<16xi32>
        %jit3A_1241 = arith.constant 0.000000e+00 : f32
        %broadcast_in_dim3A_1242 = vector.broadcast %select_n3A_533 : f32 to vector<16xf32>
        %broadcast_in_dim3A_1243 = vector.broadcast %jit3A_1241 : f32 to vector<16xf32>
        %select_n3A_1244 = arith.select %eq3A_1240, %broadcast_in_dim3A_1242, %broadcast_in_dim3A_1243 : vector<16xi1>, vector<16xf32>
        %add3A_1245 = arith.constant 0 : i32
        %add3A_1246 = arith.addi %add3A_1245, %mul3A_539 : i32
        %get3A_1247 = arith.index_cast %add3A_1246 : i32 to index
        %get3A_1248 = tpu.vector_load %arg5[%get3A_1247] {strides = array<i32>} : memref<20480xf32, #tpu.memory_space<vmem>>, vector<16xf32>,
        %get3A_1249 = vector.shape_cast %get3A_1248 : vector<16xf32> to vector<16xf32>
        %eq3A_1250 = vector.broadcast %and3A_541 : i32 to vector<16xi32>
        %eq3A_1251 = arith.cmpi eq, %iota3A, %eq3A_1250 : vector<16xi32>
        %jit3A_1252 = arith.constant 0.000000e+00 : f32
        %broadcast_in_dim3A_1253 = vector.broadcast %jit3A_1252 : f32 to vector<16xf32>
        %select_n3A_1254 = arith.select %eq3A_1251, %get3A_1249, %broadcast_in_dim3A_1253 : vector<16xi1>, vector<16xf32>
        %xor3A_1255 = arith.constant 8 : i32
        %xor3A_1256 = vector.broadcast %xor3A_1255 : i32 to vector<16xi32>
        %xor3A_1257 = arith.xori %iota3A, %xor3A_1256 : vector<16xi32>
        %broadcast_in_dim3A_1258 = vector.shape_cast %xor3A_1257 : vector<16xi32> to vector<16x1xi32>
        %gather3A_1259 = vector.shape_cast %broadcast_in_dim3A_1258 : vector<16x1xi32> to vector<16xi32>
        %gather3A_1260 = tpu.dynamic_gather %select_n3A_1254[%gather3A_1259] in [0] : vector<16xf32>, vector<16xi32> -> vector<16xf32>
        %add3A_1261 = arith.addf %select_n3A_1254, %gather3A_1260 : vector<16xf32>
        %xor3A_1262 = arith.constant 4 : i32
        %xor3A_1263 = vector.broadcast %xor3A_1262 : i32 to vector<16xi32>
        %xor3A_1264 = arith.xori %iota3A, %xor3A_1263 : vector<16xi32>
        %broadcast_in_dim3A_1265 = vector.shape_cast %xor3A_1264 : vector<16xi32> to vector<16x1xi32>
        %gather3A_1266 = vector.shape_cast %broadcast_in_dim3A_1265 : vector<16x1xi32> to vector<16xi32>
        %gather3A_1267 = tpu.dynamic_gather %add3A_1261[%gather3A_1266] in [0] : vector<16xf32>, vector<16xi32> -> vector<16xf32>
        %add3A_1268 = arith.addf %add3A_1261, %gather3A_1267 : vector<16xf32>
        %xor3A_1269 = arith.constant 2 : i32
        %xor3A_1270 = vector.broadcast %xor3A_1269 : i32 to vector<16xi32>
        %xor3A_1271 = arith.xori %iota3A, %xor3A_1270 : vector<16xi32>
        %broadcast_in_dim3A_1272 = vector.shape_cast %xor3A_1271 : vector<16xi32> to vector<16x1xi32>
        %gather3A_1273 = vector.shape_cast %broadcast_in_dim3A_1272 : vector<16x1xi32> to vector<16xi32>
        %gather3A_1274 = tpu.dynamic_gather %add3A_1268[%gather3A_1273] in [0] : vector<16xf32>, vector<16xi32> -> vector<16xf32>
        %add3A_1275 = arith.addf %add3A_1268, %gather3A_1274 : vector<16xf32>
        %xor3A_1276 = arith.constant 1 : i32
        %xor3A_1277 = vector.broadcast %xor3A_1276 : i32 to vector<16xi32>
        %xor3A_1278 = arith.xori %iota3A, %xor3A_1277 : vector<16xi32>
        %broadcast_in_dim3A_1279 = vector.shape_cast %xor3A_1278 : vector<16xi32> to vector<16x1xi32>
        %gather3A_1280 = vector.shape_cast %broadcast_in_dim3A_1279 : vector<16x1xi32> to vector<16xi32>
        %gather3A_1281 = tpu.dynamic_gather %add3A_1275[%gather3A_1280] in [0] : vector<16xf32>, vector<16xi32> -> vector<16xf32>
        %add3A_1282 = arith.addf %add3A_1275, %gather3A_1281 : vector<16xf32>
        %eq3A_1283 = arith.constant 0 : i32
        %eq3A_1284 = vector.broadcast %eq3A_1283 : i32 to vector<16xi32>
        %eq3A_1285 = arith.cmpi eq, %iota3A, %eq3A_1284 : vector<16xi32>
        %select_n3A_1286 = arith.select %eq3A_1285, %add3A_1282, %select_n3A_1244 : vector<16xi1>, vector<16xf32>
        %add3A_1287 = arith.constant 2048 : i32
        %add3A_1288 = arith.addi %add3A_1287, %mul3A_539 : i32
        %get3A_1289 = arith.index_cast %add3A_1288 : i32 to index
        %get3A_1290 = tpu.vector_load %arg5[%get3A_1289] {strides = array<i32>} : memref<20480xf32, #tpu.memory_space<vmem>>, vector<16xf32>,
        %get3A_1291 = vector.shape_cast %get3A_1290 : vector<16xf32> to vector<16xf32>
        %eq3A_1292 = vector.broadcast %and3A_541 : i32 to vector<16xi32>
        %eq3A_1293 = arith.cmpi eq, %iota3A, %eq3A_1292 : vector<16xi32>
        %jit3A_1294 = arith.constant 0.000000e+00 : f32
        %broadcast_in_dim3A_1295 = vector.broadcast %jit3A_1294 : f32 to vector<16xf32>
        %select_n3A_1296 = arith.select %eq3A_1293, %get3A_1291, %broadcast_in_dim3A_1295 : vector<16xi1>, vector<16xf32>
        %xor3A_1297 = arith.constant 8 : i32
        %xor3A_1298 = vector.broadcast %xor3A_1297 : i32 to vector<16xi32>
        %xor3A_1299 = arith.xori %iota3A, %xor3A_1298 : vector<16xi32>
        %broadcast_in_dim3A_1300 = vector.shape_cast %xor3A_1299 : vector<16xi32> to vector<16x1xi32>
        %gather3A_1301 = vector.shape_cast %broadcast_in_dim3A_1300 : vector<16x1xi32> to vector<16xi32>
        %gather3A_1302 = tpu.dynamic_gather %select_n3A_1296[%gather3A_1301] in [0] : vector<16xf32>, vector<16xi32> -> vector<16xf32>
        %add3A_1303 = arith.addf %select_n3A_1296, %gather3A_1302 : vector<16xf32>
        %xor3A_1304 = arith.constant 4 : i32
        %xor3A_1305 = vector.broadcast %xor3A_1304 : i32 to vector<16xi32>
        %xor3A_1306 = arith.xori %iota3A, %xor3A_1305 : vector<16xi32>
        %broadcast_in_dim3A_1307 = vector.shape_cast %xor3A_1306 : vector<16xi32> to vector<16x1xi32>
        %gather3A_1308 = vector.shape_cast %broadcast_in_dim3A_1307 : vector<16x1xi32> to vector<16xi32>
        %gather3A_1309 = tpu.dynamic_gather %add3A_1303[%gather3A_1308] in [0] : vector<16xf32>, vector<16xi32> -> vector<16xf32>
        %add3A_1310 = arith.addf %add3A_1303, %gather3A_1309 : vector<16xf32>
        %xor3A_1311 = arith.constant 2 : i32
        %xor3A_1312 = vector.broadcast %xor3A_1311 : i32 to vector<16xi32>
        %xor3A_1313 = arith.xori %iota3A, %xor3A_1312 : vector<16xi32>
        %broadcast_in_dim3A_1314 = vector.shape_cast %xor3A_1313 : vector<16xi32> to vector<16x1xi32>
        %gather3A_1315 = vector.shape_cast %broadcast_in_dim3A_1314 : vector<16x1xi32> to vector<16xi32>
        %gather3A_1316 = tpu.dynamic_gather %add3A_1310[%gather3A_1315] in [0] : vector<16xf32>, vector<16xi32> -> vector<16xf32>
        %add3A_1317 = arith.addf %add3A_1310, %gather3A_1316 : vector<16xf32>
        %xor3A_1318 = arith.constant 1 : i32
        %xor3A_1319 = vector.broadcast %xor3A_1318 : i32 to vector<16xi32>
        %xor3A_1320 = arith.xori %iota3A, %xor3A_1319 : vector<16xi32>
        %broadcast_in_dim3A_1321 = vector.shape_cast %xor3A_1320 : vector<16xi32> to vector<16x1xi32>
        %gather3A_1322 = vector.shape_cast %broadcast_in_dim3A_1321 : vector<16x1xi32> to vector<16xi32>
        %gather3A_1323 = tpu.dynamic_gather %add3A_1317[%gather3A_1322] in [0] : vector<16xf32>, vector<16xi32> -> vector<16xf32>
        %add3A_1324 = arith.addf %add3A_1317, %gather3A_1323 : vector<16xf32>
        %eq3A_1325 = arith.constant 1 : i32
        %eq3A_1326 = vector.broadcast %eq3A_1325 : i32 to vector<16xi32>
        %eq3A_1327 = arith.cmpi eq, %iota3A, %eq3A_1326 : vector<16xi32>
        %select_n3A_1328 = arith.select %eq3A_1327, %add3A_1324, %select_n3A_1286 : vector<16xi1>, vector<16xf32>
        %add3A_1329 = arith.constant 4096 : i32
        %add3A_1330 = arith.addi %add3A_1329, %mul3A_539 : i32
        %get3A_1331 = arith.index_cast %add3A_1330 : i32 to index
        %get3A_1332 = tpu.vector_load %arg5[%get3A_1331] {strides = array<i32>} : memref<20480xf32, #tpu.memory_space<vmem>>, vector<16xf32>,
        %get3A_1333 = vector.shape_cast %get3A_1332 : vector<16xf32> to vector<16xf32>
        %eq3A_1334 = vector.broadcast %and3A_541 : i32 to vector<16xi32>
        %eq3A_1335 = arith.cmpi eq, %iota3A, %eq3A_1334 : vector<16xi32>
        %jit3A_1336 = arith.constant 0.000000e+00 : f32
        %broadcast_in_dim3A_1337 = vector.broadcast %jit3A_1336 : f32 to vector<16xf32>
        %select_n3A_1338 = arith.select %eq3A_1335, %get3A_1333, %broadcast_in_dim3A_1337 : vector<16xi1>, vector<16xf32>
        %xor3A_1339 = arith.constant 8 : i32
        %xor3A_1340 = vector.broadcast %xor3A_1339 : i32 to vector<16xi32>
        %xor3A_1341 = arith.xori %iota3A, %xor3A_1340 : vector<16xi32>
        %broadcast_in_dim3A_1342 = vector.shape_cast %xor3A_1341 : vector<16xi32> to vector<16x1xi32>
        %gather3A_1343 = vector.shape_cast %broadcast_in_dim3A_1342 : vector<16x1xi32> to vector<16xi32>
        %gather3A_1344 = tpu.dynamic_gather %select_n3A_1338[%gather3A_1343] in [0] : vector<16xf32>, vector<16xi32> -> vector<16xf32>
        %add3A_1345 = arith.addf %select_n3A_1338, %gather3A_1344 : vector<16xf32>
        %xor3A_1346 = arith.constant 4 : i32
        %xor3A_1347 = vector.broadcast %xor3A_1346 : i32 to vector<16xi32>
        %xor3A_1348 = arith.xori %iota3A, %xor3A_1347 : vector<16xi32>
        %broadcast_in_dim3A_1349 = vector.shape_cast %xor3A_1348 : vector<16xi32> to vector<16x1xi32>
        %gather3A_1350 = vector.shape_cast %broadcast_in_dim3A_1349 : vector<16x1xi32> to vector<16xi32>
        %gather3A_1351 = tpu.dynamic_gather %add3A_1345[%gather3A_1350] in [0] : vector<16xf32>, vector<16xi32> -> vector<16xf32>
        %add3A_1352 = arith.addf %add3A_1345, %gather3A_1351 : vector<16xf32>
        %xor3A_1353 = arith.constant 2 : i32
        %xor3A_1354 = vector.broadcast %xor3A_1353 : i32 to vector<16xi32>
        %xor3A_1355 = arith.xori %iota3A, %xor3A_1354 : vector<16xi32>
        %broadcast_in_dim3A_1356 = vector.shape_cast %xor3A_1355 : vector<16xi32> to vector<16x1xi32>
        %gather3A_1357 = vector.shape_cast %broadcast_in_dim3A_1356 : vector<16x1xi32> to vector<16xi32>
        %gather3A_1358 = tpu.dynamic_gather %add3A_1352[%gather3A_1357] in [0] : vector<16xf32>, vector<16xi32> -> vector<16xf32>
        %add3A_1359 = arith.addf %add3A_1352, %gather3A_1358 : vector<16xf32>
        %xor3A_1360 = arith.constant 1 : i32
        %xor3A_1361 = vector.broadcast %xor3A_1360 : i32 to vector<16xi32>
        %xor3A_1362 = arith.xori %iota3A, %xor3A_1361 : vector<16xi32>
        %broadcast_in_dim3A_1363 = vector.shape_cast %xor3A_1362 : vector<16xi32> to vector<16x1xi32>
        %gather3A_1364 = vector.shape_cast %broadcast_in_dim3A_1363 : vector<16x1xi32> to vector<16xi32>
        %gather3A_1365 = tpu.dynamic_gather %add3A_1359[%gather3A_1364] in [0] : vector<16xf32>, vector<16xi32> -> vector<16xf32>
        %add3A_1366 = arith.addf %add3A_1359, %gather3A_1365 : vector<16xf32>
        %eq3A_1367 = arith.constant 2 : i32
        %eq3A_1368 = vector.broadcast %eq3A_1367 : i32 to vector<16xi32>
        %eq3A_1369 = arith.cmpi eq, %iota3A, %eq3A_1368 : vector<16xi32>
        %select_n3A_1370 = arith.select %eq3A_1369, %add3A_1366, %select_n3A_1328 : vector<16xi1>, vector<16xf32>
        %add3A_1371 = arith.constant 6144 : i32
        %add3A_1372 = arith.addi %add3A_1371, %mul3A_539 : i32
        %get3A_1373 = arith.index_cast %add3A_1372 : i32 to index
        %get3A_1374 = tpu.vector_load %arg5[%get3A_1373] {strides = array<i32>} : memref<20480xf32, #tpu.memory_space<vmem>>, vector<16xf32>,
        %get3A_1375 = vector.shape_cast %get3A_1374 : vector<16xf32> to vector<16xf32>
        %eq3A_1376 = vector.broadcast %and3A_541 : i32 to vector<16xi32>
        %eq3A_1377 = arith.cmpi eq, %iota3A, %eq3A_1376 : vector<16xi32>
        %jit3A_1378 = arith.constant 0.000000e+00 : f32
        %broadcast_in_dim3A_1379 = vector.broadcast %jit3A_1378 : f32 to vector<16xf32>
        %select_n3A_1380 = arith.select %eq3A_1377, %get3A_1375, %broadcast_in_dim3A_1379 : vector<16xi1>, vector<16xf32>
        %xor3A_1381 = arith.constant 8 : i32
        %xor3A_1382 = vector.broadcast %xor3A_1381 : i32 to vector<16xi32>
        %xor3A_1383 = arith.xori %iota3A, %xor3A_1382 : vector<16xi32>
        %broadcast_in_dim3A_1384 = vector.shape_cast %xor3A_1383 : vector<16xi32> to vector<16x1xi32>
        %gather3A_1385 = vector.shape_cast %broadcast_in_dim3A_1384 : vector<16x1xi32> to vector<16xi32>
        %gather3A_1386 = tpu.dynamic_gather %select_n3A_1380[%gather3A_1385] in [0] : vector<16xf32>, vector<16xi32> -> vector<16xf32>
        %add3A_1387 = arith.addf %select_n3A_1380, %gather3A_1386 : vector<16xf32>
        %xor3A_1388 = arith.constant 4 : i32
        %xor3A_1389 = vector.broadcast %xor3A_1388 : i32 to vector<16xi32>
        %xor3A_1390 = arith.xori %iota3A, %xor3A_1389 : vector<16xi32>
        %broadcast_in_dim3A_1391 = vector.shape_cast %xor3A_1390 : vector<16xi32> to vector<16x1xi32>
        %gather3A_1392 = vector.shape_cast %broadcast_in_dim3A_1391 : vector<16x1xi32> to vector<16xi32>
        %gather3A_1393 = tpu.dynamic_gather %add3A_1387[%gather3A_1392] in [0] : vector<16xf32>, vector<16xi32> -> vector<16xf32>
        %add3A_1394 = arith.addf %add3A_1387, %gather3A_1393 : vector<16xf32>
        %xor3A_1395 = arith.constant 2 : i32
        %xor3A_1396 = vector.broadcast %xor3A_1395 : i32 to vector<16xi32>
        %xor3A_1397 = arith.xori %iota3A, %xor3A_1396 : vector<16xi32>
        %broadcast_in_dim3A_1398 = vector.shape_cast %xor3A_1397 : vector<16xi32> to vector<16x1xi32>
        %gather3A_1399 = vector.shape_cast %broadcast_in_dim3A_1398 : vector<16x1xi32> to vector<16xi32>
        %gather3A_1400 = tpu.dynamic_gather %add3A_1394[%gather3A_1399] in [0] : vector<16xf32>, vector<16xi32> -> vector<16xf32>
        %add3A_1401 = arith.addf %add3A_1394, %gather3A_1400 : vector<16xf32>
        %xor3A_1402 = arith.constant 1 : i32
        %xor3A_1403 = vector.broadcast %xor3A_1402 : i32 to vector<16xi32>
        %xor3A_1404 = arith.xori %iota3A, %xor3A_1403 : vector<16xi32>
        %broadcast_in_dim3A_1405 = vector.shape_cast %xor3A_1404 : vector<16xi32> to vector<16x1xi32>
        %gather3A_1406 = vector.shape_cast %broadcast_in_dim3A_1405 : vector<16x1xi32> to vector<16xi32>
        %gather3A_1407 = tpu.dynamic_gather %add3A_1401[%gather3A_1406] in [0] : vector<16xf32>, vector<16xi32> -> vector<16xf32>
        %add3A_1408 = arith.addf %add3A_1401, %gather3A_1407 : vector<16xf32>
        %eq3A_1409 = arith.constant 3 : i32
        %eq3A_1410 = vector.broadcast %eq3A_1409 : i32 to vector<16xi32>
        %eq3A_1411 = arith.cmpi eq, %iota3A, %eq3A_1410 : vector<16xi32>
        %select_n3A_1412 = arith.select %eq3A_1411, %add3A_1408, %select_n3A_1370 : vector<16xi1>, vector<16xf32>
        %add3A_1413 = arith.constant 8192 : i32
        %add3A_1414 = arith.addi %add3A_1413, %mul3A_539 : i32
        %get3A_1415 = arith.index_cast %add3A_1414 : i32 to index
        %get3A_1416 = tpu.vector_load %arg5[%get3A_1415] {strides = array<i32>} : memref<20480xf32, #tpu.memory_space<vmem>>, vector<16xf32>,
        %get3A_1417 = vector.shape_cast %get3A_1416 : vector<16xf32> to vector<16xf32>
        %eq3A_1418 = vector.broadcast %and3A_541 : i32 to vector<16xi32>
        %eq3A_1419 = arith.cmpi eq, %iota3A, %eq3A_1418 : vector<16xi32>
        %jit3A_1420 = arith.constant 0.000000e+00 : f32
        %broadcast_in_dim3A_1421 = vector.broadcast %jit3A_1420 : f32 to vector<16xf32>
        %select_n3A_1422 = arith.select %eq3A_1419, %get3A_1417, %broadcast_in_dim3A_1421 : vector<16xi1>, vector<16xf32>
        %xor3A_1423 = arith.constant 8 : i32
        %xor3A_1424 = vector.broadcast %xor3A_1423 : i32 to vector<16xi32>
        %xor3A_1425 = arith.xori %iota3A, %xor3A_1424 : vector<16xi32>
        %broadcast_in_dim3A_1426 = vector.shape_cast %xor3A_1425 : vector<16xi32> to vector<16x1xi32>
        %gather3A_1427 = vector.shape_cast %broadcast_in_dim3A_1426 : vector<16x1xi32> to vector<16xi32>
        %gather3A_1428 = tpu.dynamic_gather %select_n3A_1422[%gather3A_1427] in [0] : vector<16xf32>, vector<16xi32> -> vector<16xf32>
        %add3A_1429 = arith.addf %select_n3A_1422, %gather3A_1428 : vector<16xf32>
        %xor3A_1430 = arith.constant 4 : i32
        %xor3A_1431 = vector.broadcast %xor3A_1430 : i32 to vector<16xi32>
        %xor3A_1432 = arith.xori %iota3A, %xor3A_1431 : vector<16xi32>
        %broadcast_in_dim3A_1433 = vector.shape_cast %xor3A_1432 : vector<16xi32> to vector<16x1xi32>
        %gather3A_1434 = vector.shape_cast %broadcast_in_dim3A_1433 : vector<16x1xi32> to vector<16xi32>
        %gather3A_1435 = tpu.dynamic_gather %add3A_1429[%gather3A_1434] in [0] : vector<16xf32>, vector<16xi32> -> vector<16xf32>
        %add3A_1436 = arith.addf %add3A_1429, %gather3A_1435 : vector<16xf32>
        %xor3A_1437 = arith.constant 2 : i32
        %xor3A_1438 = vector.broadcast %xor3A_1437 : i32 to vector<16xi32>
        %xor3A_1439 = arith.xori %iota3A, %xor3A_1438 : vector<16xi32>
        %broadcast_in_dim3A_1440 = vector.shape_cast %xor3A_1439 : vector<16xi32> to vector<16x1xi32>
        %gather3A_1441 = vector.shape_cast %broadcast_in_dim3A_1440 : vector<16x1xi32> to vector<16xi32>
        %gather3A_1442 = tpu.dynamic_gather %add3A_1436[%gather3A_1441] in [0] : vector<16xf32>, vector<16xi32> -> vector<16xf32>
        %add3A_1443 = arith.addf %add3A_1436, %gather3A_1442 : vector<16xf32>
        %xor3A_1444 = arith.constant 1 : i32
        %xor3A_1445 = vector.broadcast %xor3A_1444 : i32 to vector<16xi32>
        %xor3A_1446 = arith.xori %iota3A, %xor3A_1445 : vector<16xi32>
        %broadcast_in_dim3A_1447 = vector.shape_cast %xor3A_1446 : vector<16xi32> to vector<16x1xi32>
        %gather3A_1448 = vector.shape_cast %broadcast_in_dim3A_1447 : vector<16x1xi32> to vector<16xi32>
        %gather3A_1449 = tpu.dynamic_gather %add3A_1443[%gather3A_1448] in [0] : vector<16xf32>, vector<16xi32> -> vector<16xf32>
        %add3A_1450 = arith.addf %add3A_1443, %gather3A_1449 : vector<16xf32>
        %eq3A_1451 = arith.constant 4 : i32
        %eq3A_1452 = vector.broadcast %eq3A_1451 : i32 to vector<16xi32>
        %eq3A_1453 = arith.cmpi eq, %iota3A, %eq3A_1452 : vector<16xi32>
        %select_n3A_1454 = arith.select %eq3A_1453, %add3A_1450, %select_n3A_1412 : vector<16xi1>, vector<16xf32>
        %add3A_1455 = arith.constant 10240 : i32
        %add3A_1456 = arith.addi %add3A_1455, %mul3A_539 : i32
        %get3A_1457 = arith.index_cast %add3A_1456 : i32 to index
        %get3A_1458 = tpu.vector_load %arg5[%get3A_1457] {strides = array<i32>} : memref<20480xf32, #tpu.memory_space<vmem>>, vector<16xf32>,
        %get3A_1459 = vector.shape_cast %get3A_1458 : vector<16xf32> to vector<16xf32>
        %eq3A_1460 = vector.broadcast %and3A_541 : i32 to vector<16xi32>
        %eq3A_1461 = arith.cmpi eq, %iota3A, %eq3A_1460 : vector<16xi32>
        %jit3A_1462 = arith.constant 0.000000e+00 : f32
        %broadcast_in_dim3A_1463 = vector.broadcast %jit3A_1462 : f32 to vector<16xf32>
        %select_n3A_1464 = arith.select %eq3A_1461, %get3A_1459, %broadcast_in_dim3A_1463 : vector<16xi1>, vector<16xf32>
        %xor3A_1465 = arith.constant 8 : i32
        %xor3A_1466 = vector.broadcast %xor3A_1465 : i32 to vector<16xi32>
        %xor3A_1467 = arith.xori %iota3A, %xor3A_1466 : vector<16xi32>
        %broadcast_in_dim3A_1468 = vector.shape_cast %xor3A_1467 : vector<16xi32> to vector<16x1xi32>
        %gather3A_1469 = vector.shape_cast %broadcast_in_dim3A_1468 : vector<16x1xi32> to vector<16xi32>
        %gather3A_1470 = tpu.dynamic_gather %select_n3A_1464[%gather3A_1469] in [0] : vector<16xf32>, vector<16xi32> -> vector<16xf32>
        %add3A_1471 = arith.addf %select_n3A_1464, %gather3A_1470 : vector<16xf32>
        %xor3A_1472 = arith.constant 4 : i32
        %xor3A_1473 = vector.broadcast %xor3A_1472 : i32 to vector<16xi32>
        %xor3A_1474 = arith.xori %iota3A, %xor3A_1473 : vector<16xi32>
        %broadcast_in_dim3A_1475 = vector.shape_cast %xor3A_1474 : vector<16xi32> to vector<16x1xi32>
        %gather3A_1476 = vector.shape_cast %broadcast_in_dim3A_1475 : vector<16x1xi32> to vector<16xi32>
        %gather3A_1477 = tpu.dynamic_gather %add3A_1471[%gather3A_1476] in [0] : vector<16xf32>, vector<16xi32> -> vector<16xf32>
        %add3A_1478 = arith.addf %add3A_1471, %gather3A_1477 : vector<16xf32>
        %xor3A_1479 = arith.constant 2 : i32
        %xor3A_1480 = vector.broadcast %xor3A_1479 : i32 to vector<16xi32>
        %xor3A_1481 = arith.xori %iota3A, %xor3A_1480 : vector<16xi32>
        %broadcast_in_dim3A_1482 = vector.shape_cast %xor3A_1481 : vector<16xi32> to vector<16x1xi32>
        %gather3A_1483 = vector.shape_cast %broadcast_in_dim3A_1482 : vector<16x1xi32> to vector<16xi32>
        %gather3A_1484 = tpu.dynamic_gather %add3A_1478[%gather3A_1483] in [0] : vector<16xf32>, vector<16xi32> -> vector<16xf32>
        %add3A_1485 = arith.addf %add3A_1478, %gather3A_1484 : vector<16xf32>
        %xor3A_1486 = arith.constant 1 : i32
        %xor3A_1487 = vector.broadcast %xor3A_1486 : i32 to vector<16xi32>
        %xor3A_1488 = arith.xori %iota3A, %xor3A_1487 : vector<16xi32>
        %broadcast_in_dim3A_1489 = vector.shape_cast %xor3A_1488 : vector<16xi32> to vector<16x1xi32>
        %gather3A_1490 = vector.shape_cast %broadcast_in_dim3A_1489 : vector<16x1xi32> to vector<16xi32>
        %gather3A_1491 = tpu.dynamic_gather %add3A_1485[%gather3A_1490] in [0] : vector<16xf32>, vector<16xi32> -> vector<16xf32>
        %add3A_1492 = arith.addf %add3A_1485, %gather3A_1491 : vector<16xf32>
        %eq3A_1493 = arith.constant 5 : i32
        %eq3A_1494 = vector.broadcast %eq3A_1493 : i32 to vector<16xi32>
        %eq3A_1495 = arith.cmpi eq, %iota3A, %eq3A_1494 : vector<16xi32>
        %select_n3A_1496 = arith.select %eq3A_1495, %add3A_1492, %select_n3A_1454 : vector<16xi1>, vector<16xf32>
        %add3A_1497 = arith.constant 12288 : i32
        %add3A_1498 = arith.addi %add3A_1497, %mul3A_539 : i32
        %get3A_1499 = arith.index_cast %add3A_1498 : i32 to index
        %get3A_1500 = tpu.vector_load %arg5[%get3A_1499] {strides = array<i32>} : memref<20480xf32, #tpu.memory_space<vmem>>, vector<16xf32>,
        %get3A_1501 = vector.shape_cast %get3A_1500 : vector<16xf32> to vector<16xf32>
        %eq3A_1502 = vector.broadcast %and3A_541 : i32 to vector<16xi32>
        %eq3A_1503 = arith.cmpi eq, %iota3A, %eq3A_1502 : vector<16xi32>
        %jit3A_1504 = arith.constant 0.000000e+00 : f32
        %broadcast_in_dim3A_1505 = vector.broadcast %jit3A_1504 : f32 to vector<16xf32>
        %select_n3A_1506 = arith.select %eq3A_1503, %get3A_1501, %broadcast_in_dim3A_1505 : vector<16xi1>, vector<16xf32>
        %xor3A_1507 = arith.constant 8 : i32
        %xor3A_1508 = vector.broadcast %xor3A_1507 : i32 to vector<16xi32>
        %xor3A_1509 = arith.xori %iota3A, %xor3A_1508 : vector<16xi32>
        %broadcast_in_dim3A_1510 = vector.shape_cast %xor3A_1509 : vector<16xi32> to vector<16x1xi32>
        %gather3A_1511 = vector.shape_cast %broadcast_in_dim3A_1510 : vector<16x1xi32> to vector<16xi32>
        %gather3A_1512 = tpu.dynamic_gather %select_n3A_1506[%gather3A_1511] in [0] : vector<16xf32>, vector<16xi32> -> vector<16xf32>
        %add3A_1513 = arith.addf %select_n3A_1506, %gather3A_1512 : vector<16xf32>
        %xor3A_1514 = arith.constant 4 : i32
        %xor3A_1515 = vector.broadcast %xor3A_1514 : i32 to vector<16xi32>
        %xor3A_1516 = arith.xori %iota3A, %xor3A_1515 : vector<16xi32>
        %broadcast_in_dim3A_1517 = vector.shape_cast %xor3A_1516 : vector<16xi32> to vector<16x1xi32>
        %gather3A_1518 = vector.shape_cast %broadcast_in_dim3A_1517 : vector<16x1xi32> to vector<16xi32>
        %gather3A_1519 = tpu.dynamic_gather %add3A_1513[%gather3A_1518] in [0] : vector<16xf32>, vector<16xi32> -> vector<16xf32>
        %add3A_1520 = arith.addf %add3A_1513, %gather3A_1519 : vector<16xf32>
        %xor3A_1521 = arith.constant 2 : i32
        %xor3A_1522 = vector.broadcast %xor3A_1521 : i32 to vector<16xi32>
        %xor3A_1523 = arith.xori %iota3A, %xor3A_1522 : vector<16xi32>
        %broadcast_in_dim3A_1524 = vector.shape_cast %xor3A_1523 : vector<16xi32> to vector<16x1xi32>
        %gather3A_1525 = vector.shape_cast %broadcast_in_dim3A_1524 : vector<16x1xi32> to vector<16xi32>
        %gather3A_1526 = tpu.dynamic_gather %add3A_1520[%gather3A_1525] in [0] : vector<16xf32>, vector<16xi32> -> vector<16xf32>
        %add3A_1527 = arith.addf %add3A_1520, %gather3A_1526 : vector<16xf32>
        %xor3A_1528 = arith.constant 1 : i32
        %xor3A_1529 = vector.broadcast %xor3A_1528 : i32 to vector<16xi32>
        %xor3A_1530 = arith.xori %iota3A, %xor3A_1529 : vector<16xi32>
        %broadcast_in_dim3A_1531 = vector.shape_cast %xor3A_1530 : vector<16xi32> to vector<16x1xi32>
        %gather3A_1532 = vector.shape_cast %broadcast_in_dim3A_1531 : vector<16x1xi32> to vector<16xi32>
        %gather3A_1533 = tpu.dynamic_gather %add3A_1527[%gather3A_1532] in [0] : vector<16xf32>, vector<16xi32> -> vector<16xf32>
        %add3A_1534 = arith.addf %add3A_1527, %gather3A_1533 : vector<16xf32>
        %eq3A_1535 = arith.constant 6 : i32
        %eq3A_1536 = vector.broadcast %eq3A_1535 : i32 to vector<16xi32>
        %eq3A_1537 = arith.cmpi eq, %iota3A, %eq3A_1536 : vector<16xi32>
        %select_n3A_1538 = arith.select %eq3A_1537, %add3A_1534, %select_n3A_1496 : vector<16xi1>, vector<16xf32>
        %add3A_1539 = arith.constant 14336 : i32
        %add3A_1540 = arith.addi %add3A_1539, %mul3A_539 : i32
        %get3A_1541 = arith.index_cast %add3A_1540 : i32 to index
        %get3A_1542 = tpu.vector_load %arg5[%get3A_1541] {strides = array<i32>} : memref<20480xf32, #tpu.memory_space<vmem>>, vector<16xf32>,
        %get3A_1543 = vector.shape_cast %get3A_1542 : vector<16xf32> to vector<16xf32>
        %eq3A_1544 = vector.broadcast %and3A_541 : i32 to vector<16xi32>
        %eq3A_1545 = arith.cmpi eq, %iota3A, %eq3A_1544 : vector<16xi32>
        %jit3A_1546 = arith.constant 0.000000e+00 : f32
        %broadcast_in_dim3A_1547 = vector.broadcast %jit3A_1546 : f32 to vector<16xf32>
        %select_n3A_1548 = arith.select %eq3A_1545, %get3A_1543, %broadcast_in_dim3A_1547 : vector<16xi1>, vector<16xf32>
        %xor3A_1549 = arith.constant 8 : i32
        %xor3A_1550 = vector.broadcast %xor3A_1549 : i32 to vector<16xi32>
        %xor3A_1551 = arith.xori %iota3A, %xor3A_1550 : vector<16xi32>
        %broadcast_in_dim3A_1552 = vector.shape_cast %xor3A_1551 : vector<16xi32> to vector<16x1xi32>
        %gather3A_1553 = vector.shape_cast %broadcast_in_dim3A_1552 : vector<16x1xi32> to vector<16xi32>
        %gather3A_1554 = tpu.dynamic_gather %select_n3A_1548[%gather3A_1553] in [0] : vector<16xf32>, vector<16xi32> -> vector<16xf32>
        %add3A_1555 = arith.addf %select_n3A_1548, %gather3A_1554 : vector<16xf32>
        %xor3A_1556 = arith.constant 4 : i32
        %xor3A_1557 = vector.broadcast %xor3A_1556 : i32 to vector<16xi32>
        %xor3A_1558 = arith.xori %iota3A, %xor3A_1557 : vector<16xi32>
        %broadcast_in_dim3A_1559 = vector.shape_cast %xor3A_1558 : vector<16xi32> to vector<16x1xi32>
        %gather3A_1560 = vector.shape_cast %broadcast_in_dim3A_1559 : vector<16x1xi32> to vector<16xi32>
        %gather3A_1561 = tpu.dynamic_gather %add3A_1555[%gather3A_1560] in [0] : vector<16xf32>, vector<16xi32> -> vector<16xf32>
        %add3A_1562 = arith.addf %add3A_1555, %gather3A_1561 : vector<16xf32>
        %xor3A_1563 = arith.constant 2 : i32
        %xor3A_1564 = vector.broadcast %xor3A_1563 : i32 to vector<16xi32>
        %xor3A_1565 = arith.xori %iota3A, %xor3A_1564 : vector<16xi32>
        %broadcast_in_dim3A_1566 = vector.shape_cast %xor3A_1565 : vector<16xi32> to vector<16x1xi32>
        %gather3A_1567 = vector.shape_cast %broadcast_in_dim3A_1566 : vector<16x1xi32> to vector<16xi32>
        %gather3A_1568 = tpu.dynamic_gather %add3A_1562[%gather3A_1567] in [0] : vector<16xf32>, vector<16xi32> -> vector<16xf32>
        %add3A_1569 = arith.addf %add3A_1562, %gather3A_1568 : vector<16xf32>
        %xor3A_1570 = arith.constant 1 : i32
        %xor3A_1571 = vector.broadcast %xor3A_1570 : i32 to vector<16xi32>
        %xor3A_1572 = arith.xori %iota3A, %xor3A_1571 : vector<16xi32>
        %broadcast_in_dim3A_1573 = vector.shape_cast %xor3A_1572 : vector<16xi32> to vector<16x1xi32>
        %gather3A_1574 = vector.shape_cast %broadcast_in_dim3A_1573 : vector<16x1xi32> to vector<16xi32>
        %gather3A_1575 = tpu.dynamic_gather %add3A_1569[%gather3A_1574] in [0] : vector<16xf32>, vector<16xi32> -> vector<16xf32>
        %add3A_1576 = arith.addf %add3A_1569, %gather3A_1575 : vector<16xf32>
        %eq3A_1577 = arith.constant 7 : i32
        %eq3A_1578 = vector.broadcast %eq3A_1577 : i32 to vector<16xi32>
        %eq3A_1579 = arith.cmpi eq, %iota3A, %eq3A_1578 : vector<16xi32>
        %select_n3A_1580 = arith.select %eq3A_1579, %add3A_1576, %select_n3A_1538 : vector<16xi1>, vector<16xf32>
        %add3A_1581 = arith.constant 16384 : i32
        %add3A_1582 = arith.addi %add3A_1581, %mul3A_539 : i32
        %get3A_1583 = arith.index_cast %add3A_1582 : i32 to index
        %get3A_1584 = tpu.vector_load %arg5[%get3A_1583] {strides = array<i32>} : memref<20480xf32, #tpu.memory_space<vmem>>, vector<16xf32>,
        %get3A_1585 = vector.shape_cast %get3A_1584 : vector<16xf32> to vector<16xf32>
        %eq3A_1586 = vector.broadcast %and3A_541 : i32 to vector<16xi32>
        %eq3A_1587 = arith.cmpi eq, %iota3A, %eq3A_1586 : vector<16xi32>
        %jit3A_1588 = arith.constant 0.000000e+00 : f32
        %broadcast_in_dim3A_1589 = vector.broadcast %jit3A_1588 : f32 to vector<16xf32>
        %select_n3A_1590 = arith.select %eq3A_1587, %get3A_1585, %broadcast_in_dim3A_1589 : vector<16xi1>, vector<16xf32>
        %xor3A_1591 = arith.constant 8 : i32
        %xor3A_1592 = vector.broadcast %xor3A_1591 : i32 to vector<16xi32>
        %xor3A_1593 = arith.xori %iota3A, %xor3A_1592 : vector<16xi32>
        %broadcast_in_dim3A_1594 = vector.shape_cast %xor3A_1593 : vector<16xi32> to vector<16x1xi32>
        %gather3A_1595 = vector.shape_cast %broadcast_in_dim3A_1594 : vector<16x1xi32> to vector<16xi32>
        %gather3A_1596 = tpu.dynamic_gather %select_n3A_1590[%gather3A_1595] in [0] : vector<16xf32>, vector<16xi32> -> vector<16xf32>
        %add3A_1597 = arith.addf %select_n3A_1590, %gather3A_1596 : vector<16xf32>
        %xor3A_1598 = arith.constant 4 : i32
        %xor3A_1599 = vector.broadcast %xor3A_1598 : i32 to vector<16xi32>
        %xor3A_1600 = arith.xori %iota3A, %xor3A_1599 : vector<16xi32>
        %broadcast_in_dim3A_1601 = vector.shape_cast %xor3A_1600 : vector<16xi32> to vector<16x1xi32>
        %gather3A_1602 = vector.shape_cast %broadcast_in_dim3A_1601 : vector<16x1xi32> to vector<16xi32>
        %gather3A_1603 = tpu.dynamic_gather %add3A_1597[%gather3A_1602] in [0] : vector<16xf32>, vector<16xi32> -> vector<16xf32>
        %add3A_1604 = arith.addf %add3A_1597, %gather3A_1603 : vector<16xf32>
        %xor3A_1605 = arith.constant 2 : i32
        %xor3A_1606 = vector.broadcast %xor3A_1605 : i32 to vector<16xi32>
        %xor3A_1607 = arith.xori %iota3A, %xor3A_1606 : vector<16xi32>
        %broadcast_in_dim3A_1608 = vector.shape_cast %xor3A_1607 : vector<16xi32> to vector<16x1xi32>
        %gather3A_1609 = vector.shape_cast %broadcast_in_dim3A_1608 : vector<16x1xi32> to vector<16xi32>
        %gather3A_1610 = tpu.dynamic_gather %add3A_1604[%gather3A_1609] in [0] : vector<16xf32>, vector<16xi32> -> vector<16xf32>
        %add3A_1611 = arith.addf %add3A_1604, %gather3A_1610 : vector<16xf32>
        %xor3A_1612 = arith.constant 1 : i32
        %xor3A_1613 = vector.broadcast %xor3A_1612 : i32 to vector<16xi32>
        %xor3A_1614 = arith.xori %iota3A, %xor3A_1613 : vector<16xi32>
        %broadcast_in_dim3A_1615 = vector.shape_cast %xor3A_1614 : vector<16xi32> to vector<16x1xi32>
        %gather3A_1616 = vector.shape_cast %broadcast_in_dim3A_1615 : vector<16x1xi32> to vector<16xi32>
        %gather3A_1617 = tpu.dynamic_gather %add3A_1611[%gather3A_1616] in [0] : vector<16xf32>, vector<16xi32> -> vector<16xf32>
        %add3A_1618 = arith.addf %add3A_1611, %gather3A_1617 : vector<16xf32>
        %eq3A_1619 = arith.constant 8 : i32
        %eq3A_1620 = vector.broadcast %eq3A_1619 : i32 to vector<16xi32>
        %eq3A_1621 = arith.cmpi eq, %iota3A, %eq3A_1620 : vector<16xi32>
        %select_n3A_1622 = arith.select %eq3A_1621, %add3A_1618, %select_n3A_1580 : vector<16xi1>, vector<16xf32>
        %add3A_1623 = arith.constant 18432 : i32
        %add3A_1624 = arith.addi %add3A_1623, %mul3A_539 : i32
        %get3A_1625 = arith.index_cast %add3A_1624 : i32 to index
        %get3A_1626 = tpu.vector_load %arg5[%get3A_1625] {strides = array<i32>} : memref<20480xf32, #tpu.memory_space<vmem>>, vector<16xf32>,
        %get3A_1627 = vector.shape_cast %get3A_1626 : vector<16xf32> to vector<16xf32>
        %eq3A_1628 = vector.broadcast %and3A_541 : i32 to vector<16xi32>
        %eq3A_1629 = arith.cmpi eq, %iota3A, %eq3A_1628 : vector<16xi32>
        %jit3A_1630 = arith.constant 0.000000e+00 : f32
        %broadcast_in_dim3A_1631 = vector.broadcast %jit3A_1630 : f32 to vector<16xf32>
        %select_n3A_1632 = arith.select %eq3A_1629, %get3A_1627, %broadcast_in_dim3A_1631 : vector<16xi1>, vector<16xf32>
        %xor3A_1633 = arith.constant 8 : i32
        %xor3A_1634 = vector.broadcast %xor3A_1633 : i32 to vector<16xi32>
        %xor3A_1635 = arith.xori %iota3A, %xor3A_1634 : vector<16xi32>
        %broadcast_in_dim3A_1636 = vector.shape_cast %xor3A_1635 : vector<16xi32> to vector<16x1xi32>
        %gather3A_1637 = vector.shape_cast %broadcast_in_dim3A_1636 : vector<16x1xi32> to vector<16xi32>
        %gather3A_1638 = tpu.dynamic_gather %select_n3A_1632[%gather3A_1637] in [0] : vector<16xf32>, vector<16xi32> -> vector<16xf32>
        %add3A_1639 = arith.addf %select_n3A_1632, %gather3A_1638 : vector<16xf32>
        %xor3A_1640 = arith.constant 4 : i32
        %xor3A_1641 = vector.broadcast %xor3A_1640 : i32 to vector<16xi32>
        %xor3A_1642 = arith.xori %iota3A, %xor3A_1641 : vector<16xi32>
        %broadcast_in_dim3A_1643 = vector.shape_cast %xor3A_1642 : vector<16xi32> to vector<16x1xi32>
        %gather3A_1644 = vector.shape_cast %broadcast_in_dim3A_1643 : vector<16x1xi32> to vector<16xi32>
        %gather3A_1645 = tpu.dynamic_gather %add3A_1639[%gather3A_1644] in [0] : vector<16xf32>, vector<16xi32> -> vector<16xf32>
        %add3A_1646 = arith.addf %add3A_1639, %gather3A_1645 : vector<16xf32>
        %xor3A_1647 = arith.constant 2 : i32
        %xor3A_1648 = vector.broadcast %xor3A_1647 : i32 to vector<16xi32>
        %xor3A_1649 = arith.xori %iota3A, %xor3A_1648 : vector<16xi32>
        %broadcast_in_dim3A_1650 = vector.shape_cast %xor3A_1649 : vector<16xi32> to vector<16x1xi32>
        %gather3A_1651 = vector.shape_cast %broadcast_in_dim3A_1650 : vector<16x1xi32> to vector<16xi32>
        %gather3A_1652 = tpu.dynamic_gather %add3A_1646[%gather3A_1651] in [0] : vector<16xf32>, vector<16xi32> -> vector<16xf32>
        %add3A_1653 = arith.addf %add3A_1646, %gather3A_1652 : vector<16xf32>
        %xor3A_1654 = arith.constant 1 : i32
        %xor3A_1655 = vector.broadcast %xor3A_1654 : i32 to vector<16xi32>
        %xor3A_1656 = arith.xori %iota3A, %xor3A_1655 : vector<16xi32>
        %broadcast_in_dim3A_1657 = vector.shape_cast %xor3A_1656 : vector<16xi32> to vector<16x1xi32>
        %gather3A_1658 = vector.shape_cast %broadcast_in_dim3A_1657 : vector<16x1xi32> to vector<16xi32>
        %gather3A_1659 = tpu.dynamic_gather %add3A_1653[%gather3A_1658] in [0] : vector<16xf32>, vector<16xi32> -> vector<16xf32>
        %add3A_1660 = arith.addf %add3A_1653, %gather3A_1659 : vector<16xf32>
        %eq3A_1661 = arith.constant 9 : i32
        %eq3A_1662 = vector.broadcast %eq3A_1661 : i32 to vector<16xi32>
        %eq3A_1663 = arith.cmpi eq, %iota3A, %eq3A_1662 : vector<16xi32>
        %select_n3A_1664 = arith.select %eq3A_1663, %add3A_1660, %select_n3A_1622 : vector<16xi1>, vector<16xf32>
        %mul3A_1665 = arith.constant 16 : i32
        %mul3A_1666 = arith.muli %scan3A_10, %mul3A_1665 : i32
        %swap3A_1667 = arith.index_cast %mul3A_1666 : i32 to index
        %swap3A_1668 = tpu.vector_load %arg10[%swap3A_1667] {strides = array<i32>} : memref<1600xf32, #tpu.memory_space<vmem>>, vector<16xf32>,
        %swap3A_1669 = vector.shape_cast %swap3A_1668 : vector<16xf32> to vector<16xf32>
        %swap3A_1670 = vector.shape_cast %select_n3A_1664 : vector<16xf32> to vector<16xf32>
        tpu.vector_store %arg10[%swap3A_1667], %swap3A_1670 {strides = array<i32>} : memref<1600xf32, #tpu.memory_space<vmem>>, vector<16xf32>,
      } else {
      }
      %mul3A_735 = arith.constant 128 : i32
      %mul3A_736 = arith.muli %arg1, %mul3A_735 : i32
      %add3A_737 = arith.constant 0 : i32
      %add3A_738 = arith.addi %mul3A_736, %add3A_737 : i32
      %add3A_739 = arith.constant 0 : i32
      %add3A_740 = arith.addi %add3A_739, %add3A_738 : i32
      %get3A_741 = arith.index_cast %add3A_740 : i32 to index
      %get3A_742 = tpu.vector_load %arg5[%get3A_741] {strides = array<i32>} : memref<20480xf32, #tpu.memory_space<vmem>>, vector<16xf32>,
      %get3A_743 = vector.shape_cast %get3A_742 : vector<16xf32> to vector<16xf32>
      %add3A_744 = arith.constant 2048 : i32
      %add3A_745 = arith.addi %add3A_744, %add3A_738 : i32
      %get3A_746 = arith.index_cast %add3A_745 : i32 to index
      %get3A_747 = tpu.vector_load %arg5[%get3A_746] {strides = array<i32>} : memref<20480xf32, #tpu.memory_space<vmem>>, vector<16xf32>,
      %get3A_748 = vector.shape_cast %get3A_747 : vector<16xf32> to vector<16xf32>
      %add3A_749 = arith.constant 4096 : i32
      %add3A_750 = arith.addi %add3A_749, %add3A_738 : i32
      %get3A_751 = arith.index_cast %add3A_750 : i32 to index
      %get3A_752 = tpu.vector_load %arg5[%get3A_751] {strides = array<i32>} : memref<20480xf32, #tpu.memory_space<vmem>>, vector<16xf32>,
      %get3A_753 = vector.shape_cast %get3A_752 : vector<16xf32> to vector<16xf32>
      %add3A_754 = arith.constant 6144 : i32
      %add3A_755 = arith.addi %add3A_754, %add3A_738 : i32
      %get3A_756 = arith.index_cast %add3A_755 : i32 to index
      %get3A_757 = tpu.vector_load %arg5[%get3A_756] {strides = array<i32>} : memref<20480xf32, #tpu.memory_space<vmem>>, vector<16xf32>,
      %get3A_758 = vector.shape_cast %get3A_757 : vector<16xf32> to vector<16xf32>
      %add3A_759 = arith.constant 8192 : i32
      %add3A_760 = arith.addi %add3A_759, %add3A_738 : i32
      %get3A_761 = arith.index_cast %add3A_760 : i32 to index
      %get3A_762 = tpu.vector_load %arg5[%get3A_761] {strides = array<i32>} : memref<20480xf32, #tpu.memory_space<vmem>>, vector<16xf32>,
      %get3A_763 = vector.shape_cast %get3A_762 : vector<16xf32> to vector<16xf32>
      %max3A_764 = arith.maximumf %add3A_579, %get3A_743 : vector<16xf32>
      %max3A_765 = arith.maximumf %add3A_617, %get3A_748 : vector<16xf32>
      %min3A_766 = arith.minimumf %add3A_655, %get3A_753 : vector<16xf32>
      %min3A_767 = arith.minimumf %add3A_693, %get3A_758 : vector<16xf32>
      %sub3A = arith.subf %min3A_766, %max3A_764 : vector<16xf32>
      %max3A_768 = arith.constant 0.000000e+00 : f32
      %max3A_769 = vector.broadcast %max3A_768 : f32 to vector<16xf32>
      %max3A_770 = arith.maximumf %sub3A, %max3A_769 : vector<16xf32>
      %sub3A_771 = arith.subf %min3A_767, %max3A_765 : vector<16xf32>
      %max3A_772 = arith.constant 0.000000e+00 : f32
      %max3A_773 = vector.broadcast %max3A_772 : f32 to vector<16xf32>
      %max3A_774 = arith.maximumf %sub3A_771, %max3A_773 : vector<16xf32>
      %mul3A_775 = arith.mulf %max3A_770, %max3A_774 : vector<16xf32>
      %add3A_776 = arith.addf %add3A_731, %get3A_763 : vector<16xf32>
      %sub3A_777 = arith.subf %add3A_776, %mul3A_775 : vector<16xf32>
      %add3A_778 = arith.constant 9.99999971E-10 : f32
      %add3A_779 = vector.broadcast %add3A_778 : f32 to vector<16xf32>
      %add3A_780 = arith.addf %sub3A_777, %add3A_779 : vector<16xf32>
      %div3A = arith.divf %mul3A_775, %add3A_780 : vector<16xf32>
      %add3A_781 = vector.broadcast %add3A_738 : i32 to vector<16xi32>
      %add3A_782 = arith.addi %iota3A, %add3A_781 : vector<16xi32>
      %gt3A_783 = arith.constant 5.000000e-01 : f32
      %gt3A_784 = vector.broadcast %gt3A_783 : f32 to vector<16xf32>
      %gt3A_785 = arith.cmpf ogt, %div3A, %gt3A_784 : vector<16xf32>
      %eq3A_786 = vector.broadcast %convert_element_type3A_536 : i32 to vector<16xi32>
      %eq3A_787 = arith.cmpi eq, %add3A_782, %eq3A_786 : vector<16xi32>
      %or3A_788 = arith.ori %gt3A_785, %eq3A_787 : vector<16xi1>
      %jit3A_789 = arith.constant -1.000000e+09 : f32
      %broadcast_in_dim3A_790 = vector.broadcast %jit3A_789 : f32 to vector<16xf32>
      %select_n3A_791 = arith.select %or3A_788, %broadcast_in_dim3A_790, %get3A_12 : vector<16xi1>, vector<16xf32>
      %swap3A_792 = arith.constant 0 : index
      %swap3A_793 = tpu.vector_load %arg6[%swap3A_792] {strides = array<i32>} : memref<128xf32, #tpu.memory_space<vmem>>, vector<16xf32>,
      %swap3A_794 = vector.shape_cast %swap3A_793 : vector<16xf32> to vector<16xf32>
      %swap3A_795 = vector.shape_cast %select_n3A_791 : vector<16xf32> to vector<16xf32>
      tpu.vector_store %arg6[%swap3A_792], %swap3A_795 {strides = array<i32>} : memref<128xf32, #tpu.memory_space<vmem>>, vector<16xf32>,
      %mul3A_796 = arith.constant 128 : i32
      %mul3A_797 = arith.muli %arg1, %mul3A_796 : i32
      %add3A_798 = arith.constant 16 : i32
      %add3A_799 = arith.addi %mul3A_797, %add3A_798 : i32
      %add3A_800 = arith.constant 0 : i32
      %add3A_801 = arith.addi %add3A_800, %add3A_799 : i32
      %get3A_802 = arith.index_cast %add3A_801 : i32 to index
      %get3A_803 = tpu.vector_load %arg5[%get3A_802] {strides = array<i32>} : memref<20480xf32, #tpu.memory_space<vmem>>, vector<16xf32>,
      %get3A_804 = vector.shape_cast %get3A_803 : vector<16xf32> to vector<16xf32>
      %add3A_805 = arith.constant 2048 : i32
      %add3A_806 = arith.addi %add3A_805, %add3A_799 : i32
      %get3A_807 = arith.index_cast %add3A_806 : i32 to index
      %get3A_808 = tpu.vector_load %arg5[%get3A_807] {strides = array<i32>} : memref<20480xf32, #tpu.memory_space<vmem>>, vector<16xf32>,
      %get3A_809 = vector.shape_cast %get3A_808 : vector<16xf32> to vector<16xf32>
      %add3A_810 = arith.constant 4096 : i32
      %add3A_811 = arith.addi %add3A_810, %add3A_799 : i32
      %get3A_812 = arith.index_cast %add3A_811 : i32 to index
      %get3A_813 = tpu.vector_load %arg5[%get3A_812] {strides = array<i32>} : memref<20480xf32, #tpu.memory_space<vmem>>, vector<16xf32>,
      %get3A_814 = vector.shape_cast %get3A_813 : vector<16xf32> to vector<16xf32>
      %add3A_815 = arith.constant 6144 : i32
      %add3A_816 = arith.addi %add3A_815, %add3A_799 : i32
      %get3A_817 = arith.index_cast %add3A_816 : i32 to index
      %get3A_818 = tpu.vector_load %arg5[%get3A_817] {strides = array<i32>} : memref<20480xf32, #tpu.memory_space<vmem>>, vector<16xf32>,
      %get3A_819 = vector.shape_cast %get3A_818 : vector<16xf32> to vector<16xf32>
      %add3A_820 = arith.constant 8192 : i32
      %add3A_821 = arith.addi %add3A_820, %add3A_799 : i32
      %get3A_822 = arith.index_cast %add3A_821 : i32 to index
      %get3A_823 = tpu.vector_load %arg5[%get3A_822] {strides = array<i32>} : memref<20480xf32, #tpu.memory_space<vmem>>, vector<16xf32>,
      %get3A_824 = vector.shape_cast %get3A_823 : vector<16xf32> to vector<16xf32>
      %max3A_825 = arith.maximumf %add3A_579, %get3A_804 : vector<16xf32>
      %max3A_826 = arith.maximumf %add3A_617, %get3A_809 : vector<16xf32>
      %min3A_827 = arith.minimumf %add3A_655, %get3A_814 : vector<16xf32>
      %min3A_828 = arith.minimumf %add3A_693, %get3A_819 : vector<16xf32>
      %sub3A_829 = arith.subf %min3A_827, %max3A_825 : vector<16xf32>
      %max3A_830 = arith.constant 0.000000e+00 : f32
      %max3A_831 = vector.broadcast %max3A_830 : f32 to vector<16xf32>
      %max3A_832 = arith.maximumf %sub3A_829, %max3A_831 : vector<16xf32>
      %sub3A_833 = arith.subf %min3A_828, %max3A_826 : vector<16xf32>
      %max3A_834 = arith.constant 0.000000e+00 : f32
      %max3A_835 = vector.broadcast %max3A_834 : f32 to vector<16xf32>
      %max3A_836 = arith.maximumf %sub3A_833, %max3A_835 : vector<16xf32>
      %mul3A_837 = arith.mulf %max3A_832, %max3A_836 : vector<16xf32>
      %add3A_838 = arith.addf %add3A_731, %get3A_824 : vector<16xf32>
      %sub3A_839 = arith.subf %add3A_838, %mul3A_837 : vector<16xf32>
      %add3A_840 = arith.constant 9.99999971E-10 : f32
      %add3A_841 = vector.broadcast %add3A_840 : f32 to vector<16xf32>
      %add3A_842 = arith.addf %sub3A_839, %add3A_841 : vector<16xf32>
      %div3A_843 = arith.divf %mul3A_837, %add3A_842 : vector<16xf32>
      %add3A_844 = vector.broadcast %add3A_799 : i32 to vector<16xi32>
      %add3A_845 = arith.addi %iota3A, %add3A_844 : vector<16xi32>
      %gt3A_846 = arith.constant 5.000000e-01 : f32
      %gt3A_847 = vector.broadcast %gt3A_846 : f32 to vector<16xf32>
      %gt3A_848 = arith.cmpf ogt, %div3A_843, %gt3A_847 : vector<16xf32>
      %eq3A_849 = vector.broadcast %convert_element_type3A_536 : i32 to vector<16xi32>
      %eq3A_850 = arith.cmpi eq, %add3A_845, %eq3A_849 : vector<16xi32>
      %or3A_851 = arith.ori %gt3A_848, %eq3A_850 : vector<16xi1>
      %jit3A_852 = arith.constant -1.000000e+09 : f32
      %broadcast_in_dim3A_853 = vector.broadcast %jit3A_852 : f32 to vector<16xf32>
      %select_n3A_854 = arith.select %or3A_851, %broadcast_in_dim3A_853, %get3A_18 : vector<16xi1>, vector<16xf32>
      %swap3A_855 = arith.constant 16 : index
      %swap3A_856 = tpu.vector_load %arg6[%swap3A_855] {strides = array<i32>} : memref<128xf32, #tpu.memory_space<vmem>>, vector<16xf32>,
      %swap3A_857 = vector.shape_cast %swap3A_856 : vector<16xf32> to vector<16xf32>
      %swap3A_858 = vector.shape_cast %select_n3A_854 : vector<16xf32> to vector<16xf32>
      tpu.vector_store %arg6[%swap3A_855], %swap3A_858 {strides = array<i32>} : memref<128xf32, #tpu.memory_space<vmem>>, vector<16xf32>,
      %mul3A_859 = arith.constant 128 : i32
      %mul3A_860 = arith.muli %arg1, %mul3A_859 : i32
      %add3A_861 = arith.constant 32 : i32
      %add3A_862 = arith.addi %mul3A_860, %add3A_861 : i32
      %add3A_863 = arith.constant 0 : i32
      %add3A_864 = arith.addi %add3A_863, %add3A_862 : i32
      %get3A_865 = arith.index_cast %add3A_864 : i32 to index
      %get3A_866 = tpu.vector_load %arg5[%get3A_865] {strides = array<i32>} : memref<20480xf32, #tpu.memory_space<vmem>>, vector<16xf32>,
      %get3A_867 = vector.shape_cast %get3A_866 : vector<16xf32> to vector<16xf32>
      %add3A_868 = arith.constant 2048 : i32
      %add3A_869 = arith.addi %add3A_868, %add3A_862 : i32
      %get3A_870 = arith.index_cast %add3A_869 : i32 to index
      %get3A_871 = tpu.vector_load %arg5[%get3A_870] {strides = array<i32>} : memref<20480xf32, #tpu.memory_space<vmem>>, vector<16xf32>,
      %get3A_872 = vector.shape_cast %get3A_871 : vector<16xf32> to vector<16xf32>
      %add3A_873 = arith.constant 4096 : i32
      %add3A_874 = arith.addi %add3A_873, %add3A_862 : i32
      %get3A_875 = arith.index_cast %add3A_874 : i32 to index
      %get3A_876 = tpu.vector_load %arg5[%get3A_875] {strides = array<i32>} : memref<20480xf32, #tpu.memory_space<vmem>>, vector<16xf32>,
      %get3A_877 = vector.shape_cast %get3A_876 : vector<16xf32> to vector<16xf32>
      %add3A_878 = arith.constant 6144 : i32
      %add3A_879 = arith.addi %add3A_878, %add3A_862 : i32
      %get3A_880 = arith.index_cast %add3A_879 : i32 to index
      %get3A_881 = tpu.vector_load %arg5[%get3A_880] {strides = array<i32>} : memref<20480xf32, #tpu.memory_space<vmem>>, vector<16xf32>,
      %get3A_882 = vector.shape_cast %get3A_881 : vector<16xf32> to vector<16xf32>
      %add3A_883 = arith.constant 8192 : i32
      %add3A_884 = arith.addi %add3A_883, %add3A_862 : i32
      %get3A_885 = arith.index_cast %add3A_884 : i32 to index
      %get3A_886 = tpu.vector_load %arg5[%get3A_885] {strides = array<i32>} : memref<20480xf32, #tpu.memory_space<vmem>>, vector<16xf32>,
      %get3A_887 = vector.shape_cast %get3A_886 : vector<16xf32> to vector<16xf32>
      %max3A_888 = arith.maximumf %add3A_579, %get3A_867 : vector<16xf32>
      %max3A_889 = arith.maximumf %add3A_617, %get3A_872 : vector<16xf32>
      %min3A_890 = arith.minimumf %add3A_655, %get3A_877 : vector<16xf32>
      %min3A_891 = arith.minimumf %add3A_693, %get3A_882 : vector<16xf32>
      %sub3A_892 = arith.subf %min3A_890, %max3A_888 : vector<16xf32>
      %max3A_893 = arith.constant 0.000000e+00 : f32
      %max3A_894 = vector.broadcast %max3A_893 : f32 to vector<16xf32>
      %max3A_895 = arith.maximumf %sub3A_892, %max3A_894 : vector<16xf32>
      %sub3A_896 = arith.subf %min3A_891, %max3A_889 : vector<16xf32>
      %max3A_897 = arith.constant 0.000000e+00 : f32
      %max3A_898 = vector.broadcast %max3A_897 : f32 to vector<16xf32>
      %max3A_899 = arith.maximumf %sub3A_896, %max3A_898 : vector<16xf32>
      %mul3A_900 = arith.mulf %max3A_895, %max3A_899 : vector<16xf32>
      %add3A_901 = arith.addf %add3A_731, %get3A_887 : vector<16xf32>
      %sub3A_902 = arith.subf %add3A_901, %mul3A_900 : vector<16xf32>
      %add3A_903 = arith.constant 9.99999971E-10 : f32
      %add3A_904 = vector.broadcast %add3A_903 : f32 to vector<16xf32>
      %add3A_905 = arith.addf %sub3A_902, %add3A_904 : vector<16xf32>
      %div3A_906 = arith.divf %mul3A_900, %add3A_905 : vector<16xf32>
      %add3A_907 = vector.broadcast %add3A_862 : i32 to vector<16xi32>
      %add3A_908 = arith.addi %iota3A, %add3A_907 : vector<16xi32>
      %gt3A_909 = arith.constant 5.000000e-01 : f32
      %gt3A_910 = vector.broadcast %gt3A_909 : f32 to vector<16xf32>
      %gt3A_911 = arith.cmpf ogt, %div3A_906, %gt3A_910 : vector<16xf32>
      %eq3A_912 = vector.broadcast %convert_element_type3A_536 : i32 to vector<16xi32>
      %eq3A_913 = arith.cmpi eq, %add3A_908, %eq3A_912 : vector<16xi32>
      %or3A_914 = arith.ori %gt3A_911, %eq3A_913 : vector<16xi1>
      %jit3A_915 = arith.constant -1.000000e+09 : f32
      %broadcast_in_dim3A_916 = vector.broadcast %jit3A_915 : f32 to vector<16xf32>
      %select_n3A_917 = arith.select %or3A_914, %broadcast_in_dim3A_916, %get3A_24 : vector<16xi1>, vector<16xf32>
      %swap3A_918 = arith.constant 32 : index
      %swap3A_919 = tpu.vector_load %arg6[%swap3A_918] {strides = array<i32>} : memref<128xf32, #tpu.memory_space<vmem>>, vector<16xf32>,
      %swap3A_920 = vector.shape_cast %swap3A_919 : vector<16xf32> to vector<16xf32>
      %swap3A_921 = vector.shape_cast %select_n3A_917 : vector<16xf32> to vector<16xf32>
      tpu.vector_store %arg6[%swap3A_918], %swap3A_921 {strides = array<i32>} : memref<128xf32, #tpu.memory_space<vmem>>, vector<16xf32>,
      %mul3A_922 = arith.constant 128 : i32
      %mul3A_923 = arith.muli %arg1, %mul3A_922 : i32
      %add3A_924 = arith.constant 48 : i32
      %add3A_925 = arith.addi %mul3A_923, %add3A_924 : i32
      %add3A_926 = arith.constant 0 : i32
      %add3A_927 = arith.addi %add3A_926, %add3A_925 : i32
      %get3A_928 = arith.index_cast %add3A_927 : i32 to index
      %get3A_929 = tpu.vector_load %arg5[%get3A_928] {strides = array<i32>} : memref<20480xf32, #tpu.memory_space<vmem>>, vector<16xf32>,
      %get3A_930 = vector.shape_cast %get3A_929 : vector<16xf32> to vector<16xf32>
      %add3A_931 = arith.constant 2048 : i32
      %add3A_932 = arith.addi %add3A_931, %add3A_925 : i32
      %get3A_933 = arith.index_cast %add3A_932 : i32 to index
      %get3A_934 = tpu.vector_load %arg5[%get3A_933] {strides = array<i32>} : memref<20480xf32, #tpu.memory_space<vmem>>, vector<16xf32>,
      %get3A_935 = vector.shape_cast %get3A_934 : vector<16xf32> to vector<16xf32>
      %add3A_936 = arith.constant 4096 : i32
      %add3A_937 = arith.addi %add3A_936, %add3A_925 : i32
      %get3A_938 = arith.index_cast %add3A_937 : i32 to index
      %get3A_939 = tpu.vector_load %arg5[%get3A_938] {strides = array<i32>} : memref<20480xf32, #tpu.memory_space<vmem>>, vector<16xf32>,
      %get3A_940 = vector.shape_cast %get3A_939 : vector<16xf32> to vector<16xf32>
      %add3A_941 = arith.constant 6144 : i32
      %add3A_942 = arith.addi %add3A_941, %add3A_925 : i32
      %get3A_943 = arith.index_cast %add3A_942 : i32 to index
      %get3A_944 = tpu.vector_load %arg5[%get3A_943] {strides = array<i32>} : memref<20480xf32, #tpu.memory_space<vmem>>, vector<16xf32>,
      %get3A_945 = vector.shape_cast %get3A_944 : vector<16xf32> to vector<16xf32>
      %add3A_946 = arith.constant 8192 : i32
      %add3A_947 = arith.addi %add3A_946, %add3A_925 : i32
      %get3A_948 = arith.index_cast %add3A_947 : i32 to index
      %get3A_949 = tpu.vector_load %arg5[%get3A_948] {strides = array<i32>} : memref<20480xf32, #tpu.memory_space<vmem>>, vector<16xf32>,
      %get3A_950 = vector.shape_cast %get3A_949 : vector<16xf32> to vector<16xf32>
      %max3A_951 = arith.maximumf %add3A_579, %get3A_930 : vector<16xf32>
      %max3A_952 = arith.maximumf %add3A_617, %get3A_935 : vector<16xf32>
      %min3A_953 = arith.minimumf %add3A_655, %get3A_940 : vector<16xf32>
      %min3A_954 = arith.minimumf %add3A_693, %get3A_945 : vector<16xf32>
      %sub3A_955 = arith.subf %min3A_953, %max3A_951 : vector<16xf32>
      %max3A_956 = arith.constant 0.000000e+00 : f32
      %max3A_957 = vector.broadcast %max3A_956 : f32 to vector<16xf32>
      %max3A_958 = arith.maximumf %sub3A_955, %max3A_957 : vector<16xf32>
      %sub3A_959 = arith.subf %min3A_954, %max3A_952 : vector<16xf32>
      %max3A_960 = arith.constant 0.000000e+00 : f32
      %max3A_961 = vector.broadcast %max3A_960 : f32 to vector<16xf32>
      %max3A_962 = arith.maximumf %sub3A_959, %max3A_961 : vector<16xf32>
      %mul3A_963 = arith.mulf %max3A_958, %max3A_962 : vector<16xf32>
      %add3A_964 = arith.addf %add3A_731, %get3A_950 : vector<16xf32>
      %sub3A_965 = arith.subf %add3A_964, %mul3A_963 : vector<16xf32>
      %add3A_966 = arith.constant 9.99999971E-10 : f32
      %add3A_967 = vector.broadcast %add3A_966 : f32 to vector<16xf32>
      %add3A_968 = arith.addf %sub3A_965, %add3A_967 : vector<16xf32>
      %div3A_969 = arith.divf %mul3A_963, %add3A_968 : vector<16xf32>
      %add3A_970 = vector.broadcast %add3A_925 : i32 to vector<16xi32>
      %add3A_971 = arith.addi %iota3A, %add3A_970 : vector<16xi32>
      %gt3A_972 = arith.constant 5.000000e-01 : f32
      %gt3A_973 = vector.broadcast %gt3A_972 : f32 to vector<16xf32>
      %gt3A_974 = arith.cmpf ogt, %div3A_969, %gt3A_973 : vector<16xf32>
      %eq3A_975 = vector.broadcast %convert_element_type3A_536 : i32 to vector<16xi32>
      %eq3A_976 = arith.cmpi eq, %add3A_971, %eq3A_975 : vector<16xi32>
      %or3A_977 = arith.ori %gt3A_974, %eq3A_976 : vector<16xi1>
      %jit3A_978 = arith.constant -1.000000e+09 : f32
      %broadcast_in_dim3A_979 = vector.broadcast %jit3A_978 : f32 to vector<16xf32>
      %select_n3A_980 = arith.select %or3A_977, %broadcast_in_dim3A_979, %get3A_30 : vector<16xi1>, vector<16xf32>
      %swap3A_981 = arith.constant 48 : index
      %swap3A_982 = tpu.vector_load %arg6[%swap3A_981] {strides = array<i32>} : memref<128xf32, #tpu.memory_space<vmem>>, vector<16xf32>,
      %swap3A_983 = vector.shape_cast %swap3A_982 : vector<16xf32> to vector<16xf32>
      %swap3A_984 = vector.shape_cast %select_n3A_980 : vector<16xf32> to vector<16xf32>
      tpu.vector_store %arg6[%swap3A_981], %swap3A_984 {strides = array<i32>} : memref<128xf32, #tpu.memory_space<vmem>>, vector<16xf32>,
      %mul3A_985 = arith.constant 128 : i32
      %mul3A_986 = arith.muli %arg1, %mul3A_985 : i32
      %add3A_987 = arith.constant 64 : i32
      %add3A_988 = arith.addi %mul3A_986, %add3A_987 : i32
      %add3A_989 = arith.constant 0 : i32
      %add3A_990 = arith.addi %add3A_989, %add3A_988 : i32
      %get3A_991 = arith.index_cast %add3A_990 : i32 to index
      %get3A_992 = tpu.vector_load %arg5[%get3A_991] {strides = array<i32>} : memref<20480xf32, #tpu.memory_space<vmem>>, vector<16xf32>,
      %get3A_993 = vector.shape_cast %get3A_992 : vector<16xf32> to vector<16xf32>
      %add3A_994 = arith.constant 2048 : i32
      %add3A_995 = arith.addi %add3A_994, %add3A_988 : i32
      %get3A_996 = arith.index_cast %add3A_995 : i32 to index
      %get3A_997 = tpu.vector_load %arg5[%get3A_996] {strides = array<i32>} : memref<20480xf32, #tpu.memory_space<vmem>>, vector<16xf32>,
      %get3A_998 = vector.shape_cast %get3A_997 : vector<16xf32> to vector<16xf32>
      %add3A_999 = arith.constant 4096 : i32
      %add3A_1000 = arith.addi %add3A_999, %add3A_988 : i32
      %get3A_1001 = arith.index_cast %add3A_1000 : i32 to index
      %get3A_1002 = tpu.vector_load %arg5[%get3A_1001] {strides = array<i32>} : memref<20480xf32, #tpu.memory_space<vmem>>, vector<16xf32>,
      %get3A_1003 = vector.shape_cast %get3A_1002 : vector<16xf32> to vector<16xf32>
      %add3A_1004 = arith.constant 6144 : i32
      %add3A_1005 = arith.addi %add3A_1004, %add3A_988 : i32
      %get3A_1006 = arith.index_cast %add3A_1005 : i32 to index
      %get3A_1007 = tpu.vector_load %arg5[%get3A_1006] {strides = array<i32>} : memref<20480xf32, #tpu.memory_space<vmem>>, vector<16xf32>,
      %get3A_1008 = vector.shape_cast %get3A_1007 : vector<16xf32> to vector<16xf32>
      %add3A_1009 = arith.constant 8192 : i32
      %add3A_1010 = arith.addi %add3A_1009, %add3A_988 : i32
      %get3A_1011 = arith.index_cast %add3A_1010 : i32 to index
      %get3A_1012 = tpu.vector_load %arg5[%get3A_1011] {strides = array<i32>} : memref<20480xf32, #tpu.memory_space<vmem>>, vector<16xf32>,
      %get3A_1013 = vector.shape_cast %get3A_1012 : vector<16xf32> to vector<16xf32>
      %max3A_1014 = arith.maximumf %add3A_579, %get3A_993 : vector<16xf32>
      %max3A_1015 = arith.maximumf %add3A_617, %get3A_998 : vector<16xf32>
      %min3A_1016 = arith.minimumf %add3A_655, %get3A_1003 : vector<16xf32>
      %min3A_1017 = arith.minimumf %add3A_693, %get3A_1008 : vector<16xf32>
      %sub3A_1018 = arith.subf %min3A_1016, %max3A_1014 : vector<16xf32>
      %max3A_1019 = arith.constant 0.000000e+00 : f32
      %max3A_1020 = vector.broadcast %max3A_1019 : f32 to vector<16xf32>
      %max3A_1021 = arith.maximumf %sub3A_1018, %max3A_1020 : vector<16xf32>
      %sub3A_1022 = arith.subf %min3A_1017, %max3A_1015 : vector<16xf32>
      %max3A_1023 = arith.constant 0.000000e+00 : f32
      %max3A_1024 = vector.broadcast %max3A_1023 : f32 to vector<16xf32>
      %max3A_1025 = arith.maximumf %sub3A_1022, %max3A_1024 : vector<16xf32>
      %mul3A_1026 = arith.mulf %max3A_1021, %max3A_1025 : vector<16xf32>
      %add3A_1027 = arith.addf %add3A_731, %get3A_1013 : vector<16xf32>
      %sub3A_1028 = arith.subf %add3A_1027, %mul3A_1026 : vector<16xf32>
      %add3A_1029 = arith.constant 9.99999971E-10 : f32
      %add3A_1030 = vector.broadcast %add3A_1029 : f32 to vector<16xf32>
      %add3A_1031 = arith.addf %sub3A_1028, %add3A_1030 : vector<16xf32>
      %div3A_1032 = arith.divf %mul3A_1026, %add3A_1031 : vector<16xf32>
      %add3A_1033 = vector.broadcast %add3A_988 : i32 to vector<16xi32>
      %add3A_1034 = arith.addi %iota3A, %add3A_1033 : vector<16xi32>
      %gt3A_1035 = arith.constant 5.000000e-01 : f32
      %gt3A_1036 = vector.broadcast %gt3A_1035 : f32 to vector<16xf32>
      %gt3A_1037 = arith.cmpf ogt, %div3A_1032, %gt3A_1036 : vector<16xf32>
      %eq3A_1038 = vector.broadcast %convert_element_type3A_536 : i32 to vector<16xi32>
      %eq3A_1039 = arith.cmpi eq, %add3A_1034, %eq3A_1038 : vector<16xi32>
      %or3A_1040 = arith.ori %gt3A_1037, %eq3A_1039 : vector<16xi1>
      %jit3A_1041 = arith.constant -1.000000e+09 : f32
      %broadcast_in_dim3A_1042 = vector.broadcast %jit3A_1041 : f32 to vector<16xf32>
      %select_n3A_1043 = arith.select %or3A_1040, %broadcast_in_dim3A_1042, %get3A_36 : vector<16xi1>, vector<16xf32>
      %swap3A_1044 = arith.constant 64 : index
      %swap3A_1045 = tpu.vector_load %arg6[%swap3A_1044] {strides = array<i32>} : memref<128xf32, #tpu.memory_space<vmem>>, vector<16xf32>,
      %swap3A_1046 = vector.shape_cast %swap3A_1045 : vector<16xf32> to vector<16xf32>
      %swap3A_1047 = vector.shape_cast %select_n3A_1043 : vector<16xf32> to vector<16xf32>
      tpu.vector_store %arg6[%swap3A_1044], %swap3A_1047 {strides = array<i32>} : memref<128xf32, #tpu.memory_space<vmem>>, vector<16xf32>,
      %mul3A_1048 = arith.constant 128 : i32
      %mul3A_1049 = arith.muli %arg1, %mul3A_1048 : i32
      %add3A_1050 = arith.constant 80 : i32
      %add3A_1051 = arith.addi %mul3A_1049, %add3A_1050 : i32
      %add3A_1052 = arith.constant 0 : i32
      %add3A_1053 = arith.addi %add3A_1052, %add3A_1051 : i32
      %get3A_1054 = arith.index_cast %add3A_1053 : i32 to index
      %get3A_1055 = tpu.vector_load %arg5[%get3A_1054] {strides = array<i32>} : memref<20480xf32, #tpu.memory_space<vmem>>, vector<16xf32>,
      %get3A_1056 = vector.shape_cast %get3A_1055 : vector<16xf32> to vector<16xf32>
      %add3A_1057 = arith.constant 2048 : i32
      %add3A_1058 = arith.addi %add3A_1057, %add3A_1051 : i32
      %get3A_1059 = arith.index_cast %add3A_1058 : i32 to index
      %get3A_1060 = tpu.vector_load %arg5[%get3A_1059] {strides = array<i32>} : memref<20480xf32, #tpu.memory_space<vmem>>, vector<16xf32>,
      %get3A_1061 = vector.shape_cast %get3A_1060 : vector<16xf32> to vector<16xf32>
      %add3A_1062 = arith.constant 4096 : i32
      %add3A_1063 = arith.addi %add3A_1062, %add3A_1051 : i32
      %get3A_1064 = arith.index_cast %add3A_1063 : i32 to index
      %get3A_1065 = tpu.vector_load %arg5[%get3A_1064] {strides = array<i32>} : memref<20480xf32, #tpu.memory_space<vmem>>, vector<16xf32>,
      %get3A_1066 = vector.shape_cast %get3A_1065 : vector<16xf32> to vector<16xf32>
      %add3A_1067 = arith.constant 6144 : i32
      %add3A_1068 = arith.addi %add3A_1067, %add3A_1051 : i32
      %get3A_1069 = arith.index_cast %add3A_1068 : i32 to index
      %get3A_1070 = tpu.vector_load %arg5[%get3A_1069] {strides = array<i32>} : memref<20480xf32, #tpu.memory_space<vmem>>, vector<16xf32>,
      %get3A_1071 = vector.shape_cast %get3A_1070 : vector<16xf32> to vector<16xf32>
      %add3A_1072 = arith.constant 8192 : i32
      %add3A_1073 = arith.addi %add3A_1072, %add3A_1051 : i32
      %get3A_1074 = arith.index_cast %add3A_1073 : i32 to index
      %get3A_1075 = tpu.vector_load %arg5[%get3A_1074] {strides = array<i32>} : memref<20480xf32, #tpu.memory_space<vmem>>, vector<16xf32>,
      %get3A_1076 = vector.shape_cast %get3A_1075 : vector<16xf32> to vector<16xf32>
      %max3A_1077 = arith.maximumf %add3A_579, %get3A_1056 : vector<16xf32>
      %max3A_1078 = arith.maximumf %add3A_617, %get3A_1061 : vector<16xf32>
      %min3A_1079 = arith.minimumf %add3A_655, %get3A_1066 : vector<16xf32>
      %min3A_1080 = arith.minimumf %add3A_693, %get3A_1071 : vector<16xf32>
      %sub3A_1081 = arith.subf %min3A_1079, %max3A_1077 : vector<16xf32>
      %max3A_1082 = arith.constant 0.000000e+00 : f32
      %max3A_1083 = vector.broadcast %max3A_1082 : f32 to vector<16xf32>
      %max3A_1084 = arith.maximumf %sub3A_1081, %max3A_1083 : vector<16xf32>
      %sub3A_1085 = arith.subf %min3A_1080, %max3A_1078 : vector<16xf32>
      %max3A_1086 = arith.constant 0.000000e+00 : f32
      %max3A_1087 = vector.broadcast %max3A_1086 : f32 to vector<16xf32>
      %max3A_1088 = arith.maximumf %sub3A_1085, %max3A_1087 : vector<16xf32>
      %mul3A_1089 = arith.mulf %max3A_1084, %max3A_1088 : vector<16xf32>
      %add3A_1090 = arith.addf %add3A_731, %get3A_1076 : vector<16xf32>
      %sub3A_1091 = arith.subf %add3A_1090, %mul3A_1089 : vector<16xf32>
      %add3A_1092 = arith.constant 9.99999971E-10 : f32
      %add3A_1093 = vector.broadcast %add3A_1092 : f32 to vector<16xf32>
      %add3A_1094 = arith.addf %sub3A_1091, %add3A_1093 : vector<16xf32>
      %div3A_1095 = arith.divf %mul3A_1089, %add3A_1094 : vector<16xf32>
      %add3A_1096 = vector.broadcast %add3A_1051 : i32 to vector<16xi32>
      %add3A_1097 = arith.addi %iota3A, %add3A_1096 : vector<16xi32>
      %gt3A_1098 = arith.constant 5.000000e-01 : f32
      %gt3A_1099 = vector.broadcast %gt3A_1098 : f32 to vector<16xf32>
      %gt3A_1100 = arith.cmpf ogt, %div3A_1095, %gt3A_1099 : vector<16xf32>
      %eq3A_1101 = vector.broadcast %convert_element_type3A_536 : i32 to vector<16xi32>
      %eq3A_1102 = arith.cmpi eq, %add3A_1097, %eq3A_1101 : vector<16xi32>
      %or3A_1103 = arith.ori %gt3A_1100, %eq3A_1102 : vector<16xi1>
      %jit3A_1104 = arith.constant -1.000000e+09 : f32
      %broadcast_in_dim3A_1105 = vector.broadcast %jit3A_1104 : f32 to vector<16xf32>
      %select_n3A_1106 = arith.select %or3A_1103, %broadcast_in_dim3A_1105, %get3A_42 : vector<16xi1>, vector<16xf32>
      %swap3A_1107 = arith.constant 80 : index
      %swap3A_1108 = tpu.vector_load %arg6[%swap3A_1107] {strides = array<i32>} : memref<128xf32, #tpu.memory_space<vmem>>, vector<16xf32>,
      %swap3A_1109 = vector.shape_cast %swap3A_1108 : vector<16xf32> to vector<16xf32>
      %swap3A_1110 = vector.shape_cast %select_n3A_1106 : vector<16xf32> to vector<16xf32>
      tpu.vector_store %arg6[%swap3A_1107], %swap3A_1110 {strides = array<i32>} : memref<128xf32, #tpu.memory_space<vmem>>, vector<16xf32>,
      %mul3A_1111 = arith.constant 128 : i32
      %mul3A_1112 = arith.muli %arg1, %mul3A_1111 : i32
      %add3A_1113 = arith.constant 96 : i32
      %add3A_1114 = arith.addi %mul3A_1112, %add3A_1113 : i32
      %add3A_1115 = arith.constant 0 : i32
      %add3A_1116 = arith.addi %add3A_1115, %add3A_1114 : i32
      %get3A_1117 = arith.index_cast %add3A_1116 : i32 to index
      %get3A_1118 = tpu.vector_load %arg5[%get3A_1117] {strides = array<i32>} : memref<20480xf32, #tpu.memory_space<vmem>>, vector<16xf32>,
      %get3A_1119 = vector.shape_cast %get3A_1118 : vector<16xf32> to vector<16xf32>
      %add3A_1120 = arith.constant 2048 : i32
      %add3A_1121 = arith.addi %add3A_1120, %add3A_1114 : i32
      %get3A_1122 = arith.index_cast %add3A_1121 : i32 to index
      %get3A_1123 = tpu.vector_load %arg5[%get3A_1122] {strides = array<i32>} : memref<20480xf32, #tpu.memory_space<vmem>>, vector<16xf32>,
      %get3A_1124 = vector.shape_cast %get3A_1123 : vector<16xf32> to vector<16xf32>
      %add3A_1125 = arith.constant 4096 : i32
      %add3A_1126 = arith.addi %add3A_1125, %add3A_1114 : i32
      %get3A_1127 = arith.index_cast %add3A_1126 : i32 to index
      %get3A_1128 = tpu.vector_load %arg5[%get3A_1127] {strides = array<i32>} : memref<20480xf32, #tpu.memory_space<vmem>>, vector<16xf32>,
      %get3A_1129 = vector.shape_cast %get3A_1128 : vector<16xf32> to vector<16xf32>
      %add3A_1130 = arith.constant 6144 : i32
      %add3A_1131 = arith.addi %add3A_1130, %add3A_1114 : i32
      %get3A_1132 = arith.index_cast %add3A_1131 : i32 to index
      %get3A_1133 = tpu.vector_load %arg5[%get3A_1132] {strides = array<i32>} : memref<20480xf32, #tpu.memory_space<vmem>>, vector<16xf32>,
      %get3A_1134 = vector.shape_cast %get3A_1133 : vector<16xf32> to vector<16xf32>
      %add3A_1135 = arith.constant 8192 : i32
      %add3A_1136 = arith.addi %add3A_1135, %add3A_1114 : i32
      %get3A_1137 = arith.index_cast %add3A_1136 : i32 to index
      %get3A_1138 = tpu.vector_load %arg5[%get3A_1137] {strides = array<i32>} : memref<20480xf32, #tpu.memory_space<vmem>>, vector<16xf32>,
      %get3A_1139 = vector.shape_cast %get3A_1138 : vector<16xf32> to vector<16xf32>
      %max3A_1140 = arith.maximumf %add3A_579, %get3A_1119 : vector<16xf32>
      %max3A_1141 = arith.maximumf %add3A_617, %get3A_1124 : vector<16xf32>
      %min3A_1142 = arith.minimumf %add3A_655, %get3A_1129 : vector<16xf32>
      %min3A_1143 = arith.minimumf %add3A_693, %get3A_1134 : vector<16xf32>
      %sub3A_1144 = arith.subf %min3A_1142, %max3A_1140 : vector<16xf32>
      %max3A_1145 = arith.constant 0.000000e+00 : f32
      %max3A_1146 = vector.broadcast %max3A_1145 : f32 to vector<16xf32>
      %max3A_1147 = arith.maximumf %sub3A_1144, %max3A_1146 : vector<16xf32>
      %sub3A_1148 = arith.subf %min3A_1143, %max3A_1141 : vector<16xf32>
      %max3A_1149 = arith.constant 0.000000e+00 : f32
      %max3A_1150 = vector.broadcast %max3A_1149 : f32 to vector<16xf32>
      %max3A_1151 = arith.maximumf %sub3A_1148, %max3A_1150 : vector<16xf32>
      %mul3A_1152 = arith.mulf %max3A_1147, %max3A_1151 : vector<16xf32>
      %add3A_1153 = arith.addf %add3A_731, %get3A_1139 : vector<16xf32>
      %sub3A_1154 = arith.subf %add3A_1153, %mul3A_1152 : vector<16xf32>
      %add3A_1155 = arith.constant 9.99999971E-10 : f32
      %add3A_1156 = vector.broadcast %add3A_1155 : f32 to vector<16xf32>
      %add3A_1157 = arith.addf %sub3A_1154, %add3A_1156 : vector<16xf32>
      %div3A_1158 = arith.divf %mul3A_1152, %add3A_1157 : vector<16xf32>
      %add3A_1159 = vector.broadcast %add3A_1114 : i32 to vector<16xi32>
      %add3A_1160 = arith.addi %iota3A, %add3A_1159 : vector<16xi32>
      %gt3A_1161 = arith.constant 5.000000e-01 : f32
      %gt3A_1162 = vector.broadcast %gt3A_1161 : f32 to vector<16xf32>
      %gt3A_1163 = arith.cmpf ogt, %div3A_1158, %gt3A_1162 : vector<16xf32>
      %eq3A_1164 = vector.broadcast %convert_element_type3A_536 : i32 to vector<16xi32>
      %eq3A_1165 = arith.cmpi eq, %add3A_1160, %eq3A_1164 : vector<16xi32>
      %or3A_1166 = arith.ori %gt3A_1163, %eq3A_1165 : vector<16xi1>
      %jit3A_1167 = arith.constant -1.000000e+09 : f32
      %broadcast_in_dim3A_1168 = vector.broadcast %jit3A_1167 : f32 to vector<16xf32>
      %select_n3A_1169 = arith.select %or3A_1166, %broadcast_in_dim3A_1168, %get3A_48 : vector<16xi1>, vector<16xf32>
      %swap3A_1170 = arith.constant 96 : index
      %swap3A_1171 = tpu.vector_load %arg6[%swap3A_1170] {strides = array<i32>} : memref<128xf32, #tpu.memory_space<vmem>>, vector<16xf32>,
      %swap3A_1172 = vector.shape_cast %swap3A_1171 : vector<16xf32> to vector<16xf32>
      %swap3A_1173 = vector.shape_cast %select_n3A_1169 : vector<16xf32> to vector<16xf32>
      tpu.vector_store %arg6[%swap3A_1170], %swap3A_1173 {strides = array<i32>} : memref<128xf32, #tpu.memory_space<vmem>>, vector<16xf32>,
      %mul3A_1174 = arith.constant 128 : i32
      %mul3A_1175 = arith.muli %arg1, %mul3A_1174 : i32
      %add3A_1176 = arith.constant 112 : i32
      %add3A_1177 = arith.addi %mul3A_1175, %add3A_1176 : i32
      %add3A_1178 = arith.constant 0 : i32
      %add3A_1179 = arith.addi %add3A_1178, %add3A_1177 : i32
      %get3A_1180 = arith.index_cast %add3A_1179 : i32 to index
      %get3A_1181 = tpu.vector_load %arg5[%get3A_1180] {strides = array<i32>} : memref<20480xf32, #tpu.memory_space<vmem>>, vector<16xf32>,
      %get3A_1182 = vector.shape_cast %get3A_1181 : vector<16xf32> to vector<16xf32>
      %add3A_1183 = arith.constant 2048 : i32
      %add3A_1184 = arith.addi %add3A_1183, %add3A_1177 : i32
      %get3A_1185 = arith.index_cast %add3A_1184 : i32 to index
      %get3A_1186 = tpu.vector_load %arg5[%get3A_1185] {strides = array<i32>} : memref<20480xf32, #tpu.memory_space<vmem>>, vector<16xf32>,
      %get3A_1187 = vector.shape_cast %get3A_1186 : vector<16xf32> to vector<16xf32>
      %add3A_1188 = arith.constant 4096 : i32
      %add3A_1189 = arith.addi %add3A_1188, %add3A_1177 : i32
      %get3A_1190 = arith.index_cast %add3A_1189 : i32 to index
      %get3A_1191 = tpu.vector_load %arg5[%get3A_1190] {strides = array<i32>} : memref<20480xf32, #tpu.memory_space<vmem>>, vector<16xf32>,
      %get3A_1192 = vector.shape_cast %get3A_1191 : vector<16xf32> to vector<16xf32>
      %add3A_1193 = arith.constant 6144 : i32
      %add3A_1194 = arith.addi %add3A_1193, %add3A_1177 : i32
      %get3A_1195 = arith.index_cast %add3A_1194 : i32 to index
      %get3A_1196 = tpu.vector_load %arg5[%get3A_1195] {strides = array<i32>} : memref<20480xf32, #tpu.memory_space<vmem>>, vector<16xf32>,
      %get3A_1197 = vector.shape_cast %get3A_1196 : vector<16xf32> to vector<16xf32>
      %add3A_1198 = arith.constant 8192 : i32
      %add3A_1199 = arith.addi %add3A_1198, %add3A_1177 : i32
      %get3A_1200 = arith.index_cast %add3A_1199 : i32 to index
      %get3A_1201 = tpu.vector_load %arg5[%get3A_1200] {strides = array<i32>} : memref<20480xf32, #tpu.memory_space<vmem>>, vector<16xf32>,
      %get3A_1202 = vector.shape_cast %get3A_1201 : vector<16xf32> to vector<16xf32>
      %max3A_1203 = arith.maximumf %add3A_579, %get3A_1182 : vector<16xf32>
      %max3A_1204 = arith.maximumf %add3A_617, %get3A_1187 : vector<16xf32>
      %min3A_1205 = arith.minimumf %add3A_655, %get3A_1192 : vector<16xf32>
      %min3A_1206 = arith.minimumf %add3A_693, %get3A_1197 : vector<16xf32>
      %sub3A_1207 = arith.subf %min3A_1205, %max3A_1203 : vector<16xf32>
      %max3A_1208 = arith.constant 0.000000e+00 : f32
      %max3A_1209 = vector.broadcast %max3A_1208 : f32 to vector<16xf32>
      %max3A_1210 = arith.maximumf %sub3A_1207, %max3A_1209 : vector<16xf32>
      %sub3A_1211 = arith.subf %min3A_1206, %max3A_1204 : vector<16xf32>
      %max3A_1212 = arith.constant 0.000000e+00 : f32
      %max3A_1213 = vector.broadcast %max3A_1212 : f32 to vector<16xf32>
      %max3A_1214 = arith.maximumf %sub3A_1211, %max3A_1213 : vector<16xf32>
      %mul3A_1215 = arith.mulf %max3A_1210, %max3A_1214 : vector<16xf32>
      %add3A_1216 = arith.addf %add3A_731, %get3A_1202 : vector<16xf32>
      %sub3A_1217 = arith.subf %add3A_1216, %mul3A_1215 : vector<16xf32>
      %add3A_1218 = arith.constant 9.99999971E-10 : f32
      %add3A_1219 = vector.broadcast %add3A_1218 : f32 to vector<16xf32>
      %add3A_1220 = arith.addf %sub3A_1217, %add3A_1219 : vector<16xf32>
      %div3A_1221 = arith.divf %mul3A_1215, %add3A_1220 : vector<16xf32>
      %add3A_1222 = vector.broadcast %add3A_1177 : i32 to vector<16xi32>
      %add3A_1223 = arith.addi %iota3A, %add3A_1222 : vector<16xi32>
      %gt3A_1224 = arith.constant 5.000000e-01 : f32
      %gt3A_1225 = vector.broadcast %gt3A_1224 : f32 to vector<16xf32>
      %gt3A_1226 = arith.cmpf ogt, %div3A_1221, %gt3A_1225 : vector<16xf32>
      %eq3A_1227 = vector.broadcast %convert_element_type3A_536 : i32 to vector<16xi32>
      %eq3A_1228 = arith.cmpi eq, %add3A_1223, %eq3A_1227 : vector<16xi32>
      %or3A_1229 = arith.ori %gt3A_1226, %eq3A_1228 : vector<16xi1>
      %jit3A_1230 = arith.constant -1.000000e+09 : f32
      %broadcast_in_dim3A_1231 = vector.broadcast %jit3A_1230 : f32 to vector<16xf32>
      %select_n3A_1232 = arith.select %or3A_1229, %broadcast_in_dim3A_1231, %get3A_54 : vector<16xi1>, vector<16xf32>
      %swap3A_1233 = arith.constant 112 : index
      %swap3A_1234 = tpu.vector_load %arg6[%swap3A_1233] {strides = array<i32>} : memref<128xf32, #tpu.memory_space<vmem>>, vector<16xf32>,
      %swap3A_1235 = vector.shape_cast %swap3A_1234 : vector<16xf32> to vector<16xf32>
      %swap3A_1236 = vector.shape_cast %select_n3A_1232 : vector<16xf32> to vector<16xf32>
      tpu.vector_store %arg6[%swap3A_1233], %swap3A_1236 {strides = array<i32>} : memref<128xf32, #tpu.memory_space<vmem>>, vector<16xf32>,
      %barrier3A_1237 = arith.constant 0 : index
      tpu.barrier barrier_id(%barrier3A_1237)
    }
    %scan3A_8 = arith.constant 100 : i32
    %convert_element_type3A = arith.extui %and3A : i1 to i32
    %cond3A = arith.constant 0 : i32
    %cond3A_9 = arith.cmpi ne, %convert_element_type3A, %cond3A : i32
    scf.if %cond3A_9 {
      "tpu.region"() ({
        %run_scoped3A_10 = tpu.sem_alloc : memref<!tpu.dma_semaphore, #tpu.memory_space<semaphore_mem>>
        tpu.enqueue_dma source(%arg10 : memref<1600xf32, #tpu.memory_space<vmem>>) target(%arg4 : memref<1600xf32, #tpu.memory_space<hbm>>) target_semaphore(%run_scoped3A_10 : memref<!tpu.dma_semaphore, #tpu.memory_space<semaphore_mem>>)
        tpu.wait_dma2 semaphore(%run_scoped3A_10 : memref<!tpu.dma_semaphore, #tpu.memory_space<semaphore_mem>>) src(%arg10 : memref<1600xf32, #tpu.memory_space<vmem>>) dst(%arg4 : memref<1600xf32, #tpu.memory_space<hbm>>)
        tpu.yield
      }) : () -> ()
    } else {
    }
    return
  }
}

module attributes {stable_mosaic.version = 14 : i64} {
  func.func @_tc_kernel_fn(%arg0: memref<84x160x128xf32, #tpu.memory_space<vmem>>, %arg1: memref<4x160x128xf32, #tpu.memory_space<vmem>>, %arg2: memref<2x128xf32, #tpu.memory_space<vmem>>, %arg3: memref<2x16x128xf32, #tpu.memory_space<vmem>>, %arg4: memref<160x128xf32, #tpu.memory_space<vmem>>) attributes {dimension_semantics = [], scalar_prefetch = 0 : i64, scratch_operands = 0 : i64, tpu.core_type = #tpu.core_type<tc>} {
    %get3A = arith.constant 0 : index
    %get3A_0 = arith.constant 0 : index
    %get3A_1 = arith.constant 0 : index
    %get3A_2 = vector.load %arg0[%get3A, %get3A_0, %get3A_1] : memref<84x160x128xf32, #tpu.memory_space<vmem>>, vector<84x160x128xf32>
    %get3A_3 = arith.constant 0 : index
    %get3A_4 = arith.constant 0 : index
    %get3A_5 = arith.constant 0 : index
    %get3A_6 = vector.load %arg1[%get3A_3, %get3A_4, %get3A_5] : memref<4x160x128xf32, #tpu.memory_space<vmem>>, vector<4x160x128xf32>
    %get3A_7 = arith.constant 0 : index
    %get3A_8 = arith.constant 0 : index
    %get3A_9 = vector.load %arg2[%get3A_7, %get3A_8] : memref<2x128xf32, #tpu.memory_space<vmem>>, vector<2x128xf32>
    %slice3A = vector.extract_strided_slice %get3A_2 {offsets = [0, 0, 0], sizes = [1, 160, 128], strides = [1, 1, 1]} : vector<84x160x128xf32> to vector<1x160x128xf32>
    %squeeze3A = vector.shape_cast %slice3A : vector<1x160x128xf32> to vector<160x128xf32>
    %slice3A_10 = vector.extract_strided_slice %get3A_2 {offsets = [1, 0, 0], sizes = [1, 160, 128], strides = [1, 1, 1]} : vector<84x160x128xf32> to vector<1x160x128xf32>
    %squeeze3A_11 = vector.shape_cast %slice3A_10 : vector<1x160x128xf32> to vector<160x128xf32>
    %slice3A_12 = vector.extract_strided_slice %get3A_2 {offsets = [2, 0, 0], sizes = [1, 160, 128], strides = [1, 1, 1]} : vector<84x160x128xf32> to vector<1x160x128xf32>
    %squeeze3A_13 = vector.shape_cast %slice3A_12 : vector<1x160x128xf32> to vector<160x128xf32>
    %slice3A_14 = vector.extract_strided_slice %get3A_2 {offsets = [3, 0, 0], sizes = [1, 160, 128], strides = [1, 1, 1]} : vector<84x160x128xf32> to vector<1x160x128xf32>
    %squeeze3A_15 = vector.shape_cast %slice3A_14 : vector<1x160x128xf32> to vector<160x128xf32>
    %mul3A = arith.constant 1.600000e+01 : f32
    %mul3A_16 = vector.broadcast %mul3A : f32 to vector<160x128xf32>
    %mul3A_17 = arith.mulf %squeeze3A, %mul3A_16 : vector<160x128xf32>
    %round3A = math.roundeven %mul3A_17 : vector<160x128xf32>
    %jit3A = arith.constant -1.280000e+02 : f32
    %jit3A_18 = arith.constant 1.270000e+02 : f32
    %max3A = vector.broadcast %jit3A : f32 to vector<160x128xf32>
    %max3A_19 = arith.maximumf %max3A, %round3A : vector<160x128xf32>
    %min3A = vector.broadcast %jit3A_18 : f32 to vector<160x128xf32>
    %min3A_20 = arith.minimumf %min3A, %max3A_19 : vector<160x128xf32>
    %mul3A_21 = arith.constant 1.600000e+01 : f32
    %mul3A_22 = vector.broadcast %mul3A_21 : f32 to vector<160x128xf32>
    %mul3A_23 = arith.mulf %squeeze3A_11, %mul3A_22 : vector<160x128xf32>
    %round3A_24 = math.roundeven %mul3A_23 : vector<160x128xf32>
    %jit3A_25 = arith.constant -1.280000e+02 : f32
    %jit3A_26 = arith.constant 1.270000e+02 : f32
    %max3A_27 = vector.broadcast %jit3A_25 : f32 to vector<160x128xf32>
    %max3A_28 = arith.maximumf %max3A_27, %round3A_24 : vector<160x128xf32>
    %min3A_29 = vector.broadcast %jit3A_26 : f32 to vector<160x128xf32>
    %min3A_30 = arith.minimumf %min3A_29, %max3A_28 : vector<160x128xf32>
    %mul3A_31 = arith.constant 1.600000e+01 : f32
    %mul3A_32 = vector.broadcast %mul3A_31 : f32 to vector<160x128xf32>
    %mul3A_33 = arith.mulf %squeeze3A_13, %mul3A_32 : vector<160x128xf32>
    %round3A_34 = math.roundeven %mul3A_33 : vector<160x128xf32>
    %jit3A_35 = arith.constant -1.280000e+02 : f32
    %jit3A_36 = arith.constant 1.270000e+02 : f32
    %max3A_37 = vector.broadcast %jit3A_35 : f32 to vector<160x128xf32>
    %max3A_38 = arith.maximumf %max3A_37, %round3A_34 : vector<160x128xf32>
    %min3A_39 = vector.broadcast %jit3A_36 : f32 to vector<160x128xf32>
    %min3A_40 = arith.minimumf %min3A_39, %max3A_38 : vector<160x128xf32>
    %mul3A_41 = arith.constant 1.600000e+01 : f32
    %mul3A_42 = vector.broadcast %mul3A_41 : f32 to vector<160x128xf32>
    %mul3A_43 = arith.mulf %squeeze3A_15, %mul3A_42 : vector<160x128xf32>
    %round3A_44 = math.roundeven %mul3A_43 : vector<160x128xf32>
    %jit3A_45 = arith.constant -1.280000e+02 : f32
    %jit3A_46 = arith.constant 1.270000e+02 : f32
    %max3A_47 = vector.broadcast %jit3A_45 : f32 to vector<160x128xf32>
    %max3A_48 = arith.maximumf %max3A_47, %round3A_44 : vector<160x128xf32>
    %min3A_49 = vector.broadcast %jit3A_46 : f32 to vector<160x128xf32>
    %min3A_50 = arith.minimumf %min3A_49, %max3A_48 : vector<160x128xf32>
    %div3A = arith.constant 1.600000e+01 : f32
    %div3A_51 = vector.broadcast %div3A : f32 to vector<160x128xf32>
    %div3A_52 = arith.divf %min3A_20, %div3A_51 : vector<160x128xf32>
    %div3A_53 = arith.constant 1.600000e+01 : f32
    %div3A_54 = vector.broadcast %div3A_53 : f32 to vector<160x128xf32>
    %div3A_55 = arith.divf %min3A_30, %div3A_54 : vector<160x128xf32>
    %convert_element_type3A = arith.fptosi %min3A_40 : vector<160x128xf32> to vector<160x128xi32>
    %add3A = arith.constant 128 : i32
    %add3A_56 = vector.broadcast %add3A : i32 to vector<160x128xi32>
    %add3A_57 = arith.addi %convert_element_type3A, %add3A_56 : vector<160x128xi32>
    %lt3A = arith.constant 128 : i32
    %lt3A_58 = vector.broadcast %lt3A : i32 to vector<160x128xi32>
    %lt3A_59 = arith.cmpi slt, %add3A_57, %lt3A_58 : vector<160x128xi32>
    %slice3A_60 = vector.extract_strided_slice %get3A_9 {offsets = [0, 0], sizes = [1, 128], strides = [1, 1]} : vector<2x128xf32> to vector<1x128xf32>
    %broadcast_in_dim3A = vector.shape_cast %slice3A_60 : vector<1x128xf32> to vector<1x128xf32>
    %broadcast_in_dim3A_61 = vector.broadcast %broadcast_in_dim3A : vector<1x128xf32> to vector<160x128xf32>
    %slice3A_62 = vector.extract_strided_slice %get3A_9 {offsets = [1, 0], sizes = [1, 128], strides = [1, 1]} : vector<2x128xf32> to vector<1x128xf32>
    %broadcast_in_dim3A_63 = vector.shape_cast %slice3A_62 : vector<1x128xf32> to vector<1x128xf32>
    %broadcast_in_dim3A_64 = vector.broadcast %broadcast_in_dim3A_63 : vector<1x128xf32> to vector<160x128xf32>
    %jit3A_65 = arith.constant 0 : i32
    %broadcast_in_dim3A_66 = vector.broadcast %jit3A_65 : i32 to vector<160x128xi32>
    %select_n3A = arith.select %lt3A_59, %add3A_57, %broadcast_in_dim3A_66 : vector<160x128xi1>, vector<160x128xi32>
    %sub3A = arith.constant 128 : i32
    %sub3A_67 = vector.broadcast %sub3A : i32 to vector<160x128xi32>
    %sub3A_68 = arith.subi %add3A_57, %sub3A_67 : vector<160x128xi32>
    %jit3A_69 = arith.constant 0 : i32
    %broadcast_in_dim3A_70 = vector.broadcast %jit3A_69 : i32 to vector<160x128xi32>
    %select_n3A_71 = arith.select %lt3A_59, %broadcast_in_dim3A_70, %sub3A_68 : vector<160x128xi1>, vector<160x128xi32>
    %lt3A_72 = arith.constant 0 : i32
    %lt3A_73 = vector.broadcast %lt3A_72 : i32 to vector<160x128xi32>
    %lt3A_74 = arith.cmpi slt, %select_n3A, %lt3A_73 : vector<160x128xi32>
    %add3A_75 = arith.constant 128 : i32
    %add3A_76 = vector.broadcast %add3A_75 : i32 to vector<160x128xi32>
    %add3A_77 = arith.addi %select_n3A, %add3A_76 : vector<160x128xi32>
    %select_n3A_78 = arith.select %lt3A_74, %add3A_77, %select_n3A : vector<160x128xi1>, vector<160x128xi32>
    %reshape3A = vector.shape_cast %select_n3A_78 : vector<160x128xi32> to vector<160x128x1xi32>
    %gather3A = vector.shape_cast %reshape3A : vector<160x128x1xi32> to vector<160x128xi32>
    %gather3A_79 = tpu.dynamic_gather %broadcast_in_dim3A_61[%gather3A] in [1] : vector<160x128xf32>, vector<160x128xi32> -> vector<160x128xf32>
    %lt3A_80 = arith.constant 0 : i32
    %lt3A_81 = vector.broadcast %lt3A_80 : i32 to vector<160x128xi32>
    %lt3A_82 = arith.cmpi slt, %select_n3A_71, %lt3A_81 : vector<160x128xi32>
    %add3A_83 = arith.constant 128 : i32
    %add3A_84 = vector.broadcast %add3A_83 : i32 to vector<160x128xi32>
    %add3A_85 = arith.addi %select_n3A_71, %add3A_84 : vector<160x128xi32>
    %select_n3A_86 = arith.select %lt3A_82, %add3A_85, %select_n3A_71 : vector<160x128xi1>, vector<160x128xi32>
    %reshape3A_87 = vector.shape_cast %select_n3A_86 : vector<160x128xi32> to vector<160x128x1xi32>
    %gather3A_88 = vector.shape_cast %reshape3A_87 : vector<160x128x1xi32> to vector<160x128xi32>
    %gather3A_89 = tpu.dynamic_gather %broadcast_in_dim3A_64[%gather3A_88] in [1] : vector<160x128xf32>, vector<160x128xi32> -> vector<160x128xf32>
    %select_n3A_90 = arith.select %lt3A_59, %gather3A_79, %gather3A_89 : vector<160x128xi1>, vector<160x128xf32>
    %convert_element_type3A_91 = arith.fptosi %min3A_50 : vector<160x128xf32> to vector<160x128xi32>
    %add3A_92 = arith.constant 128 : i32
    %add3A_93 = vector.broadcast %add3A_92 : i32 to vector<160x128xi32>
    %add3A_94 = arith.addi %convert_element_type3A_91, %add3A_93 : vector<160x128xi32>
    %lt3A_95 = arith.constant 128 : i32
    %lt3A_96 = vector.broadcast %lt3A_95 : i32 to vector<160x128xi32>
    %lt3A_97 = arith.cmpi slt, %add3A_94, %lt3A_96 : vector<160x128xi32>
    %slice3A_98 = vector.extract_strided_slice %get3A_9 {offsets = [0, 0], sizes = [1, 128], strides = [1, 1]} : vector<2x128xf32> to vector<1x128xf32>
    %broadcast_in_dim3A_99 = vector.shape_cast %slice3A_98 : vector<1x128xf32> to vector<1x128xf32>
    %broadcast_in_dim3A_100 = vector.broadcast %broadcast_in_dim3A_99 : vector<1x128xf32> to vector<160x128xf32>
    %slice3A_101 = vector.extract_strided_slice %get3A_9 {offsets = [1, 0], sizes = [1, 128], strides = [1, 1]} : vector<2x128xf32> to vector<1x128xf32>
    %broadcast_in_dim3A_102 = vector.shape_cast %slice3A_101 : vector<1x128xf32> to vector<1x128xf32>
    %broadcast_in_dim3A_103 = vector.broadcast %broadcast_in_dim3A_102 : vector<1x128xf32> to vector<160x128xf32>
    %jit3A_104 = arith.constant 0 : i32
    %broadcast_in_dim3A_105 = vector.broadcast %jit3A_104 : i32 to vector<160x128xi32>
    %select_n3A_106 = arith.select %lt3A_97, %add3A_94, %broadcast_in_dim3A_105 : vector<160x128xi1>, vector<160x128xi32>
    %sub3A_107 = arith.constant 128 : i32
    %sub3A_108 = vector.broadcast %sub3A_107 : i32 to vector<160x128xi32>
    %sub3A_109 = arith.subi %add3A_94, %sub3A_108 : vector<160x128xi32>
    %jit3A_110 = arith.constant 0 : i32
    %broadcast_in_dim3A_111 = vector.broadcast %jit3A_110 : i32 to vector<160x128xi32>
    %select_n3A_112 = arith.select %lt3A_97, %broadcast_in_dim3A_111, %sub3A_109 : vector<160x128xi1>, vector<160x128xi32>
    %lt3A_113 = arith.constant 0 : i32
    %lt3A_114 = vector.broadcast %lt3A_113 : i32 to vector<160x128xi32>
    %lt3A_115 = arith.cmpi slt, %select_n3A_106, %lt3A_114 : vector<160x128xi32>
    %add3A_116 = arith.constant 128 : i32
    %add3A_117 = vector.broadcast %add3A_116 : i32 to vector<160x128xi32>
    %add3A_118 = arith.addi %select_n3A_106, %add3A_117 : vector<160x128xi32>
    %select_n3A_119 = arith.select %lt3A_115, %add3A_118, %select_n3A_106 : vector<160x128xi1>, vector<160x128xi32>
    %reshape3A_120 = vector.shape_cast %select_n3A_119 : vector<160x128xi32> to vector<160x128x1xi32>
    %gather3A_121 = vector.shape_cast %reshape3A_120 : vector<160x128x1xi32> to vector<160x128xi32>
    %gather3A_122 = tpu.dynamic_gather %broadcast_in_dim3A_100[%gather3A_121] in [1] : vector<160x128xf32>, vector<160x128xi32> -> vector<160x128xf32>
    %lt3A_123 = arith.constant 0 : i32
    %lt3A_124 = vector.broadcast %lt3A_123 : i32 to vector<160x128xi32>
    %lt3A_125 = arith.cmpi slt, %select_n3A_112, %lt3A_124 : vector<160x128xi32>
    %add3A_126 = arith.constant 128 : i32
    %add3A_127 = vector.broadcast %add3A_126 : i32 to vector<160x128xi32>
    %add3A_128 = arith.addi %select_n3A_112, %add3A_127 : vector<160x128xi32>
    %select_n3A_129 = arith.select %lt3A_125, %add3A_128, %select_n3A_112 : vector<160x128xi1>, vector<160x128xi32>
    %reshape3A_130 = vector.shape_cast %select_n3A_129 : vector<160x128xi32> to vector<160x128x1xi32>
    %gather3A_131 = vector.shape_cast %reshape3A_130 : vector<160x128x1xi32> to vector<160x128xi32>
    %gather3A_132 = tpu.dynamic_gather %broadcast_in_dim3A_103[%gather3A_131] in [1] : vector<160x128xf32>, vector<160x128xi32> -> vector<160x128xf32>
    %select_n3A_133 = arith.select %lt3A_97, %gather3A_122, %gather3A_132 : vector<160x128xi1>, vector<160x128xf32>
    %slice3A_134 = vector.extract_strided_slice %get3A_6 {offsets = [0, 0, 0], sizes = [1, 160, 128], strides = [1, 1, 1]} : vector<4x160x128xf32> to vector<1x160x128xf32>
    %squeeze3A_135 = vector.shape_cast %slice3A_134 : vector<1x160x128xf32> to vector<160x128xf32>
    %slice3A_136 = vector.extract_strided_slice %get3A_6 {offsets = [1, 0, 0], sizes = [1, 160, 128], strides = [1, 1, 1]} : vector<4x160x128xf32> to vector<1x160x128xf32>
    %squeeze3A_137 = vector.shape_cast %slice3A_136 : vector<1x160x128xf32> to vector<160x128xf32>
    %slice3A_138 = vector.extract_strided_slice %get3A_6 {offsets = [2, 0, 0], sizes = [1, 160, 128], strides = [1, 1, 1]} : vector<4x160x128xf32> to vector<1x160x128xf32>
    %squeeze3A_139 = vector.shape_cast %slice3A_138 : vector<1x160x128xf32> to vector<160x128xf32>
    %slice3A_140 = vector.extract_strided_slice %get3A_6 {offsets = [3, 0, 0], sizes = [1, 160, 128], strides = [1, 1, 1]} : vector<4x160x128xf32> to vector<1x160x128xf32>
    %squeeze3A_141 = vector.shape_cast %slice3A_140 : vector<1x160x128xf32> to vector<160x128xf32>
    %sub3A_142 = arith.subf %squeeze3A_139, %squeeze3A_135 : vector<160x128xf32>
    %sub3A_143 = arith.subf %squeeze3A_141, %squeeze3A_137 : vector<160x128xf32>
    %add3A_144 = arith.addf %squeeze3A_135, %squeeze3A_139 : vector<160x128xf32>
    %mul3A_145 = arith.constant 5.000000e-01 : f32
    %mul3A_146 = vector.broadcast %mul3A_145 : f32 to vector<160x128xf32>
    %mul3A_147 = arith.mulf %add3A_144, %mul3A_146 : vector<160x128xf32>
    %add3A_148 = arith.addf %squeeze3A_137, %squeeze3A_141 : vector<160x128xf32>
    %mul3A_149 = arith.constant 5.000000e-01 : f32
    %mul3A_150 = vector.broadcast %mul3A_149 : f32 to vector<160x128xf32>
    %mul3A_151 = arith.mulf %add3A_148, %mul3A_150 : vector<160x128xf32>
    %mul3A_152 = arith.mulf %div3A_52, %sub3A_142 : vector<160x128xf32>
    %add3A_153 = arith.addf %mul3A_147, %mul3A_152 : vector<160x128xf32>
    %mul3A_154 = arith.mulf %div3A_55, %sub3A_143 : vector<160x128xf32>
    %add3A_155 = arith.addf %mul3A_151, %mul3A_154 : vector<160x128xf32>
    %mul3A_156 = arith.mulf %sub3A_142, %select_n3A_90 : vector<160x128xf32>
    %mul3A_157 = arith.mulf %sub3A_143, %select_n3A_133 : vector<160x128xf32>
    %mul3A_158 = arith.constant 5.000000e-01 : f32
    %mul3A_159 = vector.broadcast %mul3A_158 : f32 to vector<160x128xf32>
    %mul3A_160 = arith.mulf %mul3A_156, %mul3A_159 : vector<160x128xf32>
    %sub3A_161 = arith.subf %add3A_153, %mul3A_160 : vector<160x128xf32>
    %jit3A_162 = arith.constant 0.000000e+00 : f32
    %jit3A_163 = arith.constant 5.120000e+02 : f32
    %max3A_164 = vector.broadcast %jit3A_162 : f32 to vector<160x128xf32>
    %max3A_165 = arith.maximumf %max3A_164, %sub3A_161 : vector<160x128xf32>
    %min3A_166 = vector.broadcast %jit3A_163 : f32 to vector<160x128xf32>
    %min3A_167 = arith.minimumf %min3A_166, %max3A_165 : vector<160x128xf32>
    %mul3A_168 = arith.constant 5.000000e-01 : f32
    %mul3A_169 = vector.broadcast %mul3A_168 : f32 to vector<160x128xf32>
    %mul3A_170 = arith.mulf %mul3A_157, %mul3A_169 : vector<160x128xf32>
    %sub3A_171 = arith.subf %add3A_155, %mul3A_170 : vector<160x128xf32>
    %jit3A_172 = arith.constant 0.000000e+00 : f32
    %jit3A_173 = arith.constant 5.120000e+02 : f32
    %max3A_174 = vector.broadcast %jit3A_172 : f32 to vector<160x128xf32>
    %max3A_175 = arith.maximumf %max3A_174, %sub3A_171 : vector<160x128xf32>
    %min3A_176 = vector.broadcast %jit3A_173 : f32 to vector<160x128xf32>
    %min3A_177 = arith.minimumf %min3A_176, %max3A_175 : vector<160x128xf32>
    %mul3A_178 = arith.constant 5.000000e-01 : f32
    %mul3A_179 = vector.broadcast %mul3A_178 : f32 to vector<160x128xf32>
    %mul3A_180 = arith.mulf %mul3A_156, %mul3A_179 : vector<160x128xf32>
    %add3A_181 = arith.addf %add3A_153, %mul3A_180 : vector<160x128xf32>
    %jit3A_182 = arith.constant 0.000000e+00 : f32
    %jit3A_183 = arith.constant 5.120000e+02 : f32
    %max3A_184 = vector.broadcast %jit3A_182 : f32 to vector<160x128xf32>
    %max3A_185 = arith.maximumf %max3A_184, %add3A_181 : vector<160x128xf32>
    %min3A_186 = vector.broadcast %jit3A_183 : f32 to vector<160x128xf32>
    %min3A_187 = arith.minimumf %min3A_186, %max3A_185 : vector<160x128xf32>
    %mul3A_188 = arith.constant 5.000000e-01 : f32
    %mul3A_189 = vector.broadcast %mul3A_188 : f32 to vector<160x128xf32>
    %mul3A_190 = arith.mulf %mul3A_157, %mul3A_189 : vector<160x128xf32>
    %add3A_191 = arith.addf %add3A_155, %mul3A_190 : vector<160x128xf32>
    %jit3A_192 = arith.constant 0.000000e+00 : f32
    %jit3A_193 = arith.constant 5.120000e+02 : f32
    %max3A_194 = vector.broadcast %jit3A_192 : f32 to vector<160x128xf32>
    %max3A_195 = arith.maximumf %max3A_194, %add3A_191 : vector<160x128xf32>
    %min3A_196 = vector.broadcast %jit3A_193 : f32 to vector<160x128xf32>
    %min3A_197 = arith.minimumf %min3A_196, %max3A_195 : vector<160x128xf32>
    %slice3A_198 = vector.extract_strided_slice %get3A_2 {offsets = [4, 0, 0], sizes = [1, 160, 128], strides = [1, 1, 1]} : vector<84x160x128xf32> to vector<1x160x128xf32>
    %squeeze3A_199 = vector.shape_cast %slice3A_198 : vector<1x160x128xf32> to vector<160x128xf32>
    %logistic3A = arith.negf %squeeze3A_199 : vector<160x128xf32>
    %logistic3A_200 = math.exp %logistic3A : vector<160x128xf32>
    %logistic3A_201 = arith.constant 1.000000e+00 : f32
    %logistic3A_202 = vector.broadcast %logistic3A_201 : f32 to vector<160x128xf32>
    %logistic3A_203 = arith.addf %logistic3A_202, %logistic3A_200 : vector<160x128xf32>
    %logistic3A_204 = arith.divf %logistic3A_202, %logistic3A_203 : vector<160x128xf32>
    %broadcast_in_dim3A_205 = arith.constant 0 : i32
    %broadcast_in_dim3A_206 = vector.broadcast %broadcast_in_dim3A_205 : i32 to vector<160x128xi32>
    %slice3A_207 = vector.extract_strided_slice %get3A_2 {offsets = [5, 0, 0], sizes = [1, 160, 128], strides = [1, 1, 1]} : vector<84x160x128xf32> to vector<1x160x128xf32>
    %squeeze3A_208 = vector.shape_cast %slice3A_207 : vector<1x160x128xf32> to vector<160x128xf32>
    %logistic3A_209 = arith.negf %squeeze3A_208 : vector<160x128xf32>
    %logistic3A_210 = math.exp %logistic3A_209 : vector<160x128xf32>
    %logistic3A_211 = arith.constant 1.000000e+00 : f32
    %logistic3A_212 = vector.broadcast %logistic3A_211 : f32 to vector<160x128xf32>
    %logistic3A_213 = arith.addf %logistic3A_212, %logistic3A_210 : vector<160x128xf32>
    %logistic3A_214 = arith.divf %logistic3A_212, %logistic3A_213 : vector<160x128xf32>
    %gt3A = arith.cmpf ogt, %logistic3A_214, %logistic3A_204 : vector<160x128xf32>
    %select_n3A_215 = arith.select %gt3A, %logistic3A_214, %logistic3A_204 : vector<160x128xi1>, vector<160x128xf32>
    %jit3A_216 = arith.constant 1 : i32
    %broadcast_in_dim3A_217 = vector.broadcast %jit3A_216 : i32 to vector<160x128xi32>
    %select_n3A_218 = arith.select %gt3A, %broadcast_in_dim3A_217, %broadcast_in_dim3A_206 : vector<160x128xi1>, vector<160x128xi32>
    %slice3A_219 = vector.extract_strided_slice %get3A_2 {offsets = [6, 0, 0], sizes = [1, 160, 128], strides = [1, 1, 1]} : vector<84x160x128xf32> to vector<1x160x128xf32>
    %squeeze3A_220 = vector.shape_cast %slice3A_219 : vector<1x160x128xf32> to vector<160x128xf32>
    %logistic3A_221 = arith.negf %squeeze3A_220 : vector<160x128xf32>
    %logistic3A_222 = math.exp %logistic3A_221 : vector<160x128xf32>
    %logistic3A_223 = arith.constant 1.000000e+00 : f32
    %logistic3A_224 = vector.broadcast %logistic3A_223 : f32 to vector<160x128xf32>
    %logistic3A_225 = arith.addf %logistic3A_224, %logistic3A_222 : vector<160x128xf32>
    %logistic3A_226 = arith.divf %logistic3A_224, %logistic3A_225 : vector<160x128xf32>
    %gt3A_227 = arith.cmpf ogt, %logistic3A_226, %select_n3A_215 : vector<160x128xf32>
    %select_n3A_228 = arith.select %gt3A_227, %logistic3A_226, %select_n3A_215 : vector<160x128xi1>, vector<160x128xf32>
    %jit3A_229 = arith.constant 2 : i32
    %broadcast_in_dim3A_230 = vector.broadcast %jit3A_229 : i32 to vector<160x128xi32>
    %select_n3A_231 = arith.select %gt3A_227, %broadcast_in_dim3A_230, %select_n3A_218 : vector<160x128xi1>, vector<160x128xi32>
    %slice3A_232 = vector.extract_strided_slice %get3A_2 {offsets = [7, 0, 0], sizes = [1, 160, 128], strides = [1, 1, 1]} : vector<84x160x128xf32> to vector<1x160x128xf32>
    %squeeze3A_233 = vector.shape_cast %slice3A_232 : vector<1x160x128xf32> to vector<160x128xf32>
    %logistic3A_234 = arith.negf %squeeze3A_233 : vector<160x128xf32>
    %logistic3A_235 = math.exp %logistic3A_234 : vector<160x128xf32>
    %logistic3A_236 = arith.constant 1.000000e+00 : f32
    %logistic3A_237 = vector.broadcast %logistic3A_236 : f32 to vector<160x128xf32>
    %logistic3A_238 = arith.addf %logistic3A_237, %logistic3A_235 : vector<160x128xf32>
    %logistic3A_239 = arith.divf %logistic3A_237, %logistic3A_238 : vector<160x128xf32>
    %gt3A_240 = arith.cmpf ogt, %logistic3A_239, %select_n3A_228 : vector<160x128xf32>
    %select_n3A_241 = arith.select %gt3A_240, %logistic3A_239, %select_n3A_228 : vector<160x128xi1>, vector<160x128xf32>
    %jit3A_242 = arith.constant 3 : i32
    %broadcast_in_dim3A_243 = vector.broadcast %jit3A_242 : i32 to vector<160x128xi32>
    %select_n3A_244 = arith.select %gt3A_240, %broadcast_in_dim3A_243, %select_n3A_231 : vector<160x128xi1>, vector<160x128xi32>
    %slice3A_245 = vector.extract_strided_slice %get3A_2 {offsets = [8, 0, 0], sizes = [1, 160, 128], strides = [1, 1, 1]} : vector<84x160x128xf32> to vector<1x160x128xf32>
    %squeeze3A_246 = vector.shape_cast %slice3A_245 : vector<1x160x128xf32> to vector<160x128xf32>
    %logistic3A_247 = arith.negf %squeeze3A_246 : vector<160x128xf32>
    %logistic3A_248 = math.exp %logistic3A_247 : vector<160x128xf32>
    %logistic3A_249 = arith.constant 1.000000e+00 : f32
    %logistic3A_250 = vector.broadcast %logistic3A_249 : f32 to vector<160x128xf32>
    %logistic3A_251 = arith.addf %logistic3A_250, %logistic3A_248 : vector<160x128xf32>
    %logistic3A_252 = arith.divf %logistic3A_250, %logistic3A_251 : vector<160x128xf32>
    %gt3A_253 = arith.cmpf ogt, %logistic3A_252, %select_n3A_241 : vector<160x128xf32>
    %select_n3A_254 = arith.select %gt3A_253, %logistic3A_252, %select_n3A_241 : vector<160x128xi1>, vector<160x128xf32>
    %jit3A_255 = arith.constant 4 : i32
    %broadcast_in_dim3A_256 = vector.broadcast %jit3A_255 : i32 to vector<160x128xi32>
    %select_n3A_257 = arith.select %gt3A_253, %broadcast_in_dim3A_256, %select_n3A_244 : vector<160x128xi1>, vector<160x128xi32>
    %slice3A_258 = vector.extract_strided_slice %get3A_2 {offsets = [9, 0, 0], sizes = [1, 160, 128], strides = [1, 1, 1]} : vector<84x160x128xf32> to vector<1x160x128xf32>
    %squeeze3A_259 = vector.shape_cast %slice3A_258 : vector<1x160x128xf32> to vector<160x128xf32>
    %logistic3A_260 = arith.negf %squeeze3A_259 : vector<160x128xf32>
    %logistic3A_261 = math.exp %logistic3A_260 : vector<160x128xf32>
    %logistic3A_262 = arith.constant 1.000000e+00 : f32
    %logistic3A_263 = vector.broadcast %logistic3A_262 : f32 to vector<160x128xf32>
    %logistic3A_264 = arith.addf %logistic3A_263, %logistic3A_261 : vector<160x128xf32>
    %logistic3A_265 = arith.divf %logistic3A_263, %logistic3A_264 : vector<160x128xf32>
    %gt3A_266 = arith.cmpf ogt, %logistic3A_265, %select_n3A_254 : vector<160x128xf32>
    %select_n3A_267 = arith.select %gt3A_266, %logistic3A_265, %select_n3A_254 : vector<160x128xi1>, vector<160x128xf32>
    %jit3A_268 = arith.constant 5 : i32
    %broadcast_in_dim3A_269 = vector.broadcast %jit3A_268 : i32 to vector<160x128xi32>
    %select_n3A_270 = arith.select %gt3A_266, %broadcast_in_dim3A_269, %select_n3A_257 : vector<160x128xi1>, vector<160x128xi32>
    %slice3A_271 = vector.extract_strided_slice %get3A_2 {offsets = [10, 0, 0], sizes = [1, 160, 128], strides = [1, 1, 1]} : vector<84x160x128xf32> to vector<1x160x128xf32>
    %squeeze3A_272 = vector.shape_cast %slice3A_271 : vector<1x160x128xf32> to vector<160x128xf32>
    %logistic3A_273 = arith.negf %squeeze3A_272 : vector<160x128xf32>
    %logistic3A_274 = math.exp %logistic3A_273 : vector<160x128xf32>
    %logistic3A_275 = arith.constant 1.000000e+00 : f32
    %logistic3A_276 = vector.broadcast %logistic3A_275 : f32 to vector<160x128xf32>
    %logistic3A_277 = arith.addf %logistic3A_276, %logistic3A_274 : vector<160x128xf32>
    %logistic3A_278 = arith.divf %logistic3A_276, %logistic3A_277 : vector<160x128xf32>
    %gt3A_279 = arith.cmpf ogt, %logistic3A_278, %select_n3A_267 : vector<160x128xf32>
    %select_n3A_280 = arith.select %gt3A_279, %logistic3A_278, %select_n3A_267 : vector<160x128xi1>, vector<160x128xf32>
    %jit3A_281 = arith.constant 6 : i32
    %broadcast_in_dim3A_282 = vector.broadcast %jit3A_281 : i32 to vector<160x128xi32>
    %select_n3A_283 = arith.select %gt3A_279, %broadcast_in_dim3A_282, %select_n3A_270 : vector<160x128xi1>, vector<160x128xi32>
    %slice3A_284 = vector.extract_strided_slice %get3A_2 {offsets = [11, 0, 0], sizes = [1, 160, 128], strides = [1, 1, 1]} : vector<84x160x128xf32> to vector<1x160x128xf32>
    %squeeze3A_285 = vector.shape_cast %slice3A_284 : vector<1x160x128xf32> to vector<160x128xf32>
    %logistic3A_286 = arith.negf %squeeze3A_285 : vector<160x128xf32>
    %logistic3A_287 = math.exp %logistic3A_286 : vector<160x128xf32>
    %logistic3A_288 = arith.constant 1.000000e+00 : f32
    %logistic3A_289 = vector.broadcast %logistic3A_288 : f32 to vector<160x128xf32>
    %logistic3A_290 = arith.addf %logistic3A_289, %logistic3A_287 : vector<160x128xf32>
    %logistic3A_291 = arith.divf %logistic3A_289, %logistic3A_290 : vector<160x128xf32>
    %gt3A_292 = arith.cmpf ogt, %logistic3A_291, %select_n3A_280 : vector<160x128xf32>
    %select_n3A_293 = arith.select %gt3A_292, %logistic3A_291, %select_n3A_280 : vector<160x128xi1>, vector<160x128xf32>
    %jit3A_294 = arith.constant 7 : i32
    %broadcast_in_dim3A_295 = vector.broadcast %jit3A_294 : i32 to vector<160x128xi32>
    %select_n3A_296 = arith.select %gt3A_292, %broadcast_in_dim3A_295, %select_n3A_283 : vector<160x128xi1>, vector<160x128xi32>
    %slice3A_297 = vector.extract_strided_slice %get3A_2 {offsets = [12, 0, 0], sizes = [1, 160, 128], strides = [1, 1, 1]} : vector<84x160x128xf32> to vector<1x160x128xf32>
    %squeeze3A_298 = vector.shape_cast %slice3A_297 : vector<1x160x128xf32> to vector<160x128xf32>
    %logistic3A_299 = arith.negf %squeeze3A_298 : vector<160x128xf32>
    %logistic3A_300 = math.exp %logistic3A_299 : vector<160x128xf32>
    %logistic3A_301 = arith.constant 1.000000e+00 : f32
    %logistic3A_302 = vector.broadcast %logistic3A_301 : f32 to vector<160x128xf32>
    %logistic3A_303 = arith.addf %logistic3A_302, %logistic3A_300 : vector<160x128xf32>
    %logistic3A_304 = arith.divf %logistic3A_302, %logistic3A_303 : vector<160x128xf32>
    %gt3A_305 = arith.cmpf ogt, %logistic3A_304, %select_n3A_293 : vector<160x128xf32>
    %select_n3A_306 = arith.select %gt3A_305, %logistic3A_304, %select_n3A_293 : vector<160x128xi1>, vector<160x128xf32>
    %jit3A_307 = arith.constant 8 : i32
    %broadcast_in_dim3A_308 = vector.broadcast %jit3A_307 : i32 to vector<160x128xi32>
    %select_n3A_309 = arith.select %gt3A_305, %broadcast_in_dim3A_308, %select_n3A_296 : vector<160x128xi1>, vector<160x128xi32>
    %slice3A_310 = vector.extract_strided_slice %get3A_2 {offsets = [13, 0, 0], sizes = [1, 160, 128], strides = [1, 1, 1]} : vector<84x160x128xf32> to vector<1x160x128xf32>
    %squeeze3A_311 = vector.shape_cast %slice3A_310 : vector<1x160x128xf32> to vector<160x128xf32>
    %logistic3A_312 = arith.negf %squeeze3A_311 : vector<160x128xf32>
    %logistic3A_313 = math.exp %logistic3A_312 : vector<160x128xf32>
    %logistic3A_314 = arith.constant 1.000000e+00 : f32
    %logistic3A_315 = vector.broadcast %logistic3A_314 : f32 to vector<160x128xf32>
    %logistic3A_316 = arith.addf %logistic3A_315, %logistic3A_313 : vector<160x128xf32>
    %logistic3A_317 = arith.divf %logistic3A_315, %logistic3A_316 : vector<160x128xf32>
    %gt3A_318 = arith.cmpf ogt, %logistic3A_317, %select_n3A_306 : vector<160x128xf32>
    %select_n3A_319 = arith.select %gt3A_318, %logistic3A_317, %select_n3A_306 : vector<160x128xi1>, vector<160x128xf32>
    %jit3A_320 = arith.constant 9 : i32
    %broadcast_in_dim3A_321 = vector.broadcast %jit3A_320 : i32 to vector<160x128xi32>
    %select_n3A_322 = arith.select %gt3A_318, %broadcast_in_dim3A_321, %select_n3A_309 : vector<160x128xi1>, vector<160x128xi32>
    %slice3A_323 = vector.extract_strided_slice %get3A_2 {offsets = [14, 0, 0], sizes = [1, 160, 128], strides = [1, 1, 1]} : vector<84x160x128xf32> to vector<1x160x128xf32>
    %squeeze3A_324 = vector.shape_cast %slice3A_323 : vector<1x160x128xf32> to vector<160x128xf32>
    %logistic3A_325 = arith.negf %squeeze3A_324 : vector<160x128xf32>
    %logistic3A_326 = math.exp %logistic3A_325 : vector<160x128xf32>
    %logistic3A_327 = arith.constant 1.000000e+00 : f32
    %logistic3A_328 = vector.broadcast %logistic3A_327 : f32 to vector<160x128xf32>
    %logistic3A_329 = arith.addf %logistic3A_328, %logistic3A_326 : vector<160x128xf32>
    %logistic3A_330 = arith.divf %logistic3A_328, %logistic3A_329 : vector<160x128xf32>
    %gt3A_331 = arith.cmpf ogt, %logistic3A_330, %select_n3A_319 : vector<160x128xf32>
    %select_n3A_332 = arith.select %gt3A_331, %logistic3A_330, %select_n3A_319 : vector<160x128xi1>, vector<160x128xf32>
    %jit3A_333 = arith.constant 10 : i32
    %broadcast_in_dim3A_334 = vector.broadcast %jit3A_333 : i32 to vector<160x128xi32>
    %select_n3A_335 = arith.select %gt3A_331, %broadcast_in_dim3A_334, %select_n3A_322 : vector<160x128xi1>, vector<160x128xi32>
    %slice3A_336 = vector.extract_strided_slice %get3A_2 {offsets = [15, 0, 0], sizes = [1, 160, 128], strides = [1, 1, 1]} : vector<84x160x128xf32> to vector<1x160x128xf32>
    %squeeze3A_337 = vector.shape_cast %slice3A_336 : vector<1x160x128xf32> to vector<160x128xf32>
    %logistic3A_338 = arith.negf %squeeze3A_337 : vector<160x128xf32>
    %logistic3A_339 = math.exp %logistic3A_338 : vector<160x128xf32>
    %logistic3A_340 = arith.constant 1.000000e+00 : f32
    %logistic3A_341 = vector.broadcast %logistic3A_340 : f32 to vector<160x128xf32>
    %logistic3A_342 = arith.addf %logistic3A_341, %logistic3A_339 : vector<160x128xf32>
    %logistic3A_343 = arith.divf %logistic3A_341, %logistic3A_342 : vector<160x128xf32>
    %gt3A_344 = arith.cmpf ogt, %logistic3A_343, %select_n3A_332 : vector<160x128xf32>
    %select_n3A_345 = arith.select %gt3A_344, %logistic3A_343, %select_n3A_332 : vector<160x128xi1>, vector<160x128xf32>
    %jit3A_346 = arith.constant 11 : i32
    %broadcast_in_dim3A_347 = vector.broadcast %jit3A_346 : i32 to vector<160x128xi32>
    %select_n3A_348 = arith.select %gt3A_344, %broadcast_in_dim3A_347, %select_n3A_335 : vector<160x128xi1>, vector<160x128xi32>
    %slice3A_349 = vector.extract_strided_slice %get3A_2 {offsets = [16, 0, 0], sizes = [1, 160, 128], strides = [1, 1, 1]} : vector<84x160x128xf32> to vector<1x160x128xf32>
    %squeeze3A_350 = vector.shape_cast %slice3A_349 : vector<1x160x128xf32> to vector<160x128xf32>
    %logistic3A_351 = arith.negf %squeeze3A_350 : vector<160x128xf32>
    %logistic3A_352 = math.exp %logistic3A_351 : vector<160x128xf32>
    %logistic3A_353 = arith.constant 1.000000e+00 : f32
    %logistic3A_354 = vector.broadcast %logistic3A_353 : f32 to vector<160x128xf32>
    %logistic3A_355 = arith.addf %logistic3A_354, %logistic3A_352 : vector<160x128xf32>
    %logistic3A_356 = arith.divf %logistic3A_354, %logistic3A_355 : vector<160x128xf32>
    %gt3A_357 = arith.cmpf ogt, %logistic3A_356, %select_n3A_345 : vector<160x128xf32>
    %select_n3A_358 = arith.select %gt3A_357, %logistic3A_356, %select_n3A_345 : vector<160x128xi1>, vector<160x128xf32>
    %jit3A_359 = arith.constant 12 : i32
    %broadcast_in_dim3A_360 = vector.broadcast %jit3A_359 : i32 to vector<160x128xi32>
    %select_n3A_361 = arith.select %gt3A_357, %broadcast_in_dim3A_360, %select_n3A_348 : vector<160x128xi1>, vector<160x128xi32>
    %slice3A_362 = vector.extract_strided_slice %get3A_2 {offsets = [17, 0, 0], sizes = [1, 160, 128], strides = [1, 1, 1]} : vector<84x160x128xf32> to vector<1x160x128xf32>
    %squeeze3A_363 = vector.shape_cast %slice3A_362 : vector<1x160x128xf32> to vector<160x128xf32>
    %logistic3A_364 = arith.negf %squeeze3A_363 : vector<160x128xf32>
    %logistic3A_365 = math.exp %logistic3A_364 : vector<160x128xf32>
    %logistic3A_366 = arith.constant 1.000000e+00 : f32
    %logistic3A_367 = vector.broadcast %logistic3A_366 : f32 to vector<160x128xf32>
    %logistic3A_368 = arith.addf %logistic3A_367, %logistic3A_365 : vector<160x128xf32>
    %logistic3A_369 = arith.divf %logistic3A_367, %logistic3A_368 : vector<160x128xf32>
    %gt3A_370 = arith.cmpf ogt, %logistic3A_369, %select_n3A_358 : vector<160x128xf32>
    %select_n3A_371 = arith.select %gt3A_370, %logistic3A_369, %select_n3A_358 : vector<160x128xi1>, vector<160x128xf32>
    %jit3A_372 = arith.constant 13 : i32
    %broadcast_in_dim3A_373 = vector.broadcast %jit3A_372 : i32 to vector<160x128xi32>
    %select_n3A_374 = arith.select %gt3A_370, %broadcast_in_dim3A_373, %select_n3A_361 : vector<160x128xi1>, vector<160x128xi32>
    %slice3A_375 = vector.extract_strided_slice %get3A_2 {offsets = [18, 0, 0], sizes = [1, 160, 128], strides = [1, 1, 1]} : vector<84x160x128xf32> to vector<1x160x128xf32>
    %squeeze3A_376 = vector.shape_cast %slice3A_375 : vector<1x160x128xf32> to vector<160x128xf32>
    %logistic3A_377 = arith.negf %squeeze3A_376 : vector<160x128xf32>
    %logistic3A_378 = math.exp %logistic3A_377 : vector<160x128xf32>
    %logistic3A_379 = arith.constant 1.000000e+00 : f32
    %logistic3A_380 = vector.broadcast %logistic3A_379 : f32 to vector<160x128xf32>
    %logistic3A_381 = arith.addf %logistic3A_380, %logistic3A_378 : vector<160x128xf32>
    %logistic3A_382 = arith.divf %logistic3A_380, %logistic3A_381 : vector<160x128xf32>
    %gt3A_383 = arith.cmpf ogt, %logistic3A_382, %select_n3A_371 : vector<160x128xf32>
    %select_n3A_384 = arith.select %gt3A_383, %logistic3A_382, %select_n3A_371 : vector<160x128xi1>, vector<160x128xf32>
    %jit3A_385 = arith.constant 14 : i32
    %broadcast_in_dim3A_386 = vector.broadcast %jit3A_385 : i32 to vector<160x128xi32>
    %select_n3A_387 = arith.select %gt3A_383, %broadcast_in_dim3A_386, %select_n3A_374 : vector<160x128xi1>, vector<160x128xi32>
    %slice3A_388 = vector.extract_strided_slice %get3A_2 {offsets = [19, 0, 0], sizes = [1, 160, 128], strides = [1, 1, 1]} : vector<84x160x128xf32> to vector<1x160x128xf32>
    %squeeze3A_389 = vector.shape_cast %slice3A_388 : vector<1x160x128xf32> to vector<160x128xf32>
    %logistic3A_390 = arith.negf %squeeze3A_389 : vector<160x128xf32>
    %logistic3A_391 = math.exp %logistic3A_390 : vector<160x128xf32>
    %logistic3A_392 = arith.constant 1.000000e+00 : f32
    %logistic3A_393 = vector.broadcast %logistic3A_392 : f32 to vector<160x128xf32>
    %logistic3A_394 = arith.addf %logistic3A_393, %logistic3A_391 : vector<160x128xf32>
    %logistic3A_395 = arith.divf %logistic3A_393, %logistic3A_394 : vector<160x128xf32>
    %gt3A_396 = arith.cmpf ogt, %logistic3A_395, %select_n3A_384 : vector<160x128xf32>
    %select_n3A_397 = arith.select %gt3A_396, %logistic3A_395, %select_n3A_384 : vector<160x128xi1>, vector<160x128xf32>
    %jit3A_398 = arith.constant 15 : i32
    %broadcast_in_dim3A_399 = vector.broadcast %jit3A_398 : i32 to vector<160x128xi32>
    %select_n3A_400 = arith.select %gt3A_396, %broadcast_in_dim3A_399, %select_n3A_387 : vector<160x128xi1>, vector<160x128xi32>
    %slice3A_401 = vector.extract_strided_slice %get3A_2 {offsets = [20, 0, 0], sizes = [1, 160, 128], strides = [1, 1, 1]} : vector<84x160x128xf32> to vector<1x160x128xf32>
    %squeeze3A_402 = vector.shape_cast %slice3A_401 : vector<1x160x128xf32> to vector<160x128xf32>
    %logistic3A_403 = arith.negf %squeeze3A_402 : vector<160x128xf32>
    %logistic3A_404 = math.exp %logistic3A_403 : vector<160x128xf32>
    %logistic3A_405 = arith.constant 1.000000e+00 : f32
    %logistic3A_406 = vector.broadcast %logistic3A_405 : f32 to vector<160x128xf32>
    %logistic3A_407 = arith.addf %logistic3A_406, %logistic3A_404 : vector<160x128xf32>
    %logistic3A_408 = arith.divf %logistic3A_406, %logistic3A_407 : vector<160x128xf32>
    %gt3A_409 = arith.cmpf ogt, %logistic3A_408, %select_n3A_397 : vector<160x128xf32>
    %select_n3A_410 = arith.select %gt3A_409, %logistic3A_408, %select_n3A_397 : vector<160x128xi1>, vector<160x128xf32>
    %jit3A_411 = arith.constant 16 : i32
    %broadcast_in_dim3A_412 = vector.broadcast %jit3A_411 : i32 to vector<160x128xi32>
    %select_n3A_413 = arith.select %gt3A_409, %broadcast_in_dim3A_412, %select_n3A_400 : vector<160x128xi1>, vector<160x128xi32>
    %slice3A_414 = vector.extract_strided_slice %get3A_2 {offsets = [21, 0, 0], sizes = [1, 160, 128], strides = [1, 1, 1]} : vector<84x160x128xf32> to vector<1x160x128xf32>
    %squeeze3A_415 = vector.shape_cast %slice3A_414 : vector<1x160x128xf32> to vector<160x128xf32>
    %logistic3A_416 = arith.negf %squeeze3A_415 : vector<160x128xf32>
    %logistic3A_417 = math.exp %logistic3A_416 : vector<160x128xf32>
    %logistic3A_418 = arith.constant 1.000000e+00 : f32
    %logistic3A_419 = vector.broadcast %logistic3A_418 : f32 to vector<160x128xf32>
    %logistic3A_420 = arith.addf %logistic3A_419, %logistic3A_417 : vector<160x128xf32>
    %logistic3A_421 = arith.divf %logistic3A_419, %logistic3A_420 : vector<160x128xf32>
    %gt3A_422 = arith.cmpf ogt, %logistic3A_421, %select_n3A_410 : vector<160x128xf32>
    %select_n3A_423 = arith.select %gt3A_422, %logistic3A_421, %select_n3A_410 : vector<160x128xi1>, vector<160x128xf32>
    %jit3A_424 = arith.constant 17 : i32
    %broadcast_in_dim3A_425 = vector.broadcast %jit3A_424 : i32 to vector<160x128xi32>
    %select_n3A_426 = arith.select %gt3A_422, %broadcast_in_dim3A_425, %select_n3A_413 : vector<160x128xi1>, vector<160x128xi32>
    %slice3A_427 = vector.extract_strided_slice %get3A_2 {offsets = [22, 0, 0], sizes = [1, 160, 128], strides = [1, 1, 1]} : vector<84x160x128xf32> to vector<1x160x128xf32>
    %squeeze3A_428 = vector.shape_cast %slice3A_427 : vector<1x160x128xf32> to vector<160x128xf32>
    %logistic3A_429 = arith.negf %squeeze3A_428 : vector<160x128xf32>
    %logistic3A_430 = math.exp %logistic3A_429 : vector<160x128xf32>
    %logistic3A_431 = arith.constant 1.000000e+00 : f32
    %logistic3A_432 = vector.broadcast %logistic3A_431 : f32 to vector<160x128xf32>
    %logistic3A_433 = arith.addf %logistic3A_432, %logistic3A_430 : vector<160x128xf32>
    %logistic3A_434 = arith.divf %logistic3A_432, %logistic3A_433 : vector<160x128xf32>
    %gt3A_435 = arith.cmpf ogt, %logistic3A_434, %select_n3A_423 : vector<160x128xf32>
    %select_n3A_436 = arith.select %gt3A_435, %logistic3A_434, %select_n3A_423 : vector<160x128xi1>, vector<160x128xf32>
    %jit3A_437 = arith.constant 18 : i32
    %broadcast_in_dim3A_438 = vector.broadcast %jit3A_437 : i32 to vector<160x128xi32>
    %select_n3A_439 = arith.select %gt3A_435, %broadcast_in_dim3A_438, %select_n3A_426 : vector<160x128xi1>, vector<160x128xi32>
    %slice3A_440 = vector.extract_strided_slice %get3A_2 {offsets = [23, 0, 0], sizes = [1, 160, 128], strides = [1, 1, 1]} : vector<84x160x128xf32> to vector<1x160x128xf32>
    %squeeze3A_441 = vector.shape_cast %slice3A_440 : vector<1x160x128xf32> to vector<160x128xf32>
    %logistic3A_442 = arith.negf %squeeze3A_441 : vector<160x128xf32>
    %logistic3A_443 = math.exp %logistic3A_442 : vector<160x128xf32>
    %logistic3A_444 = arith.constant 1.000000e+00 : f32
    %logistic3A_445 = vector.broadcast %logistic3A_444 : f32 to vector<160x128xf32>
    %logistic3A_446 = arith.addf %logistic3A_445, %logistic3A_443 : vector<160x128xf32>
    %logistic3A_447 = arith.divf %logistic3A_445, %logistic3A_446 : vector<160x128xf32>
    %gt3A_448 = arith.cmpf ogt, %logistic3A_447, %select_n3A_436 : vector<160x128xf32>
    %select_n3A_449 = arith.select %gt3A_448, %logistic3A_447, %select_n3A_436 : vector<160x128xi1>, vector<160x128xf32>
    %jit3A_450 = arith.constant 19 : i32
    %broadcast_in_dim3A_451 = vector.broadcast %jit3A_450 : i32 to vector<160x128xi32>
    %select_n3A_452 = arith.select %gt3A_448, %broadcast_in_dim3A_451, %select_n3A_439 : vector<160x128xi1>, vector<160x128xi32>
    %slice3A_453 = vector.extract_strided_slice %get3A_2 {offsets = [24, 0, 0], sizes = [1, 160, 128], strides = [1, 1, 1]} : vector<84x160x128xf32> to vector<1x160x128xf32>
    %squeeze3A_454 = vector.shape_cast %slice3A_453 : vector<1x160x128xf32> to vector<160x128xf32>
    %logistic3A_455 = arith.negf %squeeze3A_454 : vector<160x128xf32>
    %logistic3A_456 = math.exp %logistic3A_455 : vector<160x128xf32>
    %logistic3A_457 = arith.constant 1.000000e+00 : f32
    %logistic3A_458 = vector.broadcast %logistic3A_457 : f32 to vector<160x128xf32>
    %logistic3A_459 = arith.addf %logistic3A_458, %logistic3A_456 : vector<160x128xf32>
    %logistic3A_460 = arith.divf %logistic3A_458, %logistic3A_459 : vector<160x128xf32>
    %gt3A_461 = arith.cmpf ogt, %logistic3A_460, %select_n3A_449 : vector<160x128xf32>
    %select_n3A_462 = arith.select %gt3A_461, %logistic3A_460, %select_n3A_449 : vector<160x128xi1>, vector<160x128xf32>
    %jit3A_463 = arith.constant 20 : i32
    %broadcast_in_dim3A_464 = vector.broadcast %jit3A_463 : i32 to vector<160x128xi32>
    %select_n3A_465 = arith.select %gt3A_461, %broadcast_in_dim3A_464, %select_n3A_452 : vector<160x128xi1>, vector<160x128xi32>
    %slice3A_466 = vector.extract_strided_slice %get3A_2 {offsets = [25, 0, 0], sizes = [1, 160, 128], strides = [1, 1, 1]} : vector<84x160x128xf32> to vector<1x160x128xf32>
    %squeeze3A_467 = vector.shape_cast %slice3A_466 : vector<1x160x128xf32> to vector<160x128xf32>
    %logistic3A_468 = arith.negf %squeeze3A_467 : vector<160x128xf32>
    %logistic3A_469 = math.exp %logistic3A_468 : vector<160x128xf32>
    %logistic3A_470 = arith.constant 1.000000e+00 : f32
    %logistic3A_471 = vector.broadcast %logistic3A_470 : f32 to vector<160x128xf32>
    %logistic3A_472 = arith.addf %logistic3A_471, %logistic3A_469 : vector<160x128xf32>
    %logistic3A_473 = arith.divf %logistic3A_471, %logistic3A_472 : vector<160x128xf32>
    %gt3A_474 = arith.cmpf ogt, %logistic3A_473, %select_n3A_462 : vector<160x128xf32>
    %select_n3A_475 = arith.select %gt3A_474, %logistic3A_473, %select_n3A_462 : vector<160x128xi1>, vector<160x128xf32>
    %jit3A_476 = arith.constant 21 : i32
    %broadcast_in_dim3A_477 = vector.broadcast %jit3A_476 : i32 to vector<160x128xi32>
    %select_n3A_478 = arith.select %gt3A_474, %broadcast_in_dim3A_477, %select_n3A_465 : vector<160x128xi1>, vector<160x128xi32>
    %slice3A_479 = vector.extract_strided_slice %get3A_2 {offsets = [26, 0, 0], sizes = [1, 160, 128], strides = [1, 1, 1]} : vector<84x160x128xf32> to vector<1x160x128xf32>
    %squeeze3A_480 = vector.shape_cast %slice3A_479 : vector<1x160x128xf32> to vector<160x128xf32>
    %logistic3A_481 = arith.negf %squeeze3A_480 : vector<160x128xf32>
    %logistic3A_482 = math.exp %logistic3A_481 : vector<160x128xf32>
    %logistic3A_483 = arith.constant 1.000000e+00 : f32
    %logistic3A_484 = vector.broadcast %logistic3A_483 : f32 to vector<160x128xf32>
    %logistic3A_485 = arith.addf %logistic3A_484, %logistic3A_482 : vector<160x128xf32>
    %logistic3A_486 = arith.divf %logistic3A_484, %logistic3A_485 : vector<160x128xf32>
    %gt3A_487 = arith.cmpf ogt, %logistic3A_486, %select_n3A_475 : vector<160x128xf32>
    %select_n3A_488 = arith.select %gt3A_487, %logistic3A_486, %select_n3A_475 : vector<160x128xi1>, vector<160x128xf32>
    %jit3A_489 = arith.constant 22 : i32
    %broadcast_in_dim3A_490 = vector.broadcast %jit3A_489 : i32 to vector<160x128xi32>
    %select_n3A_491 = arith.select %gt3A_487, %broadcast_in_dim3A_490, %select_n3A_478 : vector<160x128xi1>, vector<160x128xi32>
    %slice3A_492 = vector.extract_strided_slice %get3A_2 {offsets = [27, 0, 0], sizes = [1, 160, 128], strides = [1, 1, 1]} : vector<84x160x128xf32> to vector<1x160x128xf32>
    %squeeze3A_493 = vector.shape_cast %slice3A_492 : vector<1x160x128xf32> to vector<160x128xf32>
    %logistic3A_494 = arith.negf %squeeze3A_493 : vector<160x128xf32>
    %logistic3A_495 = math.exp %logistic3A_494 : vector<160x128xf32>
    %logistic3A_496 = arith.constant 1.000000e+00 : f32
    %logistic3A_497 = vector.broadcast %logistic3A_496 : f32 to vector<160x128xf32>
    %logistic3A_498 = arith.addf %logistic3A_497, %logistic3A_495 : vector<160x128xf32>
    %logistic3A_499 = arith.divf %logistic3A_497, %logistic3A_498 : vector<160x128xf32>
    %gt3A_500 = arith.cmpf ogt, %logistic3A_499, %select_n3A_488 : vector<160x128xf32>
    %select_n3A_501 = arith.select %gt3A_500, %logistic3A_499, %select_n3A_488 : vector<160x128xi1>, vector<160x128xf32>
    %jit3A_502 = arith.constant 23 : i32
    %broadcast_in_dim3A_503 = vector.broadcast %jit3A_502 : i32 to vector<160x128xi32>
    %select_n3A_504 = arith.select %gt3A_500, %broadcast_in_dim3A_503, %select_n3A_491 : vector<160x128xi1>, vector<160x128xi32>
    %slice3A_505 = vector.extract_strided_slice %get3A_2 {offsets = [28, 0, 0], sizes = [1, 160, 128], strides = [1, 1, 1]} : vector<84x160x128xf32> to vector<1x160x128xf32>
    %squeeze3A_506 = vector.shape_cast %slice3A_505 : vector<1x160x128xf32> to vector<160x128xf32>
    %logistic3A_507 = arith.negf %squeeze3A_506 : vector<160x128xf32>
    %logistic3A_508 = math.exp %logistic3A_507 : vector<160x128xf32>
    %logistic3A_509 = arith.constant 1.000000e+00 : f32
    %logistic3A_510 = vector.broadcast %logistic3A_509 : f32 to vector<160x128xf32>
    %logistic3A_511 = arith.addf %logistic3A_510, %logistic3A_508 : vector<160x128xf32>
    %logistic3A_512 = arith.divf %logistic3A_510, %logistic3A_511 : vector<160x128xf32>
    %gt3A_513 = arith.cmpf ogt, %logistic3A_512, %select_n3A_501 : vector<160x128xf32>
    %select_n3A_514 = arith.select %gt3A_513, %logistic3A_512, %select_n3A_501 : vector<160x128xi1>, vector<160x128xf32>
    %jit3A_515 = arith.constant 24 : i32
    %broadcast_in_dim3A_516 = vector.broadcast %jit3A_515 : i32 to vector<160x128xi32>
    %select_n3A_517 = arith.select %gt3A_513, %broadcast_in_dim3A_516, %select_n3A_504 : vector<160x128xi1>, vector<160x128xi32>
    %slice3A_518 = vector.extract_strided_slice %get3A_2 {offsets = [29, 0, 0], sizes = [1, 160, 128], strides = [1, 1, 1]} : vector<84x160x128xf32> to vector<1x160x128xf32>
    %squeeze3A_519 = vector.shape_cast %slice3A_518 : vector<1x160x128xf32> to vector<160x128xf32>
    %logistic3A_520 = arith.negf %squeeze3A_519 : vector<160x128xf32>
    %logistic3A_521 = math.exp %logistic3A_520 : vector<160x128xf32>
    %logistic3A_522 = arith.constant 1.000000e+00 : f32
    %logistic3A_523 = vector.broadcast %logistic3A_522 : f32 to vector<160x128xf32>
    %logistic3A_524 = arith.addf %logistic3A_523, %logistic3A_521 : vector<160x128xf32>
    %logistic3A_525 = arith.divf %logistic3A_523, %logistic3A_524 : vector<160x128xf32>
    %gt3A_526 = arith.cmpf ogt, %logistic3A_525, %select_n3A_514 : vector<160x128xf32>
    %select_n3A_527 = arith.select %gt3A_526, %logistic3A_525, %select_n3A_514 : vector<160x128xi1>, vector<160x128xf32>
    %jit3A_528 = arith.constant 25 : i32
    %broadcast_in_dim3A_529 = vector.broadcast %jit3A_528 : i32 to vector<160x128xi32>
    %select_n3A_530 = arith.select %gt3A_526, %broadcast_in_dim3A_529, %select_n3A_517 : vector<160x128xi1>, vector<160x128xi32>
    %slice3A_531 = vector.extract_strided_slice %get3A_2 {offsets = [30, 0, 0], sizes = [1, 160, 128], strides = [1, 1, 1]} : vector<84x160x128xf32> to vector<1x160x128xf32>
    %squeeze3A_532 = vector.shape_cast %slice3A_531 : vector<1x160x128xf32> to vector<160x128xf32>
    %logistic3A_533 = arith.negf %squeeze3A_532 : vector<160x128xf32>
    %logistic3A_534 = math.exp %logistic3A_533 : vector<160x128xf32>
    %logistic3A_535 = arith.constant 1.000000e+00 : f32
    %logistic3A_536 = vector.broadcast %logistic3A_535 : f32 to vector<160x128xf32>
    %logistic3A_537 = arith.addf %logistic3A_536, %logistic3A_534 : vector<160x128xf32>
    %logistic3A_538 = arith.divf %logistic3A_536, %logistic3A_537 : vector<160x128xf32>
    %gt3A_539 = arith.cmpf ogt, %logistic3A_538, %select_n3A_527 : vector<160x128xf32>
    %select_n3A_540 = arith.select %gt3A_539, %logistic3A_538, %select_n3A_527 : vector<160x128xi1>, vector<160x128xf32>
    %jit3A_541 = arith.constant 26 : i32
    %broadcast_in_dim3A_542 = vector.broadcast %jit3A_541 : i32 to vector<160x128xi32>
    %select_n3A_543 = arith.select %gt3A_539, %broadcast_in_dim3A_542, %select_n3A_530 : vector<160x128xi1>, vector<160x128xi32>
    %slice3A_544 = vector.extract_strided_slice %get3A_2 {offsets = [31, 0, 0], sizes = [1, 160, 128], strides = [1, 1, 1]} : vector<84x160x128xf32> to vector<1x160x128xf32>
    %squeeze3A_545 = vector.shape_cast %slice3A_544 : vector<1x160x128xf32> to vector<160x128xf32>
    %logistic3A_546 = arith.negf %squeeze3A_545 : vector<160x128xf32>
    %logistic3A_547 = math.exp %logistic3A_546 : vector<160x128xf32>
    %logistic3A_548 = arith.constant 1.000000e+00 : f32
    %logistic3A_549 = vector.broadcast %logistic3A_548 : f32 to vector<160x128xf32>
    %logistic3A_550 = arith.addf %logistic3A_549, %logistic3A_547 : vector<160x128xf32>
    %logistic3A_551 = arith.divf %logistic3A_549, %logistic3A_550 : vector<160x128xf32>
    %gt3A_552 = arith.cmpf ogt, %logistic3A_551, %select_n3A_540 : vector<160x128xf32>
    %select_n3A_553 = arith.select %gt3A_552, %logistic3A_551, %select_n3A_540 : vector<160x128xi1>, vector<160x128xf32>
    %jit3A_554 = arith.constant 27 : i32
    %broadcast_in_dim3A_555 = vector.broadcast %jit3A_554 : i32 to vector<160x128xi32>
    %select_n3A_556 = arith.select %gt3A_552, %broadcast_in_dim3A_555, %select_n3A_543 : vector<160x128xi1>, vector<160x128xi32>
    %slice3A_557 = vector.extract_strided_slice %get3A_2 {offsets = [32, 0, 0], sizes = [1, 160, 128], strides = [1, 1, 1]} : vector<84x160x128xf32> to vector<1x160x128xf32>
    %squeeze3A_558 = vector.shape_cast %slice3A_557 : vector<1x160x128xf32> to vector<160x128xf32>
    %logistic3A_559 = arith.negf %squeeze3A_558 : vector<160x128xf32>
    %logistic3A_560 = math.exp %logistic3A_559 : vector<160x128xf32>
    %logistic3A_561 = arith.constant 1.000000e+00 : f32
    %logistic3A_562 = vector.broadcast %logistic3A_561 : f32 to vector<160x128xf32>
    %logistic3A_563 = arith.addf %logistic3A_562, %logistic3A_560 : vector<160x128xf32>
    %logistic3A_564 = arith.divf %logistic3A_562, %logistic3A_563 : vector<160x128xf32>
    %gt3A_565 = arith.cmpf ogt, %logistic3A_564, %select_n3A_553 : vector<160x128xf32>
    %select_n3A_566 = arith.select %gt3A_565, %logistic3A_564, %select_n3A_553 : vector<160x128xi1>, vector<160x128xf32>
    %jit3A_567 = arith.constant 28 : i32
    %broadcast_in_dim3A_568 = vector.broadcast %jit3A_567 : i32 to vector<160x128xi32>
    %select_n3A_569 = arith.select %gt3A_565, %broadcast_in_dim3A_568, %select_n3A_556 : vector<160x128xi1>, vector<160x128xi32>
    %slice3A_570 = vector.extract_strided_slice %get3A_2 {offsets = [33, 0, 0], sizes = [1, 160, 128], strides = [1, 1, 1]} : vector<84x160x128xf32> to vector<1x160x128xf32>
    %squeeze3A_571 = vector.shape_cast %slice3A_570 : vector<1x160x128xf32> to vector<160x128xf32>
    %logistic3A_572 = arith.negf %squeeze3A_571 : vector<160x128xf32>
    %logistic3A_573 = math.exp %logistic3A_572 : vector<160x128xf32>
    %logistic3A_574 = arith.constant 1.000000e+00 : f32
    %logistic3A_575 = vector.broadcast %logistic3A_574 : f32 to vector<160x128xf32>
    %logistic3A_576 = arith.addf %logistic3A_575, %logistic3A_573 : vector<160x128xf32>
    %logistic3A_577 = arith.divf %logistic3A_575, %logistic3A_576 : vector<160x128xf32>
    %gt3A_578 = arith.cmpf ogt, %logistic3A_577, %select_n3A_566 : vector<160x128xf32>
    %select_n3A_579 = arith.select %gt3A_578, %logistic3A_577, %select_n3A_566 : vector<160x128xi1>, vector<160x128xf32>
    %jit3A_580 = arith.constant 29 : i32
    %broadcast_in_dim3A_581 = vector.broadcast %jit3A_580 : i32 to vector<160x128xi32>
    %select_n3A_582 = arith.select %gt3A_578, %broadcast_in_dim3A_581, %select_n3A_569 : vector<160x128xi1>, vector<160x128xi32>
    %slice3A_583 = vector.extract_strided_slice %get3A_2 {offsets = [34, 0, 0], sizes = [1, 160, 128], strides = [1, 1, 1]} : vector<84x160x128xf32> to vector<1x160x128xf32>
    %squeeze3A_584 = vector.shape_cast %slice3A_583 : vector<1x160x128xf32> to vector<160x128xf32>
    %logistic3A_585 = arith.negf %squeeze3A_584 : vector<160x128xf32>
    %logistic3A_586 = math.exp %logistic3A_585 : vector<160x128xf32>
    %logistic3A_587 = arith.constant 1.000000e+00 : f32
    %logistic3A_588 = vector.broadcast %logistic3A_587 : f32 to vector<160x128xf32>
    %logistic3A_589 = arith.addf %logistic3A_588, %logistic3A_586 : vector<160x128xf32>
    %logistic3A_590 = arith.divf %logistic3A_588, %logistic3A_589 : vector<160x128xf32>
    %gt3A_591 = arith.cmpf ogt, %logistic3A_590, %select_n3A_579 : vector<160x128xf32>
    %select_n3A_592 = arith.select %gt3A_591, %logistic3A_590, %select_n3A_579 : vector<160x128xi1>, vector<160x128xf32>
    %jit3A_593 = arith.constant 30 : i32
    %broadcast_in_dim3A_594 = vector.broadcast %jit3A_593 : i32 to vector<160x128xi32>
    %select_n3A_595 = arith.select %gt3A_591, %broadcast_in_dim3A_594, %select_n3A_582 : vector<160x128xi1>, vector<160x128xi32>
    %slice3A_596 = vector.extract_strided_slice %get3A_2 {offsets = [35, 0, 0], sizes = [1, 160, 128], strides = [1, 1, 1]} : vector<84x160x128xf32> to vector<1x160x128xf32>
    %squeeze3A_597 = vector.shape_cast %slice3A_596 : vector<1x160x128xf32> to vector<160x128xf32>
    %logistic3A_598 = arith.negf %squeeze3A_597 : vector<160x128xf32>
    %logistic3A_599 = math.exp %logistic3A_598 : vector<160x128xf32>
    %logistic3A_600 = arith.constant 1.000000e+00 : f32
    %logistic3A_601 = vector.broadcast %logistic3A_600 : f32 to vector<160x128xf32>
    %logistic3A_602 = arith.addf %logistic3A_601, %logistic3A_599 : vector<160x128xf32>
    %logistic3A_603 = arith.divf %logistic3A_601, %logistic3A_602 : vector<160x128xf32>
    %gt3A_604 = arith.cmpf ogt, %logistic3A_603, %select_n3A_592 : vector<160x128xf32>
    %select_n3A_605 = arith.select %gt3A_604, %logistic3A_603, %select_n3A_592 : vector<160x128xi1>, vector<160x128xf32>
    %jit3A_606 = arith.constant 31 : i32
    %broadcast_in_dim3A_607 = vector.broadcast %jit3A_606 : i32 to vector<160x128xi32>
    %select_n3A_608 = arith.select %gt3A_604, %broadcast_in_dim3A_607, %select_n3A_595 : vector<160x128xi1>, vector<160x128xi32>
    %slice3A_609 = vector.extract_strided_slice %get3A_2 {offsets = [36, 0, 0], sizes = [1, 160, 128], strides = [1, 1, 1]} : vector<84x160x128xf32> to vector<1x160x128xf32>
    %squeeze3A_610 = vector.shape_cast %slice3A_609 : vector<1x160x128xf32> to vector<160x128xf32>
    %logistic3A_611 = arith.negf %squeeze3A_610 : vector<160x128xf32>
    %logistic3A_612 = math.exp %logistic3A_611 : vector<160x128xf32>
    %logistic3A_613 = arith.constant 1.000000e+00 : f32
    %logistic3A_614 = vector.broadcast %logistic3A_613 : f32 to vector<160x128xf32>
    %logistic3A_615 = arith.addf %logistic3A_614, %logistic3A_612 : vector<160x128xf32>
    %logistic3A_616 = arith.divf %logistic3A_614, %logistic3A_615 : vector<160x128xf32>
    %gt3A_617 = arith.cmpf ogt, %logistic3A_616, %select_n3A_605 : vector<160x128xf32>
    %select_n3A_618 = arith.select %gt3A_617, %logistic3A_616, %select_n3A_605 : vector<160x128xi1>, vector<160x128xf32>
    %jit3A_619 = arith.constant 32 : i32
    %broadcast_in_dim3A_620 = vector.broadcast %jit3A_619 : i32 to vector<160x128xi32>
    %select_n3A_621 = arith.select %gt3A_617, %broadcast_in_dim3A_620, %select_n3A_608 : vector<160x128xi1>, vector<160x128xi32>
    %slice3A_622 = vector.extract_strided_slice %get3A_2 {offsets = [37, 0, 0], sizes = [1, 160, 128], strides = [1, 1, 1]} : vector<84x160x128xf32> to vector<1x160x128xf32>
    %squeeze3A_623 = vector.shape_cast %slice3A_622 : vector<1x160x128xf32> to vector<160x128xf32>
    %logistic3A_624 = arith.negf %squeeze3A_623 : vector<160x128xf32>
    %logistic3A_625 = math.exp %logistic3A_624 : vector<160x128xf32>
    %logistic3A_626 = arith.constant 1.000000e+00 : f32
    %logistic3A_627 = vector.broadcast %logistic3A_626 : f32 to vector<160x128xf32>
    %logistic3A_628 = arith.addf %logistic3A_627, %logistic3A_625 : vector<160x128xf32>
    %logistic3A_629 = arith.divf %logistic3A_627, %logistic3A_628 : vector<160x128xf32>
    %gt3A_630 = arith.cmpf ogt, %logistic3A_629, %select_n3A_618 : vector<160x128xf32>
    %select_n3A_631 = arith.select %gt3A_630, %logistic3A_629, %select_n3A_618 : vector<160x128xi1>, vector<160x128xf32>
    %jit3A_632 = arith.constant 33 : i32
    %broadcast_in_dim3A_633 = vector.broadcast %jit3A_632 : i32 to vector<160x128xi32>
    %select_n3A_634 = arith.select %gt3A_630, %broadcast_in_dim3A_633, %select_n3A_621 : vector<160x128xi1>, vector<160x128xi32>
    %slice3A_635 = vector.extract_strided_slice %get3A_2 {offsets = [38, 0, 0], sizes = [1, 160, 128], strides = [1, 1, 1]} : vector<84x160x128xf32> to vector<1x160x128xf32>
    %squeeze3A_636 = vector.shape_cast %slice3A_635 : vector<1x160x128xf32> to vector<160x128xf32>
    %logistic3A_637 = arith.negf %squeeze3A_636 : vector<160x128xf32>
    %logistic3A_638 = math.exp %logistic3A_637 : vector<160x128xf32>
    %logistic3A_639 = arith.constant 1.000000e+00 : f32
    %logistic3A_640 = vector.broadcast %logistic3A_639 : f32 to vector<160x128xf32>
    %logistic3A_641 = arith.addf %logistic3A_640, %logistic3A_638 : vector<160x128xf32>
    %logistic3A_642 = arith.divf %logistic3A_640, %logistic3A_641 : vector<160x128xf32>
    %gt3A_643 = arith.cmpf ogt, %logistic3A_642, %select_n3A_631 : vector<160x128xf32>
    %select_n3A_644 = arith.select %gt3A_643, %logistic3A_642, %select_n3A_631 : vector<160x128xi1>, vector<160x128xf32>
    %jit3A_645 = arith.constant 34 : i32
    %broadcast_in_dim3A_646 = vector.broadcast %jit3A_645 : i32 to vector<160x128xi32>
    %select_n3A_647 = arith.select %gt3A_643, %broadcast_in_dim3A_646, %select_n3A_634 : vector<160x128xi1>, vector<160x128xi32>
    %slice3A_648 = vector.extract_strided_slice %get3A_2 {offsets = [39, 0, 0], sizes = [1, 160, 128], strides = [1, 1, 1]} : vector<84x160x128xf32> to vector<1x160x128xf32>
    %squeeze3A_649 = vector.shape_cast %slice3A_648 : vector<1x160x128xf32> to vector<160x128xf32>
    %logistic3A_650 = arith.negf %squeeze3A_649 : vector<160x128xf32>
    %logistic3A_651 = math.exp %logistic3A_650 : vector<160x128xf32>
    %logistic3A_652 = arith.constant 1.000000e+00 : f32
    %logistic3A_653 = vector.broadcast %logistic3A_652 : f32 to vector<160x128xf32>
    %logistic3A_654 = arith.addf %logistic3A_653, %logistic3A_651 : vector<160x128xf32>
    %logistic3A_655 = arith.divf %logistic3A_653, %logistic3A_654 : vector<160x128xf32>
    %gt3A_656 = arith.cmpf ogt, %logistic3A_655, %select_n3A_644 : vector<160x128xf32>
    %select_n3A_657 = arith.select %gt3A_656, %logistic3A_655, %select_n3A_644 : vector<160x128xi1>, vector<160x128xf32>
    %jit3A_658 = arith.constant 35 : i32
    %broadcast_in_dim3A_659 = vector.broadcast %jit3A_658 : i32 to vector<160x128xi32>
    %select_n3A_660 = arith.select %gt3A_656, %broadcast_in_dim3A_659, %select_n3A_647 : vector<160x128xi1>, vector<160x128xi32>
    %slice3A_661 = vector.extract_strided_slice %get3A_2 {offsets = [40, 0, 0], sizes = [1, 160, 128], strides = [1, 1, 1]} : vector<84x160x128xf32> to vector<1x160x128xf32>
    %squeeze3A_662 = vector.shape_cast %slice3A_661 : vector<1x160x128xf32> to vector<160x128xf32>
    %logistic3A_663 = arith.negf %squeeze3A_662 : vector<160x128xf32>
    %logistic3A_664 = math.exp %logistic3A_663 : vector<160x128xf32>
    %logistic3A_665 = arith.constant 1.000000e+00 : f32
    %logistic3A_666 = vector.broadcast %logistic3A_665 : f32 to vector<160x128xf32>
    %logistic3A_667 = arith.addf %logistic3A_666, %logistic3A_664 : vector<160x128xf32>
    %logistic3A_668 = arith.divf %logistic3A_666, %logistic3A_667 : vector<160x128xf32>
    %gt3A_669 = arith.cmpf ogt, %logistic3A_668, %select_n3A_657 : vector<160x128xf32>
    %select_n3A_670 = arith.select %gt3A_669, %logistic3A_668, %select_n3A_657 : vector<160x128xi1>, vector<160x128xf32>
    %jit3A_671 = arith.constant 36 : i32
    %broadcast_in_dim3A_672 = vector.broadcast %jit3A_671 : i32 to vector<160x128xi32>
    %select_n3A_673 = arith.select %gt3A_669, %broadcast_in_dim3A_672, %select_n3A_660 : vector<160x128xi1>, vector<160x128xi32>
    %slice3A_674 = vector.extract_strided_slice %get3A_2 {offsets = [41, 0, 0], sizes = [1, 160, 128], strides = [1, 1, 1]} : vector<84x160x128xf32> to vector<1x160x128xf32>
    %squeeze3A_675 = vector.shape_cast %slice3A_674 : vector<1x160x128xf32> to vector<160x128xf32>
    %logistic3A_676 = arith.negf %squeeze3A_675 : vector<160x128xf32>
    %logistic3A_677 = math.exp %logistic3A_676 : vector<160x128xf32>
    %logistic3A_678 = arith.constant 1.000000e+00 : f32
    %logistic3A_679 = vector.broadcast %logistic3A_678 : f32 to vector<160x128xf32>
    %logistic3A_680 = arith.addf %logistic3A_679, %logistic3A_677 : vector<160x128xf32>
    %logistic3A_681 = arith.divf %logistic3A_679, %logistic3A_680 : vector<160x128xf32>
    %gt3A_682 = arith.cmpf ogt, %logistic3A_681, %select_n3A_670 : vector<160x128xf32>
    %select_n3A_683 = arith.select %gt3A_682, %logistic3A_681, %select_n3A_670 : vector<160x128xi1>, vector<160x128xf32>
    %jit3A_684 = arith.constant 37 : i32
    %broadcast_in_dim3A_685 = vector.broadcast %jit3A_684 : i32 to vector<160x128xi32>
    %select_n3A_686 = arith.select %gt3A_682, %broadcast_in_dim3A_685, %select_n3A_673 : vector<160x128xi1>, vector<160x128xi32>
    %slice3A_687 = vector.extract_strided_slice %get3A_2 {offsets = [42, 0, 0], sizes = [1, 160, 128], strides = [1, 1, 1]} : vector<84x160x128xf32> to vector<1x160x128xf32>
    %squeeze3A_688 = vector.shape_cast %slice3A_687 : vector<1x160x128xf32> to vector<160x128xf32>
    %logistic3A_689 = arith.negf %squeeze3A_688 : vector<160x128xf32>
    %logistic3A_690 = math.exp %logistic3A_689 : vector<160x128xf32>
    %logistic3A_691 = arith.constant 1.000000e+00 : f32
    %logistic3A_692 = vector.broadcast %logistic3A_691 : f32 to vector<160x128xf32>
    %logistic3A_693 = arith.addf %logistic3A_692, %logistic3A_690 : vector<160x128xf32>
    %logistic3A_694 = arith.divf %logistic3A_692, %logistic3A_693 : vector<160x128xf32>
    %gt3A_695 = arith.cmpf ogt, %logistic3A_694, %select_n3A_683 : vector<160x128xf32>
    %select_n3A_696 = arith.select %gt3A_695, %logistic3A_694, %select_n3A_683 : vector<160x128xi1>, vector<160x128xf32>
    %jit3A_697 = arith.constant 38 : i32
    %broadcast_in_dim3A_698 = vector.broadcast %jit3A_697 : i32 to vector<160x128xi32>
    %select_n3A_699 = arith.select %gt3A_695, %broadcast_in_dim3A_698, %select_n3A_686 : vector<160x128xi1>, vector<160x128xi32>
    %slice3A_700 = vector.extract_strided_slice %get3A_2 {offsets = [43, 0, 0], sizes = [1, 160, 128], strides = [1, 1, 1]} : vector<84x160x128xf32> to vector<1x160x128xf32>
    %squeeze3A_701 = vector.shape_cast %slice3A_700 : vector<1x160x128xf32> to vector<160x128xf32>
    %logistic3A_702 = arith.negf %squeeze3A_701 : vector<160x128xf32>
    %logistic3A_703 = math.exp %logistic3A_702 : vector<160x128xf32>
    %logistic3A_704 = arith.constant 1.000000e+00 : f32
    %logistic3A_705 = vector.broadcast %logistic3A_704 : f32 to vector<160x128xf32>
    %logistic3A_706 = arith.addf %logistic3A_705, %logistic3A_703 : vector<160x128xf32>
    %logistic3A_707 = arith.divf %logistic3A_705, %logistic3A_706 : vector<160x128xf32>
    %gt3A_708 = arith.cmpf ogt, %logistic3A_707, %select_n3A_696 : vector<160x128xf32>
    %select_n3A_709 = arith.select %gt3A_708, %logistic3A_707, %select_n3A_696 : vector<160x128xi1>, vector<160x128xf32>
    %jit3A_710 = arith.constant 39 : i32
    %broadcast_in_dim3A_711 = vector.broadcast %jit3A_710 : i32 to vector<160x128xi32>
    %select_n3A_712 = arith.select %gt3A_708, %broadcast_in_dim3A_711, %select_n3A_699 : vector<160x128xi1>, vector<160x128xi32>
    %slice3A_713 = vector.extract_strided_slice %get3A_2 {offsets = [44, 0, 0], sizes = [1, 160, 128], strides = [1, 1, 1]} : vector<84x160x128xf32> to vector<1x160x128xf32>
    %squeeze3A_714 = vector.shape_cast %slice3A_713 : vector<1x160x128xf32> to vector<160x128xf32>
    %logistic3A_715 = arith.negf %squeeze3A_714 : vector<160x128xf32>
    %logistic3A_716 = math.exp %logistic3A_715 : vector<160x128xf32>
    %logistic3A_717 = arith.constant 1.000000e+00 : f32
    %logistic3A_718 = vector.broadcast %logistic3A_717 : f32 to vector<160x128xf32>
    %logistic3A_719 = arith.addf %logistic3A_718, %logistic3A_716 : vector<160x128xf32>
    %logistic3A_720 = arith.divf %logistic3A_718, %logistic3A_719 : vector<160x128xf32>
    %gt3A_721 = arith.cmpf ogt, %logistic3A_720, %select_n3A_709 : vector<160x128xf32>
    %select_n3A_722 = arith.select %gt3A_721, %logistic3A_720, %select_n3A_709 : vector<160x128xi1>, vector<160x128xf32>
    %jit3A_723 = arith.constant 40 : i32
    %broadcast_in_dim3A_724 = vector.broadcast %jit3A_723 : i32 to vector<160x128xi32>
    %select_n3A_725 = arith.select %gt3A_721, %broadcast_in_dim3A_724, %select_n3A_712 : vector<160x128xi1>, vector<160x128xi32>
    %slice3A_726 = vector.extract_strided_slice %get3A_2 {offsets = [45, 0, 0], sizes = [1, 160, 128], strides = [1, 1, 1]} : vector<84x160x128xf32> to vector<1x160x128xf32>
    %squeeze3A_727 = vector.shape_cast %slice3A_726 : vector<1x160x128xf32> to vector<160x128xf32>
    %logistic3A_728 = arith.negf %squeeze3A_727 : vector<160x128xf32>
    %logistic3A_729 = math.exp %logistic3A_728 : vector<160x128xf32>
    %logistic3A_730 = arith.constant 1.000000e+00 : f32
    %logistic3A_731 = vector.broadcast %logistic3A_730 : f32 to vector<160x128xf32>
    %logistic3A_732 = arith.addf %logistic3A_731, %logistic3A_729 : vector<160x128xf32>
    %logistic3A_733 = arith.divf %logistic3A_731, %logistic3A_732 : vector<160x128xf32>
    %gt3A_734 = arith.cmpf ogt, %logistic3A_733, %select_n3A_722 : vector<160x128xf32>
    %select_n3A_735 = arith.select %gt3A_734, %logistic3A_733, %select_n3A_722 : vector<160x128xi1>, vector<160x128xf32>
    %jit3A_736 = arith.constant 41 : i32
    %broadcast_in_dim3A_737 = vector.broadcast %jit3A_736 : i32 to vector<160x128xi32>
    %select_n3A_738 = arith.select %gt3A_734, %broadcast_in_dim3A_737, %select_n3A_725 : vector<160x128xi1>, vector<160x128xi32>
    %slice3A_739 = vector.extract_strided_slice %get3A_2 {offsets = [46, 0, 0], sizes = [1, 160, 128], strides = [1, 1, 1]} : vector<84x160x128xf32> to vector<1x160x128xf32>
    %squeeze3A_740 = vector.shape_cast %slice3A_739 : vector<1x160x128xf32> to vector<160x128xf32>
    %logistic3A_741 = arith.negf %squeeze3A_740 : vector<160x128xf32>
    %logistic3A_742 = math.exp %logistic3A_741 : vector<160x128xf32>
    %logistic3A_743 = arith.constant 1.000000e+00 : f32
    %logistic3A_744 = vector.broadcast %logistic3A_743 : f32 to vector<160x128xf32>
    %logistic3A_745 = arith.addf %logistic3A_744, %logistic3A_742 : vector<160x128xf32>
    %logistic3A_746 = arith.divf %logistic3A_744, %logistic3A_745 : vector<160x128xf32>
    %gt3A_747 = arith.cmpf ogt, %logistic3A_746, %select_n3A_735 : vector<160x128xf32>
    %select_n3A_748 = arith.select %gt3A_747, %logistic3A_746, %select_n3A_735 : vector<160x128xi1>, vector<160x128xf32>
    %jit3A_749 = arith.constant 42 : i32
    %broadcast_in_dim3A_750 = vector.broadcast %jit3A_749 : i32 to vector<160x128xi32>
    %select_n3A_751 = arith.select %gt3A_747, %broadcast_in_dim3A_750, %select_n3A_738 : vector<160x128xi1>, vector<160x128xi32>
    %slice3A_752 = vector.extract_strided_slice %get3A_2 {offsets = [47, 0, 0], sizes = [1, 160, 128], strides = [1, 1, 1]} : vector<84x160x128xf32> to vector<1x160x128xf32>
    %squeeze3A_753 = vector.shape_cast %slice3A_752 : vector<1x160x128xf32> to vector<160x128xf32>
    %logistic3A_754 = arith.negf %squeeze3A_753 : vector<160x128xf32>
    %logistic3A_755 = math.exp %logistic3A_754 : vector<160x128xf32>
    %logistic3A_756 = arith.constant 1.000000e+00 : f32
    %logistic3A_757 = vector.broadcast %logistic3A_756 : f32 to vector<160x128xf32>
    %logistic3A_758 = arith.addf %logistic3A_757, %logistic3A_755 : vector<160x128xf32>
    %logistic3A_759 = arith.divf %logistic3A_757, %logistic3A_758 : vector<160x128xf32>
    %gt3A_760 = arith.cmpf ogt, %logistic3A_759, %select_n3A_748 : vector<160x128xf32>
    %select_n3A_761 = arith.select %gt3A_760, %logistic3A_759, %select_n3A_748 : vector<160x128xi1>, vector<160x128xf32>
    %jit3A_762 = arith.constant 43 : i32
    %broadcast_in_dim3A_763 = vector.broadcast %jit3A_762 : i32 to vector<160x128xi32>
    %select_n3A_764 = arith.select %gt3A_760, %broadcast_in_dim3A_763, %select_n3A_751 : vector<160x128xi1>, vector<160x128xi32>
    %slice3A_765 = vector.extract_strided_slice %get3A_2 {offsets = [48, 0, 0], sizes = [1, 160, 128], strides = [1, 1, 1]} : vector<84x160x128xf32> to vector<1x160x128xf32>
    %squeeze3A_766 = vector.shape_cast %slice3A_765 : vector<1x160x128xf32> to vector<160x128xf32>
    %logistic3A_767 = arith.negf %squeeze3A_766 : vector<160x128xf32>
    %logistic3A_768 = math.exp %logistic3A_767 : vector<160x128xf32>
    %logistic3A_769 = arith.constant 1.000000e+00 : f32
    %logistic3A_770 = vector.broadcast %logistic3A_769 : f32 to vector<160x128xf32>
    %logistic3A_771 = arith.addf %logistic3A_770, %logistic3A_768 : vector<160x128xf32>
    %logistic3A_772 = arith.divf %logistic3A_770, %logistic3A_771 : vector<160x128xf32>
    %gt3A_773 = arith.cmpf ogt, %logistic3A_772, %select_n3A_761 : vector<160x128xf32>
    %select_n3A_774 = arith.select %gt3A_773, %logistic3A_772, %select_n3A_761 : vector<160x128xi1>, vector<160x128xf32>
    %jit3A_775 = arith.constant 44 : i32
    %broadcast_in_dim3A_776 = vector.broadcast %jit3A_775 : i32 to vector<160x128xi32>
    %select_n3A_777 = arith.select %gt3A_773, %broadcast_in_dim3A_776, %select_n3A_764 : vector<160x128xi1>, vector<160x128xi32>
    %slice3A_778 = vector.extract_strided_slice %get3A_2 {offsets = [49, 0, 0], sizes = [1, 160, 128], strides = [1, 1, 1]} : vector<84x160x128xf32> to vector<1x160x128xf32>
    %squeeze3A_779 = vector.shape_cast %slice3A_778 : vector<1x160x128xf32> to vector<160x128xf32>
    %logistic3A_780 = arith.negf %squeeze3A_779 : vector<160x128xf32>
    %logistic3A_781 = math.exp %logistic3A_780 : vector<160x128xf32>
    %logistic3A_782 = arith.constant 1.000000e+00 : f32
    %logistic3A_783 = vector.broadcast %logistic3A_782 : f32 to vector<160x128xf32>
    %logistic3A_784 = arith.addf %logistic3A_783, %logistic3A_781 : vector<160x128xf32>
    %logistic3A_785 = arith.divf %logistic3A_783, %logistic3A_784 : vector<160x128xf32>
    %gt3A_786 = arith.cmpf ogt, %logistic3A_785, %select_n3A_774 : vector<160x128xf32>
    %select_n3A_787 = arith.select %gt3A_786, %logistic3A_785, %select_n3A_774 : vector<160x128xi1>, vector<160x128xf32>
    %jit3A_788 = arith.constant 45 : i32
    %broadcast_in_dim3A_789 = vector.broadcast %jit3A_788 : i32 to vector<160x128xi32>
    %select_n3A_790 = arith.select %gt3A_786, %broadcast_in_dim3A_789, %select_n3A_777 : vector<160x128xi1>, vector<160x128xi32>
    %slice3A_791 = vector.extract_strided_slice %get3A_2 {offsets = [50, 0, 0], sizes = [1, 160, 128], strides = [1, 1, 1]} : vector<84x160x128xf32> to vector<1x160x128xf32>
    %squeeze3A_792 = vector.shape_cast %slice3A_791 : vector<1x160x128xf32> to vector<160x128xf32>
    %logistic3A_793 = arith.negf %squeeze3A_792 : vector<160x128xf32>
    %logistic3A_794 = math.exp %logistic3A_793 : vector<160x128xf32>
    %logistic3A_795 = arith.constant 1.000000e+00 : f32
    %logistic3A_796 = vector.broadcast %logistic3A_795 : f32 to vector<160x128xf32>
    %logistic3A_797 = arith.addf %logistic3A_796, %logistic3A_794 : vector<160x128xf32>
    %logistic3A_798 = arith.divf %logistic3A_796, %logistic3A_797 : vector<160x128xf32>
    %gt3A_799 = arith.cmpf ogt, %logistic3A_798, %select_n3A_787 : vector<160x128xf32>
    %select_n3A_800 = arith.select %gt3A_799, %logistic3A_798, %select_n3A_787 : vector<160x128xi1>, vector<160x128xf32>
    %jit3A_801 = arith.constant 46 : i32
    %broadcast_in_dim3A_802 = vector.broadcast %jit3A_801 : i32 to vector<160x128xi32>
    %select_n3A_803 = arith.select %gt3A_799, %broadcast_in_dim3A_802, %select_n3A_790 : vector<160x128xi1>, vector<160x128xi32>
    %slice3A_804 = vector.extract_strided_slice %get3A_2 {offsets = [51, 0, 0], sizes = [1, 160, 128], strides = [1, 1, 1]} : vector<84x160x128xf32> to vector<1x160x128xf32>
    %squeeze3A_805 = vector.shape_cast %slice3A_804 : vector<1x160x128xf32> to vector<160x128xf32>
    %logistic3A_806 = arith.negf %squeeze3A_805 : vector<160x128xf32>
    %logistic3A_807 = math.exp %logistic3A_806 : vector<160x128xf32>
    %logistic3A_808 = arith.constant 1.000000e+00 : f32
    %logistic3A_809 = vector.broadcast %logistic3A_808 : f32 to vector<160x128xf32>
    %logistic3A_810 = arith.addf %logistic3A_809, %logistic3A_807 : vector<160x128xf32>
    %logistic3A_811 = arith.divf %logistic3A_809, %logistic3A_810 : vector<160x128xf32>
    %gt3A_812 = arith.cmpf ogt, %logistic3A_811, %select_n3A_800 : vector<160x128xf32>
    %select_n3A_813 = arith.select %gt3A_812, %logistic3A_811, %select_n3A_800 : vector<160x128xi1>, vector<160x128xf32>
    %jit3A_814 = arith.constant 47 : i32
    %broadcast_in_dim3A_815 = vector.broadcast %jit3A_814 : i32 to vector<160x128xi32>
    %select_n3A_816 = arith.select %gt3A_812, %broadcast_in_dim3A_815, %select_n3A_803 : vector<160x128xi1>, vector<160x128xi32>
    %slice3A_817 = vector.extract_strided_slice %get3A_2 {offsets = [52, 0, 0], sizes = [1, 160, 128], strides = [1, 1, 1]} : vector<84x160x128xf32> to vector<1x160x128xf32>
    %squeeze3A_818 = vector.shape_cast %slice3A_817 : vector<1x160x128xf32> to vector<160x128xf32>
    %logistic3A_819 = arith.negf %squeeze3A_818 : vector<160x128xf32>
    %logistic3A_820 = math.exp %logistic3A_819 : vector<160x128xf32>
    %logistic3A_821 = arith.constant 1.000000e+00 : f32
    %logistic3A_822 = vector.broadcast %logistic3A_821 : f32 to vector<160x128xf32>
    %logistic3A_823 = arith.addf %logistic3A_822, %logistic3A_820 : vector<160x128xf32>
    %logistic3A_824 = arith.divf %logistic3A_822, %logistic3A_823 : vector<160x128xf32>
    %gt3A_825 = arith.cmpf ogt, %logistic3A_824, %select_n3A_813 : vector<160x128xf32>
    %select_n3A_826 = arith.select %gt3A_825, %logistic3A_824, %select_n3A_813 : vector<160x128xi1>, vector<160x128xf32>
    %jit3A_827 = arith.constant 48 : i32
    %broadcast_in_dim3A_828 = vector.broadcast %jit3A_827 : i32 to vector<160x128xi32>
    %select_n3A_829 = arith.select %gt3A_825, %broadcast_in_dim3A_828, %select_n3A_816 : vector<160x128xi1>, vector<160x128xi32>
    %slice3A_830 = vector.extract_strided_slice %get3A_2 {offsets = [53, 0, 0], sizes = [1, 160, 128], strides = [1, 1, 1]} : vector<84x160x128xf32> to vector<1x160x128xf32>
    %squeeze3A_831 = vector.shape_cast %slice3A_830 : vector<1x160x128xf32> to vector<160x128xf32>
    %logistic3A_832 = arith.negf %squeeze3A_831 : vector<160x128xf32>
    %logistic3A_833 = math.exp %logistic3A_832 : vector<160x128xf32>
    %logistic3A_834 = arith.constant 1.000000e+00 : f32
    %logistic3A_835 = vector.broadcast %logistic3A_834 : f32 to vector<160x128xf32>
    %logistic3A_836 = arith.addf %logistic3A_835, %logistic3A_833 : vector<160x128xf32>
    %logistic3A_837 = arith.divf %logistic3A_835, %logistic3A_836 : vector<160x128xf32>
    %gt3A_838 = arith.cmpf ogt, %logistic3A_837, %select_n3A_826 : vector<160x128xf32>
    %select_n3A_839 = arith.select %gt3A_838, %logistic3A_837, %select_n3A_826 : vector<160x128xi1>, vector<160x128xf32>
    %jit3A_840 = arith.constant 49 : i32
    %broadcast_in_dim3A_841 = vector.broadcast %jit3A_840 : i32 to vector<160x128xi32>
    %select_n3A_842 = arith.select %gt3A_838, %broadcast_in_dim3A_841, %select_n3A_829 : vector<160x128xi1>, vector<160x128xi32>
    %slice3A_843 = vector.extract_strided_slice %get3A_2 {offsets = [54, 0, 0], sizes = [1, 160, 128], strides = [1, 1, 1]} : vector<84x160x128xf32> to vector<1x160x128xf32>
    %squeeze3A_844 = vector.shape_cast %slice3A_843 : vector<1x160x128xf32> to vector<160x128xf32>
    %logistic3A_845 = arith.negf %squeeze3A_844 : vector<160x128xf32>
    %logistic3A_846 = math.exp %logistic3A_845 : vector<160x128xf32>
    %logistic3A_847 = arith.constant 1.000000e+00 : f32
    %logistic3A_848 = vector.broadcast %logistic3A_847 : f32 to vector<160x128xf32>
    %logistic3A_849 = arith.addf %logistic3A_848, %logistic3A_846 : vector<160x128xf32>
    %logistic3A_850 = arith.divf %logistic3A_848, %logistic3A_849 : vector<160x128xf32>
    %gt3A_851 = arith.cmpf ogt, %logistic3A_850, %select_n3A_839 : vector<160x128xf32>
    %select_n3A_852 = arith.select %gt3A_851, %logistic3A_850, %select_n3A_839 : vector<160x128xi1>, vector<160x128xf32>
    %jit3A_853 = arith.constant 50 : i32
    %broadcast_in_dim3A_854 = vector.broadcast %jit3A_853 : i32 to vector<160x128xi32>
    %select_n3A_855 = arith.select %gt3A_851, %broadcast_in_dim3A_854, %select_n3A_842 : vector<160x128xi1>, vector<160x128xi32>
    %slice3A_856 = vector.extract_strided_slice %get3A_2 {offsets = [55, 0, 0], sizes = [1, 160, 128], strides = [1, 1, 1]} : vector<84x160x128xf32> to vector<1x160x128xf32>
    %squeeze3A_857 = vector.shape_cast %slice3A_856 : vector<1x160x128xf32> to vector<160x128xf32>
    %logistic3A_858 = arith.negf %squeeze3A_857 : vector<160x128xf32>
    %logistic3A_859 = math.exp %logistic3A_858 : vector<160x128xf32>
    %logistic3A_860 = arith.constant 1.000000e+00 : f32
    %logistic3A_861 = vector.broadcast %logistic3A_860 : f32 to vector<160x128xf32>
    %logistic3A_862 = arith.addf %logistic3A_861, %logistic3A_859 : vector<160x128xf32>
    %logistic3A_863 = arith.divf %logistic3A_861, %logistic3A_862 : vector<160x128xf32>
    %gt3A_864 = arith.cmpf ogt, %logistic3A_863, %select_n3A_852 : vector<160x128xf32>
    %select_n3A_865 = arith.select %gt3A_864, %logistic3A_863, %select_n3A_852 : vector<160x128xi1>, vector<160x128xf32>
    %jit3A_866 = arith.constant 51 : i32
    %broadcast_in_dim3A_867 = vector.broadcast %jit3A_866 : i32 to vector<160x128xi32>
    %select_n3A_868 = arith.select %gt3A_864, %broadcast_in_dim3A_867, %select_n3A_855 : vector<160x128xi1>, vector<160x128xi32>
    %slice3A_869 = vector.extract_strided_slice %get3A_2 {offsets = [56, 0, 0], sizes = [1, 160, 128], strides = [1, 1, 1]} : vector<84x160x128xf32> to vector<1x160x128xf32>
    %squeeze3A_870 = vector.shape_cast %slice3A_869 : vector<1x160x128xf32> to vector<160x128xf32>
    %logistic3A_871 = arith.negf %squeeze3A_870 : vector<160x128xf32>
    %logistic3A_872 = math.exp %logistic3A_871 : vector<160x128xf32>
    %logistic3A_873 = arith.constant 1.000000e+00 : f32
    %logistic3A_874 = vector.broadcast %logistic3A_873 : f32 to vector<160x128xf32>
    %logistic3A_875 = arith.addf %logistic3A_874, %logistic3A_872 : vector<160x128xf32>
    %logistic3A_876 = arith.divf %logistic3A_874, %logistic3A_875 : vector<160x128xf32>
    %gt3A_877 = arith.cmpf ogt, %logistic3A_876, %select_n3A_865 : vector<160x128xf32>
    %select_n3A_878 = arith.select %gt3A_877, %logistic3A_876, %select_n3A_865 : vector<160x128xi1>, vector<160x128xf32>
    %jit3A_879 = arith.constant 52 : i32
    %broadcast_in_dim3A_880 = vector.broadcast %jit3A_879 : i32 to vector<160x128xi32>
    %select_n3A_881 = arith.select %gt3A_877, %broadcast_in_dim3A_880, %select_n3A_868 : vector<160x128xi1>, vector<160x128xi32>
    %slice3A_882 = vector.extract_strided_slice %get3A_2 {offsets = [57, 0, 0], sizes = [1, 160, 128], strides = [1, 1, 1]} : vector<84x160x128xf32> to vector<1x160x128xf32>
    %squeeze3A_883 = vector.shape_cast %slice3A_882 : vector<1x160x128xf32> to vector<160x128xf32>
    %logistic3A_884 = arith.negf %squeeze3A_883 : vector<160x128xf32>
    %logistic3A_885 = math.exp %logistic3A_884 : vector<160x128xf32>
    %logistic3A_886 = arith.constant 1.000000e+00 : f32
    %logistic3A_887 = vector.broadcast %logistic3A_886 : f32 to vector<160x128xf32>
    %logistic3A_888 = arith.addf %logistic3A_887, %logistic3A_885 : vector<160x128xf32>
    %logistic3A_889 = arith.divf %logistic3A_887, %logistic3A_888 : vector<160x128xf32>
    %gt3A_890 = arith.cmpf ogt, %logistic3A_889, %select_n3A_878 : vector<160x128xf32>
    %select_n3A_891 = arith.select %gt3A_890, %logistic3A_889, %select_n3A_878 : vector<160x128xi1>, vector<160x128xf32>
    %jit3A_892 = arith.constant 53 : i32
    %broadcast_in_dim3A_893 = vector.broadcast %jit3A_892 : i32 to vector<160x128xi32>
    %select_n3A_894 = arith.select %gt3A_890, %broadcast_in_dim3A_893, %select_n3A_881 : vector<160x128xi1>, vector<160x128xi32>
    %slice3A_895 = vector.extract_strided_slice %get3A_2 {offsets = [58, 0, 0], sizes = [1, 160, 128], strides = [1, 1, 1]} : vector<84x160x128xf32> to vector<1x160x128xf32>
    %squeeze3A_896 = vector.shape_cast %slice3A_895 : vector<1x160x128xf32> to vector<160x128xf32>
    %logistic3A_897 = arith.negf %squeeze3A_896 : vector<160x128xf32>
    %logistic3A_898 = math.exp %logistic3A_897 : vector<160x128xf32>
    %logistic3A_899 = arith.constant 1.000000e+00 : f32
    %logistic3A_900 = vector.broadcast %logistic3A_899 : f32 to vector<160x128xf32>
    %logistic3A_901 = arith.addf %logistic3A_900, %logistic3A_898 : vector<160x128xf32>
    %logistic3A_902 = arith.divf %logistic3A_900, %logistic3A_901 : vector<160x128xf32>
    %gt3A_903 = arith.cmpf ogt, %logistic3A_902, %select_n3A_891 : vector<160x128xf32>
    %select_n3A_904 = arith.select %gt3A_903, %logistic3A_902, %select_n3A_891 : vector<160x128xi1>, vector<160x128xf32>
    %jit3A_905 = arith.constant 54 : i32
    %broadcast_in_dim3A_906 = vector.broadcast %jit3A_905 : i32 to vector<160x128xi32>
    %select_n3A_907 = arith.select %gt3A_903, %broadcast_in_dim3A_906, %select_n3A_894 : vector<160x128xi1>, vector<160x128xi32>
    %slice3A_908 = vector.extract_strided_slice %get3A_2 {offsets = [59, 0, 0], sizes = [1, 160, 128], strides = [1, 1, 1]} : vector<84x160x128xf32> to vector<1x160x128xf32>
    %squeeze3A_909 = vector.shape_cast %slice3A_908 : vector<1x160x128xf32> to vector<160x128xf32>
    %logistic3A_910 = arith.negf %squeeze3A_909 : vector<160x128xf32>
    %logistic3A_911 = math.exp %logistic3A_910 : vector<160x128xf32>
    %logistic3A_912 = arith.constant 1.000000e+00 : f32
    %logistic3A_913 = vector.broadcast %logistic3A_912 : f32 to vector<160x128xf32>
    %logistic3A_914 = arith.addf %logistic3A_913, %logistic3A_911 : vector<160x128xf32>
    %logistic3A_915 = arith.divf %logistic3A_913, %logistic3A_914 : vector<160x128xf32>
    %gt3A_916 = arith.cmpf ogt, %logistic3A_915, %select_n3A_904 : vector<160x128xf32>
    %select_n3A_917 = arith.select %gt3A_916, %logistic3A_915, %select_n3A_904 : vector<160x128xi1>, vector<160x128xf32>
    %jit3A_918 = arith.constant 55 : i32
    %broadcast_in_dim3A_919 = vector.broadcast %jit3A_918 : i32 to vector<160x128xi32>
    %select_n3A_920 = arith.select %gt3A_916, %broadcast_in_dim3A_919, %select_n3A_907 : vector<160x128xi1>, vector<160x128xi32>
    %slice3A_921 = vector.extract_strided_slice %get3A_2 {offsets = [60, 0, 0], sizes = [1, 160, 128], strides = [1, 1, 1]} : vector<84x160x128xf32> to vector<1x160x128xf32>
    %squeeze3A_922 = vector.shape_cast %slice3A_921 : vector<1x160x128xf32> to vector<160x128xf32>
    %logistic3A_923 = arith.negf %squeeze3A_922 : vector<160x128xf32>
    %logistic3A_924 = math.exp %logistic3A_923 : vector<160x128xf32>
    %logistic3A_925 = arith.constant 1.000000e+00 : f32
    %logistic3A_926 = vector.broadcast %logistic3A_925 : f32 to vector<160x128xf32>
    %logistic3A_927 = arith.addf %logistic3A_926, %logistic3A_924 : vector<160x128xf32>
    %logistic3A_928 = arith.divf %logistic3A_926, %logistic3A_927 : vector<160x128xf32>
    %gt3A_929 = arith.cmpf ogt, %logistic3A_928, %select_n3A_917 : vector<160x128xf32>
    %select_n3A_930 = arith.select %gt3A_929, %logistic3A_928, %select_n3A_917 : vector<160x128xi1>, vector<160x128xf32>
    %jit3A_931 = arith.constant 56 : i32
    %broadcast_in_dim3A_932 = vector.broadcast %jit3A_931 : i32 to vector<160x128xi32>
    %select_n3A_933 = arith.select %gt3A_929, %broadcast_in_dim3A_932, %select_n3A_920 : vector<160x128xi1>, vector<160x128xi32>
    %slice3A_934 = vector.extract_strided_slice %get3A_2 {offsets = [61, 0, 0], sizes = [1, 160, 128], strides = [1, 1, 1]} : vector<84x160x128xf32> to vector<1x160x128xf32>
    %squeeze3A_935 = vector.shape_cast %slice3A_934 : vector<1x160x128xf32> to vector<160x128xf32>
    %logistic3A_936 = arith.negf %squeeze3A_935 : vector<160x128xf32>
    %logistic3A_937 = math.exp %logistic3A_936 : vector<160x128xf32>
    %logistic3A_938 = arith.constant 1.000000e+00 : f32
    %logistic3A_939 = vector.broadcast %logistic3A_938 : f32 to vector<160x128xf32>
    %logistic3A_940 = arith.addf %logistic3A_939, %logistic3A_937 : vector<160x128xf32>
    %logistic3A_941 = arith.divf %logistic3A_939, %logistic3A_940 : vector<160x128xf32>
    %gt3A_942 = arith.cmpf ogt, %logistic3A_941, %select_n3A_930 : vector<160x128xf32>
    %select_n3A_943 = arith.select %gt3A_942, %logistic3A_941, %select_n3A_930 : vector<160x128xi1>, vector<160x128xf32>
    %jit3A_944 = arith.constant 57 : i32
    %broadcast_in_dim3A_945 = vector.broadcast %jit3A_944 : i32 to vector<160x128xi32>
    %select_n3A_946 = arith.select %gt3A_942, %broadcast_in_dim3A_945, %select_n3A_933 : vector<160x128xi1>, vector<160x128xi32>
    %slice3A_947 = vector.extract_strided_slice %get3A_2 {offsets = [62, 0, 0], sizes = [1, 160, 128], strides = [1, 1, 1]} : vector<84x160x128xf32> to vector<1x160x128xf32>
    %squeeze3A_948 = vector.shape_cast %slice3A_947 : vector<1x160x128xf32> to vector<160x128xf32>
    %logistic3A_949 = arith.negf %squeeze3A_948 : vector<160x128xf32>
    %logistic3A_950 = math.exp %logistic3A_949 : vector<160x128xf32>
    %logistic3A_951 = arith.constant 1.000000e+00 : f32
    %logistic3A_952 = vector.broadcast %logistic3A_951 : f32 to vector<160x128xf32>
    %logistic3A_953 = arith.addf %logistic3A_952, %logistic3A_950 : vector<160x128xf32>
    %logistic3A_954 = arith.divf %logistic3A_952, %logistic3A_953 : vector<160x128xf32>
    %gt3A_955 = arith.cmpf ogt, %logistic3A_954, %select_n3A_943 : vector<160x128xf32>
    %select_n3A_956 = arith.select %gt3A_955, %logistic3A_954, %select_n3A_943 : vector<160x128xi1>, vector<160x128xf32>
    %jit3A_957 = arith.constant 58 : i32
    %broadcast_in_dim3A_958 = vector.broadcast %jit3A_957 : i32 to vector<160x128xi32>
    %select_n3A_959 = arith.select %gt3A_955, %broadcast_in_dim3A_958, %select_n3A_946 : vector<160x128xi1>, vector<160x128xi32>
    %slice3A_960 = vector.extract_strided_slice %get3A_2 {offsets = [63, 0, 0], sizes = [1, 160, 128], strides = [1, 1, 1]} : vector<84x160x128xf32> to vector<1x160x128xf32>
    %squeeze3A_961 = vector.shape_cast %slice3A_960 : vector<1x160x128xf32> to vector<160x128xf32>
    %logistic3A_962 = arith.negf %squeeze3A_961 : vector<160x128xf32>
    %logistic3A_963 = math.exp %logistic3A_962 : vector<160x128xf32>
    %logistic3A_964 = arith.constant 1.000000e+00 : f32
    %logistic3A_965 = vector.broadcast %logistic3A_964 : f32 to vector<160x128xf32>
    %logistic3A_966 = arith.addf %logistic3A_965, %logistic3A_963 : vector<160x128xf32>
    %logistic3A_967 = arith.divf %logistic3A_965, %logistic3A_966 : vector<160x128xf32>
    %gt3A_968 = arith.cmpf ogt, %logistic3A_967, %select_n3A_956 : vector<160x128xf32>
    %select_n3A_969 = arith.select %gt3A_968, %logistic3A_967, %select_n3A_956 : vector<160x128xi1>, vector<160x128xf32>
    %jit3A_970 = arith.constant 59 : i32
    %broadcast_in_dim3A_971 = vector.broadcast %jit3A_970 : i32 to vector<160x128xi32>
    %select_n3A_972 = arith.select %gt3A_968, %broadcast_in_dim3A_971, %select_n3A_959 : vector<160x128xi1>, vector<160x128xi32>
    %slice3A_973 = vector.extract_strided_slice %get3A_2 {offsets = [64, 0, 0], sizes = [1, 160, 128], strides = [1, 1, 1]} : vector<84x160x128xf32> to vector<1x160x128xf32>
    %squeeze3A_974 = vector.shape_cast %slice3A_973 : vector<1x160x128xf32> to vector<160x128xf32>
    %logistic3A_975 = arith.negf %squeeze3A_974 : vector<160x128xf32>
    %logistic3A_976 = math.exp %logistic3A_975 : vector<160x128xf32>
    %logistic3A_977 = arith.constant 1.000000e+00 : f32
    %logistic3A_978 = vector.broadcast %logistic3A_977 : f32 to vector<160x128xf32>
    %logistic3A_979 = arith.addf %logistic3A_978, %logistic3A_976 : vector<160x128xf32>
    %logistic3A_980 = arith.divf %logistic3A_978, %logistic3A_979 : vector<160x128xf32>
    %gt3A_981 = arith.cmpf ogt, %logistic3A_980, %select_n3A_969 : vector<160x128xf32>
    %select_n3A_982 = arith.select %gt3A_981, %logistic3A_980, %select_n3A_969 : vector<160x128xi1>, vector<160x128xf32>
    %jit3A_983 = arith.constant 60 : i32
    %broadcast_in_dim3A_984 = vector.broadcast %jit3A_983 : i32 to vector<160x128xi32>
    %select_n3A_985 = arith.select %gt3A_981, %broadcast_in_dim3A_984, %select_n3A_972 : vector<160x128xi1>, vector<160x128xi32>
    %slice3A_986 = vector.extract_strided_slice %get3A_2 {offsets = [65, 0, 0], sizes = [1, 160, 128], strides = [1, 1, 1]} : vector<84x160x128xf32> to vector<1x160x128xf32>
    %squeeze3A_987 = vector.shape_cast %slice3A_986 : vector<1x160x128xf32> to vector<160x128xf32>
    %logistic3A_988 = arith.negf %squeeze3A_987 : vector<160x128xf32>
    %logistic3A_989 = math.exp %logistic3A_988 : vector<160x128xf32>
    %logistic3A_990 = arith.constant 1.000000e+00 : f32
    %logistic3A_991 = vector.broadcast %logistic3A_990 : f32 to vector<160x128xf32>
    %logistic3A_992 = arith.addf %logistic3A_991, %logistic3A_989 : vector<160x128xf32>
    %logistic3A_993 = arith.divf %logistic3A_991, %logistic3A_992 : vector<160x128xf32>
    %gt3A_994 = arith.cmpf ogt, %logistic3A_993, %select_n3A_982 : vector<160x128xf32>
    %select_n3A_995 = arith.select %gt3A_994, %logistic3A_993, %select_n3A_982 : vector<160x128xi1>, vector<160x128xf32>
    %jit3A_996 = arith.constant 61 : i32
    %broadcast_in_dim3A_997 = vector.broadcast %jit3A_996 : i32 to vector<160x128xi32>
    %select_n3A_998 = arith.select %gt3A_994, %broadcast_in_dim3A_997, %select_n3A_985 : vector<160x128xi1>, vector<160x128xi32>
    %slice3A_999 = vector.extract_strided_slice %get3A_2 {offsets = [66, 0, 0], sizes = [1, 160, 128], strides = [1, 1, 1]} : vector<84x160x128xf32> to vector<1x160x128xf32>
    %squeeze3A_1000 = vector.shape_cast %slice3A_999 : vector<1x160x128xf32> to vector<160x128xf32>
    %logistic3A_1001 = arith.negf %squeeze3A_1000 : vector<160x128xf32>
    %logistic3A_1002 = math.exp %logistic3A_1001 : vector<160x128xf32>
    %logistic3A_1003 = arith.constant 1.000000e+00 : f32
    %logistic3A_1004 = vector.broadcast %logistic3A_1003 : f32 to vector<160x128xf32>
    %logistic3A_1005 = arith.addf %logistic3A_1004, %logistic3A_1002 : vector<160x128xf32>
    %logistic3A_1006 = arith.divf %logistic3A_1004, %logistic3A_1005 : vector<160x128xf32>
    %gt3A_1007 = arith.cmpf ogt, %logistic3A_1006, %select_n3A_995 : vector<160x128xf32>
    %select_n3A_1008 = arith.select %gt3A_1007, %logistic3A_1006, %select_n3A_995 : vector<160x128xi1>, vector<160x128xf32>
    %jit3A_1009 = arith.constant 62 : i32
    %broadcast_in_dim3A_1010 = vector.broadcast %jit3A_1009 : i32 to vector<160x128xi32>
    %select_n3A_1011 = arith.select %gt3A_1007, %broadcast_in_dim3A_1010, %select_n3A_998 : vector<160x128xi1>, vector<160x128xi32>
    %slice3A_1012 = vector.extract_strided_slice %get3A_2 {offsets = [67, 0, 0], sizes = [1, 160, 128], strides = [1, 1, 1]} : vector<84x160x128xf32> to vector<1x160x128xf32>
    %squeeze3A_1013 = vector.shape_cast %slice3A_1012 : vector<1x160x128xf32> to vector<160x128xf32>
    %logistic3A_1014 = arith.negf %squeeze3A_1013 : vector<160x128xf32>
    %logistic3A_1015 = math.exp %logistic3A_1014 : vector<160x128xf32>
    %logistic3A_1016 = arith.constant 1.000000e+00 : f32
    %logistic3A_1017 = vector.broadcast %logistic3A_1016 : f32 to vector<160x128xf32>
    %logistic3A_1018 = arith.addf %logistic3A_1017, %logistic3A_1015 : vector<160x128xf32>
    %logistic3A_1019 = arith.divf %logistic3A_1017, %logistic3A_1018 : vector<160x128xf32>
    %gt3A_1020 = arith.cmpf ogt, %logistic3A_1019, %select_n3A_1008 : vector<160x128xf32>
    %select_n3A_1021 = arith.select %gt3A_1020, %logistic3A_1019, %select_n3A_1008 : vector<160x128xi1>, vector<160x128xf32>
    %jit3A_1022 = arith.constant 63 : i32
    %broadcast_in_dim3A_1023 = vector.broadcast %jit3A_1022 : i32 to vector<160x128xi32>
    %select_n3A_1024 = arith.select %gt3A_1020, %broadcast_in_dim3A_1023, %select_n3A_1011 : vector<160x128xi1>, vector<160x128xi32>
    %slice3A_1025 = vector.extract_strided_slice %get3A_2 {offsets = [68, 0, 0], sizes = [1, 160, 128], strides = [1, 1, 1]} : vector<84x160x128xf32> to vector<1x160x128xf32>
    %squeeze3A_1026 = vector.shape_cast %slice3A_1025 : vector<1x160x128xf32> to vector<160x128xf32>
    %logistic3A_1027 = arith.negf %squeeze3A_1026 : vector<160x128xf32>
    %logistic3A_1028 = math.exp %logistic3A_1027 : vector<160x128xf32>
    %logistic3A_1029 = arith.constant 1.000000e+00 : f32
    %logistic3A_1030 = vector.broadcast %logistic3A_1029 : f32 to vector<160x128xf32>
    %logistic3A_1031 = arith.addf %logistic3A_1030, %logistic3A_1028 : vector<160x128xf32>
    %logistic3A_1032 = arith.divf %logistic3A_1030, %logistic3A_1031 : vector<160x128xf32>
    %gt3A_1033 = arith.cmpf ogt, %logistic3A_1032, %select_n3A_1021 : vector<160x128xf32>
    %select_n3A_1034 = arith.select %gt3A_1033, %logistic3A_1032, %select_n3A_1021 : vector<160x128xi1>, vector<160x128xf32>
    %jit3A_1035 = arith.constant 64 : i32
    %broadcast_in_dim3A_1036 = vector.broadcast %jit3A_1035 : i32 to vector<160x128xi32>
    %select_n3A_1037 = arith.select %gt3A_1033, %broadcast_in_dim3A_1036, %select_n3A_1024 : vector<160x128xi1>, vector<160x128xi32>
    %slice3A_1038 = vector.extract_strided_slice %get3A_2 {offsets = [69, 0, 0], sizes = [1, 160, 128], strides = [1, 1, 1]} : vector<84x160x128xf32> to vector<1x160x128xf32>
    %squeeze3A_1039 = vector.shape_cast %slice3A_1038 : vector<1x160x128xf32> to vector<160x128xf32>
    %logistic3A_1040 = arith.negf %squeeze3A_1039 : vector<160x128xf32>
    %logistic3A_1041 = math.exp %logistic3A_1040 : vector<160x128xf32>
    %logistic3A_1042 = arith.constant 1.000000e+00 : f32
    %logistic3A_1043 = vector.broadcast %logistic3A_1042 : f32 to vector<160x128xf32>
    %logistic3A_1044 = arith.addf %logistic3A_1043, %logistic3A_1041 : vector<160x128xf32>
    %logistic3A_1045 = arith.divf %logistic3A_1043, %logistic3A_1044 : vector<160x128xf32>
    %gt3A_1046 = arith.cmpf ogt, %logistic3A_1045, %select_n3A_1034 : vector<160x128xf32>
    %select_n3A_1047 = arith.select %gt3A_1046, %logistic3A_1045, %select_n3A_1034 : vector<160x128xi1>, vector<160x128xf32>
    %jit3A_1048 = arith.constant 65 : i32
    %broadcast_in_dim3A_1049 = vector.broadcast %jit3A_1048 : i32 to vector<160x128xi32>
    %select_n3A_1050 = arith.select %gt3A_1046, %broadcast_in_dim3A_1049, %select_n3A_1037 : vector<160x128xi1>, vector<160x128xi32>
    %slice3A_1051 = vector.extract_strided_slice %get3A_2 {offsets = [70, 0, 0], sizes = [1, 160, 128], strides = [1, 1, 1]} : vector<84x160x128xf32> to vector<1x160x128xf32>
    %squeeze3A_1052 = vector.shape_cast %slice3A_1051 : vector<1x160x128xf32> to vector<160x128xf32>
    %logistic3A_1053 = arith.negf %squeeze3A_1052 : vector<160x128xf32>
    %logistic3A_1054 = math.exp %logistic3A_1053 : vector<160x128xf32>
    %logistic3A_1055 = arith.constant 1.000000e+00 : f32
    %logistic3A_1056 = vector.broadcast %logistic3A_1055 : f32 to vector<160x128xf32>
    %logistic3A_1057 = arith.addf %logistic3A_1056, %logistic3A_1054 : vector<160x128xf32>
    %logistic3A_1058 = arith.divf %logistic3A_1056, %logistic3A_1057 : vector<160x128xf32>
    %gt3A_1059 = arith.cmpf ogt, %logistic3A_1058, %select_n3A_1047 : vector<160x128xf32>
    %select_n3A_1060 = arith.select %gt3A_1059, %logistic3A_1058, %select_n3A_1047 : vector<160x128xi1>, vector<160x128xf32>
    %jit3A_1061 = arith.constant 66 : i32
    %broadcast_in_dim3A_1062 = vector.broadcast %jit3A_1061 : i32 to vector<160x128xi32>
    %select_n3A_1063 = arith.select %gt3A_1059, %broadcast_in_dim3A_1062, %select_n3A_1050 : vector<160x128xi1>, vector<160x128xi32>
    %slice3A_1064 = vector.extract_strided_slice %get3A_2 {offsets = [71, 0, 0], sizes = [1, 160, 128], strides = [1, 1, 1]} : vector<84x160x128xf32> to vector<1x160x128xf32>
    %squeeze3A_1065 = vector.shape_cast %slice3A_1064 : vector<1x160x128xf32> to vector<160x128xf32>
    %logistic3A_1066 = arith.negf %squeeze3A_1065 : vector<160x128xf32>
    %logistic3A_1067 = math.exp %logistic3A_1066 : vector<160x128xf32>
    %logistic3A_1068 = arith.constant 1.000000e+00 : f32
    %logistic3A_1069 = vector.broadcast %logistic3A_1068 : f32 to vector<160x128xf32>
    %logistic3A_1070 = arith.addf %logistic3A_1069, %logistic3A_1067 : vector<160x128xf32>
    %logistic3A_1071 = arith.divf %logistic3A_1069, %logistic3A_1070 : vector<160x128xf32>
    %gt3A_1072 = arith.cmpf ogt, %logistic3A_1071, %select_n3A_1060 : vector<160x128xf32>
    %select_n3A_1073 = arith.select %gt3A_1072, %logistic3A_1071, %select_n3A_1060 : vector<160x128xi1>, vector<160x128xf32>
    %jit3A_1074 = arith.constant 67 : i32
    %broadcast_in_dim3A_1075 = vector.broadcast %jit3A_1074 : i32 to vector<160x128xi32>
    %select_n3A_1076 = arith.select %gt3A_1072, %broadcast_in_dim3A_1075, %select_n3A_1063 : vector<160x128xi1>, vector<160x128xi32>
    %slice3A_1077 = vector.extract_strided_slice %get3A_2 {offsets = [72, 0, 0], sizes = [1, 160, 128], strides = [1, 1, 1]} : vector<84x160x128xf32> to vector<1x160x128xf32>
    %squeeze3A_1078 = vector.shape_cast %slice3A_1077 : vector<1x160x128xf32> to vector<160x128xf32>
    %logistic3A_1079 = arith.negf %squeeze3A_1078 : vector<160x128xf32>
    %logistic3A_1080 = math.exp %logistic3A_1079 : vector<160x128xf32>
    %logistic3A_1081 = arith.constant 1.000000e+00 : f32
    %logistic3A_1082 = vector.broadcast %logistic3A_1081 : f32 to vector<160x128xf32>
    %logistic3A_1083 = arith.addf %logistic3A_1082, %logistic3A_1080 : vector<160x128xf32>
    %logistic3A_1084 = arith.divf %logistic3A_1082, %logistic3A_1083 : vector<160x128xf32>
    %gt3A_1085 = arith.cmpf ogt, %logistic3A_1084, %select_n3A_1073 : vector<160x128xf32>
    %select_n3A_1086 = arith.select %gt3A_1085, %logistic3A_1084, %select_n3A_1073 : vector<160x128xi1>, vector<160x128xf32>
    %jit3A_1087 = arith.constant 68 : i32
    %broadcast_in_dim3A_1088 = vector.broadcast %jit3A_1087 : i32 to vector<160x128xi32>
    %select_n3A_1089 = arith.select %gt3A_1085, %broadcast_in_dim3A_1088, %select_n3A_1076 : vector<160x128xi1>, vector<160x128xi32>
    %slice3A_1090 = vector.extract_strided_slice %get3A_2 {offsets = [73, 0, 0], sizes = [1, 160, 128], strides = [1, 1, 1]} : vector<84x160x128xf32> to vector<1x160x128xf32>
    %squeeze3A_1091 = vector.shape_cast %slice3A_1090 : vector<1x160x128xf32> to vector<160x128xf32>
    %logistic3A_1092 = arith.negf %squeeze3A_1091 : vector<160x128xf32>
    %logistic3A_1093 = math.exp %logistic3A_1092 : vector<160x128xf32>
    %logistic3A_1094 = arith.constant 1.000000e+00 : f32
    %logistic3A_1095 = vector.broadcast %logistic3A_1094 : f32 to vector<160x128xf32>
    %logistic3A_1096 = arith.addf %logistic3A_1095, %logistic3A_1093 : vector<160x128xf32>
    %logistic3A_1097 = arith.divf %logistic3A_1095, %logistic3A_1096 : vector<160x128xf32>
    %gt3A_1098 = arith.cmpf ogt, %logistic3A_1097, %select_n3A_1086 : vector<160x128xf32>
    %select_n3A_1099 = arith.select %gt3A_1098, %logistic3A_1097, %select_n3A_1086 : vector<160x128xi1>, vector<160x128xf32>
    %jit3A_1100 = arith.constant 69 : i32
    %broadcast_in_dim3A_1101 = vector.broadcast %jit3A_1100 : i32 to vector<160x128xi32>
    %select_n3A_1102 = arith.select %gt3A_1098, %broadcast_in_dim3A_1101, %select_n3A_1089 : vector<160x128xi1>, vector<160x128xi32>
    %slice3A_1103 = vector.extract_strided_slice %get3A_2 {offsets = [74, 0, 0], sizes = [1, 160, 128], strides = [1, 1, 1]} : vector<84x160x128xf32> to vector<1x160x128xf32>
    %squeeze3A_1104 = vector.shape_cast %slice3A_1103 : vector<1x160x128xf32> to vector<160x128xf32>
    %logistic3A_1105 = arith.negf %squeeze3A_1104 : vector<160x128xf32>
    %logistic3A_1106 = math.exp %logistic3A_1105 : vector<160x128xf32>
    %logistic3A_1107 = arith.constant 1.000000e+00 : f32
    %logistic3A_1108 = vector.broadcast %logistic3A_1107 : f32 to vector<160x128xf32>
    %logistic3A_1109 = arith.addf %logistic3A_1108, %logistic3A_1106 : vector<160x128xf32>
    %logistic3A_1110 = arith.divf %logistic3A_1108, %logistic3A_1109 : vector<160x128xf32>
    %gt3A_1111 = arith.cmpf ogt, %logistic3A_1110, %select_n3A_1099 : vector<160x128xf32>
    %select_n3A_1112 = arith.select %gt3A_1111, %logistic3A_1110, %select_n3A_1099 : vector<160x128xi1>, vector<160x128xf32>
    %jit3A_1113 = arith.constant 70 : i32
    %broadcast_in_dim3A_1114 = vector.broadcast %jit3A_1113 : i32 to vector<160x128xi32>
    %select_n3A_1115 = arith.select %gt3A_1111, %broadcast_in_dim3A_1114, %select_n3A_1102 : vector<160x128xi1>, vector<160x128xi32>
    %slice3A_1116 = vector.extract_strided_slice %get3A_2 {offsets = [75, 0, 0], sizes = [1, 160, 128], strides = [1, 1, 1]} : vector<84x160x128xf32> to vector<1x160x128xf32>
    %squeeze3A_1117 = vector.shape_cast %slice3A_1116 : vector<1x160x128xf32> to vector<160x128xf32>
    %logistic3A_1118 = arith.negf %squeeze3A_1117 : vector<160x128xf32>
    %logistic3A_1119 = math.exp %logistic3A_1118 : vector<160x128xf32>
    %logistic3A_1120 = arith.constant 1.000000e+00 : f32
    %logistic3A_1121 = vector.broadcast %logistic3A_1120 : f32 to vector<160x128xf32>
    %logistic3A_1122 = arith.addf %logistic3A_1121, %logistic3A_1119 : vector<160x128xf32>
    %logistic3A_1123 = arith.divf %logistic3A_1121, %logistic3A_1122 : vector<160x128xf32>
    %gt3A_1124 = arith.cmpf ogt, %logistic3A_1123, %select_n3A_1112 : vector<160x128xf32>
    %select_n3A_1125 = arith.select %gt3A_1124, %logistic3A_1123, %select_n3A_1112 : vector<160x128xi1>, vector<160x128xf32>
    %jit3A_1126 = arith.constant 71 : i32
    %broadcast_in_dim3A_1127 = vector.broadcast %jit3A_1126 : i32 to vector<160x128xi32>
    %select_n3A_1128 = arith.select %gt3A_1124, %broadcast_in_dim3A_1127, %select_n3A_1115 : vector<160x128xi1>, vector<160x128xi32>
    %slice3A_1129 = vector.extract_strided_slice %get3A_2 {offsets = [76, 0, 0], sizes = [1, 160, 128], strides = [1, 1, 1]} : vector<84x160x128xf32> to vector<1x160x128xf32>
    %squeeze3A_1130 = vector.shape_cast %slice3A_1129 : vector<1x160x128xf32> to vector<160x128xf32>
    %logistic3A_1131 = arith.negf %squeeze3A_1130 : vector<160x128xf32>
    %logistic3A_1132 = math.exp %logistic3A_1131 : vector<160x128xf32>
    %logistic3A_1133 = arith.constant 1.000000e+00 : f32
    %logistic3A_1134 = vector.broadcast %logistic3A_1133 : f32 to vector<160x128xf32>
    %logistic3A_1135 = arith.addf %logistic3A_1134, %logistic3A_1132 : vector<160x128xf32>
    %logistic3A_1136 = arith.divf %logistic3A_1134, %logistic3A_1135 : vector<160x128xf32>
    %gt3A_1137 = arith.cmpf ogt, %logistic3A_1136, %select_n3A_1125 : vector<160x128xf32>
    %select_n3A_1138 = arith.select %gt3A_1137, %logistic3A_1136, %select_n3A_1125 : vector<160x128xi1>, vector<160x128xf32>
    %jit3A_1139 = arith.constant 72 : i32
    %broadcast_in_dim3A_1140 = vector.broadcast %jit3A_1139 : i32 to vector<160x128xi32>
    %select_n3A_1141 = arith.select %gt3A_1137, %broadcast_in_dim3A_1140, %select_n3A_1128 : vector<160x128xi1>, vector<160x128xi32>
    %slice3A_1142 = vector.extract_strided_slice %get3A_2 {offsets = [77, 0, 0], sizes = [1, 160, 128], strides = [1, 1, 1]} : vector<84x160x128xf32> to vector<1x160x128xf32>
    %squeeze3A_1143 = vector.shape_cast %slice3A_1142 : vector<1x160x128xf32> to vector<160x128xf32>
    %logistic3A_1144 = arith.negf %squeeze3A_1143 : vector<160x128xf32>
    %logistic3A_1145 = math.exp %logistic3A_1144 : vector<160x128xf32>
    %logistic3A_1146 = arith.constant 1.000000e+00 : f32
    %logistic3A_1147 = vector.broadcast %logistic3A_1146 : f32 to vector<160x128xf32>
    %logistic3A_1148 = arith.addf %logistic3A_1147, %logistic3A_1145 : vector<160x128xf32>
    %logistic3A_1149 = arith.divf %logistic3A_1147, %logistic3A_1148 : vector<160x128xf32>
    %gt3A_1150 = arith.cmpf ogt, %logistic3A_1149, %select_n3A_1138 : vector<160x128xf32>
    %select_n3A_1151 = arith.select %gt3A_1150, %logistic3A_1149, %select_n3A_1138 : vector<160x128xi1>, vector<160x128xf32>
    %jit3A_1152 = arith.constant 73 : i32
    %broadcast_in_dim3A_1153 = vector.broadcast %jit3A_1152 : i32 to vector<160x128xi32>
    %select_n3A_1154 = arith.select %gt3A_1150, %broadcast_in_dim3A_1153, %select_n3A_1141 : vector<160x128xi1>, vector<160x128xi32>
    %slice3A_1155 = vector.extract_strided_slice %get3A_2 {offsets = [78, 0, 0], sizes = [1, 160, 128], strides = [1, 1, 1]} : vector<84x160x128xf32> to vector<1x160x128xf32>
    %squeeze3A_1156 = vector.shape_cast %slice3A_1155 : vector<1x160x128xf32> to vector<160x128xf32>
    %logistic3A_1157 = arith.negf %squeeze3A_1156 : vector<160x128xf32>
    %logistic3A_1158 = math.exp %logistic3A_1157 : vector<160x128xf32>
    %logistic3A_1159 = arith.constant 1.000000e+00 : f32
    %logistic3A_1160 = vector.broadcast %logistic3A_1159 : f32 to vector<160x128xf32>
    %logistic3A_1161 = arith.addf %logistic3A_1160, %logistic3A_1158 : vector<160x128xf32>
    %logistic3A_1162 = arith.divf %logistic3A_1160, %logistic3A_1161 : vector<160x128xf32>
    %gt3A_1163 = arith.cmpf ogt, %logistic3A_1162, %select_n3A_1151 : vector<160x128xf32>
    %select_n3A_1164 = arith.select %gt3A_1163, %logistic3A_1162, %select_n3A_1151 : vector<160x128xi1>, vector<160x128xf32>
    %jit3A_1165 = arith.constant 74 : i32
    %broadcast_in_dim3A_1166 = vector.broadcast %jit3A_1165 : i32 to vector<160x128xi32>
    %select_n3A_1167 = arith.select %gt3A_1163, %broadcast_in_dim3A_1166, %select_n3A_1154 : vector<160x128xi1>, vector<160x128xi32>
    %slice3A_1168 = vector.extract_strided_slice %get3A_2 {offsets = [79, 0, 0], sizes = [1, 160, 128], strides = [1, 1, 1]} : vector<84x160x128xf32> to vector<1x160x128xf32>
    %squeeze3A_1169 = vector.shape_cast %slice3A_1168 : vector<1x160x128xf32> to vector<160x128xf32>
    %logistic3A_1170 = arith.negf %squeeze3A_1169 : vector<160x128xf32>
    %logistic3A_1171 = math.exp %logistic3A_1170 : vector<160x128xf32>
    %logistic3A_1172 = arith.constant 1.000000e+00 : f32
    %logistic3A_1173 = vector.broadcast %logistic3A_1172 : f32 to vector<160x128xf32>
    %logistic3A_1174 = arith.addf %logistic3A_1173, %logistic3A_1171 : vector<160x128xf32>
    %logistic3A_1175 = arith.divf %logistic3A_1173, %logistic3A_1174 : vector<160x128xf32>
    %gt3A_1176 = arith.cmpf ogt, %logistic3A_1175, %select_n3A_1164 : vector<160x128xf32>
    %select_n3A_1177 = arith.select %gt3A_1176, %logistic3A_1175, %select_n3A_1164 : vector<160x128xi1>, vector<160x128xf32>
    %jit3A_1178 = arith.constant 75 : i32
    %broadcast_in_dim3A_1179 = vector.broadcast %jit3A_1178 : i32 to vector<160x128xi32>
    %select_n3A_1180 = arith.select %gt3A_1176, %broadcast_in_dim3A_1179, %select_n3A_1167 : vector<160x128xi1>, vector<160x128xi32>
    %slice3A_1181 = vector.extract_strided_slice %get3A_2 {offsets = [80, 0, 0], sizes = [1, 160, 128], strides = [1, 1, 1]} : vector<84x160x128xf32> to vector<1x160x128xf32>
    %squeeze3A_1182 = vector.shape_cast %slice3A_1181 : vector<1x160x128xf32> to vector<160x128xf32>
    %logistic3A_1183 = arith.negf %squeeze3A_1182 : vector<160x128xf32>
    %logistic3A_1184 = math.exp %logistic3A_1183 : vector<160x128xf32>
    %logistic3A_1185 = arith.constant 1.000000e+00 : f32
    %logistic3A_1186 = vector.broadcast %logistic3A_1185 : f32 to vector<160x128xf32>
    %logistic3A_1187 = arith.addf %logistic3A_1186, %logistic3A_1184 : vector<160x128xf32>
    %logistic3A_1188 = arith.divf %logistic3A_1186, %logistic3A_1187 : vector<160x128xf32>
    %gt3A_1189 = arith.cmpf ogt, %logistic3A_1188, %select_n3A_1177 : vector<160x128xf32>
    %select_n3A_1190 = arith.select %gt3A_1189, %logistic3A_1188, %select_n3A_1177 : vector<160x128xi1>, vector<160x128xf32>
    %jit3A_1191 = arith.constant 76 : i32
    %broadcast_in_dim3A_1192 = vector.broadcast %jit3A_1191 : i32 to vector<160x128xi32>
    %select_n3A_1193 = arith.select %gt3A_1189, %broadcast_in_dim3A_1192, %select_n3A_1180 : vector<160x128xi1>, vector<160x128xi32>
    %slice3A_1194 = vector.extract_strided_slice %get3A_2 {offsets = [81, 0, 0], sizes = [1, 160, 128], strides = [1, 1, 1]} : vector<84x160x128xf32> to vector<1x160x128xf32>
    %squeeze3A_1195 = vector.shape_cast %slice3A_1194 : vector<1x160x128xf32> to vector<160x128xf32>
    %logistic3A_1196 = arith.negf %squeeze3A_1195 : vector<160x128xf32>
    %logistic3A_1197 = math.exp %logistic3A_1196 : vector<160x128xf32>
    %logistic3A_1198 = arith.constant 1.000000e+00 : f32
    %logistic3A_1199 = vector.broadcast %logistic3A_1198 : f32 to vector<160x128xf32>
    %logistic3A_1200 = arith.addf %logistic3A_1199, %logistic3A_1197 : vector<160x128xf32>
    %logistic3A_1201 = arith.divf %logistic3A_1199, %logistic3A_1200 : vector<160x128xf32>
    %gt3A_1202 = arith.cmpf ogt, %logistic3A_1201, %select_n3A_1190 : vector<160x128xf32>
    %select_n3A_1203 = arith.select %gt3A_1202, %logistic3A_1201, %select_n3A_1190 : vector<160x128xi1>, vector<160x128xf32>
    %jit3A_1204 = arith.constant 77 : i32
    %broadcast_in_dim3A_1205 = vector.broadcast %jit3A_1204 : i32 to vector<160x128xi32>
    %select_n3A_1206 = arith.select %gt3A_1202, %broadcast_in_dim3A_1205, %select_n3A_1193 : vector<160x128xi1>, vector<160x128xi32>
    %slice3A_1207 = vector.extract_strided_slice %get3A_2 {offsets = [82, 0, 0], sizes = [1, 160, 128], strides = [1, 1, 1]} : vector<84x160x128xf32> to vector<1x160x128xf32>
    %squeeze3A_1208 = vector.shape_cast %slice3A_1207 : vector<1x160x128xf32> to vector<160x128xf32>
    %logistic3A_1209 = arith.negf %squeeze3A_1208 : vector<160x128xf32>
    %logistic3A_1210 = math.exp %logistic3A_1209 : vector<160x128xf32>
    %logistic3A_1211 = arith.constant 1.000000e+00 : f32
    %logistic3A_1212 = vector.broadcast %logistic3A_1211 : f32 to vector<160x128xf32>
    %logistic3A_1213 = arith.addf %logistic3A_1212, %logistic3A_1210 : vector<160x128xf32>
    %logistic3A_1214 = arith.divf %logistic3A_1212, %logistic3A_1213 : vector<160x128xf32>
    %gt3A_1215 = arith.cmpf ogt, %logistic3A_1214, %select_n3A_1203 : vector<160x128xf32>
    %select_n3A_1216 = arith.select %gt3A_1215, %logistic3A_1214, %select_n3A_1203 : vector<160x128xi1>, vector<160x128xf32>
    %jit3A_1217 = arith.constant 78 : i32
    %broadcast_in_dim3A_1218 = vector.broadcast %jit3A_1217 : i32 to vector<160x128xi32>
    %select_n3A_1219 = arith.select %gt3A_1215, %broadcast_in_dim3A_1218, %select_n3A_1206 : vector<160x128xi1>, vector<160x128xi32>
    %slice3A_1220 = vector.extract_strided_slice %get3A_2 {offsets = [83, 0, 0], sizes = [1, 160, 128], strides = [1, 1, 1]} : vector<84x160x128xf32> to vector<1x160x128xf32>
    %squeeze3A_1221 = vector.shape_cast %slice3A_1220 : vector<1x160x128xf32> to vector<160x128xf32>
    %logistic3A_1222 = arith.negf %squeeze3A_1221 : vector<160x128xf32>
    %logistic3A_1223 = math.exp %logistic3A_1222 : vector<160x128xf32>
    %logistic3A_1224 = arith.constant 1.000000e+00 : f32
    %logistic3A_1225 = vector.broadcast %logistic3A_1224 : f32 to vector<160x128xf32>
    %logistic3A_1226 = arith.addf %logistic3A_1225, %logistic3A_1223 : vector<160x128xf32>
    %logistic3A_1227 = arith.divf %logistic3A_1225, %logistic3A_1226 : vector<160x128xf32>
    %gt3A_1228 = arith.cmpf ogt, %logistic3A_1227, %select_n3A_1216 : vector<160x128xf32>
    %select_n3A_1229 = arith.select %gt3A_1228, %logistic3A_1227, %select_n3A_1216 : vector<160x128xi1>, vector<160x128xf32>
    %jit3A_1230 = arith.constant 79 : i32
    %broadcast_in_dim3A_1231 = vector.broadcast %jit3A_1230 : i32 to vector<160x128xi32>
    %select_n3A_1232 = arith.select %gt3A_1228, %broadcast_in_dim3A_1231, %select_n3A_1219 : vector<160x128xi1>, vector<160x128xi32>
    %convert_element_type3A_1233 = arith.sitofp %select_n3A_1232 : vector<160x128xi32> to vector<160x128xf32>
    %mul3A_1234 = arith.constant 5.130000e+02 : f32
    %mul3A_1235 = vector.broadcast %mul3A_1234 : f32 to vector<160x128xf32>
    %mul3A_1236 = arith.mulf %convert_element_type3A_1233, %mul3A_1235 : vector<160x128xf32>
    %add3A_1237 = arith.addf %min3A_167, %mul3A_1236 : vector<160x128xf32>
    %add3A_1238 = arith.addf %min3A_177, %mul3A_1236 : vector<160x128xf32>
    %add3A_1239 = arith.addf %min3A_187, %mul3A_1236 : vector<160x128xf32>
    %add3A_1240 = arith.addf %min3A_197, %mul3A_1236 : vector<160x128xf32>
    %sub3A_1241 = arith.subf %add3A_1239, %add3A_1237 : vector<160x128xf32>
    %sub3A_1242 = arith.subf %add3A_1240, %add3A_1238 : vector<160x128xf32>
    %mul3A_1243 = arith.mulf %sub3A_1241, %sub3A_1242 : vector<160x128xf32>
    %iota3A = tpu.iota {dimensions = array<i32: 0>} : vector<160x128xi32>
    %mul3A_1244 = arith.constant 128 : i32
    %mul3A_1245 = vector.broadcast %mul3A_1244 : i32 to vector<160x128xi32>
    %mul3A_1246 = arith.muli %iota3A, %mul3A_1245 : vector<160x128xi32>
    %iota3A_1247 = tpu.iota {dimensions = array<i32: 1>} : vector<160x128xi32>
    %add3A_1248 = arith.addi %mul3A_1246, %iota3A_1247 : vector<160x128xi32>
    %ge3A = arith.constant 5.000000e-02 : f32
    %ge3A_1249 = vector.broadcast %ge3A : f32 to vector<160x128xf32>
    %ge3A_1250 = arith.cmpf oge, %select_n3A_1229, %ge3A_1249 : vector<160x128xf32>
    %jit3A_1251 = arith.constant -1.000000e+09 : f32
    %broadcast_in_dim3A_1252 = vector.broadcast %jit3A_1251 : f32 to vector<160x128xf32>
    %select_n3A_1253 = arith.select %ge3A_1250, %select_n3A_1229, %broadcast_in_dim3A_1252 : vector<160x128xi1>, vector<160x128xf32>
    %lt3A_1254 = arith.constant 20000 : i32
    %lt3A_1255 = vector.broadcast %lt3A_1254 : i32 to vector<160x128xi32>
    %lt3A_1256 = arith.cmpi slt, %add3A_1248, %lt3A_1255 : vector<160x128xi32>
    %jit3A_1257 = arith.constant -2.000000e+09 : f32
    %broadcast_in_dim3A_1258 = vector.broadcast %jit3A_1257 : f32 to vector<160x128xf32>
    %select_n3A_1259 = arith.select %lt3A_1256, %select_n3A_1253, %broadcast_in_dim3A_1258 : vector<160x128xi1>, vector<160x128xf32>
    %iota3A_1260 = tpu.iota {dimensions = array<i32: 0>} : vector<160x128xi32>
    %reduce_max3A = arith.constant dense<0xFF800000> : vector<128xf32>
    %reduce_max3A_1261 = vector.multi_reduction <maximumf>, %select_n3A_1259, %reduce_max3A [0] : vector<160x128xf32> to vector<128xf32>
    %broadcast_in_dim3A_1262 = vector.shape_cast %reduce_max3A_1261 : vector<128xf32> to vector<1x128xf32>
    %eq3A = vector.broadcast %broadcast_in_dim3A_1262 : vector<1x128xf32> to vector<160x128xf32>
    %eq3A_1263 = arith.cmpf oeq, %select_n3A_1259, %eq3A : vector<160x128xf32>
    %jit3A_1264 = arith.constant 1073741824 : i32
    %broadcast_in_dim3A_1265 = vector.broadcast %jit3A_1264 : i32 to vector<160x128xi32>
    %select_n3A_1266 = arith.select %eq3A_1263, %iota3A_1260, %broadcast_in_dim3A_1265 : vector<160x128xi1>, vector<160x128xi32>
    %reduce_min3A = arith.constant dense<2147483647> : vector<128xi32>
    %reduce_min3A_1267 = vector.multi_reduction <minsi>, %select_n3A_1266, %reduce_min3A [0] : vector<160x128xi32> to vector<128xi32>
    %broadcast_in_dim3A_1268 = vector.shape_cast %reduce_min3A_1267 : vector<128xi32> to vector<1x128xi32>
    %eq3A_1269 = vector.broadcast %broadcast_in_dim3A_1268 : vector<1x128xi32> to vector<160x128xi32>
    %eq3A_1270 = arith.cmpi eq, %iota3A_1260, %eq3A_1269 : vector<160x128xi32>
    %jit3A_1271 = arith.constant 0 : i32
    %broadcast_in_dim3A_1272 = vector.broadcast %jit3A_1271 : i32 to vector<160x128xi32>
    %select_n3A_1273 = arith.select %eq3A_1270, %add3A_1248, %broadcast_in_dim3A_1272 : vector<160x128xi1>, vector<160x128xi32>
    %reduce_sum3A = arith.constant dense<0> : vector<128xi32>
    %reduce_sum3A_1274 = vector.multi_reduction <add>, %select_n3A_1273, %reduce_sum3A [0] : vector<160x128xi32> to vector<128xi32>
    %jit3A_1275 = arith.constant 0.000000e+00 : f32
    %broadcast_in_dim3A_1276 = vector.broadcast %jit3A_1275 : f32 to vector<160x128xf32>
    %select_n3A_1277 = arith.select %eq3A_1270, %add3A_1237, %broadcast_in_dim3A_1276 : vector<160x128xi1>, vector<160x128xf32>
    %reduce_sum3A_1278 = arith.constant dense<0.000000e+00> : vector<128xf32>
    %reduce_sum3A_1279 = vector.multi_reduction <add>, %select_n3A_1277, %reduce_sum3A_1278 [0] : vector<160x128xf32> to vector<128xf32>
    %jit3A_1280 = arith.constant 0.000000e+00 : f32
    %broadcast_in_dim3A_1281 = vector.broadcast %jit3A_1280 : f32 to vector<160x128xf32>
    %select_n3A_1282 = arith.select %eq3A_1270, %add3A_1238, %broadcast_in_dim3A_1281 : vector<160x128xi1>, vector<160x128xf32>
    %reduce_sum3A_1283 = arith.constant dense<0.000000e+00> : vector<128xf32>
    %reduce_sum3A_1284 = vector.multi_reduction <add>, %select_n3A_1282, %reduce_sum3A_1283 [0] : vector<160x128xf32> to vector<128xf32>
    %jit3A_1285 = arith.constant 0.000000e+00 : f32
    %broadcast_in_dim3A_1286 = vector.broadcast %jit3A_1285 : f32 to vector<160x128xf32>
    %select_n3A_1287 = arith.select %eq3A_1270, %add3A_1239, %broadcast_in_dim3A_1286 : vector<160x128xi1>, vector<160x128xf32>
    %reduce_sum3A_1288 = arith.constant dense<0.000000e+00> : vector<128xf32>
    %reduce_sum3A_1289 = vector.multi_reduction <add>, %select_n3A_1287, %reduce_sum3A_1288 [0] : vector<160x128xf32> to vector<128xf32>
    %jit3A_1290 = arith.constant 0.000000e+00 : f32
    %broadcast_in_dim3A_1291 = vector.broadcast %jit3A_1290 : f32 to vector<160x128xf32>
    %select_n3A_1292 = arith.select %eq3A_1270, %add3A_1240, %broadcast_in_dim3A_1291 : vector<160x128xi1>, vector<160x128xf32>
    %reduce_sum3A_1293 = arith.constant dense<0.000000e+00> : vector<128xf32>
    %reduce_sum3A_1294 = vector.multi_reduction <add>, %select_n3A_1292, %reduce_sum3A_1293 [0] : vector<160x128xf32> to vector<128xf32>
    %jit3A_1295 = arith.constant 0.000000e+00 : f32
    %broadcast_in_dim3A_1296 = vector.broadcast %jit3A_1295 : f32 to vector<160x128xf32>
    %select_n3A_1297 = arith.select %eq3A_1270, %mul3A_1243, %broadcast_in_dim3A_1296 : vector<160x128xi1>, vector<160x128xf32>
    %reduce_sum3A_1298 = arith.constant dense<0.000000e+00> : vector<128xf32>
    %reduce_sum3A_1299 = vector.multi_reduction <add>, %select_n3A_1297, %reduce_sum3A_1298 [0] : vector<160x128xf32> to vector<128xf32>
    %jit3A_1300 = arith.constant 0.000000e+00 : f32
    %broadcast_in_dim3A_1301 = vector.broadcast %jit3A_1300 : f32 to vector<160x128xf32>
    %select_n3A_1302 = arith.select %eq3A_1270, %min3A_167, %broadcast_in_dim3A_1301 : vector<160x128xi1>, vector<160x128xf32>
    %reduce_sum3A_1303 = arith.constant dense<0.000000e+00> : vector<128xf32>
    %reduce_sum3A_1304 = vector.multi_reduction <add>, %select_n3A_1302, %reduce_sum3A_1303 [0] : vector<160x128xf32> to vector<128xf32>
    %jit3A_1305 = arith.constant 0.000000e+00 : f32
    %broadcast_in_dim3A_1306 = vector.broadcast %jit3A_1305 : f32 to vector<160x128xf32>
    %select_n3A_1307 = arith.select %eq3A_1270, %min3A_177, %broadcast_in_dim3A_1306 : vector<160x128xi1>, vector<160x128xf32>
    %reduce_sum3A_1308 = arith.constant dense<0.000000e+00> : vector<128xf32>
    %reduce_sum3A_1309 = vector.multi_reduction <add>, %select_n3A_1307, %reduce_sum3A_1308 [0] : vector<160x128xf32> to vector<128xf32>
    %jit3A_1310 = arith.constant 0.000000e+00 : f32
    %broadcast_in_dim3A_1311 = vector.broadcast %jit3A_1310 : f32 to vector<160x128xf32>
    %select_n3A_1312 = arith.select %eq3A_1270, %min3A_187, %broadcast_in_dim3A_1311 : vector<160x128xi1>, vector<160x128xf32>
    %reduce_sum3A_1313 = arith.constant dense<0.000000e+00> : vector<128xf32>
    %reduce_sum3A_1314 = vector.multi_reduction <add>, %select_n3A_1312, %reduce_sum3A_1313 [0] : vector<160x128xf32> to vector<128xf32>
    %jit3A_1315 = arith.constant 0.000000e+00 : f32
    %broadcast_in_dim3A_1316 = vector.broadcast %jit3A_1315 : f32 to vector<160x128xf32>
    %select_n3A_1317 = arith.select %eq3A_1270, %min3A_197, %broadcast_in_dim3A_1316 : vector<160x128xi1>, vector<160x128xf32>
    %reduce_sum3A_1318 = arith.constant dense<0.000000e+00> : vector<128xf32>
    %reduce_sum3A_1319 = vector.multi_reduction <add>, %select_n3A_1317, %reduce_sum3A_1318 [0] : vector<160x128xf32> to vector<128xf32>
    %jit3A_1320 = arith.constant 0.000000e+00 : f32
    %broadcast_in_dim3A_1321 = vector.broadcast %jit3A_1320 : f32 to vector<160x128xf32>
    %select_n3A_1322 = arith.select %eq3A_1270, %convert_element_type3A_1233, %broadcast_in_dim3A_1321 : vector<160x128xi1>, vector<160x128xf32>
    %reduce_sum3A_1323 = arith.constant dense<0.000000e+00> : vector<128xf32>
    %reduce_sum3A_1324 = vector.multi_reduction <add>, %select_n3A_1322, %reduce_sum3A_1323 [0] : vector<160x128xf32> to vector<128xf32>
    %jit3A_1325 = arith.constant -2.000000e+09 : f32
    %broadcast_in_dim3A_1326 = vector.broadcast %jit3A_1325 : f32 to vector<160x128xf32>
    %select_n3A_1327 = arith.select %eq3A_1270, %broadcast_in_dim3A_1326, %select_n3A_1259 : vector<160x128xi1>, vector<160x128xf32>
    %reduce_max3A_1328 = arith.constant dense<0xFF800000> : vector<128xf32>
    %reduce_max3A_1329 = vector.multi_reduction <maximumf>, %select_n3A_1327, %reduce_max3A_1328 [0] : vector<160x128xf32> to vector<128xf32>
    %broadcast_in_dim3A_1330 = vector.shape_cast %reduce_max3A_1329 : vector<128xf32> to vector<1x128xf32>
    %eq3A_1331 = vector.broadcast %broadcast_in_dim3A_1330 : vector<1x128xf32> to vector<160x128xf32>
    %eq3A_1332 = arith.cmpf oeq, %select_n3A_1327, %eq3A_1331 : vector<160x128xf32>
    %jit3A_1333 = arith.constant 1073741824 : i32
    %broadcast_in_dim3A_1334 = vector.broadcast %jit3A_1333 : i32 to vector<160x128xi32>
    %select_n3A_1335 = arith.select %eq3A_1332, %iota3A_1260, %broadcast_in_dim3A_1334 : vector<160x128xi1>, vector<160x128xi32>
    %reduce_min3A_1336 = arith.constant dense<2147483647> : vector<128xi32>
    %reduce_min3A_1337 = vector.multi_reduction <minsi>, %select_n3A_1335, %reduce_min3A_1336 [0] : vector<160x128xi32> to vector<128xi32>
    %broadcast_in_dim3A_1338 = vector.shape_cast %reduce_min3A_1337 : vector<128xi32> to vector<1x128xi32>
    %eq3A_1339 = vector.broadcast %broadcast_in_dim3A_1338 : vector<1x128xi32> to vector<160x128xi32>
    %eq3A_1340 = arith.cmpi eq, %iota3A_1260, %eq3A_1339 : vector<160x128xi32>
    %jit3A_1341 = arith.constant 0 : i32
    %broadcast_in_dim3A_1342 = vector.broadcast %jit3A_1341 : i32 to vector<160x128xi32>
    %select_n3A_1343 = arith.select %eq3A_1340, %add3A_1248, %broadcast_in_dim3A_1342 : vector<160x128xi1>, vector<160x128xi32>
    %reduce_sum3A_1344 = arith.constant dense<0> : vector<128xi32>
    %reduce_sum3A_1345 = vector.multi_reduction <add>, %select_n3A_1343, %reduce_sum3A_1344 [0] : vector<160x128xi32> to vector<128xi32>
    %jit3A_1346 = arith.constant 0.000000e+00 : f32
    %broadcast_in_dim3A_1347 = vector.broadcast %jit3A_1346 : f32 to vector<160x128xf32>
    %select_n3A_1348 = arith.select %eq3A_1340, %add3A_1237, %broadcast_in_dim3A_1347 : vector<160x128xi1>, vector<160x128xf32>
    %reduce_sum3A_1349 = arith.constant dense<0.000000e+00> : vector<128xf32>
    %reduce_sum3A_1350 = vector.multi_reduction <add>, %select_n3A_1348, %reduce_sum3A_1349 [0] : vector<160x128xf32> to vector<128xf32>
    %jit3A_1351 = arith.constant 0.000000e+00 : f32
    %broadcast_in_dim3A_1352 = vector.broadcast %jit3A_1351 : f32 to vector<160x128xf32>
    %select_n3A_1353 = arith.select %eq3A_1340, %add3A_1238, %broadcast_in_dim3A_1352 : vector<160x128xi1>, vector<160x128xf32>
    %reduce_sum3A_1354 = arith.constant dense<0.000000e+00> : vector<128xf32>
    %reduce_sum3A_1355 = vector.multi_reduction <add>, %select_n3A_1353, %reduce_sum3A_1354 [0] : vector<160x128xf32> to vector<128xf32>
    %jit3A_1356 = arith.constant 0.000000e+00 : f32
    %broadcast_in_dim3A_1357 = vector.broadcast %jit3A_1356 : f32 to vector<160x128xf32>
    %select_n3A_1358 = arith.select %eq3A_1340, %add3A_1239, %broadcast_in_dim3A_1357 : vector<160x128xi1>, vector<160x128xf32>
    %reduce_sum3A_1359 = arith.constant dense<0.000000e+00> : vector<128xf32>
    %reduce_sum3A_1360 = vector.multi_reduction <add>, %select_n3A_1358, %reduce_sum3A_1359 [0] : vector<160x128xf32> to vector<128xf32>
    %jit3A_1361 = arith.constant 0.000000e+00 : f32
    %broadcast_in_dim3A_1362 = vector.broadcast %jit3A_1361 : f32 to vector<160x128xf32>
    %select_n3A_1363 = arith.select %eq3A_1340, %add3A_1240, %broadcast_in_dim3A_1362 : vector<160x128xi1>, vector<160x128xf32>
    %reduce_sum3A_1364 = arith.constant dense<0.000000e+00> : vector<128xf32>
    %reduce_sum3A_1365 = vector.multi_reduction <add>, %select_n3A_1363, %reduce_sum3A_1364 [0] : vector<160x128xf32> to vector<128xf32>
    %jit3A_1366 = arith.constant 0.000000e+00 : f32
    %broadcast_in_dim3A_1367 = vector.broadcast %jit3A_1366 : f32 to vector<160x128xf32>
    %select_n3A_1368 = arith.select %eq3A_1340, %mul3A_1243, %broadcast_in_dim3A_1367 : vector<160x128xi1>, vector<160x128xf32>
    %reduce_sum3A_1369 = arith.constant dense<0.000000e+00> : vector<128xf32>
    %reduce_sum3A_1370 = vector.multi_reduction <add>, %select_n3A_1368, %reduce_sum3A_1369 [0] : vector<160x128xf32> to vector<128xf32>
    %jit3A_1371 = arith.constant 0.000000e+00 : f32
    %broadcast_in_dim3A_1372 = vector.broadcast %jit3A_1371 : f32 to vector<160x128xf32>
    %select_n3A_1373 = arith.select %eq3A_1340, %min3A_167, %broadcast_in_dim3A_1372 : vector<160x128xi1>, vector<160x128xf32>
    %reduce_sum3A_1374 = arith.constant dense<0.000000e+00> : vector<128xf32>
    %reduce_sum3A_1375 = vector.multi_reduction <add>, %select_n3A_1373, %reduce_sum3A_1374 [0] : vector<160x128xf32> to vector<128xf32>
    %jit3A_1376 = arith.constant 0.000000e+00 : f32
    %broadcast_in_dim3A_1377 = vector.broadcast %jit3A_1376 : f32 to vector<160x128xf32>
    %select_n3A_1378 = arith.select %eq3A_1340, %min3A_177, %broadcast_in_dim3A_1377 : vector<160x128xi1>, vector<160x128xf32>
    %reduce_sum3A_1379 = arith.constant dense<0.000000e+00> : vector<128xf32>
    %reduce_sum3A_1380 = vector.multi_reduction <add>, %select_n3A_1378, %reduce_sum3A_1379 [0] : vector<160x128xf32> to vector<128xf32>
    %jit3A_1381 = arith.constant 0.000000e+00 : f32
    %broadcast_in_dim3A_1382 = vector.broadcast %jit3A_1381 : f32 to vector<160x128xf32>
    %select_n3A_1383 = arith.select %eq3A_1340, %min3A_187, %broadcast_in_dim3A_1382 : vector<160x128xi1>, vector<160x128xf32>
    %reduce_sum3A_1384 = arith.constant dense<0.000000e+00> : vector<128xf32>
    %reduce_sum3A_1385 = vector.multi_reduction <add>, %select_n3A_1383, %reduce_sum3A_1384 [0] : vector<160x128xf32> to vector<128xf32>
    %jit3A_1386 = arith.constant 0.000000e+00 : f32
    %broadcast_in_dim3A_1387 = vector.broadcast %jit3A_1386 : f32 to vector<160x128xf32>
    %select_n3A_1388 = arith.select %eq3A_1340, %min3A_197, %broadcast_in_dim3A_1387 : vector<160x128xi1>, vector<160x128xf32>
    %reduce_sum3A_1389 = arith.constant dense<0.000000e+00> : vector<128xf32>
    %reduce_sum3A_1390 = vector.multi_reduction <add>, %select_n3A_1388, %reduce_sum3A_1389 [0] : vector<160x128xf32> to vector<128xf32>
    %jit3A_1391 = arith.constant 0.000000e+00 : f32
    %broadcast_in_dim3A_1392 = vector.broadcast %jit3A_1391 : f32 to vector<160x128xf32>
    %select_n3A_1393 = arith.select %eq3A_1340, %convert_element_type3A_1233, %broadcast_in_dim3A_1392 : vector<160x128xi1>, vector<160x128xf32>
    %reduce_sum3A_1394 = arith.constant dense<0.000000e+00> : vector<128xf32>
    %reduce_sum3A_1395 = vector.multi_reduction <add>, %select_n3A_1393, %reduce_sum3A_1394 [0] : vector<160x128xf32> to vector<128xf32>
    %jit3A_1396 = arith.constant -2.000000e+09 : f32
    %broadcast_in_dim3A_1397 = vector.broadcast %jit3A_1396 : f32 to vector<160x128xf32>
    %select_n3A_1398 = arith.select %eq3A_1340, %broadcast_in_dim3A_1397, %select_n3A_1327 : vector<160x128xi1>, vector<160x128xf32>
    %reduce_max3A_1399 = arith.constant dense<0xFF800000> : vector<128xf32>
    %reduce_max3A_1400 = vector.multi_reduction <maximumf>, %select_n3A_1398, %reduce_max3A_1399 [0] : vector<160x128xf32> to vector<128xf32>
    %broadcast_in_dim3A_1401 = vector.shape_cast %reduce_max3A_1400 : vector<128xf32> to vector<1x128xf32>
    %eq3A_1402 = vector.broadcast %broadcast_in_dim3A_1401 : vector<1x128xf32> to vector<160x128xf32>
    %eq3A_1403 = arith.cmpf oeq, %select_n3A_1398, %eq3A_1402 : vector<160x128xf32>
    %jit3A_1404 = arith.constant 1073741824 : i32
    %broadcast_in_dim3A_1405 = vector.broadcast %jit3A_1404 : i32 to vector<160x128xi32>
    %select_n3A_1406 = arith.select %eq3A_1403, %iota3A_1260, %broadcast_in_dim3A_1405 : vector<160x128xi1>, vector<160x128xi32>
    %reduce_min3A_1407 = arith.constant dense<2147483647> : vector<128xi32>
    %reduce_min3A_1408 = vector.multi_reduction <minsi>, %select_n3A_1406, %reduce_min3A_1407 [0] : vector<160x128xi32> to vector<128xi32>
    %broadcast_in_dim3A_1409 = vector.shape_cast %reduce_min3A_1408 : vector<128xi32> to vector<1x128xi32>
    %eq3A_1410 = vector.broadcast %broadcast_in_dim3A_1409 : vector<1x128xi32> to vector<160x128xi32>
    %eq3A_1411 = arith.cmpi eq, %iota3A_1260, %eq3A_1410 : vector<160x128xi32>
    %jit3A_1412 = arith.constant 0 : i32
    %broadcast_in_dim3A_1413 = vector.broadcast %jit3A_1412 : i32 to vector<160x128xi32>
    %select_n3A_1414 = arith.select %eq3A_1411, %add3A_1248, %broadcast_in_dim3A_1413 : vector<160x128xi1>, vector<160x128xi32>
    %reduce_sum3A_1415 = arith.constant dense<0> : vector<128xi32>
    %reduce_sum3A_1416 = vector.multi_reduction <add>, %select_n3A_1414, %reduce_sum3A_1415 [0] : vector<160x128xi32> to vector<128xi32>
    %jit3A_1417 = arith.constant 0.000000e+00 : f32
    %broadcast_in_dim3A_1418 = vector.broadcast %jit3A_1417 : f32 to vector<160x128xf32>
    %select_n3A_1419 = arith.select %eq3A_1411, %add3A_1237, %broadcast_in_dim3A_1418 : vector<160x128xi1>, vector<160x128xf32>
    %reduce_sum3A_1420 = arith.constant dense<0.000000e+00> : vector<128xf32>
    %reduce_sum3A_1421 = vector.multi_reduction <add>, %select_n3A_1419, %reduce_sum3A_1420 [0] : vector<160x128xf32> to vector<128xf32>
    %jit3A_1422 = arith.constant 0.000000e+00 : f32
    %broadcast_in_dim3A_1423 = vector.broadcast %jit3A_1422 : f32 to vector<160x128xf32>
    %select_n3A_1424 = arith.select %eq3A_1411, %add3A_1238, %broadcast_in_dim3A_1423 : vector<160x128xi1>, vector<160x128xf32>
    %reduce_sum3A_1425 = arith.constant dense<0.000000e+00> : vector<128xf32>
    %reduce_sum3A_1426 = vector.multi_reduction <add>, %select_n3A_1424, %reduce_sum3A_1425 [0] : vector<160x128xf32> to vector<128xf32>
    %jit3A_1427 = arith.constant 0.000000e+00 : f32
    %broadcast_in_dim3A_1428 = vector.broadcast %jit3A_1427 : f32 to vector<160x128xf32>
    %select_n3A_1429 = arith.select %eq3A_1411, %add3A_1239, %broadcast_in_dim3A_1428 : vector<160x128xi1>, vector<160x128xf32>
    %reduce_sum3A_1430 = arith.constant dense<0.000000e+00> : vector<128xf32>
    %reduce_sum3A_1431 = vector.multi_reduction <add>, %select_n3A_1429, %reduce_sum3A_1430 [0] : vector<160x128xf32> to vector<128xf32>
    %jit3A_1432 = arith.constant 0.000000e+00 : f32
    %broadcast_in_dim3A_1433 = vector.broadcast %jit3A_1432 : f32 to vector<160x128xf32>
    %select_n3A_1434 = arith.select %eq3A_1411, %add3A_1240, %broadcast_in_dim3A_1433 : vector<160x128xi1>, vector<160x128xf32>
    %reduce_sum3A_1435 = arith.constant dense<0.000000e+00> : vector<128xf32>
    %reduce_sum3A_1436 = vector.multi_reduction <add>, %select_n3A_1434, %reduce_sum3A_1435 [0] : vector<160x128xf32> to vector<128xf32>
    %jit3A_1437 = arith.constant 0.000000e+00 : f32
    %broadcast_in_dim3A_1438 = vector.broadcast %jit3A_1437 : f32 to vector<160x128xf32>
    %select_n3A_1439 = arith.select %eq3A_1411, %mul3A_1243, %broadcast_in_dim3A_1438 : vector<160x128xi1>, vector<160x128xf32>
    %reduce_sum3A_1440 = arith.constant dense<0.000000e+00> : vector<128xf32>
    %reduce_sum3A_1441 = vector.multi_reduction <add>, %select_n3A_1439, %reduce_sum3A_1440 [0] : vector<160x128xf32> to vector<128xf32>
    %jit3A_1442 = arith.constant 0.000000e+00 : f32
    %broadcast_in_dim3A_1443 = vector.broadcast %jit3A_1442 : f32 to vector<160x128xf32>
    %select_n3A_1444 = arith.select %eq3A_1411, %min3A_167, %broadcast_in_dim3A_1443 : vector<160x128xi1>, vector<160x128xf32>
    %reduce_sum3A_1445 = arith.constant dense<0.000000e+00> : vector<128xf32>
    %reduce_sum3A_1446 = vector.multi_reduction <add>, %select_n3A_1444, %reduce_sum3A_1445 [0] : vector<160x128xf32> to vector<128xf32>
    %jit3A_1447 = arith.constant 0.000000e+00 : f32
    %broadcast_in_dim3A_1448 = vector.broadcast %jit3A_1447 : f32 to vector<160x128xf32>
    %select_n3A_1449 = arith.select %eq3A_1411, %min3A_177, %broadcast_in_dim3A_1448 : vector<160x128xi1>, vector<160x128xf32>
    %reduce_sum3A_1450 = arith.constant dense<0.000000e+00> : vector<128xf32>
    %reduce_sum3A_1451 = vector.multi_reduction <add>, %select_n3A_1449, %reduce_sum3A_1450 [0] : vector<160x128xf32> to vector<128xf32>
    %jit3A_1452 = arith.constant 0.000000e+00 : f32
    %broadcast_in_dim3A_1453 = vector.broadcast %jit3A_1452 : f32 to vector<160x128xf32>
    %select_n3A_1454 = arith.select %eq3A_1411, %min3A_187, %broadcast_in_dim3A_1453 : vector<160x128xi1>, vector<160x128xf32>
    %reduce_sum3A_1455 = arith.constant dense<0.000000e+00> : vector<128xf32>
    %reduce_sum3A_1456 = vector.multi_reduction <add>, %select_n3A_1454, %reduce_sum3A_1455 [0] : vector<160x128xf32> to vector<128xf32>
    %jit3A_1457 = arith.constant 0.000000e+00 : f32
    %broadcast_in_dim3A_1458 = vector.broadcast %jit3A_1457 : f32 to vector<160x128xf32>
    %select_n3A_1459 = arith.select %eq3A_1411, %min3A_197, %broadcast_in_dim3A_1458 : vector<160x128xi1>, vector<160x128xf32>
    %reduce_sum3A_1460 = arith.constant dense<0.000000e+00> : vector<128xf32>
    %reduce_sum3A_1461 = vector.multi_reduction <add>, %select_n3A_1459, %reduce_sum3A_1460 [0] : vector<160x128xf32> to vector<128xf32>
    %jit3A_1462 = arith.constant 0.000000e+00 : f32
    %broadcast_in_dim3A_1463 = vector.broadcast %jit3A_1462 : f32 to vector<160x128xf32>
    %select_n3A_1464 = arith.select %eq3A_1411, %convert_element_type3A_1233, %broadcast_in_dim3A_1463 : vector<160x128xi1>, vector<160x128xf32>
    %reduce_sum3A_1465 = arith.constant dense<0.000000e+00> : vector<128xf32>
    %reduce_sum3A_1466 = vector.multi_reduction <add>, %select_n3A_1464, %reduce_sum3A_1465 [0] : vector<160x128xf32> to vector<128xf32>
    %jit3A_1467 = arith.constant -2.000000e+09 : f32
    %broadcast_in_dim3A_1468 = vector.broadcast %jit3A_1467 : f32 to vector<160x128xf32>
    %select_n3A_1469 = arith.select %eq3A_1411, %broadcast_in_dim3A_1468, %select_n3A_1398 : vector<160x128xi1>, vector<160x128xf32>
    %reduce_max3A_1470 = arith.constant dense<0xFF800000> : vector<128xf32>
    %reduce_max3A_1471 = vector.multi_reduction <maximumf>, %select_n3A_1469, %reduce_max3A_1470 [0] : vector<160x128xf32> to vector<128xf32>
    %broadcast_in_dim3A_1472 = vector.shape_cast %reduce_max3A_1471 : vector<128xf32> to vector<1x128xf32>
    %eq3A_1473 = vector.broadcast %broadcast_in_dim3A_1472 : vector<1x128xf32> to vector<160x128xf32>
    %eq3A_1474 = arith.cmpf oeq, %select_n3A_1469, %eq3A_1473 : vector<160x128xf32>
    %jit3A_1475 = arith.constant 1073741824 : i32
    %broadcast_in_dim3A_1476 = vector.broadcast %jit3A_1475 : i32 to vector<160x128xi32>
    %select_n3A_1477 = arith.select %eq3A_1474, %iota3A_1260, %broadcast_in_dim3A_1476 : vector<160x128xi1>, vector<160x128xi32>
    %reduce_min3A_1478 = arith.constant dense<2147483647> : vector<128xi32>
    %reduce_min3A_1479 = vector.multi_reduction <minsi>, %select_n3A_1477, %reduce_min3A_1478 [0] : vector<160x128xi32> to vector<128xi32>
    %broadcast_in_dim3A_1480 = vector.shape_cast %reduce_min3A_1479 : vector<128xi32> to vector<1x128xi32>
    %eq3A_1481 = vector.broadcast %broadcast_in_dim3A_1480 : vector<1x128xi32> to vector<160x128xi32>
    %eq3A_1482 = arith.cmpi eq, %iota3A_1260, %eq3A_1481 : vector<160x128xi32>
    %jit3A_1483 = arith.constant 0 : i32
    %broadcast_in_dim3A_1484 = vector.broadcast %jit3A_1483 : i32 to vector<160x128xi32>
    %select_n3A_1485 = arith.select %eq3A_1482, %add3A_1248, %broadcast_in_dim3A_1484 : vector<160x128xi1>, vector<160x128xi32>
    %reduce_sum3A_1486 = arith.constant dense<0> : vector<128xi32>
    %reduce_sum3A_1487 = vector.multi_reduction <add>, %select_n3A_1485, %reduce_sum3A_1486 [0] : vector<160x128xi32> to vector<128xi32>
    %jit3A_1488 = arith.constant 0.000000e+00 : f32
    %broadcast_in_dim3A_1489 = vector.broadcast %jit3A_1488 : f32 to vector<160x128xf32>
    %select_n3A_1490 = arith.select %eq3A_1482, %add3A_1237, %broadcast_in_dim3A_1489 : vector<160x128xi1>, vector<160x128xf32>
    %reduce_sum3A_1491 = arith.constant dense<0.000000e+00> : vector<128xf32>
    %reduce_sum3A_1492 = vector.multi_reduction <add>, %select_n3A_1490, %reduce_sum3A_1491 [0] : vector<160x128xf32> to vector<128xf32>
    %jit3A_1493 = arith.constant 0.000000e+00 : f32
    %broadcast_in_dim3A_1494 = vector.broadcast %jit3A_1493 : f32 to vector<160x128xf32>
    %select_n3A_1495 = arith.select %eq3A_1482, %add3A_1238, %broadcast_in_dim3A_1494 : vector<160x128xi1>, vector<160x128xf32>
    %reduce_sum3A_1496 = arith.constant dense<0.000000e+00> : vector<128xf32>
    %reduce_sum3A_1497 = vector.multi_reduction <add>, %select_n3A_1495, %reduce_sum3A_1496 [0] : vector<160x128xf32> to vector<128xf32>
    %jit3A_1498 = arith.constant 0.000000e+00 : f32
    %broadcast_in_dim3A_1499 = vector.broadcast %jit3A_1498 : f32 to vector<160x128xf32>
    %select_n3A_1500 = arith.select %eq3A_1482, %add3A_1239, %broadcast_in_dim3A_1499 : vector<160x128xi1>, vector<160x128xf32>
    %reduce_sum3A_1501 = arith.constant dense<0.000000e+00> : vector<128xf32>
    %reduce_sum3A_1502 = vector.multi_reduction <add>, %select_n3A_1500, %reduce_sum3A_1501 [0] : vector<160x128xf32> to vector<128xf32>
    %jit3A_1503 = arith.constant 0.000000e+00 : f32
    %broadcast_in_dim3A_1504 = vector.broadcast %jit3A_1503 : f32 to vector<160x128xf32>
    %select_n3A_1505 = arith.select %eq3A_1482, %add3A_1240, %broadcast_in_dim3A_1504 : vector<160x128xi1>, vector<160x128xf32>
    %reduce_sum3A_1506 = arith.constant dense<0.000000e+00> : vector<128xf32>
    %reduce_sum3A_1507 = vector.multi_reduction <add>, %select_n3A_1505, %reduce_sum3A_1506 [0] : vector<160x128xf32> to vector<128xf32>
    %jit3A_1508 = arith.constant 0.000000e+00 : f32
    %broadcast_in_dim3A_1509 = vector.broadcast %jit3A_1508 : f32 to vector<160x128xf32>
    %select_n3A_1510 = arith.select %eq3A_1482, %mul3A_1243, %broadcast_in_dim3A_1509 : vector<160x128xi1>, vector<160x128xf32>
    %reduce_sum3A_1511 = arith.constant dense<0.000000e+00> : vector<128xf32>
    %reduce_sum3A_1512 = vector.multi_reduction <add>, %select_n3A_1510, %reduce_sum3A_1511 [0] : vector<160x128xf32> to vector<128xf32>
    %jit3A_1513 = arith.constant 0.000000e+00 : f32
    %broadcast_in_dim3A_1514 = vector.broadcast %jit3A_1513 : f32 to vector<160x128xf32>
    %select_n3A_1515 = arith.select %eq3A_1482, %min3A_167, %broadcast_in_dim3A_1514 : vector<160x128xi1>, vector<160x128xf32>
    %reduce_sum3A_1516 = arith.constant dense<0.000000e+00> : vector<128xf32>
    %reduce_sum3A_1517 = vector.multi_reduction <add>, %select_n3A_1515, %reduce_sum3A_1516 [0] : vector<160x128xf32> to vector<128xf32>
    %jit3A_1518 = arith.constant 0.000000e+00 : f32
    %broadcast_in_dim3A_1519 = vector.broadcast %jit3A_1518 : f32 to vector<160x128xf32>
    %select_n3A_1520 = arith.select %eq3A_1482, %min3A_177, %broadcast_in_dim3A_1519 : vector<160x128xi1>, vector<160x128xf32>
    %reduce_sum3A_1521 = arith.constant dense<0.000000e+00> : vector<128xf32>
    %reduce_sum3A_1522 = vector.multi_reduction <add>, %select_n3A_1520, %reduce_sum3A_1521 [0] : vector<160x128xf32> to vector<128xf32>
    %jit3A_1523 = arith.constant 0.000000e+00 : f32
    %broadcast_in_dim3A_1524 = vector.broadcast %jit3A_1523 : f32 to vector<160x128xf32>
    %select_n3A_1525 = arith.select %eq3A_1482, %min3A_187, %broadcast_in_dim3A_1524 : vector<160x128xi1>, vector<160x128xf32>
    %reduce_sum3A_1526 = arith.constant dense<0.000000e+00> : vector<128xf32>
    %reduce_sum3A_1527 = vector.multi_reduction <add>, %select_n3A_1525, %reduce_sum3A_1526 [0] : vector<160x128xf32> to vector<128xf32>
    %jit3A_1528 = arith.constant 0.000000e+00 : f32
    %broadcast_in_dim3A_1529 = vector.broadcast %jit3A_1528 : f32 to vector<160x128xf32>
    %select_n3A_1530 = arith.select %eq3A_1482, %min3A_197, %broadcast_in_dim3A_1529 : vector<160x128xi1>, vector<160x128xf32>
    %reduce_sum3A_1531 = arith.constant dense<0.000000e+00> : vector<128xf32>
    %reduce_sum3A_1532 = vector.multi_reduction <add>, %select_n3A_1530, %reduce_sum3A_1531 [0] : vector<160x128xf32> to vector<128xf32>
    %jit3A_1533 = arith.constant 0.000000e+00 : f32
    %broadcast_in_dim3A_1534 = vector.broadcast %jit3A_1533 : f32 to vector<160x128xf32>
    %select_n3A_1535 = arith.select %eq3A_1482, %convert_element_type3A_1233, %broadcast_in_dim3A_1534 : vector<160x128xi1>, vector<160x128xf32>
    %reduce_sum3A_1536 = arith.constant dense<0.000000e+00> : vector<128xf32>
    %reduce_sum3A_1537 = vector.multi_reduction <add>, %select_n3A_1535, %reduce_sum3A_1536 [0] : vector<160x128xf32> to vector<128xf32>
    %jit3A_1538 = arith.constant -2.000000e+09 : f32
    %broadcast_in_dim3A_1539 = vector.broadcast %jit3A_1538 : f32 to vector<160x128xf32>
    %select_n3A_1540 = arith.select %eq3A_1482, %broadcast_in_dim3A_1539, %select_n3A_1469 : vector<160x128xi1>, vector<160x128xf32>
    %reduce_max3A_1541 = arith.constant dense<0xFF800000> : vector<128xf32>
    %reduce_max3A_1542 = vector.multi_reduction <maximumf>, %select_n3A_1540, %reduce_max3A_1541 [0] : vector<160x128xf32> to vector<128xf32>
    %broadcast_in_dim3A_1543 = vector.shape_cast %reduce_max3A_1542 : vector<128xf32> to vector<1x128xf32>
    %eq3A_1544 = vector.broadcast %broadcast_in_dim3A_1543 : vector<1x128xf32> to vector<160x128xf32>
    %eq3A_1545 = arith.cmpf oeq, %select_n3A_1540, %eq3A_1544 : vector<160x128xf32>
    %jit3A_1546 = arith.constant 1073741824 : i32
    %broadcast_in_dim3A_1547 = vector.broadcast %jit3A_1546 : i32 to vector<160x128xi32>
    %select_n3A_1548 = arith.select %eq3A_1545, %iota3A_1260, %broadcast_in_dim3A_1547 : vector<160x128xi1>, vector<160x128xi32>
    %reduce_min3A_1549 = arith.constant dense<2147483647> : vector<128xi32>
    %reduce_min3A_1550 = vector.multi_reduction <minsi>, %select_n3A_1548, %reduce_min3A_1549 [0] : vector<160x128xi32> to vector<128xi32>
    %broadcast_in_dim3A_1551 = vector.shape_cast %reduce_min3A_1550 : vector<128xi32> to vector<1x128xi32>
    %eq3A_1552 = vector.broadcast %broadcast_in_dim3A_1551 : vector<1x128xi32> to vector<160x128xi32>
    %eq3A_1553 = arith.cmpi eq, %iota3A_1260, %eq3A_1552 : vector<160x128xi32>
    %jit3A_1554 = arith.constant 0 : i32
    %broadcast_in_dim3A_1555 = vector.broadcast %jit3A_1554 : i32 to vector<160x128xi32>
    %select_n3A_1556 = arith.select %eq3A_1553, %add3A_1248, %broadcast_in_dim3A_1555 : vector<160x128xi1>, vector<160x128xi32>
    %reduce_sum3A_1557 = arith.constant dense<0> : vector<128xi32>
    %reduce_sum3A_1558 = vector.multi_reduction <add>, %select_n3A_1556, %reduce_sum3A_1557 [0] : vector<160x128xi32> to vector<128xi32>
    %jit3A_1559 = arith.constant 0.000000e+00 : f32
    %broadcast_in_dim3A_1560 = vector.broadcast %jit3A_1559 : f32 to vector<160x128xf32>
    %select_n3A_1561 = arith.select %eq3A_1553, %add3A_1237, %broadcast_in_dim3A_1560 : vector<160x128xi1>, vector<160x128xf32>
    %reduce_sum3A_1562 = arith.constant dense<0.000000e+00> : vector<128xf32>
    %reduce_sum3A_1563 = vector.multi_reduction <add>, %select_n3A_1561, %reduce_sum3A_1562 [0] : vector<160x128xf32> to vector<128xf32>
    %jit3A_1564 = arith.constant 0.000000e+00 : f32
    %broadcast_in_dim3A_1565 = vector.broadcast %jit3A_1564 : f32 to vector<160x128xf32>
    %select_n3A_1566 = arith.select %eq3A_1553, %add3A_1238, %broadcast_in_dim3A_1565 : vector<160x128xi1>, vector<160x128xf32>
    %reduce_sum3A_1567 = arith.constant dense<0.000000e+00> : vector<128xf32>
    %reduce_sum3A_1568 = vector.multi_reduction <add>, %select_n3A_1566, %reduce_sum3A_1567 [0] : vector<160x128xf32> to vector<128xf32>
    %jit3A_1569 = arith.constant 0.000000e+00 : f32
    %broadcast_in_dim3A_1570 = vector.broadcast %jit3A_1569 : f32 to vector<160x128xf32>
    %select_n3A_1571 = arith.select %eq3A_1553, %add3A_1239, %broadcast_in_dim3A_1570 : vector<160x128xi1>, vector<160x128xf32>
    %reduce_sum3A_1572 = arith.constant dense<0.000000e+00> : vector<128xf32>
    %reduce_sum3A_1573 = vector.multi_reduction <add>, %select_n3A_1571, %reduce_sum3A_1572 [0] : vector<160x128xf32> to vector<128xf32>
    %jit3A_1574 = arith.constant 0.000000e+00 : f32
    %broadcast_in_dim3A_1575 = vector.broadcast %jit3A_1574 : f32 to vector<160x128xf32>
    %select_n3A_1576 = arith.select %eq3A_1553, %add3A_1240, %broadcast_in_dim3A_1575 : vector<160x128xi1>, vector<160x128xf32>
    %reduce_sum3A_1577 = arith.constant dense<0.000000e+00> : vector<128xf32>
    %reduce_sum3A_1578 = vector.multi_reduction <add>, %select_n3A_1576, %reduce_sum3A_1577 [0] : vector<160x128xf32> to vector<128xf32>
    %jit3A_1579 = arith.constant 0.000000e+00 : f32
    %broadcast_in_dim3A_1580 = vector.broadcast %jit3A_1579 : f32 to vector<160x128xf32>
    %select_n3A_1581 = arith.select %eq3A_1553, %mul3A_1243, %broadcast_in_dim3A_1580 : vector<160x128xi1>, vector<160x128xf32>
    %reduce_sum3A_1582 = arith.constant dense<0.000000e+00> : vector<128xf32>
    %reduce_sum3A_1583 = vector.multi_reduction <add>, %select_n3A_1581, %reduce_sum3A_1582 [0] : vector<160x128xf32> to vector<128xf32>
    %jit3A_1584 = arith.constant 0.000000e+00 : f32
    %broadcast_in_dim3A_1585 = vector.broadcast %jit3A_1584 : f32 to vector<160x128xf32>
    %select_n3A_1586 = arith.select %eq3A_1553, %min3A_167, %broadcast_in_dim3A_1585 : vector<160x128xi1>, vector<160x128xf32>
    %reduce_sum3A_1587 = arith.constant dense<0.000000e+00> : vector<128xf32>
    %reduce_sum3A_1588 = vector.multi_reduction <add>, %select_n3A_1586, %reduce_sum3A_1587 [0] : vector<160x128xf32> to vector<128xf32>
    %jit3A_1589 = arith.constant 0.000000e+00 : f32
    %broadcast_in_dim3A_1590 = vector.broadcast %jit3A_1589 : f32 to vector<160x128xf32>
    %select_n3A_1591 = arith.select %eq3A_1553, %min3A_177, %broadcast_in_dim3A_1590 : vector<160x128xi1>, vector<160x128xf32>
    %reduce_sum3A_1592 = arith.constant dense<0.000000e+00> : vector<128xf32>
    %reduce_sum3A_1593 = vector.multi_reduction <add>, %select_n3A_1591, %reduce_sum3A_1592 [0] : vector<160x128xf32> to vector<128xf32>
    %jit3A_1594 = arith.constant 0.000000e+00 : f32
    %broadcast_in_dim3A_1595 = vector.broadcast %jit3A_1594 : f32 to vector<160x128xf32>
    %select_n3A_1596 = arith.select %eq3A_1553, %min3A_187, %broadcast_in_dim3A_1595 : vector<160x128xi1>, vector<160x128xf32>
    %reduce_sum3A_1597 = arith.constant dense<0.000000e+00> : vector<128xf32>
    %reduce_sum3A_1598 = vector.multi_reduction <add>, %select_n3A_1596, %reduce_sum3A_1597 [0] : vector<160x128xf32> to vector<128xf32>
    %jit3A_1599 = arith.constant 0.000000e+00 : f32
    %broadcast_in_dim3A_1600 = vector.broadcast %jit3A_1599 : f32 to vector<160x128xf32>
    %select_n3A_1601 = arith.select %eq3A_1553, %min3A_197, %broadcast_in_dim3A_1600 : vector<160x128xi1>, vector<160x128xf32>
    %reduce_sum3A_1602 = arith.constant dense<0.000000e+00> : vector<128xf32>
    %reduce_sum3A_1603 = vector.multi_reduction <add>, %select_n3A_1601, %reduce_sum3A_1602 [0] : vector<160x128xf32> to vector<128xf32>
    %jit3A_1604 = arith.constant 0.000000e+00 : f32
    %broadcast_in_dim3A_1605 = vector.broadcast %jit3A_1604 : f32 to vector<160x128xf32>
    %select_n3A_1606 = arith.select %eq3A_1553, %convert_element_type3A_1233, %broadcast_in_dim3A_1605 : vector<160x128xi1>, vector<160x128xf32>
    %reduce_sum3A_1607 = arith.constant dense<0.000000e+00> : vector<128xf32>
    %reduce_sum3A_1608 = vector.multi_reduction <add>, %select_n3A_1606, %reduce_sum3A_1607 [0] : vector<160x128xf32> to vector<128xf32>
    %jit3A_1609 = arith.constant -2.000000e+09 : f32
    %broadcast_in_dim3A_1610 = vector.broadcast %jit3A_1609 : f32 to vector<160x128xf32>
    %select_n3A_1611 = arith.select %eq3A_1553, %broadcast_in_dim3A_1610, %select_n3A_1540 : vector<160x128xi1>, vector<160x128xf32>
    %reduce_max3A_1612 = arith.constant dense<0xFF800000> : vector<128xf32>
    %reduce_max3A_1613 = vector.multi_reduction <maximumf>, %select_n3A_1611, %reduce_max3A_1612 [0] : vector<160x128xf32> to vector<128xf32>
    %broadcast_in_dim3A_1614 = vector.shape_cast %reduce_max3A_1613 : vector<128xf32> to vector<1x128xf32>
    %eq3A_1615 = vector.broadcast %broadcast_in_dim3A_1614 : vector<1x128xf32> to vector<160x128xf32>
    %eq3A_1616 = arith.cmpf oeq, %select_n3A_1611, %eq3A_1615 : vector<160x128xf32>
    %jit3A_1617 = arith.constant 1073741824 : i32
    %broadcast_in_dim3A_1618 = vector.broadcast %jit3A_1617 : i32 to vector<160x128xi32>
    %select_n3A_1619 = arith.select %eq3A_1616, %iota3A_1260, %broadcast_in_dim3A_1618 : vector<160x128xi1>, vector<160x128xi32>
    %reduce_min3A_1620 = arith.constant dense<2147483647> : vector<128xi32>
    %reduce_min3A_1621 = vector.multi_reduction <minsi>, %select_n3A_1619, %reduce_min3A_1620 [0] : vector<160x128xi32> to vector<128xi32>
    %broadcast_in_dim3A_1622 = vector.shape_cast %reduce_min3A_1621 : vector<128xi32> to vector<1x128xi32>
    %eq3A_1623 = vector.broadcast %broadcast_in_dim3A_1622 : vector<1x128xi32> to vector<160x128xi32>
    %eq3A_1624 = arith.cmpi eq, %iota3A_1260, %eq3A_1623 : vector<160x128xi32>
    %jit3A_1625 = arith.constant 0 : i32
    %broadcast_in_dim3A_1626 = vector.broadcast %jit3A_1625 : i32 to vector<160x128xi32>
    %select_n3A_1627 = arith.select %eq3A_1624, %add3A_1248, %broadcast_in_dim3A_1626 : vector<160x128xi1>, vector<160x128xi32>
    %reduce_sum3A_1628 = arith.constant dense<0> : vector<128xi32>
    %reduce_sum3A_1629 = vector.multi_reduction <add>, %select_n3A_1627, %reduce_sum3A_1628 [0] : vector<160x128xi32> to vector<128xi32>
    %jit3A_1630 = arith.constant 0.000000e+00 : f32
    %broadcast_in_dim3A_1631 = vector.broadcast %jit3A_1630 : f32 to vector<160x128xf32>
    %select_n3A_1632 = arith.select %eq3A_1624, %add3A_1237, %broadcast_in_dim3A_1631 : vector<160x128xi1>, vector<160x128xf32>
    %reduce_sum3A_1633 = arith.constant dense<0.000000e+00> : vector<128xf32>
    %reduce_sum3A_1634 = vector.multi_reduction <add>, %select_n3A_1632, %reduce_sum3A_1633 [0] : vector<160x128xf32> to vector<128xf32>
    %jit3A_1635 = arith.constant 0.000000e+00 : f32
    %broadcast_in_dim3A_1636 = vector.broadcast %jit3A_1635 : f32 to vector<160x128xf32>
    %select_n3A_1637 = arith.select %eq3A_1624, %add3A_1238, %broadcast_in_dim3A_1636 : vector<160x128xi1>, vector<160x128xf32>
    %reduce_sum3A_1638 = arith.constant dense<0.000000e+00> : vector<128xf32>
    %reduce_sum3A_1639 = vector.multi_reduction <add>, %select_n3A_1637, %reduce_sum3A_1638 [0] : vector<160x128xf32> to vector<128xf32>
    %jit3A_1640 = arith.constant 0.000000e+00 : f32
    %broadcast_in_dim3A_1641 = vector.broadcast %jit3A_1640 : f32 to vector<160x128xf32>
    %select_n3A_1642 = arith.select %eq3A_1624, %add3A_1239, %broadcast_in_dim3A_1641 : vector<160x128xi1>, vector<160x128xf32>
    %reduce_sum3A_1643 = arith.constant dense<0.000000e+00> : vector<128xf32>
    %reduce_sum3A_1644 = vector.multi_reduction <add>, %select_n3A_1642, %reduce_sum3A_1643 [0] : vector<160x128xf32> to vector<128xf32>
    %jit3A_1645 = arith.constant 0.000000e+00 : f32
    %broadcast_in_dim3A_1646 = vector.broadcast %jit3A_1645 : f32 to vector<160x128xf32>
    %select_n3A_1647 = arith.select %eq3A_1624, %add3A_1240, %broadcast_in_dim3A_1646 : vector<160x128xi1>, vector<160x128xf32>
    %reduce_sum3A_1648 = arith.constant dense<0.000000e+00> : vector<128xf32>
    %reduce_sum3A_1649 = vector.multi_reduction <add>, %select_n3A_1647, %reduce_sum3A_1648 [0] : vector<160x128xf32> to vector<128xf32>
    %jit3A_1650 = arith.constant 0.000000e+00 : f32
    %broadcast_in_dim3A_1651 = vector.broadcast %jit3A_1650 : f32 to vector<160x128xf32>
    %select_n3A_1652 = arith.select %eq3A_1624, %mul3A_1243, %broadcast_in_dim3A_1651 : vector<160x128xi1>, vector<160x128xf32>
    %reduce_sum3A_1653 = arith.constant dense<0.000000e+00> : vector<128xf32>
    %reduce_sum3A_1654 = vector.multi_reduction <add>, %select_n3A_1652, %reduce_sum3A_1653 [0] : vector<160x128xf32> to vector<128xf32>
    %jit3A_1655 = arith.constant 0.000000e+00 : f32
    %broadcast_in_dim3A_1656 = vector.broadcast %jit3A_1655 : f32 to vector<160x128xf32>
    %select_n3A_1657 = arith.select %eq3A_1624, %min3A_167, %broadcast_in_dim3A_1656 : vector<160x128xi1>, vector<160x128xf32>
    %reduce_sum3A_1658 = arith.constant dense<0.000000e+00> : vector<128xf32>
    %reduce_sum3A_1659 = vector.multi_reduction <add>, %select_n3A_1657, %reduce_sum3A_1658 [0] : vector<160x128xf32> to vector<128xf32>
    %jit3A_1660 = arith.constant 0.000000e+00 : f32
    %broadcast_in_dim3A_1661 = vector.broadcast %jit3A_1660 : f32 to vector<160x128xf32>
    %select_n3A_1662 = arith.select %eq3A_1624, %min3A_177, %broadcast_in_dim3A_1661 : vector<160x128xi1>, vector<160x128xf32>
    %reduce_sum3A_1663 = arith.constant dense<0.000000e+00> : vector<128xf32>
    %reduce_sum3A_1664 = vector.multi_reduction <add>, %select_n3A_1662, %reduce_sum3A_1663 [0] : vector<160x128xf32> to vector<128xf32>
    %jit3A_1665 = arith.constant 0.000000e+00 : f32
    %broadcast_in_dim3A_1666 = vector.broadcast %jit3A_1665 : f32 to vector<160x128xf32>
    %select_n3A_1667 = arith.select %eq3A_1624, %min3A_187, %broadcast_in_dim3A_1666 : vector<160x128xi1>, vector<160x128xf32>
    %reduce_sum3A_1668 = arith.constant dense<0.000000e+00> : vector<128xf32>
    %reduce_sum3A_1669 = vector.multi_reduction <add>, %select_n3A_1667, %reduce_sum3A_1668 [0] : vector<160x128xf32> to vector<128xf32>
    %jit3A_1670 = arith.constant 0.000000e+00 : f32
    %broadcast_in_dim3A_1671 = vector.broadcast %jit3A_1670 : f32 to vector<160x128xf32>
    %select_n3A_1672 = arith.select %eq3A_1624, %min3A_197, %broadcast_in_dim3A_1671 : vector<160x128xi1>, vector<160x128xf32>
    %reduce_sum3A_1673 = arith.constant dense<0.000000e+00> : vector<128xf32>
    %reduce_sum3A_1674 = vector.multi_reduction <add>, %select_n3A_1672, %reduce_sum3A_1673 [0] : vector<160x128xf32> to vector<128xf32>
    %jit3A_1675 = arith.constant 0.000000e+00 : f32
    %broadcast_in_dim3A_1676 = vector.broadcast %jit3A_1675 : f32 to vector<160x128xf32>
    %select_n3A_1677 = arith.select %eq3A_1624, %convert_element_type3A_1233, %broadcast_in_dim3A_1676 : vector<160x128xi1>, vector<160x128xf32>
    %reduce_sum3A_1678 = arith.constant dense<0.000000e+00> : vector<128xf32>
    %reduce_sum3A_1679 = vector.multi_reduction <add>, %select_n3A_1677, %reduce_sum3A_1678 [0] : vector<160x128xf32> to vector<128xf32>
    %jit3A_1680 = arith.constant -2.000000e+09 : f32
    %broadcast_in_dim3A_1681 = vector.broadcast %jit3A_1680 : f32 to vector<160x128xf32>
    %select_n3A_1682 = arith.select %eq3A_1624, %broadcast_in_dim3A_1681, %select_n3A_1611 : vector<160x128xi1>, vector<160x128xf32>
    %reduce_max3A_1683 = arith.constant dense<0xFF800000> : vector<128xf32>
    %reduce_max3A_1684 = vector.multi_reduction <maximumf>, %select_n3A_1682, %reduce_max3A_1683 [0] : vector<160x128xf32> to vector<128xf32>
    %broadcast_in_dim3A_1685 = vector.shape_cast %reduce_max3A_1684 : vector<128xf32> to vector<1x128xf32>
    %eq3A_1686 = vector.broadcast %broadcast_in_dim3A_1685 : vector<1x128xf32> to vector<160x128xf32>
    %eq3A_1687 = arith.cmpf oeq, %select_n3A_1682, %eq3A_1686 : vector<160x128xf32>
    %jit3A_1688 = arith.constant 1073741824 : i32
    %broadcast_in_dim3A_1689 = vector.broadcast %jit3A_1688 : i32 to vector<160x128xi32>
    %select_n3A_1690 = arith.select %eq3A_1687, %iota3A_1260, %broadcast_in_dim3A_1689 : vector<160x128xi1>, vector<160x128xi32>
    %reduce_min3A_1691 = arith.constant dense<2147483647> : vector<128xi32>
    %reduce_min3A_1692 = vector.multi_reduction <minsi>, %select_n3A_1690, %reduce_min3A_1691 [0] : vector<160x128xi32> to vector<128xi32>
    %broadcast_in_dim3A_1693 = vector.shape_cast %reduce_min3A_1692 : vector<128xi32> to vector<1x128xi32>
    %eq3A_1694 = vector.broadcast %broadcast_in_dim3A_1693 : vector<1x128xi32> to vector<160x128xi32>
    %eq3A_1695 = arith.cmpi eq, %iota3A_1260, %eq3A_1694 : vector<160x128xi32>
    %jit3A_1696 = arith.constant 0 : i32
    %broadcast_in_dim3A_1697 = vector.broadcast %jit3A_1696 : i32 to vector<160x128xi32>
    %select_n3A_1698 = arith.select %eq3A_1695, %add3A_1248, %broadcast_in_dim3A_1697 : vector<160x128xi1>, vector<160x128xi32>
    %reduce_sum3A_1699 = arith.constant dense<0> : vector<128xi32>
    %reduce_sum3A_1700 = vector.multi_reduction <add>, %select_n3A_1698, %reduce_sum3A_1699 [0] : vector<160x128xi32> to vector<128xi32>
    %jit3A_1701 = arith.constant 0.000000e+00 : f32
    %broadcast_in_dim3A_1702 = vector.broadcast %jit3A_1701 : f32 to vector<160x128xf32>
    %select_n3A_1703 = arith.select %eq3A_1695, %add3A_1237, %broadcast_in_dim3A_1702 : vector<160x128xi1>, vector<160x128xf32>
    %reduce_sum3A_1704 = arith.constant dense<0.000000e+00> : vector<128xf32>
    %reduce_sum3A_1705 = vector.multi_reduction <add>, %select_n3A_1703, %reduce_sum3A_1704 [0] : vector<160x128xf32> to vector<128xf32>
    %jit3A_1706 = arith.constant 0.000000e+00 : f32
    %broadcast_in_dim3A_1707 = vector.broadcast %jit3A_1706 : f32 to vector<160x128xf32>
    %select_n3A_1708 = arith.select %eq3A_1695, %add3A_1238, %broadcast_in_dim3A_1707 : vector<160x128xi1>, vector<160x128xf32>
    %reduce_sum3A_1709 = arith.constant dense<0.000000e+00> : vector<128xf32>
    %reduce_sum3A_1710 = vector.multi_reduction <add>, %select_n3A_1708, %reduce_sum3A_1709 [0] : vector<160x128xf32> to vector<128xf32>
    %jit3A_1711 = arith.constant 0.000000e+00 : f32
    %broadcast_in_dim3A_1712 = vector.broadcast %jit3A_1711 : f32 to vector<160x128xf32>
    %select_n3A_1713 = arith.select %eq3A_1695, %add3A_1239, %broadcast_in_dim3A_1712 : vector<160x128xi1>, vector<160x128xf32>
    %reduce_sum3A_1714 = arith.constant dense<0.000000e+00> : vector<128xf32>
    %reduce_sum3A_1715 = vector.multi_reduction <add>, %select_n3A_1713, %reduce_sum3A_1714 [0] : vector<160x128xf32> to vector<128xf32>
    %jit3A_1716 = arith.constant 0.000000e+00 : f32
    %broadcast_in_dim3A_1717 = vector.broadcast %jit3A_1716 : f32 to vector<160x128xf32>
    %select_n3A_1718 = arith.select %eq3A_1695, %add3A_1240, %broadcast_in_dim3A_1717 : vector<160x128xi1>, vector<160x128xf32>
    %reduce_sum3A_1719 = arith.constant dense<0.000000e+00> : vector<128xf32>
    %reduce_sum3A_1720 = vector.multi_reduction <add>, %select_n3A_1718, %reduce_sum3A_1719 [0] : vector<160x128xf32> to vector<128xf32>
    %jit3A_1721 = arith.constant 0.000000e+00 : f32
    %broadcast_in_dim3A_1722 = vector.broadcast %jit3A_1721 : f32 to vector<160x128xf32>
    %select_n3A_1723 = arith.select %eq3A_1695, %mul3A_1243, %broadcast_in_dim3A_1722 : vector<160x128xi1>, vector<160x128xf32>
    %reduce_sum3A_1724 = arith.constant dense<0.000000e+00> : vector<128xf32>
    %reduce_sum3A_1725 = vector.multi_reduction <add>, %select_n3A_1723, %reduce_sum3A_1724 [0] : vector<160x128xf32> to vector<128xf32>
    %jit3A_1726 = arith.constant 0.000000e+00 : f32
    %broadcast_in_dim3A_1727 = vector.broadcast %jit3A_1726 : f32 to vector<160x128xf32>
    %select_n3A_1728 = arith.select %eq3A_1695, %min3A_167, %broadcast_in_dim3A_1727 : vector<160x128xi1>, vector<160x128xf32>
    %reduce_sum3A_1729 = arith.constant dense<0.000000e+00> : vector<128xf32>
    %reduce_sum3A_1730 = vector.multi_reduction <add>, %select_n3A_1728, %reduce_sum3A_1729 [0] : vector<160x128xf32> to vector<128xf32>
    %jit3A_1731 = arith.constant 0.000000e+00 : f32
    %broadcast_in_dim3A_1732 = vector.broadcast %jit3A_1731 : f32 to vector<160x128xf32>
    %select_n3A_1733 = arith.select %eq3A_1695, %min3A_177, %broadcast_in_dim3A_1732 : vector<160x128xi1>, vector<160x128xf32>
    %reduce_sum3A_1734 = arith.constant dense<0.000000e+00> : vector<128xf32>
    %reduce_sum3A_1735 = vector.multi_reduction <add>, %select_n3A_1733, %reduce_sum3A_1734 [0] : vector<160x128xf32> to vector<128xf32>
    %jit3A_1736 = arith.constant 0.000000e+00 : f32
    %broadcast_in_dim3A_1737 = vector.broadcast %jit3A_1736 : f32 to vector<160x128xf32>
    %select_n3A_1738 = arith.select %eq3A_1695, %min3A_187, %broadcast_in_dim3A_1737 : vector<160x128xi1>, vector<160x128xf32>
    %reduce_sum3A_1739 = arith.constant dense<0.000000e+00> : vector<128xf32>
    %reduce_sum3A_1740 = vector.multi_reduction <add>, %select_n3A_1738, %reduce_sum3A_1739 [0] : vector<160x128xf32> to vector<128xf32>
    %jit3A_1741 = arith.constant 0.000000e+00 : f32
    %broadcast_in_dim3A_1742 = vector.broadcast %jit3A_1741 : f32 to vector<160x128xf32>
    %select_n3A_1743 = arith.select %eq3A_1695, %min3A_197, %broadcast_in_dim3A_1742 : vector<160x128xi1>, vector<160x128xf32>
    %reduce_sum3A_1744 = arith.constant dense<0.000000e+00> : vector<128xf32>
    %reduce_sum3A_1745 = vector.multi_reduction <add>, %select_n3A_1743, %reduce_sum3A_1744 [0] : vector<160x128xf32> to vector<128xf32>
    %jit3A_1746 = arith.constant 0.000000e+00 : f32
    %broadcast_in_dim3A_1747 = vector.broadcast %jit3A_1746 : f32 to vector<160x128xf32>
    %select_n3A_1748 = arith.select %eq3A_1695, %convert_element_type3A_1233, %broadcast_in_dim3A_1747 : vector<160x128xi1>, vector<160x128xf32>
    %reduce_sum3A_1749 = arith.constant dense<0.000000e+00> : vector<128xf32>
    %reduce_sum3A_1750 = vector.multi_reduction <add>, %select_n3A_1748, %reduce_sum3A_1749 [0] : vector<160x128xf32> to vector<128xf32>
    %jit3A_1751 = arith.constant -2.000000e+09 : f32
    %broadcast_in_dim3A_1752 = vector.broadcast %jit3A_1751 : f32 to vector<160x128xf32>
    %select_n3A_1753 = arith.select %eq3A_1695, %broadcast_in_dim3A_1752, %select_n3A_1682 : vector<160x128xi1>, vector<160x128xf32>
    %reduce_max3A_1754 = arith.constant dense<0xFF800000> : vector<128xf32>
    %reduce_max3A_1755 = vector.multi_reduction <maximumf>, %select_n3A_1753, %reduce_max3A_1754 [0] : vector<160x128xf32> to vector<128xf32>
    %broadcast_in_dim3A_1756 = vector.shape_cast %reduce_max3A_1755 : vector<128xf32> to vector<1x128xf32>
    %eq3A_1757 = vector.broadcast %broadcast_in_dim3A_1756 : vector<1x128xf32> to vector<160x128xf32>
    %eq3A_1758 = arith.cmpf oeq, %select_n3A_1753, %eq3A_1757 : vector<160x128xf32>
    %jit3A_1759 = arith.constant 1073741824 : i32
    %broadcast_in_dim3A_1760 = vector.broadcast %jit3A_1759 : i32 to vector<160x128xi32>
    %select_n3A_1761 = arith.select %eq3A_1758, %iota3A_1260, %broadcast_in_dim3A_1760 : vector<160x128xi1>, vector<160x128xi32>
    %reduce_min3A_1762 = arith.constant dense<2147483647> : vector<128xi32>
    %reduce_min3A_1763 = vector.multi_reduction <minsi>, %select_n3A_1761, %reduce_min3A_1762 [0] : vector<160x128xi32> to vector<128xi32>
    %broadcast_in_dim3A_1764 = vector.shape_cast %reduce_min3A_1763 : vector<128xi32> to vector<1x128xi32>
    %eq3A_1765 = vector.broadcast %broadcast_in_dim3A_1764 : vector<1x128xi32> to vector<160x128xi32>
    %eq3A_1766 = arith.cmpi eq, %iota3A_1260, %eq3A_1765 : vector<160x128xi32>
    %jit3A_1767 = arith.constant 0 : i32
    %broadcast_in_dim3A_1768 = vector.broadcast %jit3A_1767 : i32 to vector<160x128xi32>
    %select_n3A_1769 = arith.select %eq3A_1766, %add3A_1248, %broadcast_in_dim3A_1768 : vector<160x128xi1>, vector<160x128xi32>
    %reduce_sum3A_1770 = arith.constant dense<0> : vector<128xi32>
    %reduce_sum3A_1771 = vector.multi_reduction <add>, %select_n3A_1769, %reduce_sum3A_1770 [0] : vector<160x128xi32> to vector<128xi32>
    %jit3A_1772 = arith.constant 0.000000e+00 : f32
    %broadcast_in_dim3A_1773 = vector.broadcast %jit3A_1772 : f32 to vector<160x128xf32>
    %select_n3A_1774 = arith.select %eq3A_1766, %add3A_1237, %broadcast_in_dim3A_1773 : vector<160x128xi1>, vector<160x128xf32>
    %reduce_sum3A_1775 = arith.constant dense<0.000000e+00> : vector<128xf32>
    %reduce_sum3A_1776 = vector.multi_reduction <add>, %select_n3A_1774, %reduce_sum3A_1775 [0] : vector<160x128xf32> to vector<128xf32>
    %jit3A_1777 = arith.constant 0.000000e+00 : f32
    %broadcast_in_dim3A_1778 = vector.broadcast %jit3A_1777 : f32 to vector<160x128xf32>
    %select_n3A_1779 = arith.select %eq3A_1766, %add3A_1238, %broadcast_in_dim3A_1778 : vector<160x128xi1>, vector<160x128xf32>
    %reduce_sum3A_1780 = arith.constant dense<0.000000e+00> : vector<128xf32>
    %reduce_sum3A_1781 = vector.multi_reduction <add>, %select_n3A_1779, %reduce_sum3A_1780 [0] : vector<160x128xf32> to vector<128xf32>
    %jit3A_1782 = arith.constant 0.000000e+00 : f32
    %broadcast_in_dim3A_1783 = vector.broadcast %jit3A_1782 : f32 to vector<160x128xf32>
    %select_n3A_1784 = arith.select %eq3A_1766, %add3A_1239, %broadcast_in_dim3A_1783 : vector<160x128xi1>, vector<160x128xf32>
    %reduce_sum3A_1785 = arith.constant dense<0.000000e+00> : vector<128xf32>
    %reduce_sum3A_1786 = vector.multi_reduction <add>, %select_n3A_1784, %reduce_sum3A_1785 [0] : vector<160x128xf32> to vector<128xf32>
    %jit3A_1787 = arith.constant 0.000000e+00 : f32
    %broadcast_in_dim3A_1788 = vector.broadcast %jit3A_1787 : f32 to vector<160x128xf32>
    %select_n3A_1789 = arith.select %eq3A_1766, %add3A_1240, %broadcast_in_dim3A_1788 : vector<160x128xi1>, vector<160x128xf32>
    %reduce_sum3A_1790 = arith.constant dense<0.000000e+00> : vector<128xf32>
    %reduce_sum3A_1791 = vector.multi_reduction <add>, %select_n3A_1789, %reduce_sum3A_1790 [0] : vector<160x128xf32> to vector<128xf32>
    %jit3A_1792 = arith.constant 0.000000e+00 : f32
    %broadcast_in_dim3A_1793 = vector.broadcast %jit3A_1792 : f32 to vector<160x128xf32>
    %select_n3A_1794 = arith.select %eq3A_1766, %mul3A_1243, %broadcast_in_dim3A_1793 : vector<160x128xi1>, vector<160x128xf32>
    %reduce_sum3A_1795 = arith.constant dense<0.000000e+00> : vector<128xf32>
    %reduce_sum3A_1796 = vector.multi_reduction <add>, %select_n3A_1794, %reduce_sum3A_1795 [0] : vector<160x128xf32> to vector<128xf32>
    %jit3A_1797 = arith.constant 0.000000e+00 : f32
    %broadcast_in_dim3A_1798 = vector.broadcast %jit3A_1797 : f32 to vector<160x128xf32>
    %select_n3A_1799 = arith.select %eq3A_1766, %min3A_167, %broadcast_in_dim3A_1798 : vector<160x128xi1>, vector<160x128xf32>
    %reduce_sum3A_1800 = arith.constant dense<0.000000e+00> : vector<128xf32>
    %reduce_sum3A_1801 = vector.multi_reduction <add>, %select_n3A_1799, %reduce_sum3A_1800 [0] : vector<160x128xf32> to vector<128xf32>
    %jit3A_1802 = arith.constant 0.000000e+00 : f32
    %broadcast_in_dim3A_1803 = vector.broadcast %jit3A_1802 : f32 to vector<160x128xf32>
    %select_n3A_1804 = arith.select %eq3A_1766, %min3A_177, %broadcast_in_dim3A_1803 : vector<160x128xi1>, vector<160x128xf32>
    %reduce_sum3A_1805 = arith.constant dense<0.000000e+00> : vector<128xf32>
    %reduce_sum3A_1806 = vector.multi_reduction <add>, %select_n3A_1804, %reduce_sum3A_1805 [0] : vector<160x128xf32> to vector<128xf32>
    %jit3A_1807 = arith.constant 0.000000e+00 : f32
    %broadcast_in_dim3A_1808 = vector.broadcast %jit3A_1807 : f32 to vector<160x128xf32>
    %select_n3A_1809 = arith.select %eq3A_1766, %min3A_187, %broadcast_in_dim3A_1808 : vector<160x128xi1>, vector<160x128xf32>
    %reduce_sum3A_1810 = arith.constant dense<0.000000e+00> : vector<128xf32>
    %reduce_sum3A_1811 = vector.multi_reduction <add>, %select_n3A_1809, %reduce_sum3A_1810 [0] : vector<160x128xf32> to vector<128xf32>
    %jit3A_1812 = arith.constant 0.000000e+00 : f32
    %broadcast_in_dim3A_1813 = vector.broadcast %jit3A_1812 : f32 to vector<160x128xf32>
    %select_n3A_1814 = arith.select %eq3A_1766, %min3A_197, %broadcast_in_dim3A_1813 : vector<160x128xi1>, vector<160x128xf32>
    %reduce_sum3A_1815 = arith.constant dense<0.000000e+00> : vector<128xf32>
    %reduce_sum3A_1816 = vector.multi_reduction <add>, %select_n3A_1814, %reduce_sum3A_1815 [0] : vector<160x128xf32> to vector<128xf32>
    %jit3A_1817 = arith.constant 0.000000e+00 : f32
    %broadcast_in_dim3A_1818 = vector.broadcast %jit3A_1817 : f32 to vector<160x128xf32>
    %select_n3A_1819 = arith.select %eq3A_1766, %convert_element_type3A_1233, %broadcast_in_dim3A_1818 : vector<160x128xi1>, vector<160x128xf32>
    %reduce_sum3A_1820 = arith.constant dense<0.000000e+00> : vector<128xf32>
    %reduce_sum3A_1821 = vector.multi_reduction <add>, %select_n3A_1819, %reduce_sum3A_1820 [0] : vector<160x128xf32> to vector<128xf32>
    %jit3A_1822 = arith.constant -2.000000e+09 : f32
    %broadcast_in_dim3A_1823 = vector.broadcast %jit3A_1822 : f32 to vector<160x128xf32>
    %select_n3A_1824 = arith.select %eq3A_1766, %broadcast_in_dim3A_1823, %select_n3A_1753 : vector<160x128xi1>, vector<160x128xf32>
    %reduce_max3A_1825 = arith.constant dense<0xFF800000> : vector<128xf32>
    %reduce_max3A_1826 = vector.multi_reduction <maximumf>, %select_n3A_1824, %reduce_max3A_1825 [0] : vector<160x128xf32> to vector<128xf32>
    %broadcast_in_dim3A_1827 = vector.shape_cast %reduce_max3A_1826 : vector<128xf32> to vector<1x128xf32>
    %eq3A_1828 = vector.broadcast %broadcast_in_dim3A_1827 : vector<1x128xf32> to vector<160x128xf32>
    %eq3A_1829 = arith.cmpf oeq, %select_n3A_1824, %eq3A_1828 : vector<160x128xf32>
    %jit3A_1830 = arith.constant 1073741824 : i32
    %broadcast_in_dim3A_1831 = vector.broadcast %jit3A_1830 : i32 to vector<160x128xi32>
    %select_n3A_1832 = arith.select %eq3A_1829, %iota3A_1260, %broadcast_in_dim3A_1831 : vector<160x128xi1>, vector<160x128xi32>
    %reduce_min3A_1833 = arith.constant dense<2147483647> : vector<128xi32>
    %reduce_min3A_1834 = vector.multi_reduction <minsi>, %select_n3A_1832, %reduce_min3A_1833 [0] : vector<160x128xi32> to vector<128xi32>
    %broadcast_in_dim3A_1835 = vector.shape_cast %reduce_min3A_1834 : vector<128xi32> to vector<1x128xi32>
    %eq3A_1836 = vector.broadcast %broadcast_in_dim3A_1835 : vector<1x128xi32> to vector<160x128xi32>
    %eq3A_1837 = arith.cmpi eq, %iota3A_1260, %eq3A_1836 : vector<160x128xi32>
    %jit3A_1838 = arith.constant 0 : i32
    %broadcast_in_dim3A_1839 = vector.broadcast %jit3A_1838 : i32 to vector<160x128xi32>
    %select_n3A_1840 = arith.select %eq3A_1837, %add3A_1248, %broadcast_in_dim3A_1839 : vector<160x128xi1>, vector<160x128xi32>
    %reduce_sum3A_1841 = arith.constant dense<0> : vector<128xi32>
    %reduce_sum3A_1842 = vector.multi_reduction <add>, %select_n3A_1840, %reduce_sum3A_1841 [0] : vector<160x128xi32> to vector<128xi32>
    %jit3A_1843 = arith.constant 0.000000e+00 : f32
    %broadcast_in_dim3A_1844 = vector.broadcast %jit3A_1843 : f32 to vector<160x128xf32>
    %select_n3A_1845 = arith.select %eq3A_1837, %add3A_1237, %broadcast_in_dim3A_1844 : vector<160x128xi1>, vector<160x128xf32>
    %reduce_sum3A_1846 = arith.constant dense<0.000000e+00> : vector<128xf32>
    %reduce_sum3A_1847 = vector.multi_reduction <add>, %select_n3A_1845, %reduce_sum3A_1846 [0] : vector<160x128xf32> to vector<128xf32>
    %jit3A_1848 = arith.constant 0.000000e+00 : f32
    %broadcast_in_dim3A_1849 = vector.broadcast %jit3A_1848 : f32 to vector<160x128xf32>
    %select_n3A_1850 = arith.select %eq3A_1837, %add3A_1238, %broadcast_in_dim3A_1849 : vector<160x128xi1>, vector<160x128xf32>
    %reduce_sum3A_1851 = arith.constant dense<0.000000e+00> : vector<128xf32>
    %reduce_sum3A_1852 = vector.multi_reduction <add>, %select_n3A_1850, %reduce_sum3A_1851 [0] : vector<160x128xf32> to vector<128xf32>
    %jit3A_1853 = arith.constant 0.000000e+00 : f32
    %broadcast_in_dim3A_1854 = vector.broadcast %jit3A_1853 : f32 to vector<160x128xf32>
    %select_n3A_1855 = arith.select %eq3A_1837, %add3A_1239, %broadcast_in_dim3A_1854 : vector<160x128xi1>, vector<160x128xf32>
    %reduce_sum3A_1856 = arith.constant dense<0.000000e+00> : vector<128xf32>
    %reduce_sum3A_1857 = vector.multi_reduction <add>, %select_n3A_1855, %reduce_sum3A_1856 [0] : vector<160x128xf32> to vector<128xf32>
    %jit3A_1858 = arith.constant 0.000000e+00 : f32
    %broadcast_in_dim3A_1859 = vector.broadcast %jit3A_1858 : f32 to vector<160x128xf32>
    %select_n3A_1860 = arith.select %eq3A_1837, %add3A_1240, %broadcast_in_dim3A_1859 : vector<160x128xi1>, vector<160x128xf32>
    %reduce_sum3A_1861 = arith.constant dense<0.000000e+00> : vector<128xf32>
    %reduce_sum3A_1862 = vector.multi_reduction <add>, %select_n3A_1860, %reduce_sum3A_1861 [0] : vector<160x128xf32> to vector<128xf32>
    %jit3A_1863 = arith.constant 0.000000e+00 : f32
    %broadcast_in_dim3A_1864 = vector.broadcast %jit3A_1863 : f32 to vector<160x128xf32>
    %select_n3A_1865 = arith.select %eq3A_1837, %mul3A_1243, %broadcast_in_dim3A_1864 : vector<160x128xi1>, vector<160x128xf32>
    %reduce_sum3A_1866 = arith.constant dense<0.000000e+00> : vector<128xf32>
    %reduce_sum3A_1867 = vector.multi_reduction <add>, %select_n3A_1865, %reduce_sum3A_1866 [0] : vector<160x128xf32> to vector<128xf32>
    %jit3A_1868 = arith.constant 0.000000e+00 : f32
    %broadcast_in_dim3A_1869 = vector.broadcast %jit3A_1868 : f32 to vector<160x128xf32>
    %select_n3A_1870 = arith.select %eq3A_1837, %min3A_167, %broadcast_in_dim3A_1869 : vector<160x128xi1>, vector<160x128xf32>
    %reduce_sum3A_1871 = arith.constant dense<0.000000e+00> : vector<128xf32>
    %reduce_sum3A_1872 = vector.multi_reduction <add>, %select_n3A_1870, %reduce_sum3A_1871 [0] : vector<160x128xf32> to vector<128xf32>
    %jit3A_1873 = arith.constant 0.000000e+00 : f32
    %broadcast_in_dim3A_1874 = vector.broadcast %jit3A_1873 : f32 to vector<160x128xf32>
    %select_n3A_1875 = arith.select %eq3A_1837, %min3A_177, %broadcast_in_dim3A_1874 : vector<160x128xi1>, vector<160x128xf32>
    %reduce_sum3A_1876 = arith.constant dense<0.000000e+00> : vector<128xf32>
    %reduce_sum3A_1877 = vector.multi_reduction <add>, %select_n3A_1875, %reduce_sum3A_1876 [0] : vector<160x128xf32> to vector<128xf32>
    %jit3A_1878 = arith.constant 0.000000e+00 : f32
    %broadcast_in_dim3A_1879 = vector.broadcast %jit3A_1878 : f32 to vector<160x128xf32>
    %select_n3A_1880 = arith.select %eq3A_1837, %min3A_187, %broadcast_in_dim3A_1879 : vector<160x128xi1>, vector<160x128xf32>
    %reduce_sum3A_1881 = arith.constant dense<0.000000e+00> : vector<128xf32>
    %reduce_sum3A_1882 = vector.multi_reduction <add>, %select_n3A_1880, %reduce_sum3A_1881 [0] : vector<160x128xf32> to vector<128xf32>
    %jit3A_1883 = arith.constant 0.000000e+00 : f32
    %broadcast_in_dim3A_1884 = vector.broadcast %jit3A_1883 : f32 to vector<160x128xf32>
    %select_n3A_1885 = arith.select %eq3A_1837, %min3A_197, %broadcast_in_dim3A_1884 : vector<160x128xi1>, vector<160x128xf32>
    %reduce_sum3A_1886 = arith.constant dense<0.000000e+00> : vector<128xf32>
    %reduce_sum3A_1887 = vector.multi_reduction <add>, %select_n3A_1885, %reduce_sum3A_1886 [0] : vector<160x128xf32> to vector<128xf32>
    %jit3A_1888 = arith.constant 0.000000e+00 : f32
    %broadcast_in_dim3A_1889 = vector.broadcast %jit3A_1888 : f32 to vector<160x128xf32>
    %select_n3A_1890 = arith.select %eq3A_1837, %convert_element_type3A_1233, %broadcast_in_dim3A_1889 : vector<160x128xi1>, vector<160x128xf32>
    %reduce_sum3A_1891 = arith.constant dense<0.000000e+00> : vector<128xf32>
    %reduce_sum3A_1892 = vector.multi_reduction <add>, %select_n3A_1890, %reduce_sum3A_1891 [0] : vector<160x128xf32> to vector<128xf32>
    %jit3A_1893 = arith.constant -2.000000e+09 : f32
    %broadcast_in_dim3A_1894 = vector.broadcast %jit3A_1893 : f32 to vector<160x128xf32>
    %select_n3A_1895 = arith.select %eq3A_1837, %broadcast_in_dim3A_1894, %select_n3A_1824 : vector<160x128xi1>, vector<160x128xf32>
    %reduce_max3A_1896 = arith.constant dense<0xFF800000> : vector<128xf32>
    %reduce_max3A_1897 = vector.multi_reduction <maximumf>, %select_n3A_1895, %reduce_max3A_1896 [0] : vector<160x128xf32> to vector<128xf32>
    %broadcast_in_dim3A_1898 = vector.shape_cast %reduce_max3A_1897 : vector<128xf32> to vector<1x128xf32>
    %eq3A_1899 = vector.broadcast %broadcast_in_dim3A_1898 : vector<1x128xf32> to vector<160x128xf32>
    %eq3A_1900 = arith.cmpf oeq, %select_n3A_1895, %eq3A_1899 : vector<160x128xf32>
    %jit3A_1901 = arith.constant 1073741824 : i32
    %broadcast_in_dim3A_1902 = vector.broadcast %jit3A_1901 : i32 to vector<160x128xi32>
    %select_n3A_1903 = arith.select %eq3A_1900, %iota3A_1260, %broadcast_in_dim3A_1902 : vector<160x128xi1>, vector<160x128xi32>
    %reduce_min3A_1904 = arith.constant dense<2147483647> : vector<128xi32>
    %reduce_min3A_1905 = vector.multi_reduction <minsi>, %select_n3A_1903, %reduce_min3A_1904 [0] : vector<160x128xi32> to vector<128xi32>
    %broadcast_in_dim3A_1906 = vector.shape_cast %reduce_min3A_1905 : vector<128xi32> to vector<1x128xi32>
    %eq3A_1907 = vector.broadcast %broadcast_in_dim3A_1906 : vector<1x128xi32> to vector<160x128xi32>
    %eq3A_1908 = arith.cmpi eq, %iota3A_1260, %eq3A_1907 : vector<160x128xi32>
    %jit3A_1909 = arith.constant 0 : i32
    %broadcast_in_dim3A_1910 = vector.broadcast %jit3A_1909 : i32 to vector<160x128xi32>
    %select_n3A_1911 = arith.select %eq3A_1908, %add3A_1248, %broadcast_in_dim3A_1910 : vector<160x128xi1>, vector<160x128xi32>
    %reduce_sum3A_1912 = arith.constant dense<0> : vector<128xi32>
    %reduce_sum3A_1913 = vector.multi_reduction <add>, %select_n3A_1911, %reduce_sum3A_1912 [0] : vector<160x128xi32> to vector<128xi32>
    %jit3A_1914 = arith.constant 0.000000e+00 : f32
    %broadcast_in_dim3A_1915 = vector.broadcast %jit3A_1914 : f32 to vector<160x128xf32>
    %select_n3A_1916 = arith.select %eq3A_1908, %add3A_1237, %broadcast_in_dim3A_1915 : vector<160x128xi1>, vector<160x128xf32>
    %reduce_sum3A_1917 = arith.constant dense<0.000000e+00> : vector<128xf32>
    %reduce_sum3A_1918 = vector.multi_reduction <add>, %select_n3A_1916, %reduce_sum3A_1917 [0] : vector<160x128xf32> to vector<128xf32>
    %jit3A_1919 = arith.constant 0.000000e+00 : f32
    %broadcast_in_dim3A_1920 = vector.broadcast %jit3A_1919 : f32 to vector<160x128xf32>
    %select_n3A_1921 = arith.select %eq3A_1908, %add3A_1238, %broadcast_in_dim3A_1920 : vector<160x128xi1>, vector<160x128xf32>
    %reduce_sum3A_1922 = arith.constant dense<0.000000e+00> : vector<128xf32>
    %reduce_sum3A_1923 = vector.multi_reduction <add>, %select_n3A_1921, %reduce_sum3A_1922 [0] : vector<160x128xf32> to vector<128xf32>
    %jit3A_1924 = arith.constant 0.000000e+00 : f32
    %broadcast_in_dim3A_1925 = vector.broadcast %jit3A_1924 : f32 to vector<160x128xf32>
    %select_n3A_1926 = arith.select %eq3A_1908, %add3A_1239, %broadcast_in_dim3A_1925 : vector<160x128xi1>, vector<160x128xf32>
    %reduce_sum3A_1927 = arith.constant dense<0.000000e+00> : vector<128xf32>
    %reduce_sum3A_1928 = vector.multi_reduction <add>, %select_n3A_1926, %reduce_sum3A_1927 [0] : vector<160x128xf32> to vector<128xf32>
    %jit3A_1929 = arith.constant 0.000000e+00 : f32
    %broadcast_in_dim3A_1930 = vector.broadcast %jit3A_1929 : f32 to vector<160x128xf32>
    %select_n3A_1931 = arith.select %eq3A_1908, %add3A_1240, %broadcast_in_dim3A_1930 : vector<160x128xi1>, vector<160x128xf32>
    %reduce_sum3A_1932 = arith.constant dense<0.000000e+00> : vector<128xf32>
    %reduce_sum3A_1933 = vector.multi_reduction <add>, %select_n3A_1931, %reduce_sum3A_1932 [0] : vector<160x128xf32> to vector<128xf32>
    %jit3A_1934 = arith.constant 0.000000e+00 : f32
    %broadcast_in_dim3A_1935 = vector.broadcast %jit3A_1934 : f32 to vector<160x128xf32>
    %select_n3A_1936 = arith.select %eq3A_1908, %mul3A_1243, %broadcast_in_dim3A_1935 : vector<160x128xi1>, vector<160x128xf32>
    %reduce_sum3A_1937 = arith.constant dense<0.000000e+00> : vector<128xf32>
    %reduce_sum3A_1938 = vector.multi_reduction <add>, %select_n3A_1936, %reduce_sum3A_1937 [0] : vector<160x128xf32> to vector<128xf32>
    %jit3A_1939 = arith.constant 0.000000e+00 : f32
    %broadcast_in_dim3A_1940 = vector.broadcast %jit3A_1939 : f32 to vector<160x128xf32>
    %select_n3A_1941 = arith.select %eq3A_1908, %min3A_167, %broadcast_in_dim3A_1940 : vector<160x128xi1>, vector<160x128xf32>
    %reduce_sum3A_1942 = arith.constant dense<0.000000e+00> : vector<128xf32>
    %reduce_sum3A_1943 = vector.multi_reduction <add>, %select_n3A_1941, %reduce_sum3A_1942 [0] : vector<160x128xf32> to vector<128xf32>
    %jit3A_1944 = arith.constant 0.000000e+00 : f32
    %broadcast_in_dim3A_1945 = vector.broadcast %jit3A_1944 : f32 to vector<160x128xf32>
    %select_n3A_1946 = arith.select %eq3A_1908, %min3A_177, %broadcast_in_dim3A_1945 : vector<160x128xi1>, vector<160x128xf32>
    %reduce_sum3A_1947 = arith.constant dense<0.000000e+00> : vector<128xf32>
    %reduce_sum3A_1948 = vector.multi_reduction <add>, %select_n3A_1946, %reduce_sum3A_1947 [0] : vector<160x128xf32> to vector<128xf32>
    %jit3A_1949 = arith.constant 0.000000e+00 : f32
    %broadcast_in_dim3A_1950 = vector.broadcast %jit3A_1949 : f32 to vector<160x128xf32>
    %select_n3A_1951 = arith.select %eq3A_1908, %min3A_187, %broadcast_in_dim3A_1950 : vector<160x128xi1>, vector<160x128xf32>
    %reduce_sum3A_1952 = arith.constant dense<0.000000e+00> : vector<128xf32>
    %reduce_sum3A_1953 = vector.multi_reduction <add>, %select_n3A_1951, %reduce_sum3A_1952 [0] : vector<160x128xf32> to vector<128xf32>
    %jit3A_1954 = arith.constant 0.000000e+00 : f32
    %broadcast_in_dim3A_1955 = vector.broadcast %jit3A_1954 : f32 to vector<160x128xf32>
    %select_n3A_1956 = arith.select %eq3A_1908, %min3A_197, %broadcast_in_dim3A_1955 : vector<160x128xi1>, vector<160x128xf32>
    %reduce_sum3A_1957 = arith.constant dense<0.000000e+00> : vector<128xf32>
    %reduce_sum3A_1958 = vector.multi_reduction <add>, %select_n3A_1956, %reduce_sum3A_1957 [0] : vector<160x128xf32> to vector<128xf32>
    %jit3A_1959 = arith.constant 0.000000e+00 : f32
    %broadcast_in_dim3A_1960 = vector.broadcast %jit3A_1959 : f32 to vector<160x128xf32>
    %select_n3A_1961 = arith.select %eq3A_1908, %convert_element_type3A_1233, %broadcast_in_dim3A_1960 : vector<160x128xi1>, vector<160x128xf32>
    %reduce_sum3A_1962 = arith.constant dense<0.000000e+00> : vector<128xf32>
    %reduce_sum3A_1963 = vector.multi_reduction <add>, %select_n3A_1961, %reduce_sum3A_1962 [0] : vector<160x128xf32> to vector<128xf32>
    %jit3A_1964 = arith.constant -2.000000e+09 : f32
    %broadcast_in_dim3A_1965 = vector.broadcast %jit3A_1964 : f32 to vector<160x128xf32>
    %select_n3A_1966 = arith.select %eq3A_1908, %broadcast_in_dim3A_1965, %select_n3A_1895 : vector<160x128xi1>, vector<160x128xf32>
    %reduce_max3A_1967 = arith.constant dense<0xFF800000> : vector<128xf32>
    %reduce_max3A_1968 = vector.multi_reduction <maximumf>, %select_n3A_1966, %reduce_max3A_1967 [0] : vector<160x128xf32> to vector<128xf32>
    %broadcast_in_dim3A_1969 = vector.shape_cast %reduce_max3A_1968 : vector<128xf32> to vector<1x128xf32>
    %eq3A_1970 = vector.broadcast %broadcast_in_dim3A_1969 : vector<1x128xf32> to vector<160x128xf32>
    %eq3A_1971 = arith.cmpf oeq, %select_n3A_1966, %eq3A_1970 : vector<160x128xf32>
    %jit3A_1972 = arith.constant 1073741824 : i32
    %broadcast_in_dim3A_1973 = vector.broadcast %jit3A_1972 : i32 to vector<160x128xi32>
    %select_n3A_1974 = arith.select %eq3A_1971, %iota3A_1260, %broadcast_in_dim3A_1973 : vector<160x128xi1>, vector<160x128xi32>
    %reduce_min3A_1975 = arith.constant dense<2147483647> : vector<128xi32>
    %reduce_min3A_1976 = vector.multi_reduction <minsi>, %select_n3A_1974, %reduce_min3A_1975 [0] : vector<160x128xi32> to vector<128xi32>
    %broadcast_in_dim3A_1977 = vector.shape_cast %reduce_min3A_1976 : vector<128xi32> to vector<1x128xi32>
    %eq3A_1978 = vector.broadcast %broadcast_in_dim3A_1977 : vector<1x128xi32> to vector<160x128xi32>
    %eq3A_1979 = arith.cmpi eq, %iota3A_1260, %eq3A_1978 : vector<160x128xi32>
    %jit3A_1980 = arith.constant 0 : i32
    %broadcast_in_dim3A_1981 = vector.broadcast %jit3A_1980 : i32 to vector<160x128xi32>
    %select_n3A_1982 = arith.select %eq3A_1979, %add3A_1248, %broadcast_in_dim3A_1981 : vector<160x128xi1>, vector<160x128xi32>
    %reduce_sum3A_1983 = arith.constant dense<0> : vector<128xi32>
    %reduce_sum3A_1984 = vector.multi_reduction <add>, %select_n3A_1982, %reduce_sum3A_1983 [0] : vector<160x128xi32> to vector<128xi32>
    %jit3A_1985 = arith.constant 0.000000e+00 : f32
    %broadcast_in_dim3A_1986 = vector.broadcast %jit3A_1985 : f32 to vector<160x128xf32>
    %select_n3A_1987 = arith.select %eq3A_1979, %add3A_1237, %broadcast_in_dim3A_1986 : vector<160x128xi1>, vector<160x128xf32>
    %reduce_sum3A_1988 = arith.constant dense<0.000000e+00> : vector<128xf32>
    %reduce_sum3A_1989 = vector.multi_reduction <add>, %select_n3A_1987, %reduce_sum3A_1988 [0] : vector<160x128xf32> to vector<128xf32>
    %jit3A_1990 = arith.constant 0.000000e+00 : f32
    %broadcast_in_dim3A_1991 = vector.broadcast %jit3A_1990 : f32 to vector<160x128xf32>
    %select_n3A_1992 = arith.select %eq3A_1979, %add3A_1238, %broadcast_in_dim3A_1991 : vector<160x128xi1>, vector<160x128xf32>
    %reduce_sum3A_1993 = arith.constant dense<0.000000e+00> : vector<128xf32>
    %reduce_sum3A_1994 = vector.multi_reduction <add>, %select_n3A_1992, %reduce_sum3A_1993 [0] : vector<160x128xf32> to vector<128xf32>
    %jit3A_1995 = arith.constant 0.000000e+00 : f32
    %broadcast_in_dim3A_1996 = vector.broadcast %jit3A_1995 : f32 to vector<160x128xf32>
    %select_n3A_1997 = arith.select %eq3A_1979, %add3A_1239, %broadcast_in_dim3A_1996 : vector<160x128xi1>, vector<160x128xf32>
    %reduce_sum3A_1998 = arith.constant dense<0.000000e+00> : vector<128xf32>
    %reduce_sum3A_1999 = vector.multi_reduction <add>, %select_n3A_1997, %reduce_sum3A_1998 [0] : vector<160x128xf32> to vector<128xf32>
    %jit3A_2000 = arith.constant 0.000000e+00 : f32
    %broadcast_in_dim3A_2001 = vector.broadcast %jit3A_2000 : f32 to vector<160x128xf32>
    %select_n3A_2002 = arith.select %eq3A_1979, %add3A_1240, %broadcast_in_dim3A_2001 : vector<160x128xi1>, vector<160x128xf32>
    %reduce_sum3A_2003 = arith.constant dense<0.000000e+00> : vector<128xf32>
    %reduce_sum3A_2004 = vector.multi_reduction <add>, %select_n3A_2002, %reduce_sum3A_2003 [0] : vector<160x128xf32> to vector<128xf32>
    %jit3A_2005 = arith.constant 0.000000e+00 : f32
    %broadcast_in_dim3A_2006 = vector.broadcast %jit3A_2005 : f32 to vector<160x128xf32>
    %select_n3A_2007 = arith.select %eq3A_1979, %mul3A_1243, %broadcast_in_dim3A_2006 : vector<160x128xi1>, vector<160x128xf32>
    %reduce_sum3A_2008 = arith.constant dense<0.000000e+00> : vector<128xf32>
    %reduce_sum3A_2009 = vector.multi_reduction <add>, %select_n3A_2007, %reduce_sum3A_2008 [0] : vector<160x128xf32> to vector<128xf32>
    %jit3A_2010 = arith.constant 0.000000e+00 : f32
    %broadcast_in_dim3A_2011 = vector.broadcast %jit3A_2010 : f32 to vector<160x128xf32>
    %select_n3A_2012 = arith.select %eq3A_1979, %min3A_167, %broadcast_in_dim3A_2011 : vector<160x128xi1>, vector<160x128xf32>
    %reduce_sum3A_2013 = arith.constant dense<0.000000e+00> : vector<128xf32>
    %reduce_sum3A_2014 = vector.multi_reduction <add>, %select_n3A_2012, %reduce_sum3A_2013 [0] : vector<160x128xf32> to vector<128xf32>
    %jit3A_2015 = arith.constant 0.000000e+00 : f32
    %broadcast_in_dim3A_2016 = vector.broadcast %jit3A_2015 : f32 to vector<160x128xf32>
    %select_n3A_2017 = arith.select %eq3A_1979, %min3A_177, %broadcast_in_dim3A_2016 : vector<160x128xi1>, vector<160x128xf32>
    %reduce_sum3A_2018 = arith.constant dense<0.000000e+00> : vector<128xf32>
    %reduce_sum3A_2019 = vector.multi_reduction <add>, %select_n3A_2017, %reduce_sum3A_2018 [0] : vector<160x128xf32> to vector<128xf32>
    %jit3A_2020 = arith.constant 0.000000e+00 : f32
    %broadcast_in_dim3A_2021 = vector.broadcast %jit3A_2020 : f32 to vector<160x128xf32>
    %select_n3A_2022 = arith.select %eq3A_1979, %min3A_187, %broadcast_in_dim3A_2021 : vector<160x128xi1>, vector<160x128xf32>
    %reduce_sum3A_2023 = arith.constant dense<0.000000e+00> : vector<128xf32>
    %reduce_sum3A_2024 = vector.multi_reduction <add>, %select_n3A_2022, %reduce_sum3A_2023 [0] : vector<160x128xf32> to vector<128xf32>
    %jit3A_2025 = arith.constant 0.000000e+00 : f32
    %broadcast_in_dim3A_2026 = vector.broadcast %jit3A_2025 : f32 to vector<160x128xf32>
    %select_n3A_2027 = arith.select %eq3A_1979, %min3A_197, %broadcast_in_dim3A_2026 : vector<160x128xi1>, vector<160x128xf32>
    %reduce_sum3A_2028 = arith.constant dense<0.000000e+00> : vector<128xf32>
    %reduce_sum3A_2029 = vector.multi_reduction <add>, %select_n3A_2027, %reduce_sum3A_2028 [0] : vector<160x128xf32> to vector<128xf32>
    %jit3A_2030 = arith.constant 0.000000e+00 : f32
    %broadcast_in_dim3A_2031 = vector.broadcast %jit3A_2030 : f32 to vector<160x128xf32>
    %select_n3A_2032 = arith.select %eq3A_1979, %convert_element_type3A_1233, %broadcast_in_dim3A_2031 : vector<160x128xi1>, vector<160x128xf32>
    %reduce_sum3A_2033 = arith.constant dense<0.000000e+00> : vector<128xf32>
    %reduce_sum3A_2034 = vector.multi_reduction <add>, %select_n3A_2032, %reduce_sum3A_2033 [0] : vector<160x128xf32> to vector<128xf32>
    %jit3A_2035 = arith.constant -2.000000e+09 : f32
    %broadcast_in_dim3A_2036 = vector.broadcast %jit3A_2035 : f32 to vector<160x128xf32>
    %select_n3A_2037 = arith.select %eq3A_1979, %broadcast_in_dim3A_2036, %select_n3A_1966 : vector<160x128xi1>, vector<160x128xf32>
    %reduce_max3A_2038 = arith.constant dense<0xFF800000> : vector<128xf32>
    %reduce_max3A_2039 = vector.multi_reduction <maximumf>, %select_n3A_2037, %reduce_max3A_2038 [0] : vector<160x128xf32> to vector<128xf32>
    %broadcast_in_dim3A_2040 = vector.shape_cast %reduce_max3A_2039 : vector<128xf32> to vector<1x128xf32>
    %eq3A_2041 = vector.broadcast %broadcast_in_dim3A_2040 : vector<1x128xf32> to vector<160x128xf32>
    %eq3A_2042 = arith.cmpf oeq, %select_n3A_2037, %eq3A_2041 : vector<160x128xf32>
    %jit3A_2043 = arith.constant 1073741824 : i32
    %broadcast_in_dim3A_2044 = vector.broadcast %jit3A_2043 : i32 to vector<160x128xi32>
    %select_n3A_2045 = arith.select %eq3A_2042, %iota3A_1260, %broadcast_in_dim3A_2044 : vector<160x128xi1>, vector<160x128xi32>
    %reduce_min3A_2046 = arith.constant dense<2147483647> : vector<128xi32>
    %reduce_min3A_2047 = vector.multi_reduction <minsi>, %select_n3A_2045, %reduce_min3A_2046 [0] : vector<160x128xi32> to vector<128xi32>
    %broadcast_in_dim3A_2048 = vector.shape_cast %reduce_min3A_2047 : vector<128xi32> to vector<1x128xi32>
    %eq3A_2049 = vector.broadcast %broadcast_in_dim3A_2048 : vector<1x128xi32> to vector<160x128xi32>
    %eq3A_2050 = arith.cmpi eq, %iota3A_1260, %eq3A_2049 : vector<160x128xi32>
    %jit3A_2051 = arith.constant 0 : i32
    %broadcast_in_dim3A_2052 = vector.broadcast %jit3A_2051 : i32 to vector<160x128xi32>
    %select_n3A_2053 = arith.select %eq3A_2050, %add3A_1248, %broadcast_in_dim3A_2052 : vector<160x128xi1>, vector<160x128xi32>
    %reduce_sum3A_2054 = arith.constant dense<0> : vector<128xi32>
    %reduce_sum3A_2055 = vector.multi_reduction <add>, %select_n3A_2053, %reduce_sum3A_2054 [0] : vector<160x128xi32> to vector<128xi32>
    %jit3A_2056 = arith.constant 0.000000e+00 : f32
    %broadcast_in_dim3A_2057 = vector.broadcast %jit3A_2056 : f32 to vector<160x128xf32>
    %select_n3A_2058 = arith.select %eq3A_2050, %add3A_1237, %broadcast_in_dim3A_2057 : vector<160x128xi1>, vector<160x128xf32>
    %reduce_sum3A_2059 = arith.constant dense<0.000000e+00> : vector<128xf32>
    %reduce_sum3A_2060 = vector.multi_reduction <add>, %select_n3A_2058, %reduce_sum3A_2059 [0] : vector<160x128xf32> to vector<128xf32>
    %jit3A_2061 = arith.constant 0.000000e+00 : f32
    %broadcast_in_dim3A_2062 = vector.broadcast %jit3A_2061 : f32 to vector<160x128xf32>
    %select_n3A_2063 = arith.select %eq3A_2050, %add3A_1238, %broadcast_in_dim3A_2062 : vector<160x128xi1>, vector<160x128xf32>
    %reduce_sum3A_2064 = arith.constant dense<0.000000e+00> : vector<128xf32>
    %reduce_sum3A_2065 = vector.multi_reduction <add>, %select_n3A_2063, %reduce_sum3A_2064 [0] : vector<160x128xf32> to vector<128xf32>
    %jit3A_2066 = arith.constant 0.000000e+00 : f32
    %broadcast_in_dim3A_2067 = vector.broadcast %jit3A_2066 : f32 to vector<160x128xf32>
    %select_n3A_2068 = arith.select %eq3A_2050, %add3A_1239, %broadcast_in_dim3A_2067 : vector<160x128xi1>, vector<160x128xf32>
    %reduce_sum3A_2069 = arith.constant dense<0.000000e+00> : vector<128xf32>
    %reduce_sum3A_2070 = vector.multi_reduction <add>, %select_n3A_2068, %reduce_sum3A_2069 [0] : vector<160x128xf32> to vector<128xf32>
    %jit3A_2071 = arith.constant 0.000000e+00 : f32
    %broadcast_in_dim3A_2072 = vector.broadcast %jit3A_2071 : f32 to vector<160x128xf32>
    %select_n3A_2073 = arith.select %eq3A_2050, %add3A_1240, %broadcast_in_dim3A_2072 : vector<160x128xi1>, vector<160x128xf32>
    %reduce_sum3A_2074 = arith.constant dense<0.000000e+00> : vector<128xf32>
    %reduce_sum3A_2075 = vector.multi_reduction <add>, %select_n3A_2073, %reduce_sum3A_2074 [0] : vector<160x128xf32> to vector<128xf32>
    %jit3A_2076 = arith.constant 0.000000e+00 : f32
    %broadcast_in_dim3A_2077 = vector.broadcast %jit3A_2076 : f32 to vector<160x128xf32>
    %select_n3A_2078 = arith.select %eq3A_2050, %mul3A_1243, %broadcast_in_dim3A_2077 : vector<160x128xi1>, vector<160x128xf32>
    %reduce_sum3A_2079 = arith.constant dense<0.000000e+00> : vector<128xf32>
    %reduce_sum3A_2080 = vector.multi_reduction <add>, %select_n3A_2078, %reduce_sum3A_2079 [0] : vector<160x128xf32> to vector<128xf32>
    %jit3A_2081 = arith.constant 0.000000e+00 : f32
    %broadcast_in_dim3A_2082 = vector.broadcast %jit3A_2081 : f32 to vector<160x128xf32>
    %select_n3A_2083 = arith.select %eq3A_2050, %min3A_167, %broadcast_in_dim3A_2082 : vector<160x128xi1>, vector<160x128xf32>
    %reduce_sum3A_2084 = arith.constant dense<0.000000e+00> : vector<128xf32>
    %reduce_sum3A_2085 = vector.multi_reduction <add>, %select_n3A_2083, %reduce_sum3A_2084 [0] : vector<160x128xf32> to vector<128xf32>
    %jit3A_2086 = arith.constant 0.000000e+00 : f32
    %broadcast_in_dim3A_2087 = vector.broadcast %jit3A_2086 : f32 to vector<160x128xf32>
    %select_n3A_2088 = arith.select %eq3A_2050, %min3A_177, %broadcast_in_dim3A_2087 : vector<160x128xi1>, vector<160x128xf32>
    %reduce_sum3A_2089 = arith.constant dense<0.000000e+00> : vector<128xf32>
    %reduce_sum3A_2090 = vector.multi_reduction <add>, %select_n3A_2088, %reduce_sum3A_2089 [0] : vector<160x128xf32> to vector<128xf32>
    %jit3A_2091 = arith.constant 0.000000e+00 : f32
    %broadcast_in_dim3A_2092 = vector.broadcast %jit3A_2091 : f32 to vector<160x128xf32>
    %select_n3A_2093 = arith.select %eq3A_2050, %min3A_187, %broadcast_in_dim3A_2092 : vector<160x128xi1>, vector<160x128xf32>
    %reduce_sum3A_2094 = arith.constant dense<0.000000e+00> : vector<128xf32>
    %reduce_sum3A_2095 = vector.multi_reduction <add>, %select_n3A_2093, %reduce_sum3A_2094 [0] : vector<160x128xf32> to vector<128xf32>
    %jit3A_2096 = arith.constant 0.000000e+00 : f32
    %broadcast_in_dim3A_2097 = vector.broadcast %jit3A_2096 : f32 to vector<160x128xf32>
    %select_n3A_2098 = arith.select %eq3A_2050, %min3A_197, %broadcast_in_dim3A_2097 : vector<160x128xi1>, vector<160x128xf32>
    %reduce_sum3A_2099 = arith.constant dense<0.000000e+00> : vector<128xf32>
    %reduce_sum3A_2100 = vector.multi_reduction <add>, %select_n3A_2098, %reduce_sum3A_2099 [0] : vector<160x128xf32> to vector<128xf32>
    %jit3A_2101 = arith.constant 0.000000e+00 : f32
    %broadcast_in_dim3A_2102 = vector.broadcast %jit3A_2101 : f32 to vector<160x128xf32>
    %select_n3A_2103 = arith.select %eq3A_2050, %convert_element_type3A_1233, %broadcast_in_dim3A_2102 : vector<160x128xi1>, vector<160x128xf32>
    %reduce_sum3A_2104 = arith.constant dense<0.000000e+00> : vector<128xf32>
    %reduce_sum3A_2105 = vector.multi_reduction <add>, %select_n3A_2103, %reduce_sum3A_2104 [0] : vector<160x128xf32> to vector<128xf32>
    %jit3A_2106 = arith.constant -2.000000e+09 : f32
    %broadcast_in_dim3A_2107 = vector.broadcast %jit3A_2106 : f32 to vector<160x128xf32>
    %select_n3A_2108 = arith.select %eq3A_2050, %broadcast_in_dim3A_2107, %select_n3A_2037 : vector<160x128xi1>, vector<160x128xf32>
    %reduce_max3A_2109 = arith.constant dense<0xFF800000> : vector<128xf32>
    %reduce_max3A_2110 = vector.multi_reduction <maximumf>, %select_n3A_2108, %reduce_max3A_2109 [0] : vector<160x128xf32> to vector<128xf32>
    %broadcast_in_dim3A_2111 = vector.shape_cast %reduce_max3A_2110 : vector<128xf32> to vector<1x128xf32>
    %eq3A_2112 = vector.broadcast %broadcast_in_dim3A_2111 : vector<1x128xf32> to vector<160x128xf32>
    %eq3A_2113 = arith.cmpf oeq, %select_n3A_2108, %eq3A_2112 : vector<160x128xf32>
    %jit3A_2114 = arith.constant 1073741824 : i32
    %broadcast_in_dim3A_2115 = vector.broadcast %jit3A_2114 : i32 to vector<160x128xi32>
    %select_n3A_2116 = arith.select %eq3A_2113, %iota3A_1260, %broadcast_in_dim3A_2115 : vector<160x128xi1>, vector<160x128xi32>
    %reduce_min3A_2117 = arith.constant dense<2147483647> : vector<128xi32>
    %reduce_min3A_2118 = vector.multi_reduction <minsi>, %select_n3A_2116, %reduce_min3A_2117 [0] : vector<160x128xi32> to vector<128xi32>
    %broadcast_in_dim3A_2119 = vector.shape_cast %reduce_min3A_2118 : vector<128xi32> to vector<1x128xi32>
    %eq3A_2120 = vector.broadcast %broadcast_in_dim3A_2119 : vector<1x128xi32> to vector<160x128xi32>
    %eq3A_2121 = arith.cmpi eq, %iota3A_1260, %eq3A_2120 : vector<160x128xi32>
    %jit3A_2122 = arith.constant 0 : i32
    %broadcast_in_dim3A_2123 = vector.broadcast %jit3A_2122 : i32 to vector<160x128xi32>
    %select_n3A_2124 = arith.select %eq3A_2121, %add3A_1248, %broadcast_in_dim3A_2123 : vector<160x128xi1>, vector<160x128xi32>
    %reduce_sum3A_2125 = arith.constant dense<0> : vector<128xi32>
    %reduce_sum3A_2126 = vector.multi_reduction <add>, %select_n3A_2124, %reduce_sum3A_2125 [0] : vector<160x128xi32> to vector<128xi32>
    %jit3A_2127 = arith.constant 0.000000e+00 : f32
    %broadcast_in_dim3A_2128 = vector.broadcast %jit3A_2127 : f32 to vector<160x128xf32>
    %select_n3A_2129 = arith.select %eq3A_2121, %add3A_1237, %broadcast_in_dim3A_2128 : vector<160x128xi1>, vector<160x128xf32>
    %reduce_sum3A_2130 = arith.constant dense<0.000000e+00> : vector<128xf32>
    %reduce_sum3A_2131 = vector.multi_reduction <add>, %select_n3A_2129, %reduce_sum3A_2130 [0] : vector<160x128xf32> to vector<128xf32>
    %jit3A_2132 = arith.constant 0.000000e+00 : f32
    %broadcast_in_dim3A_2133 = vector.broadcast %jit3A_2132 : f32 to vector<160x128xf32>
    %select_n3A_2134 = arith.select %eq3A_2121, %add3A_1238, %broadcast_in_dim3A_2133 : vector<160x128xi1>, vector<160x128xf32>
    %reduce_sum3A_2135 = arith.constant dense<0.000000e+00> : vector<128xf32>
    %reduce_sum3A_2136 = vector.multi_reduction <add>, %select_n3A_2134, %reduce_sum3A_2135 [0] : vector<160x128xf32> to vector<128xf32>
    %jit3A_2137 = arith.constant 0.000000e+00 : f32
    %broadcast_in_dim3A_2138 = vector.broadcast %jit3A_2137 : f32 to vector<160x128xf32>
    %select_n3A_2139 = arith.select %eq3A_2121, %add3A_1239, %broadcast_in_dim3A_2138 : vector<160x128xi1>, vector<160x128xf32>
    %reduce_sum3A_2140 = arith.constant dense<0.000000e+00> : vector<128xf32>
    %reduce_sum3A_2141 = vector.multi_reduction <add>, %select_n3A_2139, %reduce_sum3A_2140 [0] : vector<160x128xf32> to vector<128xf32>
    %jit3A_2142 = arith.constant 0.000000e+00 : f32
    %broadcast_in_dim3A_2143 = vector.broadcast %jit3A_2142 : f32 to vector<160x128xf32>
    %select_n3A_2144 = arith.select %eq3A_2121, %add3A_1240, %broadcast_in_dim3A_2143 : vector<160x128xi1>, vector<160x128xf32>
    %reduce_sum3A_2145 = arith.constant dense<0.000000e+00> : vector<128xf32>
    %reduce_sum3A_2146 = vector.multi_reduction <add>, %select_n3A_2144, %reduce_sum3A_2145 [0] : vector<160x128xf32> to vector<128xf32>
    %jit3A_2147 = arith.constant 0.000000e+00 : f32
    %broadcast_in_dim3A_2148 = vector.broadcast %jit3A_2147 : f32 to vector<160x128xf32>
    %select_n3A_2149 = arith.select %eq3A_2121, %mul3A_1243, %broadcast_in_dim3A_2148 : vector<160x128xi1>, vector<160x128xf32>
    %reduce_sum3A_2150 = arith.constant dense<0.000000e+00> : vector<128xf32>
    %reduce_sum3A_2151 = vector.multi_reduction <add>, %select_n3A_2149, %reduce_sum3A_2150 [0] : vector<160x128xf32> to vector<128xf32>
    %jit3A_2152 = arith.constant 0.000000e+00 : f32
    %broadcast_in_dim3A_2153 = vector.broadcast %jit3A_2152 : f32 to vector<160x128xf32>
    %select_n3A_2154 = arith.select %eq3A_2121, %min3A_167, %broadcast_in_dim3A_2153 : vector<160x128xi1>, vector<160x128xf32>
    %reduce_sum3A_2155 = arith.constant dense<0.000000e+00> : vector<128xf32>
    %reduce_sum3A_2156 = vector.multi_reduction <add>, %select_n3A_2154, %reduce_sum3A_2155 [0] : vector<160x128xf32> to vector<128xf32>
    %jit3A_2157 = arith.constant 0.000000e+00 : f32
    %broadcast_in_dim3A_2158 = vector.broadcast %jit3A_2157 : f32 to vector<160x128xf32>
    %select_n3A_2159 = arith.select %eq3A_2121, %min3A_177, %broadcast_in_dim3A_2158 : vector<160x128xi1>, vector<160x128xf32>
    %reduce_sum3A_2160 = arith.constant dense<0.000000e+00> : vector<128xf32>
    %reduce_sum3A_2161 = vector.multi_reduction <add>, %select_n3A_2159, %reduce_sum3A_2160 [0] : vector<160x128xf32> to vector<128xf32>
    %jit3A_2162 = arith.constant 0.000000e+00 : f32
    %broadcast_in_dim3A_2163 = vector.broadcast %jit3A_2162 : f32 to vector<160x128xf32>
    %select_n3A_2164 = arith.select %eq3A_2121, %min3A_187, %broadcast_in_dim3A_2163 : vector<160x128xi1>, vector<160x128xf32>
    %reduce_sum3A_2165 = arith.constant dense<0.000000e+00> : vector<128xf32>
    %reduce_sum3A_2166 = vector.multi_reduction <add>, %select_n3A_2164, %reduce_sum3A_2165 [0] : vector<160x128xf32> to vector<128xf32>
    %jit3A_2167 = arith.constant 0.000000e+00 : f32
    %broadcast_in_dim3A_2168 = vector.broadcast %jit3A_2167 : f32 to vector<160x128xf32>
    %select_n3A_2169 = arith.select %eq3A_2121, %min3A_197, %broadcast_in_dim3A_2168 : vector<160x128xi1>, vector<160x128xf32>
    %reduce_sum3A_2170 = arith.constant dense<0.000000e+00> : vector<128xf32>
    %reduce_sum3A_2171 = vector.multi_reduction <add>, %select_n3A_2169, %reduce_sum3A_2170 [0] : vector<160x128xf32> to vector<128xf32>
    %jit3A_2172 = arith.constant 0.000000e+00 : f32
    %broadcast_in_dim3A_2173 = vector.broadcast %jit3A_2172 : f32 to vector<160x128xf32>
    %select_n3A_2174 = arith.select %eq3A_2121, %convert_element_type3A_1233, %broadcast_in_dim3A_2173 : vector<160x128xi1>, vector<160x128xf32>
    %reduce_sum3A_2175 = arith.constant dense<0.000000e+00> : vector<128xf32>
    %reduce_sum3A_2176 = vector.multi_reduction <add>, %select_n3A_2174, %reduce_sum3A_2175 [0] : vector<160x128xf32> to vector<128xf32>
    %jit3A_2177 = arith.constant -2.000000e+09 : f32
    %broadcast_in_dim3A_2178 = vector.broadcast %jit3A_2177 : f32 to vector<160x128xf32>
    %select_n3A_2179 = arith.select %eq3A_2121, %broadcast_in_dim3A_2178, %select_n3A_2108 : vector<160x128xi1>, vector<160x128xf32>
    %reduce_max3A_2180 = arith.constant dense<0xFF800000> : vector<128xf32>
    %reduce_max3A_2181 = vector.multi_reduction <maximumf>, %select_n3A_2179, %reduce_max3A_2180 [0] : vector<160x128xf32> to vector<128xf32>
    %broadcast_in_dim3A_2182 = vector.shape_cast %reduce_max3A_2181 : vector<128xf32> to vector<1x128xf32>
    %eq3A_2183 = vector.broadcast %broadcast_in_dim3A_2182 : vector<1x128xf32> to vector<160x128xf32>
    %eq3A_2184 = arith.cmpf oeq, %select_n3A_2179, %eq3A_2183 : vector<160x128xf32>
    %jit3A_2185 = arith.constant 1073741824 : i32
    %broadcast_in_dim3A_2186 = vector.broadcast %jit3A_2185 : i32 to vector<160x128xi32>
    %select_n3A_2187 = arith.select %eq3A_2184, %iota3A_1260, %broadcast_in_dim3A_2186 : vector<160x128xi1>, vector<160x128xi32>
    %reduce_min3A_2188 = arith.constant dense<2147483647> : vector<128xi32>
    %reduce_min3A_2189 = vector.multi_reduction <minsi>, %select_n3A_2187, %reduce_min3A_2188 [0] : vector<160x128xi32> to vector<128xi32>
    %broadcast_in_dim3A_2190 = vector.shape_cast %reduce_min3A_2189 : vector<128xi32> to vector<1x128xi32>
    %eq3A_2191 = vector.broadcast %broadcast_in_dim3A_2190 : vector<1x128xi32> to vector<160x128xi32>
    %eq3A_2192 = arith.cmpi eq, %iota3A_1260, %eq3A_2191 : vector<160x128xi32>
    %jit3A_2193 = arith.constant 0 : i32
    %broadcast_in_dim3A_2194 = vector.broadcast %jit3A_2193 : i32 to vector<160x128xi32>
    %select_n3A_2195 = arith.select %eq3A_2192, %add3A_1248, %broadcast_in_dim3A_2194 : vector<160x128xi1>, vector<160x128xi32>
    %reduce_sum3A_2196 = arith.constant dense<0> : vector<128xi32>
    %reduce_sum3A_2197 = vector.multi_reduction <add>, %select_n3A_2195, %reduce_sum3A_2196 [0] : vector<160x128xi32> to vector<128xi32>
    %jit3A_2198 = arith.constant 0.000000e+00 : f32
    %broadcast_in_dim3A_2199 = vector.broadcast %jit3A_2198 : f32 to vector<160x128xf32>
    %select_n3A_2200 = arith.select %eq3A_2192, %add3A_1237, %broadcast_in_dim3A_2199 : vector<160x128xi1>, vector<160x128xf32>
    %reduce_sum3A_2201 = arith.constant dense<0.000000e+00> : vector<128xf32>
    %reduce_sum3A_2202 = vector.multi_reduction <add>, %select_n3A_2200, %reduce_sum3A_2201 [0] : vector<160x128xf32> to vector<128xf32>
    %jit3A_2203 = arith.constant 0.000000e+00 : f32
    %broadcast_in_dim3A_2204 = vector.broadcast %jit3A_2203 : f32 to vector<160x128xf32>
    %select_n3A_2205 = arith.select %eq3A_2192, %add3A_1238, %broadcast_in_dim3A_2204 : vector<160x128xi1>, vector<160x128xf32>
    %reduce_sum3A_2206 = arith.constant dense<0.000000e+00> : vector<128xf32>
    %reduce_sum3A_2207 = vector.multi_reduction <add>, %select_n3A_2205, %reduce_sum3A_2206 [0] : vector<160x128xf32> to vector<128xf32>
    %jit3A_2208 = arith.constant 0.000000e+00 : f32
    %broadcast_in_dim3A_2209 = vector.broadcast %jit3A_2208 : f32 to vector<160x128xf32>
    %select_n3A_2210 = arith.select %eq3A_2192, %add3A_1239, %broadcast_in_dim3A_2209 : vector<160x128xi1>, vector<160x128xf32>
    %reduce_sum3A_2211 = arith.constant dense<0.000000e+00> : vector<128xf32>
    %reduce_sum3A_2212 = vector.multi_reduction <add>, %select_n3A_2210, %reduce_sum3A_2211 [0] : vector<160x128xf32> to vector<128xf32>
    %jit3A_2213 = arith.constant 0.000000e+00 : f32
    %broadcast_in_dim3A_2214 = vector.broadcast %jit3A_2213 : f32 to vector<160x128xf32>
    %select_n3A_2215 = arith.select %eq3A_2192, %add3A_1240, %broadcast_in_dim3A_2214 : vector<160x128xi1>, vector<160x128xf32>
    %reduce_sum3A_2216 = arith.constant dense<0.000000e+00> : vector<128xf32>
    %reduce_sum3A_2217 = vector.multi_reduction <add>, %select_n3A_2215, %reduce_sum3A_2216 [0] : vector<160x128xf32> to vector<128xf32>
    %jit3A_2218 = arith.constant 0.000000e+00 : f32
    %broadcast_in_dim3A_2219 = vector.broadcast %jit3A_2218 : f32 to vector<160x128xf32>
    %select_n3A_2220 = arith.select %eq3A_2192, %mul3A_1243, %broadcast_in_dim3A_2219 : vector<160x128xi1>, vector<160x128xf32>
    %reduce_sum3A_2221 = arith.constant dense<0.000000e+00> : vector<128xf32>
    %reduce_sum3A_2222 = vector.multi_reduction <add>, %select_n3A_2220, %reduce_sum3A_2221 [0] : vector<160x128xf32> to vector<128xf32>
    %jit3A_2223 = arith.constant 0.000000e+00 : f32
    %broadcast_in_dim3A_2224 = vector.broadcast %jit3A_2223 : f32 to vector<160x128xf32>
    %select_n3A_2225 = arith.select %eq3A_2192, %min3A_167, %broadcast_in_dim3A_2224 : vector<160x128xi1>, vector<160x128xf32>
    %reduce_sum3A_2226 = arith.constant dense<0.000000e+00> : vector<128xf32>
    %reduce_sum3A_2227 = vector.multi_reduction <add>, %select_n3A_2225, %reduce_sum3A_2226 [0] : vector<160x128xf32> to vector<128xf32>
    %jit3A_2228 = arith.constant 0.000000e+00 : f32
    %broadcast_in_dim3A_2229 = vector.broadcast %jit3A_2228 : f32 to vector<160x128xf32>
    %select_n3A_2230 = arith.select %eq3A_2192, %min3A_177, %broadcast_in_dim3A_2229 : vector<160x128xi1>, vector<160x128xf32>
    %reduce_sum3A_2231 = arith.constant dense<0.000000e+00> : vector<128xf32>
    %reduce_sum3A_2232 = vector.multi_reduction <add>, %select_n3A_2230, %reduce_sum3A_2231 [0] : vector<160x128xf32> to vector<128xf32>
    %jit3A_2233 = arith.constant 0.000000e+00 : f32
    %broadcast_in_dim3A_2234 = vector.broadcast %jit3A_2233 : f32 to vector<160x128xf32>
    %select_n3A_2235 = arith.select %eq3A_2192, %min3A_187, %broadcast_in_dim3A_2234 : vector<160x128xi1>, vector<160x128xf32>
    %reduce_sum3A_2236 = arith.constant dense<0.000000e+00> : vector<128xf32>
    %reduce_sum3A_2237 = vector.multi_reduction <add>, %select_n3A_2235, %reduce_sum3A_2236 [0] : vector<160x128xf32> to vector<128xf32>
    %jit3A_2238 = arith.constant 0.000000e+00 : f32
    %broadcast_in_dim3A_2239 = vector.broadcast %jit3A_2238 : f32 to vector<160x128xf32>
    %select_n3A_2240 = arith.select %eq3A_2192, %min3A_197, %broadcast_in_dim3A_2239 : vector<160x128xi1>, vector<160x128xf32>
    %reduce_sum3A_2241 = arith.constant dense<0.000000e+00> : vector<128xf32>
    %reduce_sum3A_2242 = vector.multi_reduction <add>, %select_n3A_2240, %reduce_sum3A_2241 [0] : vector<160x128xf32> to vector<128xf32>
    %jit3A_2243 = arith.constant 0.000000e+00 : f32
    %broadcast_in_dim3A_2244 = vector.broadcast %jit3A_2243 : f32 to vector<160x128xf32>
    %select_n3A_2245 = arith.select %eq3A_2192, %convert_element_type3A_1233, %broadcast_in_dim3A_2244 : vector<160x128xi1>, vector<160x128xf32>
    %reduce_sum3A_2246 = arith.constant dense<0.000000e+00> : vector<128xf32>
    %reduce_sum3A_2247 = vector.multi_reduction <add>, %select_n3A_2245, %reduce_sum3A_2246 [0] : vector<160x128xf32> to vector<128xf32>
    %jit3A_2248 = arith.constant -2.000000e+09 : f32
    %broadcast_in_dim3A_2249 = vector.broadcast %jit3A_2248 : f32 to vector<160x128xf32>
    %select_n3A_2250 = arith.select %eq3A_2192, %broadcast_in_dim3A_2249, %select_n3A_2179 : vector<160x128xi1>, vector<160x128xf32>
    %reduce_max3A_2251 = arith.constant dense<0xFF800000> : vector<128xf32>
    %reduce_max3A_2252 = vector.multi_reduction <maximumf>, %select_n3A_2250, %reduce_max3A_2251 [0] : vector<160x128xf32> to vector<128xf32>
    %broadcast_in_dim3A_2253 = vector.shape_cast %reduce_max3A_2252 : vector<128xf32> to vector<1x128xf32>
    %eq3A_2254 = vector.broadcast %broadcast_in_dim3A_2253 : vector<1x128xf32> to vector<160x128xf32>
    %eq3A_2255 = arith.cmpf oeq, %select_n3A_2250, %eq3A_2254 : vector<160x128xf32>
    %jit3A_2256 = arith.constant 1073741824 : i32
    %broadcast_in_dim3A_2257 = vector.broadcast %jit3A_2256 : i32 to vector<160x128xi32>
    %select_n3A_2258 = arith.select %eq3A_2255, %iota3A_1260, %broadcast_in_dim3A_2257 : vector<160x128xi1>, vector<160x128xi32>
    %reduce_min3A_2259 = arith.constant dense<2147483647> : vector<128xi32>
    %reduce_min3A_2260 = vector.multi_reduction <minsi>, %select_n3A_2258, %reduce_min3A_2259 [0] : vector<160x128xi32> to vector<128xi32>
    %broadcast_in_dim3A_2261 = vector.shape_cast %reduce_min3A_2260 : vector<128xi32> to vector<1x128xi32>
    %eq3A_2262 = vector.broadcast %broadcast_in_dim3A_2261 : vector<1x128xi32> to vector<160x128xi32>
    %eq3A_2263 = arith.cmpi eq, %iota3A_1260, %eq3A_2262 : vector<160x128xi32>
    %jit3A_2264 = arith.constant 0 : i32
    %broadcast_in_dim3A_2265 = vector.broadcast %jit3A_2264 : i32 to vector<160x128xi32>
    %select_n3A_2266 = arith.select %eq3A_2263, %add3A_1248, %broadcast_in_dim3A_2265 : vector<160x128xi1>, vector<160x128xi32>
    %reduce_sum3A_2267 = arith.constant dense<0> : vector<128xi32>
    %reduce_sum3A_2268 = vector.multi_reduction <add>, %select_n3A_2266, %reduce_sum3A_2267 [0] : vector<160x128xi32> to vector<128xi32>
    %jit3A_2269 = arith.constant 0.000000e+00 : f32
    %broadcast_in_dim3A_2270 = vector.broadcast %jit3A_2269 : f32 to vector<160x128xf32>
    %select_n3A_2271 = arith.select %eq3A_2263, %add3A_1237, %broadcast_in_dim3A_2270 : vector<160x128xi1>, vector<160x128xf32>
    %reduce_sum3A_2272 = arith.constant dense<0.000000e+00> : vector<128xf32>
    %reduce_sum3A_2273 = vector.multi_reduction <add>, %select_n3A_2271, %reduce_sum3A_2272 [0] : vector<160x128xf32> to vector<128xf32>
    %jit3A_2274 = arith.constant 0.000000e+00 : f32
    %broadcast_in_dim3A_2275 = vector.broadcast %jit3A_2274 : f32 to vector<160x128xf32>
    %select_n3A_2276 = arith.select %eq3A_2263, %add3A_1238, %broadcast_in_dim3A_2275 : vector<160x128xi1>, vector<160x128xf32>
    %reduce_sum3A_2277 = arith.constant dense<0.000000e+00> : vector<128xf32>
    %reduce_sum3A_2278 = vector.multi_reduction <add>, %select_n3A_2276, %reduce_sum3A_2277 [0] : vector<160x128xf32> to vector<128xf32>
    %jit3A_2279 = arith.constant 0.000000e+00 : f32
    %broadcast_in_dim3A_2280 = vector.broadcast %jit3A_2279 : f32 to vector<160x128xf32>
    %select_n3A_2281 = arith.select %eq3A_2263, %add3A_1239, %broadcast_in_dim3A_2280 : vector<160x128xi1>, vector<160x128xf32>
    %reduce_sum3A_2282 = arith.constant dense<0.000000e+00> : vector<128xf32>
    %reduce_sum3A_2283 = vector.multi_reduction <add>, %select_n3A_2281, %reduce_sum3A_2282 [0] : vector<160x128xf32> to vector<128xf32>
    %jit3A_2284 = arith.constant 0.000000e+00 : f32
    %broadcast_in_dim3A_2285 = vector.broadcast %jit3A_2284 : f32 to vector<160x128xf32>
    %select_n3A_2286 = arith.select %eq3A_2263, %add3A_1240, %broadcast_in_dim3A_2285 : vector<160x128xi1>, vector<160x128xf32>
    %reduce_sum3A_2287 = arith.constant dense<0.000000e+00> : vector<128xf32>
    %reduce_sum3A_2288 = vector.multi_reduction <add>, %select_n3A_2286, %reduce_sum3A_2287 [0] : vector<160x128xf32> to vector<128xf32>
    %jit3A_2289 = arith.constant 0.000000e+00 : f32
    %broadcast_in_dim3A_2290 = vector.broadcast %jit3A_2289 : f32 to vector<160x128xf32>
    %select_n3A_2291 = arith.select %eq3A_2263, %mul3A_1243, %broadcast_in_dim3A_2290 : vector<160x128xi1>, vector<160x128xf32>
    %reduce_sum3A_2292 = arith.constant dense<0.000000e+00> : vector<128xf32>
    %reduce_sum3A_2293 = vector.multi_reduction <add>, %select_n3A_2291, %reduce_sum3A_2292 [0] : vector<160x128xf32> to vector<128xf32>
    %jit3A_2294 = arith.constant 0.000000e+00 : f32
    %broadcast_in_dim3A_2295 = vector.broadcast %jit3A_2294 : f32 to vector<160x128xf32>
    %select_n3A_2296 = arith.select %eq3A_2263, %min3A_167, %broadcast_in_dim3A_2295 : vector<160x128xi1>, vector<160x128xf32>
    %reduce_sum3A_2297 = arith.constant dense<0.000000e+00> : vector<128xf32>
    %reduce_sum3A_2298 = vector.multi_reduction <add>, %select_n3A_2296, %reduce_sum3A_2297 [0] : vector<160x128xf32> to vector<128xf32>
    %jit3A_2299 = arith.constant 0.000000e+00 : f32
    %broadcast_in_dim3A_2300 = vector.broadcast %jit3A_2299 : f32 to vector<160x128xf32>
    %select_n3A_2301 = arith.select %eq3A_2263, %min3A_177, %broadcast_in_dim3A_2300 : vector<160x128xi1>, vector<160x128xf32>
    %reduce_sum3A_2302 = arith.constant dense<0.000000e+00> : vector<128xf32>
    %reduce_sum3A_2303 = vector.multi_reduction <add>, %select_n3A_2301, %reduce_sum3A_2302 [0] : vector<160x128xf32> to vector<128xf32>
    %jit3A_2304 = arith.constant 0.000000e+00 : f32
    %broadcast_in_dim3A_2305 = vector.broadcast %jit3A_2304 : f32 to vector<160x128xf32>
    %select_n3A_2306 = arith.select %eq3A_2263, %min3A_187, %broadcast_in_dim3A_2305 : vector<160x128xi1>, vector<160x128xf32>
    %reduce_sum3A_2307 = arith.constant dense<0.000000e+00> : vector<128xf32>
    %reduce_sum3A_2308 = vector.multi_reduction <add>, %select_n3A_2306, %reduce_sum3A_2307 [0] : vector<160x128xf32> to vector<128xf32>
    %jit3A_2309 = arith.constant 0.000000e+00 : f32
    %broadcast_in_dim3A_2310 = vector.broadcast %jit3A_2309 : f32 to vector<160x128xf32>
    %select_n3A_2311 = arith.select %eq3A_2263, %min3A_197, %broadcast_in_dim3A_2310 : vector<160x128xi1>, vector<160x128xf32>
    %reduce_sum3A_2312 = arith.constant dense<0.000000e+00> : vector<128xf32>
    %reduce_sum3A_2313 = vector.multi_reduction <add>, %select_n3A_2311, %reduce_sum3A_2312 [0] : vector<160x128xf32> to vector<128xf32>
    %jit3A_2314 = arith.constant 0.000000e+00 : f32
    %broadcast_in_dim3A_2315 = vector.broadcast %jit3A_2314 : f32 to vector<160x128xf32>
    %select_n3A_2316 = arith.select %eq3A_2263, %convert_element_type3A_1233, %broadcast_in_dim3A_2315 : vector<160x128xi1>, vector<160x128xf32>
    %reduce_sum3A_2317 = arith.constant dense<0.000000e+00> : vector<128xf32>
    %reduce_sum3A_2318 = vector.multi_reduction <add>, %select_n3A_2316, %reduce_sum3A_2317 [0] : vector<160x128xf32> to vector<128xf32>
    %jit3A_2319 = arith.constant -2.000000e+09 : f32
    %broadcast_in_dim3A_2320 = vector.broadcast %jit3A_2319 : f32 to vector<160x128xf32>
    %select_n3A_2321 = arith.select %eq3A_2263, %broadcast_in_dim3A_2320, %select_n3A_2250 : vector<160x128xi1>, vector<160x128xf32>
    %reduce_max3A_2322 = arith.constant dense<0xFF800000> : vector<128xf32>
    %reduce_max3A_2323 = vector.multi_reduction <maximumf>, %select_n3A_2321, %reduce_max3A_2322 [0] : vector<160x128xf32> to vector<128xf32>
    %broadcast_in_dim3A_2324 = vector.shape_cast %reduce_max3A_2323 : vector<128xf32> to vector<1x128xf32>
    %eq3A_2325 = vector.broadcast %broadcast_in_dim3A_2324 : vector<1x128xf32> to vector<160x128xf32>
    %eq3A_2326 = arith.cmpf oeq, %select_n3A_2321, %eq3A_2325 : vector<160x128xf32>
    %jit3A_2327 = arith.constant 1073741824 : i32
    %broadcast_in_dim3A_2328 = vector.broadcast %jit3A_2327 : i32 to vector<160x128xi32>
    %select_n3A_2329 = arith.select %eq3A_2326, %iota3A_1260, %broadcast_in_dim3A_2328 : vector<160x128xi1>, vector<160x128xi32>
    %reduce_min3A_2330 = arith.constant dense<2147483647> : vector<128xi32>
    %reduce_min3A_2331 = vector.multi_reduction <minsi>, %select_n3A_2329, %reduce_min3A_2330 [0] : vector<160x128xi32> to vector<128xi32>
    %broadcast_in_dim3A_2332 = vector.shape_cast %reduce_min3A_2331 : vector<128xi32> to vector<1x128xi32>
    %eq3A_2333 = vector.broadcast %broadcast_in_dim3A_2332 : vector<1x128xi32> to vector<160x128xi32>
    %eq3A_2334 = arith.cmpi eq, %iota3A_1260, %eq3A_2333 : vector<160x128xi32>
    %jit3A_2335 = arith.constant 0 : i32
    %broadcast_in_dim3A_2336 = vector.broadcast %jit3A_2335 : i32 to vector<160x128xi32>
    %select_n3A_2337 = arith.select %eq3A_2334, %add3A_1248, %broadcast_in_dim3A_2336 : vector<160x128xi1>, vector<160x128xi32>
    %reduce_sum3A_2338 = arith.constant dense<0> : vector<128xi32>
    %reduce_sum3A_2339 = vector.multi_reduction <add>, %select_n3A_2337, %reduce_sum3A_2338 [0] : vector<160x128xi32> to vector<128xi32>
    %jit3A_2340 = arith.constant 0.000000e+00 : f32
    %broadcast_in_dim3A_2341 = vector.broadcast %jit3A_2340 : f32 to vector<160x128xf32>
    %select_n3A_2342 = arith.select %eq3A_2334, %add3A_1237, %broadcast_in_dim3A_2341 : vector<160x128xi1>, vector<160x128xf32>
    %reduce_sum3A_2343 = arith.constant dense<0.000000e+00> : vector<128xf32>
    %reduce_sum3A_2344 = vector.multi_reduction <add>, %select_n3A_2342, %reduce_sum3A_2343 [0] : vector<160x128xf32> to vector<128xf32>
    %jit3A_2345 = arith.constant 0.000000e+00 : f32
    %broadcast_in_dim3A_2346 = vector.broadcast %jit3A_2345 : f32 to vector<160x128xf32>
    %select_n3A_2347 = arith.select %eq3A_2334, %add3A_1238, %broadcast_in_dim3A_2346 : vector<160x128xi1>, vector<160x128xf32>
    %reduce_sum3A_2348 = arith.constant dense<0.000000e+00> : vector<128xf32>
    %reduce_sum3A_2349 = vector.multi_reduction <add>, %select_n3A_2347, %reduce_sum3A_2348 [0] : vector<160x128xf32> to vector<128xf32>
    %jit3A_2350 = arith.constant 0.000000e+00 : f32
    %broadcast_in_dim3A_2351 = vector.broadcast %jit3A_2350 : f32 to vector<160x128xf32>
    %select_n3A_2352 = arith.select %eq3A_2334, %add3A_1239, %broadcast_in_dim3A_2351 : vector<160x128xi1>, vector<160x128xf32>
    %reduce_sum3A_2353 = arith.constant dense<0.000000e+00> : vector<128xf32>
    %reduce_sum3A_2354 = vector.multi_reduction <add>, %select_n3A_2352, %reduce_sum3A_2353 [0] : vector<160x128xf32> to vector<128xf32>
    %jit3A_2355 = arith.constant 0.000000e+00 : f32
    %broadcast_in_dim3A_2356 = vector.broadcast %jit3A_2355 : f32 to vector<160x128xf32>
    %select_n3A_2357 = arith.select %eq3A_2334, %add3A_1240, %broadcast_in_dim3A_2356 : vector<160x128xi1>, vector<160x128xf32>
    %reduce_sum3A_2358 = arith.constant dense<0.000000e+00> : vector<128xf32>
    %reduce_sum3A_2359 = vector.multi_reduction <add>, %select_n3A_2357, %reduce_sum3A_2358 [0] : vector<160x128xf32> to vector<128xf32>
    %jit3A_2360 = arith.constant 0.000000e+00 : f32
    %broadcast_in_dim3A_2361 = vector.broadcast %jit3A_2360 : f32 to vector<160x128xf32>
    %select_n3A_2362 = arith.select %eq3A_2334, %mul3A_1243, %broadcast_in_dim3A_2361 : vector<160x128xi1>, vector<160x128xf32>
    %reduce_sum3A_2363 = arith.constant dense<0.000000e+00> : vector<128xf32>
    %reduce_sum3A_2364 = vector.multi_reduction <add>, %select_n3A_2362, %reduce_sum3A_2363 [0] : vector<160x128xf32> to vector<128xf32>
    %jit3A_2365 = arith.constant 0.000000e+00 : f32
    %broadcast_in_dim3A_2366 = vector.broadcast %jit3A_2365 : f32 to vector<160x128xf32>
    %select_n3A_2367 = arith.select %eq3A_2334, %min3A_167, %broadcast_in_dim3A_2366 : vector<160x128xi1>, vector<160x128xf32>
    %reduce_sum3A_2368 = arith.constant dense<0.000000e+00> : vector<128xf32>
    %reduce_sum3A_2369 = vector.multi_reduction <add>, %select_n3A_2367, %reduce_sum3A_2368 [0] : vector<160x128xf32> to vector<128xf32>
    %jit3A_2370 = arith.constant 0.000000e+00 : f32
    %broadcast_in_dim3A_2371 = vector.broadcast %jit3A_2370 : f32 to vector<160x128xf32>
    %select_n3A_2372 = arith.select %eq3A_2334, %min3A_177, %broadcast_in_dim3A_2371 : vector<160x128xi1>, vector<160x128xf32>
    %reduce_sum3A_2373 = arith.constant dense<0.000000e+00> : vector<128xf32>
    %reduce_sum3A_2374 = vector.multi_reduction <add>, %select_n3A_2372, %reduce_sum3A_2373 [0] : vector<160x128xf32> to vector<128xf32>
    %jit3A_2375 = arith.constant 0.000000e+00 : f32
    %broadcast_in_dim3A_2376 = vector.broadcast %jit3A_2375 : f32 to vector<160x128xf32>
    %select_n3A_2377 = arith.select %eq3A_2334, %min3A_187, %broadcast_in_dim3A_2376 : vector<160x128xi1>, vector<160x128xf32>
    %reduce_sum3A_2378 = arith.constant dense<0.000000e+00> : vector<128xf32>
    %reduce_sum3A_2379 = vector.multi_reduction <add>, %select_n3A_2377, %reduce_sum3A_2378 [0] : vector<160x128xf32> to vector<128xf32>
    %jit3A_2380 = arith.constant 0.000000e+00 : f32
    %broadcast_in_dim3A_2381 = vector.broadcast %jit3A_2380 : f32 to vector<160x128xf32>
    %select_n3A_2382 = arith.select %eq3A_2334, %min3A_197, %broadcast_in_dim3A_2381 : vector<160x128xi1>, vector<160x128xf32>
    %reduce_sum3A_2383 = arith.constant dense<0.000000e+00> : vector<128xf32>
    %reduce_sum3A_2384 = vector.multi_reduction <add>, %select_n3A_2382, %reduce_sum3A_2383 [0] : vector<160x128xf32> to vector<128xf32>
    %jit3A_2385 = arith.constant 0.000000e+00 : f32
    %broadcast_in_dim3A_2386 = vector.broadcast %jit3A_2385 : f32 to vector<160x128xf32>
    %select_n3A_2387 = arith.select %eq3A_2334, %convert_element_type3A_1233, %broadcast_in_dim3A_2386 : vector<160x128xi1>, vector<160x128xf32>
    %reduce_sum3A_2388 = arith.constant dense<0.000000e+00> : vector<128xf32>
    %reduce_sum3A_2389 = vector.multi_reduction <add>, %select_n3A_2387, %reduce_sum3A_2388 [0] : vector<160x128xf32> to vector<128xf32>
    %stack3A = vector.shape_cast %reduce_max3A_1261 : vector<128xf32> to vector<1x128xf32>
    %stack3A_2390 = vector.shape_cast %reduce_max3A_1329 : vector<128xf32> to vector<1x128xf32>
    %stack3A_2391 = vector.shape_cast %reduce_max3A_1400 : vector<128xf32> to vector<1x128xf32>
    %stack3A_2392 = vector.shape_cast %reduce_max3A_1471 : vector<128xf32> to vector<1x128xf32>
    %stack3A_2393 = vector.shape_cast %reduce_max3A_1542 : vector<128xf32> to vector<1x128xf32>
    %stack3A_2394 = vector.shape_cast %reduce_max3A_1613 : vector<128xf32> to vector<1x128xf32>
    %stack3A_2395 = vector.shape_cast %reduce_max3A_1684 : vector<128xf32> to vector<1x128xf32>
    %stack3A_2396 = vector.shape_cast %reduce_max3A_1755 : vector<128xf32> to vector<1x128xf32>
    %stack3A_2397 = vector.shape_cast %reduce_max3A_1826 : vector<128xf32> to vector<1x128xf32>
    %stack3A_2398 = vector.shape_cast %reduce_max3A_1897 : vector<128xf32> to vector<1x128xf32>
    %stack3A_2399 = vector.shape_cast %reduce_max3A_1968 : vector<128xf32> to vector<1x128xf32>
    %stack3A_2400 = vector.shape_cast %reduce_max3A_2039 : vector<128xf32> to vector<1x128xf32>
    %stack3A_2401 = vector.shape_cast %reduce_max3A_2110 : vector<128xf32> to vector<1x128xf32>
    %stack3A_2402 = vector.shape_cast %reduce_max3A_2181 : vector<128xf32> to vector<1x128xf32>
    %stack3A_2403 = vector.shape_cast %reduce_max3A_2252 : vector<128xf32> to vector<1x128xf32>
    %stack3A_2404 = vector.shape_cast %reduce_max3A_2323 : vector<128xf32> to vector<1x128xf32>
    %stack3A_2405 = tpu.concatenate %stack3A, %stack3A_2390, %stack3A_2391, %stack3A_2392, %stack3A_2393, %stack3A_2394, %stack3A_2395, %stack3A_2396, %stack3A_2397, %stack3A_2398, %stack3A_2399, %stack3A_2400, %stack3A_2401, %stack3A_2402, %stack3A_2403, %stack3A_2404 in 0 : vector<1x128xf32>, vector<1x128xf32>, vector<1x128xf32>, vector<1x128xf32>, vector<1x128xf32>, vector<1x128xf32>, vector<1x128xf32>, vector<1x128xf32>, vector<1x128xf32>, vector<1x128xf32>, vector<1x128xf32>, vector<1x128xf32>, vector<1x128xf32>, vector<1x128xf32>, vector<1x128xf32>, vector<1x128xf32> -> vector<16x128xf32>
    %stack3A_2406 = vector.shape_cast %reduce_sum3A_1274 : vector<128xi32> to vector<1x128xi32>
    %stack3A_2407 = vector.shape_cast %reduce_sum3A_1345 : vector<128xi32> to vector<1x128xi32>
    %stack3A_2408 = vector.shape_cast %reduce_sum3A_1416 : vector<128xi32> to vector<1x128xi32>
    %stack3A_2409 = vector.shape_cast %reduce_sum3A_1487 : vector<128xi32> to vector<1x128xi32>
    %stack3A_2410 = vector.shape_cast %reduce_sum3A_1558 : vector<128xi32> to vector<1x128xi32>
    %stack3A_2411 = vector.shape_cast %reduce_sum3A_1629 : vector<128xi32> to vector<1x128xi32>
    %stack3A_2412 = vector.shape_cast %reduce_sum3A_1700 : vector<128xi32> to vector<1x128xi32>
    %stack3A_2413 = vector.shape_cast %reduce_sum3A_1771 : vector<128xi32> to vector<1x128xi32>
    %stack3A_2414 = vector.shape_cast %reduce_sum3A_1842 : vector<128xi32> to vector<1x128xi32>
    %stack3A_2415 = vector.shape_cast %reduce_sum3A_1913 : vector<128xi32> to vector<1x128xi32>
    %stack3A_2416 = vector.shape_cast %reduce_sum3A_1984 : vector<128xi32> to vector<1x128xi32>
    %stack3A_2417 = vector.shape_cast %reduce_sum3A_2055 : vector<128xi32> to vector<1x128xi32>
    %stack3A_2418 = vector.shape_cast %reduce_sum3A_2126 : vector<128xi32> to vector<1x128xi32>
    %stack3A_2419 = vector.shape_cast %reduce_sum3A_2197 : vector<128xi32> to vector<1x128xi32>
    %stack3A_2420 = vector.shape_cast %reduce_sum3A_2268 : vector<128xi32> to vector<1x128xi32>
    %stack3A_2421 = vector.shape_cast %reduce_sum3A_2339 : vector<128xi32> to vector<1x128xi32>
    %stack3A_2422 = tpu.concatenate %stack3A_2406, %stack3A_2407, %stack3A_2408, %stack3A_2409, %stack3A_2410, %stack3A_2411, %stack3A_2412, %stack3A_2413, %stack3A_2414, %stack3A_2415, %stack3A_2416, %stack3A_2417, %stack3A_2418, %stack3A_2419, %stack3A_2420, %stack3A_2421 in 0 : vector<1x128xi32>, vector<1x128xi32>, vector<1x128xi32>, vector<1x128xi32>, vector<1x128xi32>, vector<1x128xi32>, vector<1x128xi32>, vector<1x128xi32>, vector<1x128xi32>, vector<1x128xi32>, vector<1x128xi32>, vector<1x128xi32>, vector<1x128xi32>, vector<1x128xi32>, vector<1x128xi32>, vector<1x128xi32> -> vector<16x128xi32>
    %stack3A_2423 = vector.shape_cast %reduce_sum3A_1279 : vector<128xf32> to vector<1x128xf32>
    %stack3A_2424 = vector.shape_cast %reduce_sum3A_1350 : vector<128xf32> to vector<1x128xf32>
    %stack3A_2425 = vector.shape_cast %reduce_sum3A_1421 : vector<128xf32> to vector<1x128xf32>
    %stack3A_2426 = vector.shape_cast %reduce_sum3A_1492 : vector<128xf32> to vector<1x128xf32>
    %stack3A_2427 = vector.shape_cast %reduce_sum3A_1563 : vector<128xf32> to vector<1x128xf32>
    %stack3A_2428 = vector.shape_cast %reduce_sum3A_1634 : vector<128xf32> to vector<1x128xf32>
    %stack3A_2429 = vector.shape_cast %reduce_sum3A_1705 : vector<128xf32> to vector<1x128xf32>
    %stack3A_2430 = vector.shape_cast %reduce_sum3A_1776 : vector<128xf32> to vector<1x128xf32>
    %stack3A_2431 = vector.shape_cast %reduce_sum3A_1847 : vector<128xf32> to vector<1x128xf32>
    %stack3A_2432 = vector.shape_cast %reduce_sum3A_1918 : vector<128xf32> to vector<1x128xf32>
    %stack3A_2433 = vector.shape_cast %reduce_sum3A_1989 : vector<128xf32> to vector<1x128xf32>
    %stack3A_2434 = vector.shape_cast %reduce_sum3A_2060 : vector<128xf32> to vector<1x128xf32>
    %stack3A_2435 = vector.shape_cast %reduce_sum3A_2131 : vector<128xf32> to vector<1x128xf32>
    %stack3A_2436 = vector.shape_cast %reduce_sum3A_2202 : vector<128xf32> to vector<1x128xf32>
    %stack3A_2437 = vector.shape_cast %reduce_sum3A_2273 : vector<128xf32> to vector<1x128xf32>
    %stack3A_2438 = vector.shape_cast %reduce_sum3A_2344 : vector<128xf32> to vector<1x128xf32>
    %stack3A_2439 = tpu.concatenate %stack3A_2423, %stack3A_2424, %stack3A_2425, %stack3A_2426, %stack3A_2427, %stack3A_2428, %stack3A_2429, %stack3A_2430, %stack3A_2431, %stack3A_2432, %stack3A_2433, %stack3A_2434, %stack3A_2435, %stack3A_2436, %stack3A_2437, %stack3A_2438 in 0 : vector<1x128xf32>, vector<1x128xf32>, vector<1x128xf32>, vector<1x128xf32>, vector<1x128xf32>, vector<1x128xf32>, vector<1x128xf32>, vector<1x128xf32>, vector<1x128xf32>, vector<1x128xf32>, vector<1x128xf32>, vector<1x128xf32>, vector<1x128xf32>, vector<1x128xf32>, vector<1x128xf32>, vector<1x128xf32> -> vector<16x128xf32>
    %stack3A_2440 = vector.shape_cast %reduce_sum3A_1284 : vector<128xf32> to vector<1x128xf32>
    %stack3A_2441 = vector.shape_cast %reduce_sum3A_1355 : vector<128xf32> to vector<1x128xf32>
    %stack3A_2442 = vector.shape_cast %reduce_sum3A_1426 : vector<128xf32> to vector<1x128xf32>
    %stack3A_2443 = vector.shape_cast %reduce_sum3A_1497 : vector<128xf32> to vector<1x128xf32>
    %stack3A_2444 = vector.shape_cast %reduce_sum3A_1568 : vector<128xf32> to vector<1x128xf32>
    %stack3A_2445 = vector.shape_cast %reduce_sum3A_1639 : vector<128xf32> to vector<1x128xf32>
    %stack3A_2446 = vector.shape_cast %reduce_sum3A_1710 : vector<128xf32> to vector<1x128xf32>
    %stack3A_2447 = vector.shape_cast %reduce_sum3A_1781 : vector<128xf32> to vector<1x128xf32>
    %stack3A_2448 = vector.shape_cast %reduce_sum3A_1852 : vector<128xf32> to vector<1x128xf32>
    %stack3A_2449 = vector.shape_cast %reduce_sum3A_1923 : vector<128xf32> to vector<1x128xf32>
    %stack3A_2450 = vector.shape_cast %reduce_sum3A_1994 : vector<128xf32> to vector<1x128xf32>
    %stack3A_2451 = vector.shape_cast %reduce_sum3A_2065 : vector<128xf32> to vector<1x128xf32>
    %stack3A_2452 = vector.shape_cast %reduce_sum3A_2136 : vector<128xf32> to vector<1x128xf32>
    %stack3A_2453 = vector.shape_cast %reduce_sum3A_2207 : vector<128xf32> to vector<1x128xf32>
    %stack3A_2454 = vector.shape_cast %reduce_sum3A_2278 : vector<128xf32> to vector<1x128xf32>
    %stack3A_2455 = vector.shape_cast %reduce_sum3A_2349 : vector<128xf32> to vector<1x128xf32>
    %stack3A_2456 = tpu.concatenate %stack3A_2440, %stack3A_2441, %stack3A_2442, %stack3A_2443, %stack3A_2444, %stack3A_2445, %stack3A_2446, %stack3A_2447, %stack3A_2448, %stack3A_2449, %stack3A_2450, %stack3A_2451, %stack3A_2452, %stack3A_2453, %stack3A_2454, %stack3A_2455 in 0 : vector<1x128xf32>, vector<1x128xf32>, vector<1x128xf32>, vector<1x128xf32>, vector<1x128xf32>, vector<1x128xf32>, vector<1x128xf32>, vector<1x128xf32>, vector<1x128xf32>, vector<1x128xf32>, vector<1x128xf32>, vector<1x128xf32>, vector<1x128xf32>, vector<1x128xf32>, vector<1x128xf32>, vector<1x128xf32> -> vector<16x128xf32>
    %stack3A_2457 = vector.shape_cast %reduce_sum3A_1289 : vector<128xf32> to vector<1x128xf32>
    %stack3A_2458 = vector.shape_cast %reduce_sum3A_1360 : vector<128xf32> to vector<1x128xf32>
    %stack3A_2459 = vector.shape_cast %reduce_sum3A_1431 : vector<128xf32> to vector<1x128xf32>
    %stack3A_2460 = vector.shape_cast %reduce_sum3A_1502 : vector<128xf32> to vector<1x128xf32>
    %stack3A_2461 = vector.shape_cast %reduce_sum3A_1573 : vector<128xf32> to vector<1x128xf32>
    %stack3A_2462 = vector.shape_cast %reduce_sum3A_1644 : vector<128xf32> to vector<1x128xf32>
    %stack3A_2463 = vector.shape_cast %reduce_sum3A_1715 : vector<128xf32> to vector<1x128xf32>
    %stack3A_2464 = vector.shape_cast %reduce_sum3A_1786 : vector<128xf32> to vector<1x128xf32>
    %stack3A_2465 = vector.shape_cast %reduce_sum3A_1857 : vector<128xf32> to vector<1x128xf32>
    %stack3A_2466 = vector.shape_cast %reduce_sum3A_1928 : vector<128xf32> to vector<1x128xf32>
    %stack3A_2467 = vector.shape_cast %reduce_sum3A_1999 : vector<128xf32> to vector<1x128xf32>
    %stack3A_2468 = vector.shape_cast %reduce_sum3A_2070 : vector<128xf32> to vector<1x128xf32>
    %stack3A_2469 = vector.shape_cast %reduce_sum3A_2141 : vector<128xf32> to vector<1x128xf32>
    %stack3A_2470 = vector.shape_cast %reduce_sum3A_2212 : vector<128xf32> to vector<1x128xf32>
    %stack3A_2471 = vector.shape_cast %reduce_sum3A_2283 : vector<128xf32> to vector<1x128xf32>
    %stack3A_2472 = vector.shape_cast %reduce_sum3A_2354 : vector<128xf32> to vector<1x128xf32>
    %stack3A_2473 = tpu.concatenate %stack3A_2457, %stack3A_2458, %stack3A_2459, %stack3A_2460, %stack3A_2461, %stack3A_2462, %stack3A_2463, %stack3A_2464, %stack3A_2465, %stack3A_2466, %stack3A_2467, %stack3A_2468, %stack3A_2469, %stack3A_2470, %stack3A_2471, %stack3A_2472 in 0 : vector<1x128xf32>, vector<1x128xf32>, vector<1x128xf32>, vector<1x128xf32>, vector<1x128xf32>, vector<1x128xf32>, vector<1x128xf32>, vector<1x128xf32>, vector<1x128xf32>, vector<1x128xf32>, vector<1x128xf32>, vector<1x128xf32>, vector<1x128xf32>, vector<1x128xf32>, vector<1x128xf32>, vector<1x128xf32> -> vector<16x128xf32>
    %stack3A_2474 = vector.shape_cast %reduce_sum3A_1294 : vector<128xf32> to vector<1x128xf32>
    %stack3A_2475 = vector.shape_cast %reduce_sum3A_1365 : vector<128xf32> to vector<1x128xf32>
    %stack3A_2476 = vector.shape_cast %reduce_sum3A_1436 : vector<128xf32> to vector<1x128xf32>
    %stack3A_2477 = vector.shape_cast %reduce_sum3A_1507 : vector<128xf32> to vector<1x128xf32>
    %stack3A_2478 = vector.shape_cast %reduce_sum3A_1578 : vector<128xf32> to vector<1x128xf32>
    %stack3A_2479 = vector.shape_cast %reduce_sum3A_1649 : vector<128xf32> to vector<1x128xf32>
    %stack3A_2480 = vector.shape_cast %reduce_sum3A_1720 : vector<128xf32> to vector<1x128xf32>
    %stack3A_2481 = vector.shape_cast %reduce_sum3A_1791 : vector<128xf32> to vector<1x128xf32>
    %stack3A_2482 = vector.shape_cast %reduce_sum3A_1862 : vector<128xf32> to vector<1x128xf32>
    %stack3A_2483 = vector.shape_cast %reduce_sum3A_1933 : vector<128xf32> to vector<1x128xf32>
    %stack3A_2484 = vector.shape_cast %reduce_sum3A_2004 : vector<128xf32> to vector<1x128xf32>
    %stack3A_2485 = vector.shape_cast %reduce_sum3A_2075 : vector<128xf32> to vector<1x128xf32>
    %stack3A_2486 = vector.shape_cast %reduce_sum3A_2146 : vector<128xf32> to vector<1x128xf32>
    %stack3A_2487 = vector.shape_cast %reduce_sum3A_2217 : vector<128xf32> to vector<1x128xf32>
    %stack3A_2488 = vector.shape_cast %reduce_sum3A_2288 : vector<128xf32> to vector<1x128xf32>
    %stack3A_2489 = vector.shape_cast %reduce_sum3A_2359 : vector<128xf32> to vector<1x128xf32>
    %stack3A_2490 = tpu.concatenate %stack3A_2474, %stack3A_2475, %stack3A_2476, %stack3A_2477, %stack3A_2478, %stack3A_2479, %stack3A_2480, %stack3A_2481, %stack3A_2482, %stack3A_2483, %stack3A_2484, %stack3A_2485, %stack3A_2486, %stack3A_2487, %stack3A_2488, %stack3A_2489 in 0 : vector<1x128xf32>, vector<1x128xf32>, vector<1x128xf32>, vector<1x128xf32>, vector<1x128xf32>, vector<1x128xf32>, vector<1x128xf32>, vector<1x128xf32>, vector<1x128xf32>, vector<1x128xf32>, vector<1x128xf32>, vector<1x128xf32>, vector<1x128xf32>, vector<1x128xf32>, vector<1x128xf32>, vector<1x128xf32> -> vector<16x128xf32>
    %stack3A_2491 = vector.shape_cast %reduce_sum3A_1299 : vector<128xf32> to vector<1x128xf32>
    %stack3A_2492 = vector.shape_cast %reduce_sum3A_1370 : vector<128xf32> to vector<1x128xf32>
    %stack3A_2493 = vector.shape_cast %reduce_sum3A_1441 : vector<128xf32> to vector<1x128xf32>
    %stack3A_2494 = vector.shape_cast %reduce_sum3A_1512 : vector<128xf32> to vector<1x128xf32>
    %stack3A_2495 = vector.shape_cast %reduce_sum3A_1583 : vector<128xf32> to vector<1x128xf32>
    %stack3A_2496 = vector.shape_cast %reduce_sum3A_1654 : vector<128xf32> to vector<1x128xf32>
    %stack3A_2497 = vector.shape_cast %reduce_sum3A_1725 : vector<128xf32> to vector<1x128xf32>
    %stack3A_2498 = vector.shape_cast %reduce_sum3A_1796 : vector<128xf32> to vector<1x128xf32>
    %stack3A_2499 = vector.shape_cast %reduce_sum3A_1867 : vector<128xf32> to vector<1x128xf32>
    %stack3A_2500 = vector.shape_cast %reduce_sum3A_1938 : vector<128xf32> to vector<1x128xf32>
    %stack3A_2501 = vector.shape_cast %reduce_sum3A_2009 : vector<128xf32> to vector<1x128xf32>
    %stack3A_2502 = vector.shape_cast %reduce_sum3A_2080 : vector<128xf32> to vector<1x128xf32>
    %stack3A_2503 = vector.shape_cast %reduce_sum3A_2151 : vector<128xf32> to vector<1x128xf32>
    %stack3A_2504 = vector.shape_cast %reduce_sum3A_2222 : vector<128xf32> to vector<1x128xf32>
    %stack3A_2505 = vector.shape_cast %reduce_sum3A_2293 : vector<128xf32> to vector<1x128xf32>
    %stack3A_2506 = vector.shape_cast %reduce_sum3A_2364 : vector<128xf32> to vector<1x128xf32>
    %stack3A_2507 = tpu.concatenate %stack3A_2491, %stack3A_2492, %stack3A_2493, %stack3A_2494, %stack3A_2495, %stack3A_2496, %stack3A_2497, %stack3A_2498, %stack3A_2499, %stack3A_2500, %stack3A_2501, %stack3A_2502, %stack3A_2503, %stack3A_2504, %stack3A_2505, %stack3A_2506 in 0 : vector<1x128xf32>, vector<1x128xf32>, vector<1x128xf32>, vector<1x128xf32>, vector<1x128xf32>, vector<1x128xf32>, vector<1x128xf32>, vector<1x128xf32>, vector<1x128xf32>, vector<1x128xf32>, vector<1x128xf32>, vector<1x128xf32>, vector<1x128xf32>, vector<1x128xf32>, vector<1x128xf32>, vector<1x128xf32> -> vector<16x128xf32>
    %stack3A_2508 = vector.shape_cast %reduce_sum3A_1304 : vector<128xf32> to vector<1x128xf32>
    %stack3A_2509 = vector.shape_cast %reduce_sum3A_1375 : vector<128xf32> to vector<1x128xf32>
    %stack3A_2510 = vector.shape_cast %reduce_sum3A_1446 : vector<128xf32> to vector<1x128xf32>
    %stack3A_2511 = vector.shape_cast %reduce_sum3A_1517 : vector<128xf32> to vector<1x128xf32>
    %stack3A_2512 = vector.shape_cast %reduce_sum3A_1588 : vector<128xf32> to vector<1x128xf32>
    %stack3A_2513 = vector.shape_cast %reduce_sum3A_1659 : vector<128xf32> to vector<1x128xf32>
    %stack3A_2514 = vector.shape_cast %reduce_sum3A_1730 : vector<128xf32> to vector<1x128xf32>
    %stack3A_2515 = vector.shape_cast %reduce_sum3A_1801 : vector<128xf32> to vector<1x128xf32>
    %stack3A_2516 = vector.shape_cast %reduce_sum3A_1872 : vector<128xf32> to vector<1x128xf32>
    %stack3A_2517 = vector.shape_cast %reduce_sum3A_1943 : vector<128xf32> to vector<1x128xf32>
    %stack3A_2518 = vector.shape_cast %reduce_sum3A_2014 : vector<128xf32> to vector<1x128xf32>
    %stack3A_2519 = vector.shape_cast %reduce_sum3A_2085 : vector<128xf32> to vector<1x128xf32>
    %stack3A_2520 = vector.shape_cast %reduce_sum3A_2156 : vector<128xf32> to vector<1x128xf32>
    %stack3A_2521 = vector.shape_cast %reduce_sum3A_2227 : vector<128xf32> to vector<1x128xf32>
    %stack3A_2522 = vector.shape_cast %reduce_sum3A_2298 : vector<128xf32> to vector<1x128xf32>
    %stack3A_2523 = vector.shape_cast %reduce_sum3A_2369 : vector<128xf32> to vector<1x128xf32>
    %stack3A_2524 = tpu.concatenate %stack3A_2508, %stack3A_2509, %stack3A_2510, %stack3A_2511, %stack3A_2512, %stack3A_2513, %stack3A_2514, %stack3A_2515, %stack3A_2516, %stack3A_2517, %stack3A_2518, %stack3A_2519, %stack3A_2520, %stack3A_2521, %stack3A_2522, %stack3A_2523 in 0 : vector<1x128xf32>, vector<1x128xf32>, vector<1x128xf32>, vector<1x128xf32>, vector<1x128xf32>, vector<1x128xf32>, vector<1x128xf32>, vector<1x128xf32>, vector<1x128xf32>, vector<1x128xf32>, vector<1x128xf32>, vector<1x128xf32>, vector<1x128xf32>, vector<1x128xf32>, vector<1x128xf32>, vector<1x128xf32> -> vector<16x128xf32>
    %stack3A_2525 = vector.shape_cast %reduce_sum3A_1309 : vector<128xf32> to vector<1x128xf32>
    %stack3A_2526 = vector.shape_cast %reduce_sum3A_1380 : vector<128xf32> to vector<1x128xf32>
    %stack3A_2527 = vector.shape_cast %reduce_sum3A_1451 : vector<128xf32> to vector<1x128xf32>
    %stack3A_2528 = vector.shape_cast %reduce_sum3A_1522 : vector<128xf32> to vector<1x128xf32>
    %stack3A_2529 = vector.shape_cast %reduce_sum3A_1593 : vector<128xf32> to vector<1x128xf32>
    %stack3A_2530 = vector.shape_cast %reduce_sum3A_1664 : vector<128xf32> to vector<1x128xf32>
    %stack3A_2531 = vector.shape_cast %reduce_sum3A_1735 : vector<128xf32> to vector<1x128xf32>
    %stack3A_2532 = vector.shape_cast %reduce_sum3A_1806 : vector<128xf32> to vector<1x128xf32>
    %stack3A_2533 = vector.shape_cast %reduce_sum3A_1877 : vector<128xf32> to vector<1x128xf32>
    %stack3A_2534 = vector.shape_cast %reduce_sum3A_1948 : vector<128xf32> to vector<1x128xf32>
    %stack3A_2535 = vector.shape_cast %reduce_sum3A_2019 : vector<128xf32> to vector<1x128xf32>
    %stack3A_2536 = vector.shape_cast %reduce_sum3A_2090 : vector<128xf32> to vector<1x128xf32>
    %stack3A_2537 = vector.shape_cast %reduce_sum3A_2161 : vector<128xf32> to vector<1x128xf32>
    %stack3A_2538 = vector.shape_cast %reduce_sum3A_2232 : vector<128xf32> to vector<1x128xf32>
    %stack3A_2539 = vector.shape_cast %reduce_sum3A_2303 : vector<128xf32> to vector<1x128xf32>
    %stack3A_2540 = vector.shape_cast %reduce_sum3A_2374 : vector<128xf32> to vector<1x128xf32>
    %stack3A_2541 = tpu.concatenate %stack3A_2525, %stack3A_2526, %stack3A_2527, %stack3A_2528, %stack3A_2529, %stack3A_2530, %stack3A_2531, %stack3A_2532, %stack3A_2533, %stack3A_2534, %stack3A_2535, %stack3A_2536, %stack3A_2537, %stack3A_2538, %stack3A_2539, %stack3A_2540 in 0 : vector<1x128xf32>, vector<1x128xf32>, vector<1x128xf32>, vector<1x128xf32>, vector<1x128xf32>, vector<1x128xf32>, vector<1x128xf32>, vector<1x128xf32>, vector<1x128xf32>, vector<1x128xf32>, vector<1x128xf32>, vector<1x128xf32>, vector<1x128xf32>, vector<1x128xf32>, vector<1x128xf32>, vector<1x128xf32> -> vector<16x128xf32>
    %stack3A_2542 = vector.shape_cast %reduce_sum3A_1314 : vector<128xf32> to vector<1x128xf32>
    %stack3A_2543 = vector.shape_cast %reduce_sum3A_1385 : vector<128xf32> to vector<1x128xf32>
    %stack3A_2544 = vector.shape_cast %reduce_sum3A_1456 : vector<128xf32> to vector<1x128xf32>
    %stack3A_2545 = vector.shape_cast %reduce_sum3A_1527 : vector<128xf32> to vector<1x128xf32>
    %stack3A_2546 = vector.shape_cast %reduce_sum3A_1598 : vector<128xf32> to vector<1x128xf32>
    %stack3A_2547 = vector.shape_cast %reduce_sum3A_1669 : vector<128xf32> to vector<1x128xf32>
    %stack3A_2548 = vector.shape_cast %reduce_sum3A_1740 : vector<128xf32> to vector<1x128xf32>
    %stack3A_2549 = vector.shape_cast %reduce_sum3A_1811 : vector<128xf32> to vector<1x128xf32>
    %stack3A_2550 = vector.shape_cast %reduce_sum3A_1882 : vector<128xf32> to vector<1x128xf32>
    %stack3A_2551 = vector.shape_cast %reduce_sum3A_1953 : vector<128xf32> to vector<1x128xf32>
    %stack3A_2552 = vector.shape_cast %reduce_sum3A_2024 : vector<128xf32> to vector<1x128xf32>
    %stack3A_2553 = vector.shape_cast %reduce_sum3A_2095 : vector<128xf32> to vector<1x128xf32>
    %stack3A_2554 = vector.shape_cast %reduce_sum3A_2166 : vector<128xf32> to vector<1x128xf32>
    %stack3A_2555 = vector.shape_cast %reduce_sum3A_2237 : vector<128xf32> to vector<1x128xf32>
    %stack3A_2556 = vector.shape_cast %reduce_sum3A_2308 : vector<128xf32> to vector<1x128xf32>
    %stack3A_2557 = vector.shape_cast %reduce_sum3A_2379 : vector<128xf32> to vector<1x128xf32>
    %stack3A_2558 = tpu.concatenate %stack3A_2542, %stack3A_2543, %stack3A_2544, %stack3A_2545, %stack3A_2546, %stack3A_2547, %stack3A_2548, %stack3A_2549, %stack3A_2550, %stack3A_2551, %stack3A_2552, %stack3A_2553, %stack3A_2554, %stack3A_2555, %stack3A_2556, %stack3A_2557 in 0 : vector<1x128xf32>, vector<1x128xf32>, vector<1x128xf32>, vector<1x128xf32>, vector<1x128xf32>, vector<1x128xf32>, vector<1x128xf32>, vector<1x128xf32>, vector<1x128xf32>, vector<1x128xf32>, vector<1x128xf32>, vector<1x128xf32>, vector<1x128xf32>, vector<1x128xf32>, vector<1x128xf32>, vector<1x128xf32> -> vector<16x128xf32>
    %stack3A_2559 = vector.shape_cast %reduce_sum3A_1319 : vector<128xf32> to vector<1x128xf32>
    %stack3A_2560 = vector.shape_cast %reduce_sum3A_1390 : vector<128xf32> to vector<1x128xf32>
    %stack3A_2561 = vector.shape_cast %reduce_sum3A_1461 : vector<128xf32> to vector<1x128xf32>
    %stack3A_2562 = vector.shape_cast %reduce_sum3A_1532 : vector<128xf32> to vector<1x128xf32>
    %stack3A_2563 = vector.shape_cast %reduce_sum3A_1603 : vector<128xf32> to vector<1x128xf32>
    %stack3A_2564 = vector.shape_cast %reduce_sum3A_1674 : vector<128xf32> to vector<1x128xf32>
    %stack3A_2565 = vector.shape_cast %reduce_sum3A_1745 : vector<128xf32> to vector<1x128xf32>
    %stack3A_2566 = vector.shape_cast %reduce_sum3A_1816 : vector<128xf32> to vector<1x128xf32>
    %stack3A_2567 = vector.shape_cast %reduce_sum3A_1887 : vector<128xf32> to vector<1x128xf32>
    %stack3A_2568 = vector.shape_cast %reduce_sum3A_1958 : vector<128xf32> to vector<1x128xf32>
    %stack3A_2569 = vector.shape_cast %reduce_sum3A_2029 : vector<128xf32> to vector<1x128xf32>
    %stack3A_2570 = vector.shape_cast %reduce_sum3A_2100 : vector<128xf32> to vector<1x128xf32>
    %stack3A_2571 = vector.shape_cast %reduce_sum3A_2171 : vector<128xf32> to vector<1x128xf32>
    %stack3A_2572 = vector.shape_cast %reduce_sum3A_2242 : vector<128xf32> to vector<1x128xf32>
    %stack3A_2573 = vector.shape_cast %reduce_sum3A_2313 : vector<128xf32> to vector<1x128xf32>
    %stack3A_2574 = vector.shape_cast %reduce_sum3A_2384 : vector<128xf32> to vector<1x128xf32>
    %stack3A_2575 = tpu.concatenate %stack3A_2559, %stack3A_2560, %stack3A_2561, %stack3A_2562, %stack3A_2563, %stack3A_2564, %stack3A_2565, %stack3A_2566, %stack3A_2567, %stack3A_2568, %stack3A_2569, %stack3A_2570, %stack3A_2571, %stack3A_2572, %stack3A_2573, %stack3A_2574 in 0 : vector<1x128xf32>, vector<1x128xf32>, vector<1x128xf32>, vector<1x128xf32>, vector<1x128xf32>, vector<1x128xf32>, vector<1x128xf32>, vector<1x128xf32>, vector<1x128xf32>, vector<1x128xf32>, vector<1x128xf32>, vector<1x128xf32>, vector<1x128xf32>, vector<1x128xf32>, vector<1x128xf32>, vector<1x128xf32> -> vector<16x128xf32>
    %stack3A_2576 = vector.shape_cast %reduce_sum3A_1324 : vector<128xf32> to vector<1x128xf32>
    %stack3A_2577 = vector.shape_cast %reduce_sum3A_1395 : vector<128xf32> to vector<1x128xf32>
    %stack3A_2578 = vector.shape_cast %reduce_sum3A_1466 : vector<128xf32> to vector<1x128xf32>
    %stack3A_2579 = vector.shape_cast %reduce_sum3A_1537 : vector<128xf32> to vector<1x128xf32>
    %stack3A_2580 = vector.shape_cast %reduce_sum3A_1608 : vector<128xf32> to vector<1x128xf32>
    %stack3A_2581 = vector.shape_cast %reduce_sum3A_1679 : vector<128xf32> to vector<1x128xf32>
    %stack3A_2582 = vector.shape_cast %reduce_sum3A_1750 : vector<128xf32> to vector<1x128xf32>
    %stack3A_2583 = vector.shape_cast %reduce_sum3A_1821 : vector<128xf32> to vector<1x128xf32>
    %stack3A_2584 = vector.shape_cast %reduce_sum3A_1892 : vector<128xf32> to vector<1x128xf32>
    %stack3A_2585 = vector.shape_cast %reduce_sum3A_1963 : vector<128xf32> to vector<1x128xf32>
    %stack3A_2586 = vector.shape_cast %reduce_sum3A_2034 : vector<128xf32> to vector<1x128xf32>
    %stack3A_2587 = vector.shape_cast %reduce_sum3A_2105 : vector<128xf32> to vector<1x128xf32>
    %stack3A_2588 = vector.shape_cast %reduce_sum3A_2176 : vector<128xf32> to vector<1x128xf32>
    %stack3A_2589 = vector.shape_cast %reduce_sum3A_2247 : vector<128xf32> to vector<1x128xf32>
    %stack3A_2590 = vector.shape_cast %reduce_sum3A_2318 : vector<128xf32> to vector<1x128xf32>
    %stack3A_2591 = vector.shape_cast %reduce_sum3A_2389 : vector<128xf32> to vector<1x128xf32>
    %stack3A_2592 = tpu.concatenate %stack3A_2576, %stack3A_2577, %stack3A_2578, %stack3A_2579, %stack3A_2580, %stack3A_2581, %stack3A_2582, %stack3A_2583, %stack3A_2584, %stack3A_2585, %stack3A_2586, %stack3A_2587, %stack3A_2588, %stack3A_2589, %stack3A_2590, %stack3A_2591 in 0 : vector<1x128xf32>, vector<1x128xf32>, vector<1x128xf32>, vector<1x128xf32>, vector<1x128xf32>, vector<1x128xf32>, vector<1x128xf32>, vector<1x128xf32>, vector<1x128xf32>, vector<1x128xf32>, vector<1x128xf32>, vector<1x128xf32>, vector<1x128xf32>, vector<1x128xf32>, vector<1x128xf32>, vector<1x128xf32> -> vector<16x128xf32>
    %iota3A_2593 = tpu.iota {dimensions = array<i32: 0>} : vector<16x128xi32>
    %mul3A_2594 = arith.constant 16 : i32
    %mul3A_2595 = vector.broadcast %mul3A_2594 : i32 to vector<16x128xi32>
    %mul3A_2596 = arith.muli %stack3A_2422, %mul3A_2595 : vector<16x128xi32>
    %add3A_2597 = arith.addi %mul3A_2596, %iota3A_2593 : vector<16x128xi32>
    %convert_element_type3A_2598 = arith.sitofp %add3A_2597 : vector<16x128xi32> to vector<16x128xf32>
    %swap3A = arith.constant 0 : index
    %swap3A_2599 = arith.constant 0 : index
    %swap3A_2600 = arith.constant 0 : index
    %swap3A_2601 = vector.load %arg3[%swap3A, %swap3A_2599, %swap3A_2600] : memref<2x16x128xf32, #tpu.memory_space<vmem>>, vector<1x16x128xf32>
    %swap3A_2602 = vector.shape_cast %swap3A_2601 : vector<1x16x128xf32> to vector<16x128xf32>
    %swap3A_2603 = vector.shape_cast %stack3A_2405 : vector<16x128xf32> to vector<1x16x128xf32>
    tpu.vector_store %arg3[%swap3A, %swap3A_2599, %swap3A_2600], %swap3A_2603 {strides = array<i32>} : memref<2x16x128xf32, #tpu.memory_space<vmem>>, vector<1x16x128xf32>,
    %swap3A_2604 = arith.constant 1 : index
    %swap3A_2605 = arith.constant 0 : index
    %swap3A_2606 = arith.constant 0 : index
    %swap3A_2607 = vector.load %arg3[%swap3A_2604, %swap3A_2605, %swap3A_2606] : memref<2x16x128xf32, #tpu.memory_space<vmem>>, vector<1x16x128xf32>
    %swap3A_2608 = vector.shape_cast %swap3A_2607 : vector<1x16x128xf32> to vector<16x128xf32>
    %swap3A_2609 = vector.shape_cast %convert_element_type3A_2598 : vector<16x128xf32> to vector<1x16x128xf32>
    tpu.vector_store %arg3[%swap3A_2604, %swap3A_2605, %swap3A_2606], %swap3A_2609 {strides = array<i32>} : memref<2x16x128xf32, #tpu.memory_space<vmem>>, vector<1x16x128xf32>,
    %swap3A_2610 = arith.constant 0 : index
    %swap3A_2611 = arith.constant 0 : index
    %swap3A_2612 = vector.load %arg4[%swap3A_2610, %swap3A_2611] : memref<160x128xf32, #tpu.memory_space<vmem>>, vector<16x128xf32>
    tpu.vector_store %arg4[%swap3A_2610, %swap3A_2611], %stack3A_2439 {strides = array<i32>} : memref<160x128xf32, #tpu.memory_space<vmem>>, vector<16x128xf32>,
    %swap3A_2613 = arith.constant 16 : index
    %swap3A_2614 = arith.constant 0 : index
    %swap3A_2615 = vector.load %arg4[%swap3A_2613, %swap3A_2614] : memref<160x128xf32, #tpu.memory_space<vmem>>, vector<16x128xf32>
    tpu.vector_store %arg4[%swap3A_2613, %swap3A_2614], %stack3A_2456 {strides = array<i32>} : memref<160x128xf32, #tpu.memory_space<vmem>>, vector<16x128xf32>,
    %swap3A_2616 = arith.constant 32 : index
    %swap3A_2617 = arith.constant 0 : index
    %swap3A_2618 = vector.load %arg4[%swap3A_2616, %swap3A_2617] : memref<160x128xf32, #tpu.memory_space<vmem>>, vector<16x128xf32>
    tpu.vector_store %arg4[%swap3A_2616, %swap3A_2617], %stack3A_2473 {strides = array<i32>} : memref<160x128xf32, #tpu.memory_space<vmem>>, vector<16x128xf32>,
    %swap3A_2619 = arith.constant 48 : index
    %swap3A_2620 = arith.constant 0 : index
    %swap3A_2621 = vector.load %arg4[%swap3A_2619, %swap3A_2620] : memref<160x128xf32, #tpu.memory_space<vmem>>, vector<16x128xf32>
    tpu.vector_store %arg4[%swap3A_2619, %swap3A_2620], %stack3A_2490 {strides = array<i32>} : memref<160x128xf32, #tpu.memory_space<vmem>>, vector<16x128xf32>,
    %swap3A_2622 = arith.constant 64 : index
    %swap3A_2623 = arith.constant 0 : index
    %swap3A_2624 = vector.load %arg4[%swap3A_2622, %swap3A_2623] : memref<160x128xf32, #tpu.memory_space<vmem>>, vector<16x128xf32>
    tpu.vector_store %arg4[%swap3A_2622, %swap3A_2623], %stack3A_2507 {strides = array<i32>} : memref<160x128xf32, #tpu.memory_space<vmem>>, vector<16x128xf32>,
    %swap3A_2625 = arith.constant 80 : index
    %swap3A_2626 = arith.constant 0 : index
    %swap3A_2627 = vector.load %arg4[%swap3A_2625, %swap3A_2626] : memref<160x128xf32, #tpu.memory_space<vmem>>, vector<16x128xf32>
    tpu.vector_store %arg4[%swap3A_2625, %swap3A_2626], %stack3A_2524 {strides = array<i32>} : memref<160x128xf32, #tpu.memory_space<vmem>>, vector<16x128xf32>,
    %swap3A_2628 = arith.constant 96 : index
    %swap3A_2629 = arith.constant 0 : index
    %swap3A_2630 = vector.load %arg4[%swap3A_2628, %swap3A_2629] : memref<160x128xf32, #tpu.memory_space<vmem>>, vector<16x128xf32>
    tpu.vector_store %arg4[%swap3A_2628, %swap3A_2629], %stack3A_2541 {strides = array<i32>} : memref<160x128xf32, #tpu.memory_space<vmem>>, vector<16x128xf32>,
    %swap3A_2631 = arith.constant 112 : index
    %swap3A_2632 = arith.constant 0 : index
    %swap3A_2633 = vector.load %arg4[%swap3A_2631, %swap3A_2632] : memref<160x128xf32, #tpu.memory_space<vmem>>, vector<16x128xf32>
    tpu.vector_store %arg4[%swap3A_2631, %swap3A_2632], %stack3A_2558 {strides = array<i32>} : memref<160x128xf32, #tpu.memory_space<vmem>>, vector<16x128xf32>,
    %swap3A_2634 = arith.constant 128 : index
    %swap3A_2635 = arith.constant 0 : index
    %swap3A_2636 = vector.load %arg4[%swap3A_2634, %swap3A_2635] : memref<160x128xf32, #tpu.memory_space<vmem>>, vector<16x128xf32>
    tpu.vector_store %arg4[%swap3A_2634, %swap3A_2635], %stack3A_2575 {strides = array<i32>} : memref<160x128xf32, #tpu.memory_space<vmem>>, vector<16x128xf32>,
    %swap3A_2637 = arith.constant 144 : index
    %swap3A_2638 = arith.constant 0 : index
    %swap3A_2639 = vector.load %arg4[%swap3A_2637, %swap3A_2638] : memref<160x128xf32, #tpu.memory_space<vmem>>, vector<16x128xf32>
    tpu.vector_store %arg4[%swap3A_2637, %swap3A_2638], %stack3A_2592 {strides = array<i32>} : memref<160x128xf32, #tpu.memory_space<vmem>>, vector<16x128xf32>,
    return
  }
}

</mosaic_0001>

<sc_bundles>
// kernel: kernel.4.cloned.1.call-start
scs
__scs_entry_jumppad:
0x0: {  	(pc) =	sbr.rel $0x88, $3  }
0x1: {  	(tag) =	ssettag $0x0;
	lr =	simm.s32 $0x1  }
0x2: {  	[smem:$0x3F9F] =	sst lr;
	_ =	strace $0xD0000000  }
0x3: {  	_ = 	snop  }
0x4: {  	_ = 	snop  }
0x5: {  	_ = 	snop  }
0x6: {  	_ = 	snop  }
0x7: {  	_ = 	snop  }
__scs_overlays_trampoline_lowered:
0x8: {  	[smem:$0x3FAE] =	sst s0  }
0x9: {  	[smem:$0x3FAF] =	sst s1  }
0xa: {  	[smem:$0x3FB0] =	sst s2  }
0xb: {  	[smem:$0x3FB1] =	sst s3  }
0xc: {  	[smem:$0x3FB2] =	sst s4  }
0xd: {  	[smem:$0x3FB3] =	sst s5  }
0xe: {  	[smem:$0x3FB4] =	sst s6  }
0xf: {  	[smem:$0x3FB5] =	sst s7  }
0x10: {  	[smem:$0x3FB6] =	sst s8  }
0x11: {  	[smem:$0x3FB7] =	sst s9;
	s0 =	simm.s32 @!p0 $0x0  }
0x12: {  	s1 =	sld [smem:$0x3F9D];
	s0 =	simm.s32 @p0 $0x1  }
0x13: {  	[smem:$0x3FB8] =	sst s0;
	s0 =	simm.s32 @!p1 $0x0  }
0x14: {  	s2 =	sld [smem:$0x3F9C];
	s0 =	simm.s32 @p1 $0x1  }
0x15: {  	[smem:$0x3FB9] =	sst s0;
	s0 =	simm.s32 @!p2 $0x0  }
0x16: {  	s3 =	sld [smem:$0x3FDB];
	s0 =	simm.s32 @p2 $0x1  }
0x17: {  	s4 =	simm.s32 $0x1BF5;
	[smem:$0x3FBB] =	sst s0  }
0x18: {  	s0 =	sld [smem:$0x3F9E];
	_ =	swait.ge [sflag:s4], $0x0  }
0x19: {  	s7 =	sld [smem:$0x3F9F]  }
0x1a: {  	s8 =	sadd.s32 $0xFFFFE003, lr  }
0x1b: {  	s9 =	sadd.s32 $0xFFFFFEF7, lr;
	s5 =	simm.s32 $0xFFFFFFFF;
	p2 =	slt.u32 s8, $0xFFFFF086  }
0x1c: {  	p1 =	slt.u32 s9, $0xF7A;
	s5 =	simm.s32 @!p2 $0x0  }
0x1d: {  	s5 =	simm.s32 @p1 $0x1;
	p0 =	seq.s32 s7, s2  }
0x1e: {  	s7 =	smul.u32 @!p0 $0xF7A, s2;
	p2 =	seq.s32 @!p0 s5, $0x0  }
0x1f: {  	s9 =	smul.u32 $0xF7A, s1;
	s8 =	simm.s32 @!p0 $0x1BF5;
	p2 =	por !p2, p0  }
0x20: {  	[sflag:s8] =	ssyncset.s32 @!p0 $0xFFFFF086;
	s6 =	sadd.s32 @!p0 s3, s7;
	s7 =	simm.s32 @!p0 $0x108  }
0x21: {  	s3 =	sadd.s32 s3, s9;
	s6 =	sadd.s32 @!p0 $0x88, s6;
	s7 =	simm.s32 @p2 $0x1082  }
0x22: {  	[simem:s7], [sflag:s8] =	dma.local @!p0 [hbm:s6], $0xF7A  }
0x23: {  	s9 =	sor.u32 $0xD0000000, s2;
	s6 =	simm.s32 $0x108;
	_ =	swait.ge @!p0 [sflag:s8], $0x0  }
0x24: {  	s3 =	sadd.s32 $0x88, s3;
	s6 =	simm.s32 @!p1 $0x1082;
	[sflag:s4] =	ssyncset.s32 $0xFFFFF086  }
0x25: {  	[simem:s6], [sflag:s4] =	dma.local [hbm:s3], $0xF7A  }
0x26: {  	[smem:$0x3F9F] =	sst s1;
	(tag) =	ssettag s2;
	_ =	strace s9  }
0x27: {  	s1 =	sld [smem:$0x3FAF]  }
0x28: {  	s2 =	sld [smem:$0x3FB0]  }
0x29: {  	s4 =	sld [smem:$0x3FB2]  }
0x2a: {  	p0 =	seq.s32 s5, $0x0;
	s5 =	sld [smem:$0x3FB3]  }
0x2b: {  	s6 =	sld [smem:$0x3FB4]  }
0x2c: {  	s7 =	sld [smem:$0x3FB5]  }
0x2d: {  	s3 =	simm.s32 $0x108;
	s8 =	sld [smem:$0x3FB6]  }
0x2e: {  	s3 =	simm.s32 @!p0 $0x1082;
	s9 =	sld [smem:$0x3FB7]  }
0x2f: {  	lr =	sadd.s32 s0, s3;
	s0 =	sld [smem:$0x3FAE]  }
0x30: {  	s3 =	sld [smem:$0x3FB1]  }
0x31: {  	[smem:$0x3FBA] =	sst s10  }
0x32: {  	s10 =	sld [smem:$0x3FB8];
	_ =	sdelay $0x3  }
0x33: {  	p0 =	seq.s32 s10, $0x1;
	s10 =	sld [smem:$0x3FBA];
	_ =	sdelay $0x3  }
0x34: {  	[smem:$0x3FBA] =	sst s10  }
0x35: {  	s10 =	sld [smem:$0x3FB9];
	_ =	sdelay $0x3  }
0x36: {  	p1 =	seq.s32 s10, $0x1;
	s10 =	sld [smem:$0x3FBA];
	_ =	sdelay $0x3  }
0x37: {  	[smem:$0x3FBA] =	sst s10  }
0x38: {  	s10 =	sld [smem:$0x3FBB]  }
0x39: {  	_ = 	snop;
	(pc) =	sbr.ind lr, $3  }
0x3a: {  	_ = 	snop  }
0x3b: {  	_ = 	snop  }
0x3c: {  	p2 =	seq.s32 s10, $0x1;
	s10 =	sld [smem:$0x3FBA]  }
0x3d: {  	_ =	shalt  }
0x3e: {  	_ =	shalt  }
0x3f: {  	_ =	shalt  }
0x40: {  	_ =	shalt  }
0x41: {  	_ =	shalt  }
0x42: {  	_ =	shalt  }
0x43: {  	_ =	shalt  }
0x44: {  	_ =	shalt  }
0x45: {  	_ =	shalt  }
0x46: {  	_ =	shalt  }
0x47: {  	_ =	shalt  }
0x48: {  	_ =	shalt  }
0x49: {  	_ =	shalt  }
0x4a: {  	_ =	shalt  }
0x4b: {  	_ =	shalt  }
0x4c: {  	_ =	shalt  }
0x4d: {  	_ =	shalt  }
0x4e: {  	_ =	shalt  }
0x4f: {  	_ =	shalt  }
0x50: {  	_ =	shalt  }
0x51: {  	_ =	shalt  }
0x52: {  	_ =	shalt  }
0x53: {  	_ =	shalt  }
0x54: {  	_ =	shalt  }
0x55: {  	_ =	shalt  }
0x56: {  	_ =	shalt  }
0x57: {  	_ =	shalt  }
0x58: {  	_ =	shalt  }
0x59: {  	_ =	shalt  }
0x5a: {  	_ =	shalt  }
0x5b: {  	_ =	shalt  }
0x5c: {  	_ =	shalt  }
0x5d: {  	_ =	shalt  }
0x5e: {  	_ =	shalt  }
0x5f: {  	_ =	shalt  }
0x60: {  	_ =	shalt  }
0x61: {  	_ =	shalt  }
0x62: {  	_ =	shalt  }
0x63: {  	_ =	shalt  }
0x64: {  	_ =	shalt  }
0x65: {  	_ =	shalt  }
0x66: {  	_ =	shalt  }
0x67: {  	_ =	shalt  }
0x68: {  	_ =	shalt  }
0x69: {  	_ =	shalt  }
0x6a: {  	_ =	shalt  }
0x6b: {  	_ =	shalt  }
0x6c: {  	_ =	shalt  }
0x6d: {  	_ =	shalt  }
0x6e: {  	_ =	shalt  }
0x6f: {  	_ =	shalt  }
0x70: {  	_ =	shalt  }
0x71: {  	_ =	shalt  }
0x72: {  	_ =	shalt  }
0x73: {  	_ =	shalt  }
0x74: {  	_ =	shalt  }
0x75: {  	_ =	shalt  }
0x76: {  	_ =	shalt  }
0x77: {  	_ =	shalt  }
0x78: {  	_ =	shalt  }
0x79: {  	_ =	shalt  }
0x7a: {  	_ =	shalt  }
0x7b: {  	_ =	shalt  }
0x7c: {  	_ =	shalt  }
0x7d: {  	_ =	shalt  }
0x7e: {  	_ =	shalt  }
0x7f: {  	_ =	shalt  }
0x80: {  	_ =	shalt  }
0x81: {  	_ =	shalt  }
0x82: {  	_ =	shalt  }
0x83: {  	_ =	shalt  }
0x84: {  	_ =	shalt  }
0x85: {  	_ =	shalt  }
0x86: {  	_ =	shalt  }
0x87: {  	_ =	shalt  }
.Lfunc_end0:
.L_simem_size_0:
called_computation_lowered:
.L_overlay_start_0:
0x88: {  	s2 =	sld [smem:$0x3FD9]  }
0x89: {  	s3 =	sld [smem:$0x3FFE];
	_ =	sdelay $0x1  }
0x8a: {  	s1 =	srdreg.scid  }
0x8b: {  	s0 =	sand.u32 $0x1, s1  }
0x8c: {  	s16 =	sshll.u32 s0, $0xA;
	s2 =	sadd.s32 s3, s2  }
0x8d: {  	s2 =	sadd.s32 s2, s16  }
0x8e: {  	[smem:$0x3FC6] =	sst s2  }
0x8f: {  	_ = 	snop  }
0x90: {  	(tm) =	ssettm $0x1  }
0x91: {  	s17 =	sld [smem:$0x3FFB];
	_ =	sdelay $0x3  }
0x92: {  	_ =	strace s17  }
0x93: {  	s2 =	sld [smem:$0x3FFC];
	_ =	sdelay $0x3  }
0x94: {  	_ =	strace s2  }
0x95: {  	s2 =	sld [smem:$0x3FFD];
	_ =	sdelay $0x3  }
0x96: {  	_ =	strace s2  }
0x97: {  	_ =	strace $0x8FFFFFFF  }
0x98: {  	s18 =	sld [smem:$0x3FDB];
	_ =	sdelay $0x1  }
0x99: {  	s19 =	simm.s32 $_scs_section_size  }
0x9a: {  	s4 =	simm.s32 $_size__tile_overlayer_lowered;
	s5 =	simm.s32 $_tile_overlayer_lowered  }
0x9b: {  	s22 =	simm.s32 $0x1BFF;
	s21 =	sshll.u32 s5, $0x1;
	s2 =	sadd.s32 s19, s18  }
0x9c: {  	s6 =	simm.s32 $0x0;
	s20 =	sshll.u32 s4, $0x1;
	s4 =	sadd.s32 s21, s2  }
0x9d: {  	[timem:s6], [sflag:s22] =	dma.local [hbm:s4], s20  }
0x9e: {  	_ =	swait.ge [sflag:s22], s20  }
0x9f: {  	s3 =	ssub.s32 $0x0, s20;
	[sflag:s22] =	ssyncset.done $0x0  }
0xa0: {  	[sflag:s22] =	ssyncadd.s32 s3;
	_ =	sdelay $0x1  }
0xa1: {  	s23 =	simm.s32 $0x1B8B  }
0xa2: {  	_ =	swait.ge [sflag:s23], $0x1  }
0xa3: {  	[sflag:s23] =	ssyncset.done $0x0  }
0xa4: {  	s25 =	simm.s32 $0x1B8E;
	s24 =	sld [smem:$0x3FFE];
	[sflag:s23] =	ssyncadd.s32 $0xFFFFFFFF  }
0xa5: {  	s26 =	simm.s32 $execute0_lowered;
	[smem:$0x3FD2] =	sst s25  }
0xa6: {  	s4 =	sshll.u32 s26, $0x1;
	_ =	strace $0x80000046;
	[dreg:$0x1] =	wrdreg $0xFFFFFFFF  }
0xa7: {  	s28 =	simm.s32 $_size_execute0_lowered;
	s2 =	sadd.s32 s2, s4;
	[dreg:$0x0] =	wrdreg $0x0  }
0xa8: {  	s4 =	sshll.u32 s28, $0x1;
	[dreg:$0x2] =	wrdreg s2  }
0xa9: {  	[dreg:$0x3] =	wrdreg s4  }
0xaa: {  	[dreg:$0x4] =	wrdreg $0xC0  }
0xab: {  	_ =	task [dreg:s6], $0x5FFFF  }
0xac: {  	[dreg:$0x1] =	wrdreg $0xFFFFFFFF  }
0xad: {  	[dreg:$0x0] =	wrdreg $0x60  }
0xae: {  	[dreg:$0x2] =	wrdreg s24  }
0xaf: {  	[dreg:$0x3] =	wrdreg $0x59000  }
0xb0: {  	[dreg:$0x4] =	wrdreg $0x9  }
0xb1: {  	_ =	task.clear_ibuf [dreg:s6], $0x5FFFF;
	_ =	strace $0x90000046  }
0xb2: {  	s29 =	simm.s32 $0x9;
	_ =	strace $0x80000048  }
0xb3: {  	_ =	swait.ge [sflag:s29], $0x1  }
0xb4: {  	[sflag:s29] =	ssyncadd.s32 $0xFFFFFFFF  }
0xb5: {  	_ =	strace $0x90000048  }
0xb6: {  	_ =	sfence  }
0xb7: {  	s30 =	sld [smem:$0x0];
	_ =	sdelay $0x2  }
0xb8: {  	s31 =	sshll.u32 s1, $0xD;
	s1 =	sshrl.u32 s1, $0x2  }
0xb9: {  	s3 =	sand.u32 $0x4000, s31;
	s1 =	sadd.s32 s1, s30  }
0xba: {  	s0 =	sor.u32 s3, s0;
	s1 =	sshll.u32 s1, $0x11  }
0xbb: {  	s0 =	sor.u32 s1, s0  }
0xbc: {  	s0 =	sadd.s32 $0x8F2B, s0  }
0xbd: {  	[sflag:s0] =	ssyncadd.remote.s32 $0x1  }
0xbe: {  	_ =	sfence.sel $0xFFFF  }
0xbf: {  	[dreg:$0x0] =	wrdreg $0xFFFFFFFF;
	(pc) =	sbr.abs _section_cstart, $3  }
0xc0: {  	[dreg:$0x1] =	wrdreg $0xFFFFFFFF  }
0xc1: {  	_ =	task.clear_ibuf [dreg:s6], $0x2FFFF;
	_ =	strace $0x9FFFFFFF  }
0xc2: {  	(tm) =	ssettm $0x7FFFFFFF  }
0xc3: {  	_ =	shalt  }
tec
execute0_lowered:
.L_overlay_start_1:
0x0: {  	(tag) =	ssettag $0x1  }
0x1: {  	v1 =	vlaneseq.u32;
	v9 =	vimm.s32 $0x76543210  }
0x2: {  	v10 =	vimm.s32 $0xFEDCBA98;
	v11 =	vimm.s32 $0xBA98FEDC;
	v12 =	vimm.s32 $0x32107654  }
0x3: {  	v13 =	vimm.s32 $0xDCFE98BA;
	v14 =	vimm.s32 $0x54761032;
	v15 =	vimm.s32 $0xEFCDAB89  }
0x4: {  	v16 =	vimm.s32 $0x67452301;
	vm0 =	vcmask $0x3F0C;
	vm1 =	vcmask $0x3F08  }
0x5: {  	vm2 =	vmmov $0x1;
	vm3 =	vcmask $0x2B28;
	vm4 =	vcmask $0x328  }
0x6: {  	vm5 =	vcmask $0x728;
	vm6 =	vcmask $0xB28;
	vm7 =	vcmask $0xF28  }
0x7: {  	vm8 =	vcmask $0x1328;
	vm9 =	vcmask $0x1728;
	vm10 =	vcmask $0x1B28  }
0x8: {  	vm11 =	vcmask $0x1F28;
	vm12 =	vcmask $0x2328;
	v9 =	vunpack.c.l.s4.s8 v9  }
0x9: {  	s0 =	stileid.u32;
	v10 =	vunpack.c.l.s4.s8 v10;
	v11 =	vunpack.c.l.s4.s8 v11;
	v12 =	vunpack.c.l.s4.s8 v12  }
0xa: {  	s6 =	rddreg [dreg:$0x0];
	s5 =	srdreg.scid;
	s12 =	simm.s32 $0x1;
	v13 =	vunpack.c.l.s4.s8 v13;
	v14 =	vunpack.c.l.s4.s8 v14;
	v15 =	vunpack.c.l.s4.s8 v15  }
0xb: {  	s15 =	simm.s32 $0x5180;
	s16 =	simm.s32 $0x0;
	s1 =	sshll.u32 s0, $0x7;
	v16 =	vunpack.c.l.s4.s8 v16;
	v18 =	vor.u32 $0x50, v1;
	v19 =	vor.u32 $0x60, v1  }
0xc: {  	v20 =	vor.u32 $0x70, v1;
	v0 =	vmov s1;
	s2 =	sor.u32 $0x10, s1;
	s3 =	sor.u32 $0x20, s1;
	v2 =	vor.u32 s1, v1;
	s28 =	sor.u32 $0x30, s1  }
0xd: {  	s29 =	sor.u32 $0x40, s1;
	s4 =	sor.u32 $0x50, s1;
	s30 =	sor.u32 $0x60, s1;
	v3 =	vor.u32 s2, v1;
	v4 =	vor.u32 s3, v1;
	v5 =	vor.u32 s28, v1  }
0xe: {  	s7 =	sand.u32 $0x1, s5;
	s9 =	sshll.u32 s0, $0x4;
	s5 =	sadd.s32 $0x800, s6;
	v6 =	vor.u32 s29, v1;
	v7 =	vor.u32 s4, v1;
	v8 =	vor.u32 s30, v1  }
0xf: {  	s31 =	sor.u32 $0x70, s1;
	s8 =	ssub.s32 $0x2, s7;
	s10 =	sadd.s32 s9, s6;
	v11 =	vunpack.c.0.s8.s32 v11;
	v12 =	vunpack.c.0.s8.s32 v12;
	v13 =	vunpack.c.0.s8.s32 v13  }
0x10: {  	s6 =	sadd.s32 $0x1400, s6;
	s14 =	sor.u32 s0, s7;
	v14 =	vunpack.c.0.s8.s32 v14;
	v10 =	vunpack.c.0.s8.s32 v10;
	v15 =	vunpack.c.0.s8.s32 v15;
	s3 =	rddreg [dreg:$0x1]  }
.Ltmp0:
0x11: {  	v16 =	vunpack.c.0.s8.s32 v16;
	v17 =	vunpack.c.0.s8.s32 v9;
	v9 =	vor.u32 s31, v1;
	s4 =	simm.s32 $0x0;
	s11 =	sshrl.u32 s8, $0x1;
	(pc) =	sbr.rel .LBB2_1-.Ltmp0, $4  }
0x12: {  	s7 =	sadd.s32 $0x1200, s10;
	p0 =	sne.s32 s14, $0x0;
	s14 =	simm.s32 $0x5100;
	v11 =	vcombine.low v12, v11;
	v12 =	vcombine.low v14, v13;
	v10 =	vand.u32 $0xF, v10  }
0x13: {  	[smem:$0x7FF] =	sst s4;
	s11 =	ssub.s32 s8, s11;
	s0 =	simm.s32 @!p0 $0x0;
	v13 =	vcombine.low v16, v15;
	v14 =	vor.u32 $0x10, v1;
	v15 =	vor.u32 $0x20, v1  }
0x14: {  	s8 =	sadd.s32 $0x1300, s10;
	s9 =	sadd.s32 s9, s3;
	v16 =	vor.u32 $0x30, v1;
	s0 =	simm.s32 @p0 $0x1;
	v10 =	vcombine.low v10, v17;
	v17 =	vor.u32 $0x40, v1  }
0x15: {  	_ =	strace $0x80000047;
	s10 =	smax.u32 s11, $0x1;
	[smem:$0x7FD] =	sst s0;
	v11 =	vand.u32 $0xF, v11;
	v12 =	vand.u32 $0xF, v12;
	v13 =	vand.u32 $0xF, v13  }
.LBB2_5:
0x16: {  	s0 =	sld [smem:$0x7FD];
	_ =	sdelay $0x2  }
0x17: {  	s16 =	sadd.s32 $0x1, s16;
	p1 =	seq.s32 s0, $0x1  }
0x18: {  	p0 =	sne.s32 s16, s10;
	s0 =	simm.s32 @!p1 $0x0;
	s2 =	simm.s32 @!p1 $0x5280  }
0x19: {  	[hbm4b:s6+s0] =	stream.linear.scatter @!p1 [tilespmem:s2], [sflag:$0x1], $0x680, $0x38;
	[tilespmem:$0x5910] =	vst v63  }
.Ltmp1:
0x1a: {  	_ = 	snop;
	(pc) =	sbr.rel @!p0 .LBB2_6-.Ltmp1, $4  }
0x1b: {  	s0 =	simm.s32 @!p1 $0x1  }
0x1c: {  	_ =	swait.ge @!p1 [sflag:s0], $0x680  }
0x1d: {  	[sflag:s0] =	ssyncset.done @!p1 $0x0  }
0x1e: {  	[sflag:s0] =	ssyncadd.s32 @!p1 $0xFFFFF980  }
.LBB2_1:
0x1f: {  	s0 =	simm.s32 $0x5000  }
0x20: {  	[tilespmem:s0], [sflag:$0x1] =	stream.linear.gather [hbm4b:s7+s4], $0x80, $0x38;
	[tilespmem:$0x5910] =	vst v63  }
0x21: {  	_ =	swait.ge [sflag:s12], $0x80  }
0x22: {  	[sflag:s12] =	ssyncset.done $0x0  }
0x23: {  	s31 =	simm.s32 $0x5080;
	[sflag:s12] =	ssyncadd.s32 $0xFFFFFF80  }
0x24: {  	[tilespmem:s31], [sflag:$0x1] =	stream.linear.gather [hbm4b:s8+s4], $0x80, $0x38;
	[tilespmem:$0x5910] =	vst v63  }
0x25: {  	_ =	swait.ge [sflag:s12], $0x80  }
0x26: {  	[sflag:s12] =	ssyncset.done $0x0  }
.Ltmp2:
0x27: {  	[sflag:s12] =	ssyncadd.s32 $0xFFFFFF80;
	(pc) =	sbr.rel .LBB2_2-.Ltmp2, $4  }
0x28: {  	[tilespmem:s4], [sflag:$0x1] =	stream.linear.gather [hbm4b:s5+s4], $0x5000, $0x38;
	[tilespmem:$0x5910] =	vst v63  }
0x29: {  	_ =	swait.ge [sflag:s12], $0x5000  }
0x2a: {  	[sflag:s12] =	ssyncset.done $0x0  }
0x2b: {  	s17 =	simm.s32 $0x0;
	[sflag:s12] =	ssyncadd.s32 $0xFFFFB000  }
.LBB2_4:
0x2c: {  	v34 =	vld [tilespmem:s1+$0x0]  }
0x2d: {  	v35 =	vld [tilespmem:s1+$0x800]  }
0x2e: {  	v36 =	vld [tilespmem:s1+$0x1000]  }
0x2f: {  	v37 =	vld [tilespmem:s1+$0x1800];
	_ =	sdelay $0x3  }
0x30: {  	v38 =	vld [tilespmem:s1+$0x2000];
	v34 =	vmax.f32 v30, v34  }
0x31: {  	v35 =	vmax.f32 v31, v35;
	v36 =	vmin.f32 v32, v36;
	v37 =	vmin.f32 v33, v37  }
0x32: {  	v34 =	vsub.f32 v36, v34;
	v35 =	vsub.f32 v37, v35;
	_ =	sdelay $0x1  }
0x33: {  	v34 =	vmax.f32 v34, $0.0e+00;
	v35 =	vmax.f32 v35, $0.0e+00  }
0x34: {  	v54 =	vadd.f32 v38, v29;
	v34 =	vmul.f32 v35, v34;
	_ =	sdelay $0x1  }
0x35: {  	v35 =	vsub.f32 v54, v34;
	_ =	sdelay $0x1  }
0x36: {  	v35 =	vadd.f32 $9.999999710e-10, v35;
	_ =	sdelay $0x1  }
0x37: {  	(erf) = vrcp.f32 v35;
	_ =	sdelay $0x8  }
0x38: {  	v35 =	vpop (erf)  }
0x39: {  	v34 =	vmul.f32 v35, v34;
	_ =	sdelay $0x1  }
0x3a: {  	vm14 =	veq.s32 v2, s19;
	vm13 =	vgt.f32 v34, $5.000000000e-01  }
0x3b: {  	vm13 =	vmor vm14, vm13  }
0x3c: {  	v28 =	vsel vm13, $0xCE6E6B28, v28  }
0x3d: {  	[tilespmem:$0x5000] =	vst v28  }
0x3e: {  	v28 =	vld [tilespmem:s1+$0x10]  }
0x3f: {  	v55 =	vld [tilespmem:s1+$0x810]  }
0x40: {  	v56 =	vld [tilespmem:s1+$0x1010]  }
0x41: {  	v57 =	vld [tilespmem:s1+$0x1810];
	_ =	sdelay $0x3  }
0x42: {  	v58 =	vld [tilespmem:s1+$0x2010];
	v28 =	vmax.f32 v30, v28  }
0x43: {  	v34 =	vmax.f32 v31, v55;
	v35 =	vmin.f32 v32, v56;
	v36 =	vmin.f32 v33, v57  }
0x44: {  	v28 =	vsub.f32 v35, v28;
	v34 =	vsub.f32 v36, v34;
	_ =	sdelay $0x1  }
0x45: {  	v28 =	vmax.f32 v28, $0.0e+00;
	v34 =	vmax.f32 v34, $0.0e+00  }
0x46: {  	v59 =	vadd.f32 v58, v29;
	v28 =	vmul.f32 v34, v28;
	_ =	sdelay $0x1  }
0x47: {  	v34 =	vsub.f32 v59, v28;
	_ =	sdelay $0x1  }
0x48: {  	v34 =	vadd.f32 $9.999999710e-10, v34;
	_ =	sdelay $0x1  }
0x49: {  	(erf) = vrcp.f32 v34;
	_ =	sdelay $0x8  }
0x4a: {  	v34 =	vpop (erf)  }
0x4b: {  	v28 =	vmul.f32 v34, v28;
	_ =	sdelay $0x1  }
0x4c: {  	vm14 =	veq.s32 v3, s19;
	vm13 =	vgt.f32 v28, $5.000000000e-01  }
0x4d: {  	vm13 =	vmor vm14, vm13  }
0x4e: {  	v27 =	vsel vm13, $0xCE6E6B28, v27  }
0x4f: {  	[tilespmem:$0x5010] =	vst v27  }
0x50: {  	v27 =	vld [tilespmem:s1+$0x20]  }
0x51: {  	v60 =	vld [tilespmem:s1+$0x820]  }
0x52: {  	v61 =	vld [tilespmem:s1+$0x1020]  }
0x53: {  	v62 =	vld [tilespmem:s1+$0x1820];
	_ =	sdelay $0x3  }
0x54: {  	v63 =	vld [tilespmem:s1+$0x2020];
	v27 =	vmax.f32 v30, v27  }
0x55: {  	v28 =	vmax.f32 v31, v60;
	v34 =	vmin.f32 v32, v61;
	v35 =	vmin.f32 v33, v62  }
0x56: {  	v27 =	vsub.f32 v34, v27;
	v28 =	vsub.f32 v35, v28;
	_ =	sdelay $0x1  }
0x57: {  	v27 =	vmax.f32 v27, $0.0e+00;
	v28 =	vmax.f32 v28, $0.0e+00  }
0x58: {  	v40 =	vadd.f32 v63, v29;
	v27 =	vmul.f32 v28, v27;
	_ =	sdelay $0x1  }
0x59: {  	v28 =	vsub.f32 v40, v27;
	_ =	sdelay $0x1  }
0x5a: {  	v28 =	vadd.f32 $9.999999710e-10, v28;
	_ =	sdelay $0x1  }
0x5b: {  	(erf) = vrcp.f32 v28;
	_ =	sdelay $0x8  }
0x5c: {  	v28 =	vpop (erf)  }
0x5d: {  	v27 =	vmul.f32 v28, v27;
	_ =	sdelay $0x1  }
0x5e: {  	vm14 =	veq.s32 v4, s19;
	vm13 =	vgt.f32 v27, $5.000000000e-01  }
0x5f: {  	vm13 =	vmor vm14, vm13  }
0x60: {  	v26 =	vsel vm13, $0xCE6E6B28, v26  }
0x61: {  	[tilespmem:$0x5020] =	vst v26  }
0x62: {  	v26 =	vld [tilespmem:s1+$0x30]  }
0x63: {  	v41 =	vld [tilespmem:s1+$0x830]  }
0x64: {  	v42 =	vld [tilespmem:s1+$0x1030]  }
0x65: {  	v43 =	vld [tilespmem:s1+$0x1830];
	_ =	sdelay $0x3  }
0x66: {  	v44 =	vld [tilespmem:s1+$0x2030];
	v26 =	vmax.f32 v30, v26  }
0x67: {  	v27 =	vmax.f32 v31, v41;
	v28 =	vmin.f32 v32, v42;
	v34 =	vmin.f32 v33, v43  }
0x68: {  	v26 =	vsub.f32 v28, v26;
	v27 =	vsub.f32 v34, v27;
	_ =	sdelay $0x1  }
0x69: {  	v26 =	vmax.f32 v26, $0.0e+00;
	v27 =	vmax.f32 v27, $0.0e+00  }
0x6a: {  	v45 =	vadd.f32 v44, v29;
	v26 =	vmul.f32 v27, v26;
	_ =	sdelay $0x1  }
0x6b: {  	v27 =	vsub.f32 v45, v26;
	_ =	sdelay $0x1  }
0x6c: {  	v27 =	vadd.f32 $9.999999710e-10, v27;
	_ =	sdelay $0x1  }
0x6d: {  	(erf) = vrcp.f32 v27;
	_ =	sdelay $0x8  }
0x6e: {  	v27 =	vpop (erf)  }
0x6f: {  	v26 =	vmul.f32 v27, v26;
	_ =	sdelay $0x1  }
0x70: {  	vm14 =	veq.s32 v5, s19;
	vm13 =	vgt.f32 v26, $5.000000000e-01  }
0x71: {  	vm13 =	vmor vm14, vm13  }
0x72: {  	v25 =	vsel vm13, $0xCE6E6B28, v25  }
0x73: {  	[tilespmem:$0x5030] =	vst v25  }
0x74: {  	v25 =	vld [tilespmem:s1+$0x40]  }
0x75: {  	v46 =	vld [tilespmem:s1+$0x840]  }
0x76: {  	v47 =	vld [tilespmem:s1+$0x1040]  }
0x77: {  	v48 =	vld [tilespmem:s1+$0x1840];
	_ =	sdelay $0x3  }
0x78: {  	v49 =	vld [tilespmem:s1+$0x2040];
	v25 =	vmax.f32 v30, v25  }
0x79: {  	v26 =	vmax.f32 v31, v46;
	v27 =	vmin.f32 v32, v47;
	v28 =	vmin.f32 v33, v48  }
0x7a: {  	v25 =	vsub.f32 v27, v25;
	v26 =	vsub.f32 v28, v26;
	_ =	sdelay $0x1  }
0x7b: {  	v25 =	vmax.f32 v25, $0.0e+00;
	v26 =	vmax.f32 v26, $0.0e+00  }
0x7c: {  	v50 =	vadd.f32 v49, v29;
	v25 =	vmul.f32 v26, v25;
	_ =	sdelay $0x1  }
0x7d: {  	v26 =	vsub.f32 v50, v25;
	_ =	sdelay $0x1  }
0x7e: {  	v26 =	vadd.f32 $9.999999710e-10, v26;
	_ =	sdelay $0x1  }
0x7f: {  	(erf) = vrcp.f32 v26;
	_ =	sdelay $0x8  }
0x80: {  	v26 =	vpop (erf)  }
0x81: {  	v25 =	vmul.f32 v26, v25;
	_ =	sdelay $0x1  }
0x82: {  	vm14 =	veq.s32 v6, s19;
	vm13 =	vgt.f32 v25, $5.000000000e-01  }
0x83: {  	vm13 =	vmor vm14, vm13  }
0x84: {  	v24 =	vsel vm13, $0xCE6E6B28, v24  }
0x85: {  	[tilespmem:$0x5040] =	vst v24  }
0x86: {  	v24 =	vld [tilespmem:s1+$0x50]  }
0x87: {  	v51 =	vld [tilespmem:s1+$0x850]  }
0x88: {  	v52 =	vld [tilespmem:s1+$0x1050]  }
0x89: {  	v53 =	vld [tilespmem:s1+$0x1850];
	_ =	sdelay $0x3  }
0x8a: {  	v54 =	vld [tilespmem:s1+$0x2050];
	v24 =	vmax.f32 v30, v24  }
0x8b: {  	v25 =	vmax.f32 v31, v51;
	v26 =	vmin.f32 v32, v52;
	v27 =	vmin.f32 v33, v53  }
0x8c: {  	v24 =	vsub.f32 v26, v24;
	v25 =	vsub.f32 v27, v25;
	_ =	sdelay $0x1  }
0x8d: {  	v24 =	vmax.f32 v24, $0.0e+00;
	v25 =	vmax.f32 v25, $0.0e+00  }
0x8e: {  	v55 =	vadd.f32 v54, v29;
	v24 =	vmul.f32 v25, v24;
	_ =	sdelay $0x1  }
0x8f: {  	v25 =	vsub.f32 v55, v24;
	_ =	sdelay $0x1  }
0x90: {  	v25 =	vadd.f32 $9.999999710e-10, v25;
	_ =	sdelay $0x1  }
0x91: {  	(erf) = vrcp.f32 v25;
	_ =	sdelay $0x8  }
0x92: {  	v25 =	vpop (erf)  }
0x93: {  	v24 =	vmul.f32 v25, v24;
	_ =	sdelay $0x1  }
0x94: {  	vm14 =	veq.s32 v7, s19;
	vm13 =	vgt.f32 v24, $5.000000000e-01  }
0x95: {  	vm13 =	vmor vm14, vm13  }
0x96: {  	v23 =	vsel vm13, $0xCE6E6B28, v23  }
0x97: {  	[tilespmem:$0x5050] =	vst v23  }
0x98: {  	v23 =	vld [tilespmem:s1+$0x60]  }
0x99: {  	v56 =	vld [tilespmem:s1+$0x860]  }
0x9a: {  	v57 =	vld [tilespmem:s1+$0x1060]  }
0x9b: {  	v58 =	vld [tilespmem:s1+$0x1860];
	_ =	sdelay $0x3  }
0x9c: {  	v59 =	vld [tilespmem:s1+$0x2060];
	v23 =	vmax.f32 v30, v23  }
0x9d: {  	v24 =	vmax.f32 v31, v56;
	v25 =	vmin.f32 v32, v57;
	v26 =	vmin.f32 v33, v58  }
0x9e: {  	v23 =	vsub.f32 v25, v23;
	v24 =	vsub.f32 v26, v24;
	_ =	sdelay $0x1  }
0x9f: {  	v23 =	vmax.f32 v23, $0.0e+00;
	v24 =	vmax.f32 v24, $0.0e+00  }
0xa0: {  	v60 =	vadd.f32 v59, v29;
	v23 =	vmul.f32 v24, v23;
	_ =	sdelay $0x1  }
0xa1: {  	v24 =	vsub.f32 v60, v23;
	_ =	sdelay $0x1  }
0xa2: {  	v24 =	vadd.f32 $9.999999710e-10, v24;
	_ =	sdelay $0x1  }
0xa3: {  	(erf) = vrcp.f32 v24;
	_ =	sdelay $0x8  }
0xa4: {  	v24 =	vpop (erf)  }
0xa5: {  	v23 =	vmul.f32 v24, v23;
	_ =	sdelay $0x1  }
0xa6: {  	vm14 =	veq.s32 v8, s19;
	vm13 =	vgt.f32 v23, $5.000000000e-01  }
0xa7: {  	vm13 =	vmor vm14, vm13  }
0xa8: {  	v22 =	vsel vm13, $0xCE6E6B28, v22  }
0xa9: {  	[tilespmem:$0x5060] =	vst v22  }
0xaa: {  	v22 =	vld [tilespmem:s1+$0x70]  }
0xab: {  	v23 =	vld [tilespmem:s1+$0x870]  }
0xac: {  	v61 =	vld [tilespmem:s1+$0x1070]  }
0xad: {  	v62 =	vld [tilespmem:s1+$0x1870];
	_ =	sdelay $0x3  }
0xae: {  	v63 =	vld [tilespmem:s1+$0x2070];
	v22 =	vmax.f32 v30, v22  }
0xaf: {  	v23 =	vmax.f32 v31, v23;
	v24 =	vmin.f32 v32, v61;
	v25 =	vmin.f32 v33, v62  }
0xb0: {  	v22 =	vsub.f32 v24, v22;
	v23 =	vsub.f32 v25, v23;
	_ =	sdelay $0x1  }
0xb1: {  	v22 =	vmax.f32 v22, $0.0e+00;
	v23 =	vmax.f32 v23, $0.0e+00  }
0xb2: {  	v22 =	vmul.f32 v23, v22;
	v23 =	vadd.f32 v63, v29;
	_ =	sdelay $0x1  }
0xb3: {  	v23 =	vsub.f32 v23, v22;
	_ =	sdelay $0x1  }
0xb4: {  	v23 =	vadd.f32 $9.999999710e-10, v23;
	_ =	sdelay $0x1  }
0xb5: {  	(erf) = vrcp.f32 v23;
	_ =	sdelay $0x8  }
0xb6: {  	v23 =	vpop (erf)  }
0xb7: {  	v22 =	vmul.f32 v23, v22  }
0xb8: {  	s17 =	sadd.s32 $0x40, s17  }
0xb9: {  	p0 =	sne.s32 s17, $0x1900;
	vm14 =	veq.s32 v9, s19;
	vm13 =	vgt.f32 v22, $5.000000000e-01  }
.Ltmp3:
0xba: {  	vm13 =	vmor vm14, vm13;
	(pc) =	sbr.rel @!p0 .LBB2_5-.Ltmp3, $3  }
0xbb: {  	v21 =	vsel vm13, $0xCE6E6B28, v21  }
0xbc: {  	[tilespmem:$0x5070] =	vst v21  }
0xbd: {  	[bflag:$0x0] =	sbarrier.arrive $0xFFFF;
	_ =	sdelay $0x1  }
.LBB2_2:
0xbe: {  	v28 =	vld [tilespmem:$0x5000]  }
0xbf: {  	v27 =	vld [tilespmem:$0x5010]  }
0xc0: {  	v26 =	vld [tilespmem:$0x5020]  }
0xc1: {  	v25 =	vld [tilespmem:$0x5030]  }
0xc2: {  	v24 =	vld [tilespmem:$0x5040]  }
0xc3: {  	v23 =	vld [tilespmem:$0x5050]  }
0xc4: {  	v22 =	vld [tilespmem:$0x5060];
	v29 =	vmax.f32 v28, v27  }
0xc5: {  	v21 =	vld [tilespmem:$0x5070];
	v29 =	vmax.f32 v29, v26  }
0xc6: {  	v29 =	vmax.f32 v29, v25  }
0xc7: {  	v29 =	vmax.f32 v29, v24  }
0xc8: {  	v29 =	vmax.f32 v29, v23  }
0xc9: {  	v29 =	vmax.f32 v29, v22  }
0xca: {  	v29 =	vmax.f32 v29, v21  }
0xcb: {  	v30 =	vperm.xlane v29, v10;
	_ =	sdelay $0x1  }
0xcc: {  	v29 =	vmax.f32 v29, v30  }
0xcd: {  	v30 =	vperm.xlane v29, v11;
	_ =	sdelay $0x1  }
0xce: {  	v29 =	vmax.f32 v29, v30  }
0xcf: {  	v30 =	vperm.xlane v29, v12  }
0xd0: {  	v31 =	vld [tilespmem:$0x5080]  }
0xd1: {  	v32 =	vld [tilespmem:$0x5090];
	v29 =	vmax.f32 v29, v30  }
0xd2: {  	v30 =	vld [tilespmem:$0x50A0];
	v33 =	vperm.xlane v29, v13  }
0xd3: {  	v34 =	vld [tilespmem:$0x50B0]  }
0xd4: {  	v35 =	vld [tilespmem:$0x50C0];
	v29 =	vmax.f32 v29, v33  }
0xd5: {  	v63 =	vld [tilespmem:$0x50D0];
	vm13 =	veq.f32 v28, v29;
	vm14 =	veq.f32 v27, v29  }
0xd6: {  	v36 =	vld [tilespmem:$0x50E0];
	v37 =	vnsel vm13, $0x7F61B1E6, v31;
	v38 =	vnsel vm14, $0x7F61B1E6, v32;
	vm13 =	veq.f32 v26, v29  }
0xd7: {  	v39 =	vld [tilespmem:$0x50F0];
	v37 =	vmin.f32 v37, v38;
	v42 =	vnsel vm13, $0x7F61B1E6, v30;
	vm13 =	veq.f32 v25, v29  }
0xd8: {  	v37 =	vmin.f32 v37, v42;
	v43 =	vnsel vm13, $0x7F61B1E6, v34;
	vm13 =	veq.f32 v24, v29  }
0xd9: {  	v37 =	vmin.f32 v37, v43;
	v44 =	vnsel vm13, $0x7F61B1E6, v35;
	vm13 =	veq.f32 v23, v29  }
0xda: {  	v37 =	vmin.f32 v37, v44;
	v45 =	vnsel vm13, $0x7F61B1E6, v63;
	vm13 =	veq.f32 v22, v29  }
0xdb: {  	v37 =	vmin.f32 v37, v45;
	v46 =	vnsel vm13, $0x7F61B1E6, v36;
	vm13 =	veq.f32 v21, v29  }
0xdc: {  	v37 =	vmin.f32 v37, v46;
	v47 =	vnsel vm13, $0x7F61B1E6, v39  }
0xdd: {  	v37 =	vmin.f32 v37, v47  }
0xde: {  	v38 =	vperm.xlane v37, v10;
	_ =	sdelay $0x1  }
0xdf: {  	v37 =	vmin.f32 v37, v38  }
0xe0: {  	v38 =	vperm.xlane v37, v11;
	_ =	sdelay $0x1  }
0xe1: {  	v37 =	vmin.f32 v37, v38  }
0xe2: {  	v38 =	vperm.xlane v37, v12;
	_ =	sdelay $0x1  }
0xe3: {  	v37 =	vmin.f32 v37, v38  }
0xe4: {  	v38 =	vperm.xlane v37, v13;
	_ =	sdelay $0x1  }
0xe5: {  	v37 =	vmin.f32 v37, v38  }
0xe6: {  	vm13 =	veq.f32 v32, v37  }
0xe7: {  	v32 =	vnsel vm13, $0xFFFFFFFF, v14  }
0xe8: {  	vm13 =	vgt.s32 v32, v1  }
0xe9: {  	vm14 =	veq.f32 v31, v37;
	v31 =	vsel vm13, v32, v1;
	vm13 =	veq.f32 v30, v37  }
0xea: {  	v30 =	vsel vm14, v31, v32;
	v31 =	vnsel vm13, $0xFFFFFFFF, v15  }
0xeb: {  	vm14 =	veq.f32 v34, v37;
	vm13 =	vgt.s32 v30, v31  }
0xec: {  	v30 =	vsel vm13, v30, v31;
	v31 =	vnsel vm14, $0xFFFFFFFF, v16  }
0xed: {  	vm14 =	veq.f32 v35, v37;
	vm13 =	vgt.s32 v30, v31  }
0xee: {  	v30 =	vsel vm13, v30, v31;
	v31 =	vnsel vm14, $0xFFFFFFFF, v17  }
0xef: {  	vm14 =	veq.f32 v63, v37;
	vm13 =	vgt.s32 v30, v31  }
0xf0: {  	v30 =	vsel vm13, v30, v31;
	v31 =	vnsel vm14, $0xFFFFFFFF, v18  }
0xf1: {  	vm14 =	veq.f32 v36, v37;
	vm13 =	vgt.s32 v30, v31  }
0xf2: {  	v30 =	vsel vm13, v30, v31;
	v31 =	vnsel vm14, $0xFFFFFFFF, v19  }
0xf3: {  	vm14 =	veq.f32 v39, v37;
	vm13 =	vgt.s32 v30, v31  }
0xf4: {  	v30 =	vsel vm13, v30, v31;
	v31 =	vnsel vm14, $0xFFFFFFFF, v20  }
0xf5: {  	vm13 =	vgt.s32 v30, v31  }
0xf6: {  	v30 =	vsel vm13, v30, v31  }
0xf7: {  	v31 =	vperm.xlane v30, v10;
	_ =	sdelay $0x1  }
0xf8: {  	vm13 =	vgt.s32 v30, v31  }
0xf9: {  	v30 =	vsel vm13, v30, v31  }
0xfa: {  	v31 =	vperm.xlane v30, v11;
	_ =	sdelay $0x1  }
0xfb: {  	vm13 =	vgt.s32 v30, v31  }
0xfc: {  	v30 =	vsel vm13, v30, v31  }
0xfd: {  	v31 =	vperm.xlane v30, v12;
	_ =	sdelay $0x1  }
0xfe: {  	vm13 =	vgt.s32 v30, v31  }
0xff: {  	v30 =	vsel vm13, v30, v31  }
0x100: {  	v31 =	vperm.xlane v30, v13;
	_ =	sdelay $0x1  }
0x101: {  	vm13 =	vgt.s32 v30, v31  }
0x102: {  	v30 =	vsel vm13, v30, v31  }
0x103: {  	v30 =	vadd.s32 v0, v30  }
0x104: {  	v30 =	vcvt.s32.f32 v30;
	_ =	sdelay $0x1  }
0x105: {  	v30 =	vsel vm0, $0x0, v30  }
0x106: {  	v30 =	vsel vm1, v30, v37  }
0x107: {  	v29 =	vsel vm2, v29, v30  }
0x108: {  	[tilespmem:$0x5100] =	vst v29  }
0x109: {  	[spmem:s9] =	stream.linear.scatter [tilespmem:s14], [sflag:$0x1], $0x10, $0x38;
	[tilespmem:$0x5910] =	vst v63  }
0x10a: {  	_ =	swait.ge [sflag:s12], $0x10  }
0x10b: {  	[sflag:s12] =	ssyncset.done $0x0  }
0x10c: {  	[sflag:s12] =	ssyncadd.s32 $0xFFFFFFF0  }
0x10d: {  	[bflag:$0x0] =	sbarrier.arrive $0xFFFF  }
0x10e: {  	[tilespmem:s15], [sflag:$0x1] =	stream.linear.gather [spmem:s3], $0x100, $0x38;
	[tilespmem:$0x5910] =	vst v63  }
0x10f: {  	_ =	swait.ge [sflag:s12], $0x100  }
0x110: {  	[sflag:s12] =	ssyncset.done $0x0  }
0x111: {  	[sflag:s12] =	ssyncadd.s32 $0xFFFFFF00  }
0x112: {  	v29 =	vld [tilespmem:$0x5180];
	_ =	sdelay $0x4  }
0x113: {  	(v2sf) =	vpush v29, $0x0;
	_ =	sdelay $0x2  }
0x114: {  	v30 =	vld [tilespmem:$0x5190];
	(v2sf) =	vpush v29, $0x1;
	_ =	sdelay $0x3  }
0x115: {  	(v2sf) =	vpush v29, $0x2  }
0x116: {  	(v2sf) =	vpush v30, $0x0  }
0x117: {  	v29 =	vld [tilespmem:$0x51A0];
	(v2sf) =	vpush v30, $0x1;
	_ =	sdelay $0x1  }
0x118: {  	(v2sf) =	vpush v30, $0x2;
	_ =	sdelay $0x2  }
0x119: {  	(v2sf) =	vpush v29, $0x0  }
0x11a: {  	s18 =	spop (v2sf);
	(v2sf) =	vpush v29, $0x1  }
0x11b: {  	v30 =	vld [tilespmem:$0x51B0];
	_ =	sdelay $0x1  }
0x11c: {  	s20 =	spop (v2sf)  }
0x11d: {  	p0 =	seq.f32 s18, $-3.000000010e+38;
	p1 =	slt.f32 s20, $3.000000010e+38  }
0x11e: {  	(v2sf) =	vpush v29, $0x2  }
0x11f: {  	p2 =	sgt.f32 s18, $-3.000000010e+38;
	(v2sf) =	vpush v30, $0x0;
	p0 =	por !p0, !p1  }
0x120: {  	v29 =	vld [tilespmem:$0x51C0];
	s19 =	spop (v2sf);
	p0 =	por !p0, !p0  }
0x121: {  	s22 =	spop (v2sf);
	(v2sf) =	vpush v30, $0x1;
	p0 =	por p2, p0  }
0x122: {  	s23 =	spop (v2sf);
	s18 =	simm.s32 @!p0 $0xFF61B1E6;
	s20 =	simm.s32 @!p0 $0x7F61B1E6  }
0x123: {  	p1 =	seq.f32 s22, s18;
	p2 =	slt.f32 s23, s20  }
0x124: {  	(v2sf) =	vpush v30, $0x2;
	s21 =	spop (v2sf);
	s0 =	simm.s32 @!p0 $0x0  }
0x125: {  	(v2sf) =	vpush v29, $0x0;
	s0 =	simm.s32 @p0 $0x1;
	p3 =	sgt.f32 s22, s18;
	p0 =	por !p1, !p2  }
0x126: {  	p0 =	por !p0, !p0  }
0x127: {  	s24 =	spop (v2sf);
	(v2sf) =	vpush v29, $0x1;
	p0 =	por p3, p0  }
0x128: {  	v30 =	vld [tilespmem:$0x51D0];
	s18 =	smov.u32 @p0 s22;
	s20 =	smov.u32 @p0 s23;
	s23 =	spop (v2sf)  }
0x129: {  	p4 =	seq.f32 s24, s18;
	p5 =	slt.f32 s23, s20  }
0x12a: {  	[smem:$0x7F2] =	sst s0;
	s0 =	simm.s32 @!p0 $0x0  }
0x12b: {  	s0 =	simm.s32 @p0 $0x1;
	p6 =	sgt.f32 s24, s18;
	(v2sf) =	vpush v29, $0x2;
	p0 =	por !p4, !p5  }
0x12c: {  	p0 =	por !p0, !p0  }
0x12d: {  	s22 =	spop (v2sf);
	(v2sf) =	vpush v30, $0x0;
	p0 =	por p6, p0  }
0x12e: {  	v29 =	vld [tilespmem:$0x51E0];
	s18 =	smov.u32 @p0 s24;
	s24 =	spop (v2sf);
	(v2sf) =	vpush v30, $0x1;
	_ =	sdelay $0x1  }
0x12f: {  	[smem:$0x7F4] =	sst s0;
	s20 =	smov.u32 @p0 s23;
	s25 =	spop (v2sf)  }
0x130: {  	s0 =	simm.s32 @!p0 $0x0;
	p1 =	seq.f32 s24, s18;
	p2 =	slt.f32 s25, s20  }
0x131: {  	s0 =	simm.s32 @p0 $0x1;
	(v2sf) =	vpush v30, $0x2  }
0x132: {  	p3 =	sgt.f32 s24, s18;
	s23 =	spop (v2sf);
	(v2sf) =	vpush v29, $0x0;
	p0 =	por !p1, !p2  }
0x133: {  	s26 =	spop (v2sf);
	(v2sf) =	vpush v29, $0x1;
	p0 =	por !p0, !p0  }
0x134: {  	v30 =	vld [tilespmem:$0x51F0];
	p0 =	por p3, p0  }
0x135: {  	s18 =	smov.u32 @p0 s24;
	s20 =	smov.u32 @p0 s25;
	s25 =	spop (v2sf)  }
0x136: {  	p4 =	seq.f32 s26, s18;
	p5 =	slt.f32 s25, s20  }
0x137: {  	[smem:$0x7F5] =	sst s0;
	s0 =	simm.s32 @!p0 $0x0  }
0x138: {  	(v2sf) =	vpush v29, $0x2;
	s0 =	simm.s32 @p0 $0x1;
	p6 =	sgt.f32 s26, s18;
	p0 =	por !p4, !p5  }
0x139: {  	s24 =	spop (v2sf);
	(v2sf) =	vpush v30, $0x0;
	p0 =	por !p0, !p0  }
0x13a: {  	p0 =	por p6, p0  }
0x13b: {  	v29 =	vld [tilespmem:$0x5200];
	s18 =	smov.u32 @p0 s26;
	s26 =	spop (v2sf);
	(v2sf) =	vpush v30, $0x1  }
0x13c: {  	s20 =	smov.u32 @p0 s25;
	s28 =	spop (v2sf)  }
0x13d: {  	p1 =	seq.f32 s26, s18;
	p2 =	slt.f32 s28, s20  }
0x13e: {  	[smem:$0x7F6] =	sst s0;
	s0 =	simm.s32 @!p0 $0x0  }
0x13f: {  	s0 =	simm.s32 @p0 $0x1;
	p3 =	sgt.f32 s26, s18;
	(v2sf) =	vpush v30, $0x2;
	p0 =	por !p1, !p2  }
0x140: {  	s25 =	spop (v2sf);
	(v2sf) =	vpush v29, $0x0;
	p0 =	por !p0, !p0  }
0x141: {  	s29 =	spop (v2sf);
	(v2sf) =	vpush v29, $0x1;
	p0 =	por p3, p0  }
0x142: {  	v30 =	vld [tilespmem:$0x5210];
	s18 =	smov.u32 @p0 s26;
	s20 =	smov.u32 @p0 s28;
	s28 =	spop (v2sf)  }
0x143: {  	p4 =	seq.f32 s29, s18;
	p5 =	slt.f32 s28, s20  }
0x144: {  	[smem:$0x7F7] =	sst s0;
	s0 =	simm.s32 @!p0 $0x0  }
0x145: {  	s0 =	simm.s32 @p0 $0x1;
	p6 =	sgt.f32 s29, s18;
	p0 =	por !p4, !p5  }
0x146: {  	(v2sf) =	vpush v29, $0x2;
	p0 =	por !p0, !p0  }
0x147: {  	s26 =	spop (v2sf);
	(v2sf) =	vpush v30, $0x0;
	p0 =	por p6, p0  }
0x148: {  	s18 =	smov.u32 @p0 s29;
	s29 =	spop (v2sf);
	(v2sf) =	vpush v30, $0x1;
	_ =	sdelay $0x1  }
0x149: {  	s20 =	smov.u32 @p0 s28;
	s30 =	spop (v2sf)  }
0x14a: {  	v29 =	vld [tilespmem:$0x5220];
	p1 =	seq.f32 s29, s18;
	p2 =	slt.f32 s30, s20  }
0x14b: {  	[smem:$0x7F8] =	sst s0;
	s0 =	simm.s32 @!p0 $0x0  }
0x14c: {  	s0 =	simm.s32 @p0 $0x1;
	p3 =	sgt.f32 s29, s18;
	p0 =	por !p1, !p2  }
0x14d: {  	s28 =	spop (v2sf);
	p0 =	por !p0, !p0  }
0x14e: {  	(v2sf) =	vpush v30, $0x2;
	s31 =	spop (v2sf);
	p0 =	por p3, p0  }
0x14f: {  	(v2sf) =	vpush v29, $0x0;
	s18 =	smov.u32 @p0 s29;
	s20 =	smov.u32 @p0 s30;
	s30 =	spop (v2sf)  }
0x150: {  	(v2sf) =	vpush v29, $0x1;
	p4 =	seq.f32 s31, s18;
	p5 =	slt.f32 s30, s20  }
0x151: {  	v30 =	vld [tilespmem:$0x5230];
	[smem:$0x7F9] =	sst s0;
	s0 =	simm.s32 @!p0 $0x0  }
0x152: {  	s0 =	simm.s32 @p0 $0x1;
	p6 =	sgt.f32 s31, s18;
	p0 =	por !p4, !p5  }
0x153: {  	p0 =	por !p0, !p0  }
0x154: {  	s29 =	spop (v2sf);
	p0 =	por p6, p0  }
0x155: {  	(v2sf) =	vpush v29, $0x2;
	s18 =	smov.u32 @p0 s31;
	s31 =	spop (v2sf)  }
0x156: {  	(v2sf) =	vpush v30, $0x0;
	s20 =	smov.u32 @p0 s30;
	s2 =	spop (v2sf)  }
0x157: {  	(v2sf) =	vpush v30, $0x1;
	p2 =	seq.f32 s31, s18;
	p3 =	slt.f32 s2, s20  }
0x158: {  	v29 =	vld [tilespmem:$0x5240];
	[smem:$0x7FA] =	sst s0;
	s0 =	simm.s32 @!p0 $0x0  }
0x159: {  	s0 =	simm.s32 @p0 $0x1;
	p4 =	sgt.f32 s31, s18;
	p0 =	por !p2, !p3  }
0x15a: {  	p0 =	por !p0, !p0  }
0x15b: {  	p0 =	por p4, p0  }
0x15c: {  	[smem:$0x7FB] =	sst s0;
	(v2sf) =	vpush v30, $0x2;
	s0 =	simm.s32 @!p0 $0x0  }
0x15d: {  	s30 =	spop (v2sf);
	(v2sf) =	vpush v29, $0x0;
	s0 =	simm.s32 @p0 $0x1  }
0x15e: {  	[smem:$0x7FC] =	sst s0;
	s0 =	spop (v2sf);
	(v2sf) =	vpush v29, $0x1  }
0x15f: {  	v30 =	vld [tilespmem:$0x5250];
	s18 =	smov.u32 @p0 s31;
	s20 =	smov.u32 @p0 s2;
	s2 =	spop (v2sf)  }
0x160: {  	p5 =	seq.f32 s0, s18;
	p6 =	slt.f32 s2, s20  }
0x161: {  	_ = 	snop  }
0x162: {  	p2 =	sgt.f32 s0, s18;
	p0 =	por !p5, !p6  }
0x163: {  	(v2sf) =	vpush v29, $0x2;
	p0 =	por !p0, !p0  }
0x164: {  	s31 =	spop (v2sf);
	(v2sf) =	vpush v30, $0x0;
	p5 =	por p2, p0  }
0x165: {  	s18 =	smov.u32 @p5 s0;
	s0 =	spop (v2sf);
	(v2sf) =	vpush v30, $0x1  }
0x166: {  	s20 =	smov.u32 @p5 s2;
	s2 =	spop (v2sf)  }
0x167: {  	p3 =	seq.f32 s0, s18;
	p4 =	slt.f32 s2, s20  }
0x168: {  	_ = 	snop  }
0x169: {  	p6 =	sgt.f32 s0, s18;
	p0 =	por !p3, !p4  }
0x16a: {  	p0 =	por !p0, !p0  }
0x16b: {  	v29 =	vld [tilespmem:$0x5260];
	s11 =	spop (v2sf);
	p4 =	por p6, p0  }
0x16c: {  	s18 =	smov.u32 @p4 s0;
	s0 =	spop (v2sf)  }
0x16d: {  	s20 =	smov.u32 @p4 s2;
	s2 =	spop (v2sf)  }
0x16e: {  	(v2sf) =	vpush v30, $0x2;
	v30 =	vld [tilespmem:$0x5270];
	p2 =	seq.f32 s0, s18;
	p3 =	slt.f32 s2, s20  }
0x16f: {  	_ = 	snop  }
0x170: {  	(v2sf) =	vpush v29, $0x0;
	p6 =	sgt.f32 s0, s18;
	p0 =	por !p2, !p3  }
0x171: {  	(v2sf) =	vpush v29, $0x1;
	p0 =	por !p0, !p0  }
0x172: {  	(v2sf) =	vpush v29, $0x2;
	s13 =	spop (v2sf);
	p3 =	por p6, p0  }
0x173: {  	(v2sf) =	vpush v30, $0x0;
	s18 =	smov.u32 @p3 s0;
	s0 =	spop (v2sf)  }
0x174: {  	(v2sf) =	vpush v30, $0x1;
	s20 =	smov.u32 @p3 s2;
	s2 =	spop (v2sf);
	[smem:$0x7F3] =	sst s1  }
0x175: {  	s1 =	sld [smem:$0x7F2];
	_ =	sdelay $0x2  }
0x176: {  	p2 =	seq.s32 s1, $0x1;
	s1 =	sld [smem:$0x7F3];
	_ =	sdelay $0x2  }
0x177: {  	[smem:$0x7F3] =	sst s1  }
0x178: {  	s1 =	sld [smem:$0x7F4];
	_ =	sdelay $0x2  }
0x179: {  	s19 =	simm.s32 @!p2 $0x0;
	p2 =	seq.s32 s1, $0x1;
	s1 =	sld [smem:$0x7F3]  }
0x17a: {  	s19 =	smov.u32 @p2 s21;
	s21 =	sld [smem:$0x7F5];
	_ =	sdelay $0x2  }
0x17b: {  	p2 =	seq.s32 s21, $0x1  }
0x17c: {  	s19 =	smov.u32 @p2 s22;
	s22 =	sld [smem:$0x7F6];
	_ =	sdelay $0x2  }
0x17d: {  	p0 =	seq.f32 s0, s18;
	p6 =	slt.f32 s2, s20;
	p2 =	seq.s32 s22, $0x1  }
0x17e: {  	s19 =	smov.u32 @p2 s23;
	s23 =	sld [smem:$0x7F7]  }
0x17f: {  	p0 =	por !p0, !p6;
	p6 =	sgt.f32 s0, s18  }
0x180: {  	p0 =	por !p0, !p0  }
0x181: {  	p0 =	por p6, p0;
	p6 =	seq.s32 s23, $0x1  }
0x182: {  	s19 =	smov.u32 @p6 s24;
	s24 =	sld [smem:$0x7F8];
	_ =	sdelay $0x2  }
0x183: {  	p6 =	seq.s32 s24, $0x1  }
0x184: {  	s19 =	smov.u32 @p6 s25;
	s25 =	sld [smem:$0x7F9]  }
0x185: {  	(v2sf) =	vpush v30, $0x2;
	s22 =	spop (v2sf)  }
0x186: {  	s18 =	smov.u32 @p0 s0;
	s20 =	smov.u32 @p0 s2;
	s0 =	spop (v2sf)  }
0x187: {  	s2 =	spop (v2sf);
	p2 =	seq.f32 s0, s18;
	p6 =	seq.s32 s25, $0x1  }
0x188: {  	p1 =	slt.f32 s2, s20;
	s19 =	smov.u32 @p6 s26;
	s26 =	sld [smem:$0x7FA]  }
0x189: {  	_ = 	snop  }
0x18a: {  	s23 =	spop (v2sf);
	p1 =	por !p2, !p1;
	s25 =	sld [smem:$0x7FB]  }
0x18b: {  	p2 =	sgt.f32 s0, s18;
	p6 =	seq.s32 s26, $0x1;
	s26 =	sld [smem:$0x7FC]  }
0x18c: {  	s21 =	spop (v2sf);
	p1 =	por !p1, !p1  }
0x18d: {  	s19 =	smov.u32 @p6 s28;
	p6 =	por p2, p1;
	p1 =	seq.s32 s25, $0x1  }
0x18e: {  	s28 =	spop (v2sf);
	s19 =	smov.u32 @p1 s29;
	p2 =	seq.s32 s26, $0x1  }
0x18f: {  	s20 =	smov.u32 @p6 s2;
	s18 =	smov.u32 @p6 s0;
	s19 =	smov.u32 @p2 s30  }
0x190: {  	p1 =	slt.f32 s28, s20;
	s19 =	smov.u32 @p5 s31;
	p5 =	seq.f32 s21, s18  }
0x191: {  	s19 =	smov.u32 @p4 s11  }
0x192: {  	p4 =	sgt.f32 s21, s18;
	s19 =	smov.u32 @p3 s13;
	p1 =	por !p5, !p1  }
0x193: {  	s19 =	smov.u32 @p0 s22;
	p5 =	por !p1, !p1  }
0x194: {  	s0 =	spop (v2sf);
	s19 =	smov.u32 @p6 s23;
	p0 =	por p4, p5  }
0x195: {  	s19 =	smov.u32 @p0 s0  }
0x196: {  	s19 =	scvt.f32.s32 s19;
	_ =	sdelay $0x1  }
0x197: {  	s28 =	sand.u32 $0xFFFFFFF0, s19;
	s20 =	sand.u32 $0xFFFFFF80, s19;
	s22 =	sand.u32 $0x70, s19  }
0x198: {  	v29 =	vld [tilespmem:s28+$0x0];
	s29 =	sor.u32 s22, s20  }
0x199: {  	v30 =	vld [tilespmem:s29+$0x800]  }
0x19a: {  	v31 =	vld [tilespmem:s29+$0x1000]  }
0x19b: {  	v48 =	vld [tilespmem:s29+$0x1800]  }
0x19c: {  	s30 =	sand.u32 $0xF, s19;
	v49 =	vld [tilespmem:s29+$0x2000]  }
0x19d: {  	v50 =	vmov s30  }
0x19e: {  	vm13 =	veq.s32 v50, v1  }
0x19f: {  	v29 =	vnsel vm13, $0x0, v29;
	v30 =	vnsel vm13, $0x0, v30  }
0x1a0: {  	v51 =	vperm.xlane v29, v10;
	v31 =	vnsel vm13, $0x0, v31;
	v32 =	vnsel vm13, $0x0, v48  }
0x1a1: {  	v33 =	vnsel vm13, $0x0, v49;
	v52 =	vperm.xlane v30, v10;
	v53 =	vperm.xlane v31, v10  }
0x1a2: {  	v54 =	vperm.xlane v32, v10;
	v55 =	vperm.xlane v33, v10;
	v29 =	vadd.f32 v29, v51  }
0x1a3: {  	v30 =	vadd.f32 v30, v52;
	v31 =	vadd.f32 v31, v53  }
0x1a4: {  	v32 =	vadd.f32 v32, v54;
	v33 =	vadd.f32 v33, v55;
	v56 =	vperm.xlane v29, v11  }
0x1a5: {  	v57 =	vperm.xlane v30, v11;
	v36 =	vperm.xlane v31, v11  }
0x1a6: {  	v58 =	vperm.xlane v32, v11;
	v37 =	vperm.xlane v33, v11;
	v29 =	vadd.f32 v29, v56  }
0x1a7: {  	v30 =	vadd.f32 v30, v57;
	v31 =	vadd.f32 v31, v36  }
0x1a8: {  	s31 =	sld [smem:$0x7FD];
	v32 =	vadd.f32 v32, v58;
	v33 =	vadd.f32 v33, v37;
	v59 =	vperm.xlane v29, v12  }
0x1a9: {  	v60 =	vperm.xlane v30, v12;
	v36 =	vperm.xlane v31, v12  }
0x1aa: {  	v61 =	vperm.xlane v32, v12;
	v37 =	vperm.xlane v33, v12;
	v29 =	vadd.f32 v29, v59  }
0x1ab: {  	p1 =	seq.s32 s31, $0x1;
	v35 =	vadd.f32 v30, v60;
	v36 =	vadd.f32 v31, v36  }
.Ltmp4:
0x1ac: {  	v34 =	vadd.f32 v32, v61;
	v37 =	vadd.f32 v33, v37;
	v30 =	vperm.xlane v29, v13;
	(pc) =	sbr.rel @p1 .LBB2_4-.Ltmp4, $4  }
0x1ad: {  	v31 =	vperm.xlane v35, v13;
	v62 =	vperm.xlane v36, v13  }
0x1ae: {  	v63 =	vperm.xlane v37, v13;
	v30 =	vadd.f32 v29, v30;
	v29 =	vperm.xlane v34, v13  }
0x1af: {  	v31 =	vadd.f32 v35, v31;
	v32 =	vadd.f32 v36, v62  }
0x1b0: {  	v33 =	vadd.f32 v34, v29;
	v29 =	vadd.f32 v37, v63  }
0x1b1: {  	s0 =	sadd.s32 s22, s20  }
0x1b2: {  	v34 =	vld [tilespmem:s0+$0x2800]  }
0x1b3: {  	v36 =	vld [tilespmem:s0+$0x3000]  }
0x1b4: {  	v37 =	vld [tilespmem:s0+$0x4000]  }
0x1b5: {  	v43 =	vld [tilespmem:s0+$0x3800];
	_ =	sdelay $0x1  }
0x1b6: {  	v39 =	vld [tilespmem:s0+$0x4800];
	v34 =	vnsel vm13, $0x0, v34  }
0x1b7: {  	v36 =	vnsel vm13, $0x0, v36;
	v35 =	vperm.xlane v34, v10  }
0x1b8: {  	v37 =	vnsel vm13, $0x0, v37;
	v44 =	vperm.xlane v36, v10  }
0x1b9: {  	v46 =	vperm.xlane v37, v10;
	v34 =	vadd.f32 v35, v34;
	v35 =	vnsel vm13, $0x0, v43  }
0x1ba: {  	v36 =	vadd.f32 v44, v36;
	v41 =	vperm.xlane v35, v10  }
0x1bb: {  	v45 =	vnsel vm13, $0x0, v39;
	v37 =	vadd.f32 v46, v37;
	v38 =	vperm.xlane v34, v11  }
0x1bc: {  	v47 =	vperm.xlane v45, v10;
	v48 =	vperm.xlane v36, v11;
	v35 =	vadd.f32 v41, v35  }
0x1bd: {  	v51 =	vperm.xlane v37, v11;
	v34 =	vadd.f32 v38, v34  }
0x1be: {  	s18 =	smov.u32 @p0 s21;
	v38 =	vadd.f32 v47, v45;
	v36 =	vadd.f32 v48, v36;
	v50 =	vperm.xlane v35, v11  }
0x1bf: {  	v53 =	vmov s18;
	v37 =	vadd.f32 v51, v37;
	v40 =	vperm.xlane v34, v12  }
0x1c0: {  	v52 =	vperm.xlane v38, v11;
	v54 =	vperm.xlane v36, v12;
	v35 =	vadd.f32 v50, v35  }
0x1c1: {  	v56 =	vperm.xlane v37, v12;
	v34 =	vadd.f32 v40, v34;
	v40 =	vnsel vm3, $0x0, v53  }
0x1c2: {  	v38 =	vadd.f32 v52, v38;
	v36 =	vadd.f32 v54, v36;
	v55 =	vperm.xlane v35, v12  }
0x1c3: {  	v37 =	vadd.f32 v56, v37;
	v40 =	vsel vm2, v30, v40;
	v49 =	vperm.xlane v34, v13  }
0x1c4: {  	v40 =	vsel vm4, v40, v31;
	v57 =	vperm.xlane v38, v12;
	v35 =	vadd.f32 v55, v35  }
0x1c5: {  	v58 =	vperm.xlane v36, v13;
	v40 =	vsel vm5, v40, v32;
	v34 =	vadd.f32 v49, v34  }
0x1c6: {  	v40 =	vsel vm6, v40, v33;
	v38 =	vadd.f32 v57, v38;
	v59 =	vperm.xlane v35, v13  }
0x1c7: {  	v60 =	vperm.xlane v37, v13;
	v36 =	vadd.f32 v58, v36;
	v40 =	vsel vm7, v40, v29  }
0x1c8: {  	v34 =	vsel vm8, v40, v34;
	v61 =	vperm.xlane v38, v13;
	v35 =	vadd.f32 v59, v35  }
.Ltmp5:
0x1c9: {  	v62 =	vadd.f32 v60, v37;
	v34 =	vsel vm9, v34, v36;
	(pc) =	sbr.rel .LBB2_4-.Ltmp5, $4  }
0x1ca: {  	v63 =	vadd.f32 v61, v38;
	v34 =	vsel vm10, v34, v35  }
0x1cb: {  	v34 =	vsel vm11, v34, v62  }
0x1cc: {  	s31 =	sshra.s32 s17, $0x2;
	v34 =	vsel vm12, v34, v63  }
0x1cd: {  	[tilespmem:s31+$0x5280] =	vst v34  }
.LBB2_6:
0x1ce: {  	_ =	sfence.sel $0x180000  }
0x1cf: {  	[bflag:$0x0] =	sbarrier.arrive $0xFFFF  }
0x1d0: {  	_ =	strace $0x90000047  }
0x1d1: {  	s0 =	stileid.u32;
	[bflag:$0x2] =	sbarrier.arrive $0xFFFF  }
0x1d2: {  	p0 =	sne.s32 s0, $0x0;
	s0 =	rddreg [dreg:$0x2]  }
0x1d3: {  	s0 =	sadd.s32 @!p0 $0x100000, s0  }
0x1d4: {  	[sflag:s0] =	ssyncadd.tile.s32 @!p0 $0x1;
	_ =	shalt  }
.Lfunc_end2:
_tile_overlayer_lowered:
.L_overlay_start_2:
0x1d5: {  	(tag) =	ssettag $0x2  }
0x1d6: {  	s0 =	rddreg [dreg:$0x0];
	s2 =	stileid.u32  }
0x1d7: {  	s1 =	rddreg [dreg:$0x1];
	p0 =	sne.s32 s2, $0x0  }
0x1d8: {  	s3 =	rddreg [dreg:$0x2];
	[bflag:$0x3] =	sbarrier.arrive $0xFFFF;
	s2 =	simm.s32 @!p0 $0x1C01  }
0x1d9: {  	[timem:s3], [sflag:s2] =	dma.local @!p0 [hbm:s0], s1  }
0x1da: {  	s0 =	simm.s32 @!p0 $0x1  }
0x1db: {  	_ =	swait.ge @!p0 [sflag:s0], s1  }
0x1dc: {  	s1 =	ssub.s32 @!p0 $0x0, s1;
	[sflag:s0] =	ssyncset.done @!p0 $0x0  }
0x1dd: {  	[sflag:s0] =	ssyncadd.s32 @!p0 s1  }
0x1de: {  	[bflag:$0x3] =	sbarrier.arrive $0xFFFF  }
0x1df: {  	_ =	shalt  }

</sc_bundles>
